<compile_context>
chip_gen: v7x
topology: tpu7x:2x2x1
jax: 0.10.2.dev20260603
libtpu: 0.0.44.dev20260713+nightly
codegen_flags: <defaults>
</compile_context>

<pallas_src>
import functools

import jax
import jax.numpy as jnp
from jax import lax
from jax.experimental import pallas as pl
from jax.experimental.pallas import tpu as pltpu
from jax.experimental.pallas import tpu_sc as plsc

_B, _T, _V, _P, _D = 4, 8192, 256, 8, 512
_L = 16
_NC, _NS = 2, 16
_NW = _NC * _NS
_TPW = _T // _NW
_K = _T // _P
_KPW = _TPW // _P
_CP = 64
_UPC = _CP // _P
_RPB = _D // _L
_DP = _P * _D


def _body(ids_hbm, table_hbm, pos_hbm, out_hbm,
          idx_all, pos_v, gat0, gat1, wb0, wb1,
          sg0, sg1, sw0, sw1, sp):
    wid = lax.axis_index("s") * _NC + lax.axis_index("c")
    t_base = wid * _TPW
    k_base = wid * _KPW
    gat = [gat0, gat1]
    wb = [wb0, wb1]
    sg = [sg0, sg1]
    sw = [sw0, sw1]

    zero = jnp.zeros((_L,), jnp.float32)

    @pl.when(wid == 0)
    def _pad():
        def zcol(j, carry):
            for b in range(_B):
                wb0[0, b, pl.ds(j * _L, _L)] = zero
            return carry

        lax.fori_loop(0, _DP // _L, zcol, 0)
        pltpu.sync_copy(wb0, out_hbm.at[pl.ds(_K, 1)])

    pltpu.sync_copy(ids_hbm.at[:, pl.ds(t_base, _TPW)], idx_all)
    pltpu.async_copy(pos_hbm.at[pl.ds(t_base, _CP)], pos_v, sp)
    for b in range(_B):
        pltpu.async_copy(table_hbm.at[idx_all.at[b, pl.ds(0, _P)]],
                         gat0.at[pl.ds(b * _P, _P)], sg0)

    def wait_write(par):
        pltpu.make_async_copy(wb[par], out_hbm.at[pl.ds(0, 1)], sw[par]).wait()

    def wait_gather(par):
        pltpu.make_async_copy(
            table_hbm.at[idx_all.at[0, pl.ds(0, _B * _P)]], gat[par], sg[par]).wait()

    def wait_pos():
        pltpu.make_async_copy(pos_hbm.at[pl.ds(0, _CP)], pos_v, sp).wait()

    def unit(u, par):
        npar = par ^ 1
        @pl.when(u + 1 < _KPW)
        def _g():
            toff = pl.multiple_of((u + 1) * _P, _P)
            for b in range(_B):
                pltpu.async_copy(table_hbm.at[idx_all.at[b, pl.ds(toff, _P)]],
                                 gat[npar].at[pl.ds(b * _P, _P)], sg[npar])

        @pl.when((u & (_UPC - 1)) == 0)
        def _wp():
            wait_pos()

        @pl.when(u >= 2)
        def _ww():
            wait_write(par)

        wait_gather(par)

        g = gat[par]
        w = wb[par]
        prow = (u & (_UPC - 1)) * _P

        @plsc.parallel_loop(0, _B * _P, step=1, unroll=2)
        def _row(rp):
            b = rp >> 3
            p = rp & (_P - 1)
            pr = prow + p
            cb = p * _D
            for j in range(_RPB):
                w[0, b, pl.ds(cb + j * _L, _L)] = (
                    g[rp, pl.ds(j * _L, _L)] + pos_v[pr, pl.ds(j * _L, _L)])

        @pl.when(((u & (_UPC - 1)) == (_UPC - 1)) & (u + 1 < _KPW))
        def _pp():
            pltpu.async_copy(
                pos_hbm.at[pl.ds(t_base + (u + 1) * _P, _CP)], pos_v, sp)

        pltpu.async_copy(w, out_hbm.at[pl.ds(k_base + u, 1)], sw[par])

    def pair(uu, carry):
        unit(2 * uu, 0)
        unit(2 * uu + 1, 1)
        return carry

    lax.fori_loop(0, _KPW // 2, pair, 0)

    wait_write(0)
    wait_write(1)


_kern = functools.partial(
    pl.kernel,
    out_type=jax.ShapeDtypeStruct((_K + 1, _B, _DP), jnp.float32),
    mesh=plsc.VectorSubcoreMesh(core_axis_name="c", subcore_axis_name="s"),
    scratch_types=[
        pltpu.VMEM((_B, _TPW), jnp.int32),
        pltpu.VMEM((_CP, _D), jnp.float32),
        pltpu.VMEM((_B * _P, _D), jnp.float32),
        pltpu.VMEM((_B * _P, _D), jnp.float32),
        pltpu.VMEM((1, _B, _DP), jnp.float32),
        pltpu.VMEM((1, _B, _DP), jnp.float32),
        pltpu.SemaphoreType.DMA,
        pltpu.SemaphoreType.DMA,
        pltpu.SemaphoreType.DMA,
        pltpu.SemaphoreType.DMA,
        pltpu.SemaphoreType.DMA,
    ],
)(_body)


@jax.jit
def _megabyte(ids, global_table, pos_table):
    out = _kern(ids, global_table, pos_table)
    return jnp.transpose(out, (1, 0, 2))


def kernel(ids, global_table, pos_table):
    return _megabyte(ids, global_table, pos_table)

# --- scband reference (transcript-rebuilt; emitter-appended) ---
"""Pipeline reference for scband-megabyte-33578054320391 (READ-ONLY COPY).

The authoritative reference and input builder live on the scoring server;
editing this copy changes nothing except your own understanding.
"""

import jax, jax.numpy as jnp
import numpy as np

B = 4
T = 8192
V = 256
P = 8
D_G = 512
T_MAX = 8192
PAD_TOKEN_ID = 0


def setup_inputs(seed: int = 0) -> dict:
    key = jax.random.key(seed)
    k_ids, k_gt, k_pt = jax.random.split(key, 3)
    ids = jax.random.randint(k_ids, (B, T), 0, V, dtype=jnp.int32)
    global_table = jax.random.normal(k_gt, (V, D_G), dtype=jnp.float32) * 0.02
    pos_table = jax.random.normal(k_pt, (T_MAX, D_G), dtype=jnp.float32) * 0.02
    return {"ids": ids, "global_table": global_table, "pos_table": pos_table}


def reference(ids, global_table, pos_table):
    b, t = ids.shape
    k = t // P
    # global token embedding lookup
    tokens_embed = jnp.take(global_table, ids, axis=0)  # [B, T, D_G]
    # position ids: cat of arange(T) per batch element, reshaped to [B, T]
    position = jnp.tile(jnp.arange(t), (b,))
    position = position.reshape(b, t)
    position_embed = jnp.take(pos_table, position, axis=0)  # [B, T, D_G]
    h = tokens_embed + position_embed
    h = h.reshape((b, k, P, D_G))
    # rearrange '... P D_G -> ... (P D_G)'
    h = h.reshape((b, k, P * D_G))
    # pad token row (ones * pad_token_id), promoted to float on concat
    embed_global_pad = (jnp.ones((b, 1, P * D_G), dtype=jnp.int32) * PAD_TOKEN_ID).astype(h.dtype)
    h = jnp.concatenate([h, embed_global_pad], axis=1)  # einops.pack 'B * d'
    return h

if __name__ == "__main__":
    import jax
    _d = setup_inputs()
    print(jax.jit(kernel)(*tuple(_d.values())))

</pallas_src>

<mosaic_0001>
#map = affine_map<(d0, d1) -> (0, 0)>
#map1 = affine_map<(d0, d1) -> (0, 0, 0)>
module attributes {stable_mosaic.version = 14 : i64} {
  func.func @_body(%arg0: i32, %arg1: i32, %arg2: memref<4x8192xi32, #tpu.memory_space<hbm>>, %arg3: memref<256x512xf32, #tpu.memory_space<hbm>>, %arg4: memref<8192x512xf32, #tpu.memory_space<hbm>>, %arg5: memref<1025x4x4096xf32, #tpu.memory_space<hbm>>, %arg6: memref<4x256xi32, #tpu.memory_space<vmem>>, %arg7: memref<64x512xf32, #tpu.memory_space<vmem>>, %arg8: memref<32x512xf32, #tpu.memory_space<vmem>>, %arg9: memref<32x512xf32, #tpu.memory_space<vmem>>, %arg10: memref<1x4x4096xf32, #tpu.memory_space<vmem>>, %arg11: memref<1x4x4096xf32, #tpu.memory_space<vmem>>, %arg12: memref<!tpu.dma_semaphore, #tpu.memory_space<semaphore_mem>>, %arg13: memref<!tpu.dma_semaphore, #tpu.memory_space<semaphore_mem>>, %arg14: memref<!tpu.dma_semaphore, #tpu.memory_space<semaphore_mem>>, %arg15: memref<!tpu.dma_semaphore, #tpu.memory_space<semaphore_mem>>, %arg16: memref<!tpu.dma_semaphore, #tpu.memory_space<semaphore_mem>>) attributes {dimension_semantics = [#tpu.dimension_semantics<core_parallel>, #tpu.dimension_semantics<subcore_parallel>], iteration_bounds = array<i64: 2, 16>, scalar_prefetch = 0 : i64, scratch_operands = 11 : i64, tpu.core_type = #tpu.core_type<sc_vector_subcore>, window_params = [{transform_indices = #map}, {transform_indices = #map}, {transform_indices = #map}, {transform_indices = #map1}]} {
    %mul3A = arith.constant 2 : i32
    %mul3A_0 = arith.muli %arg1, %mul3A : i32
    %add3A = arith.addi %mul3A_0, %arg0 : i32
    %mul3A_1 = arith.constant 256 : i32
    %mul3A_2 = arith.muli %add3A, %mul3A_1 : i32
    %mul3A_3 = arith.constant 32 : i32
    %mul3A_4 = arith.muli %add3A, %mul3A_3 : i32
    %broadcast_in_dim3A = arith.constant 0.000000e+00 : f32
    %broadcast_in_dim3A_5 = vector.broadcast %broadcast_in_dim3A : f32 to vector<16xf32>
    %eq3A = arith.constant 0 : i32
    %eq3A_6 = arith.cmpi eq, %add3A, %eq3A : i32
    %convert_element_type3A = arith.extui %eq3A_6 : i1 to i32
    %cond3A = arith.constant 0 : i32
    %cond3A_7 = arith.cmpi ne, %convert_element_type3A, %cond3A : i32
    scf.if %cond3A_7 {
      %scan3A_71 = arith.constant 0 : i32
      %scan3A_72 = arith.constant 0 : i32
      %scan3A_73 = arith.constant 256 : i32
      %scan3A_74 = arith.addi %scan3A_72, %scan3A_73 : i32
      %scan3A_75 = arith.constant 1 : i32
      scf.for %scan3A_77 = %scan3A_72 to %scan3A_74 step %scan3A_75  : i32 {
        %mul3A_78 = arith.constant 16 : i32
        %mul3A_79 = arith.muli %scan3A_77, %mul3A_78 : i32
        %swap3A = arith.constant 0 : i32
        %swap3A_80 = arith.constant 0 : i32
        %swap3A_81 = arith.index_cast %swap3A : i32 to index
        %swap3A_82 = arith.index_cast %swap3A_80 : i32 to index
        %swap3A_83 = arith.index_cast %mul3A_79 : i32 to index
        %swap3A_84 = tpu.vector_load %arg10[%swap3A_81, %swap3A_82, %swap3A_83] {strides = array<i32>} : memref<1x4x4096xf32, #tpu.memory_space<vmem>>, vector<1x1x16xf32>,
        %swap3A_85 = vector.shape_cast %swap3A_84 : vector<1x1x16xf32> to vector<16xf32>
        %swap3A_86 = vector.shape_cast %broadcast_in_dim3A_5 : vector<16xf32> to vector<1x1x16xf32>
        tpu.vector_store %arg10[%swap3A_81, %swap3A_82, %swap3A_83], %swap3A_86 {strides = array<i32>} : memref<1x4x4096xf32, #tpu.memory_space<vmem>>, vector<1x1x16xf32>,
        %mul3A_87 = arith.constant 16 : i32
        %mul3A_88 = arith.muli %scan3A_77, %mul3A_87 : i32
        %swap3A_89 = arith.constant 0 : i32
        %swap3A_90 = arith.constant 1 : i32
        %swap3A_91 = arith.index_cast %swap3A_89 : i32 to index
        %swap3A_92 = arith.index_cast %swap3A_90 : i32 to index
        %swap3A_93 = arith.index_cast %mul3A_88 : i32 to index
        %swap3A_94 = tpu.vector_load %arg10[%swap3A_91, %swap3A_92, %swap3A_93] {strides = array<i32>} : memref<1x4x4096xf32, #tpu.memory_space<vmem>>, vector<1x1x16xf32>,
        %swap3A_95 = vector.shape_cast %swap3A_94 : vector<1x1x16xf32> to vector<16xf32>
        %swap3A_96 = vector.shape_cast %broadcast_in_dim3A_5 : vector<16xf32> to vector<1x1x16xf32>
        tpu.vector_store %arg10[%swap3A_91, %swap3A_92, %swap3A_93], %swap3A_96 {strides = array<i32>} : memref<1x4x4096xf32, #tpu.memory_space<vmem>>, vector<1x1x16xf32>,
        %mul3A_97 = arith.constant 16 : i32
        %mul3A_98 = arith.muli %scan3A_77, %mul3A_97 : i32
        %swap3A_99 = arith.constant 0 : i32
        %swap3A_100 = arith.constant 2 : i32
        %swap3A_101 = arith.index_cast %swap3A_99 : i32 to index
        %swap3A_102 = arith.index_cast %swap3A_100 : i32 to index
        %swap3A_103 = arith.index_cast %mul3A_98 : i32 to index
        %swap3A_104 = tpu.vector_load %arg10[%swap3A_101, %swap3A_102, %swap3A_103] {strides = array<i32>} : memref<1x4x4096xf32, #tpu.memory_space<vmem>>, vector<1x1x16xf32>,
        %swap3A_105 = vector.shape_cast %swap3A_104 : vector<1x1x16xf32> to vector<16xf32>
        %swap3A_106 = vector.shape_cast %broadcast_in_dim3A_5 : vector<16xf32> to vector<1x1x16xf32>
        tpu.vector_store %arg10[%swap3A_101, %swap3A_102, %swap3A_103], %swap3A_106 {strides = array<i32>} : memref<1x4x4096xf32, #tpu.memory_space<vmem>>, vector<1x1x16xf32>,
        %mul3A_107 = arith.constant 16 : i32
        %mul3A_108 = arith.muli %scan3A_77, %mul3A_107 : i32
        %swap3A_109 = arith.constant 0 : i32
        %swap3A_110 = arith.constant 3 : i32
        %swap3A_111 = arith.index_cast %swap3A_109 : i32 to index
        %swap3A_112 = arith.index_cast %swap3A_110 : i32 to index
        %swap3A_113 = arith.index_cast %mul3A_108 : i32 to index
        %swap3A_114 = tpu.vector_load %arg10[%swap3A_111, %swap3A_112, %swap3A_113] {strides = array<i32>} : memref<1x4x4096xf32, #tpu.memory_space<vmem>>, vector<1x1x16xf32>,
        %swap3A_115 = vector.shape_cast %swap3A_114 : vector<1x1x16xf32> to vector<16xf32>
        %swap3A_116 = vector.shape_cast %broadcast_in_dim3A_5 : vector<16xf32> to vector<1x1x16xf32>
        tpu.vector_store %arg10[%swap3A_111, %swap3A_112, %swap3A_113], %swap3A_116 {strides = array<i32>} : memref<1x4x4096xf32, #tpu.memory_space<vmem>>, vector<1x1x16xf32>,
      }
      %scan3A_76 = arith.constant 256 : i32
      "tpu.region"() ({
        %run_scoped3A = tpu.sem_alloc : memref<!tpu.dma_semaphore, #tpu.memory_space<semaphore_mem>>
        %dma_start3A_77 = arith.constant 1024 : i32
        %dma_start3A_78 = arith.constant 0 : i32
        %dma_start3A_79 = arith.constant 0 : i32
        %dma_start3A_80 = tpu.memref_slice %arg5[%dma_start3A_77, %dma_start3A_78, %dma_start3A_79] : memref<1025x4x4096xf32, #tpu.memory_space<hbm>> -> memref<1x4x4096xf32, #tpu.memory_space<hbm>>
        %dma_start3A_81 = arith.constant 1024 : i32
        %dma_start3A_82 = arith.constant 0 : i32
        %dma_start3A_83 = arith.constant 0 : i32
        %dma_start3A_84 = tpu.memref_slice %arg5[%dma_start3A_81, %dma_start3A_82, %dma_start3A_83] : memref<1025x4x4096xf32, #tpu.memory_space<hbm>> -> memref<1x4x4096xf32, #tpu.memory_space<hbm>>
        tpu.enqueue_dma source(%arg10 : memref<1x4x4096xf32, #tpu.memory_space<vmem>>) target(%dma_start3A_84 : memref<1x4x4096xf32, #tpu.memory_space<hbm>>) target_semaphore(%run_scoped3A : memref<!tpu.dma_semaphore, #tpu.memory_space<semaphore_mem>>)
        %dma_wait3A_85 = arith.constant 1024 : i32
        %dma_wait3A_86 = arith.constant 0 : i32
        %dma_wait3A_87 = arith.constant 0 : i32
        %dma_wait3A_88 = tpu.memref_slice %arg5[%dma_wait3A_85, %dma_wait3A_86, %dma_wait3A_87] : memref<1025x4x4096xf32, #tpu.memory_space<hbm>> -> memref<1x4x4096xf32, #tpu.memory_space<hbm>>
        %dma_wait3A_89 = arith.constant 1024 : i32
        %dma_wait3A_90 = arith.constant 0 : i32
        %dma_wait3A_91 = arith.constant 0 : i32
        %dma_wait3A_92 = tpu.memref_slice %arg5[%dma_wait3A_89, %dma_wait3A_90, %dma_wait3A_91] : memref<1025x4x4096xf32, #tpu.memory_space<hbm>> -> memref<1x4x4096xf32, #tpu.memory_space<hbm>>
        tpu.wait_dma2 semaphore(%run_scoped3A : memref<!tpu.dma_semaphore, #tpu.memory_space<semaphore_mem>>) src(%arg10 : memref<1x4x4096xf32, #tpu.memory_space<vmem>>) dst(%dma_wait3A_92 : memref<1x4x4096xf32, #tpu.memory_space<hbm>>)
        tpu.yield
      }) : () -> ()
    } else {
    }
    "tpu.region"() ({
      %run_scoped3A = tpu.sem_alloc : memref<!tpu.dma_semaphore, #tpu.memory_space<semaphore_mem>>
      %dma_start3A_71 = arith.constant 0 : i32
      %dma_start3A_72 = tpu.memref_slice %arg2[%dma_start3A_71, %mul3A_2] : memref<4x8192xi32, #tpu.memory_space<hbm>> -> memref<4x256xi32, #tpu.memory_space<hbm>>
      %dma_start3A_73 = arith.constant 0 : i32
      %dma_start3A_74 = tpu.memref_slice %arg2[%dma_start3A_73, %mul3A_2] : memref<4x8192xi32, #tpu.memory_space<hbm>> -> memref<4x256xi32, #tpu.memory_space<hbm>>
      tpu.enqueue_dma source(%dma_start3A_74 : memref<4x256xi32, #tpu.memory_space<hbm>>) target(%arg6 : memref<4x256xi32, #tpu.memory_space<vmem>>) target_semaphore(%run_scoped3A : memref<!tpu.dma_semaphore, #tpu.memory_space<semaphore_mem>>)
      %dma_wait3A_75 = arith.constant 0 : i32
      %dma_wait3A_76 = tpu.memref_slice %arg2[%dma_wait3A_75, %mul3A_2] : memref<4x8192xi32, #tpu.memory_space<hbm>> -> memref<4x256xi32, #tpu.memory_space<hbm>>
      %dma_wait3A_77 = arith.constant 0 : i32
      %dma_wait3A_78 = tpu.memref_slice %arg2[%dma_wait3A_77, %mul3A_2] : memref<4x8192xi32, #tpu.memory_space<hbm>> -> memref<4x256xi32, #tpu.memory_space<hbm>>
      tpu.wait_dma2 semaphore(%run_scoped3A : memref<!tpu.dma_semaphore, #tpu.memory_space<semaphore_mem>>) src(%dma_wait3A_78 : memref<4x256xi32, #tpu.memory_space<hbm>>) dst(%arg6 : memref<4x256xi32, #tpu.memory_space<vmem>>)
      tpu.yield
    }) : () -> ()
    %dma_start3A = arith.constant 0 : i32
    %dma_start3A_8 = tpu.memref_slice %arg4[%mul3A_2, %dma_start3A] : memref<8192x512xf32, #tpu.memory_space<hbm>> -> memref<64x512xf32, #tpu.memory_space<hbm>>
    %dma_start3A_9 = arith.constant 0 : i32
    %dma_start3A_10 = tpu.memref_slice %arg4[%mul3A_2, %dma_start3A_9] : memref<8192x512xf32, #tpu.memory_space<hbm>> -> memref<64x512xf32, #tpu.memory_space<hbm>>
    tpu.enqueue_dma source(%dma_start3A_10 : memref<64x512xf32, #tpu.memory_space<hbm>>) target(%arg7 : memref<64x512xf32, #tpu.memory_space<vmem>>) target_semaphore(%arg16 : memref<!tpu.dma_semaphore, #tpu.memory_space<semaphore_mem>>)
    %dma_start3A_11 = arith.constant 0 : i32
    %dma_start3A_12 = arith.constant 0 : i32
    %dma_start3A_13 = arith.constant 0 : i32
    %dma_start3A_14 = tpu.memref_slice %arg8[%dma_start3A_12, %dma_start3A_13] : memref<32x512xf32, #tpu.memory_space<vmem>> -> memref<8x512xf32, #tpu.memory_space<vmem>>
    %dma_start3A_15 = arith.constant 0 : i32
    %dma_start3A_16 = tpu.memref_slice %arg6[%dma_start3A_11, %dma_start3A_15] : memref<4x256xi32, #tpu.memory_space<vmem>> -> memref<1x8xi32, #tpu.memory_space<vmem>>
    %dma_start3A_17 = tpu.memref_squeeze %dma_start3A_16 : memref<1x8xi32, #tpu.memory_space<vmem>> -> memref<8xi32, #tpu.memory_space<vmem>>
    %dma_start3A_18 = arith.constant 0 : i32
    %dma_start3A_19 = arith.constant 0 : i32
    %dma_start3A_20 = tpu.memref_slice %arg3[%dma_start3A_18, %dma_start3A_19] : memref<256x512xf32, #tpu.memory_space<hbm>> -> memref<256x512xf32, #tpu.memory_space<hbm>>
    tpu.enqueue_indirect_dma source(%dma_start3A_20 : memref<256x512xf32, #tpu.memory_space<hbm>>) target(%dma_start3A_14 : memref<8x512xf32, #tpu.memory_space<vmem>>) offsets(%dma_start3A_17 : memref<8xi32, #tpu.memory_space<vmem>>) semaphore(%arg12 : memref<!tpu.dma_semaphore, #tpu.memory_space<semaphore_mem>>)
    %dma_start3A_21 = arith.constant 1 : i32
    %dma_start3A_22 = arith.constant 8 : i32
    %dma_start3A_23 = arith.constant 0 : i32
    %dma_start3A_24 = tpu.memref_slice %arg8[%dma_start3A_22, %dma_start3A_23] : memref<32x512xf32, #tpu.memory_space<vmem>> -> memref<8x512xf32, #tpu.memory_space<vmem>>
    %dma_start3A_25 = arith.constant 0 : i32
    %dma_start3A_26 = tpu.memref_slice %arg6[%dma_start3A_21, %dma_start3A_25] : memref<4x256xi32, #tpu.memory_space<vmem>> -> memref<1x8xi32, #tpu.memory_space<vmem>>
    %dma_start3A_27 = tpu.memref_squeeze %dma_start3A_26 : memref<1x8xi32, #tpu.memory_space<vmem>> -> memref<8xi32, #tpu.memory_space<vmem>>
    %dma_start3A_28 = arith.constant 0 : i32
    %dma_start3A_29 = arith.constant 0 : i32
    %dma_start3A_30 = tpu.memref_slice %arg3[%dma_start3A_28, %dma_start3A_29] : memref<256x512xf32, #tpu.memory_space<hbm>> -> memref<256x512xf32, #tpu.memory_space<hbm>>
    tpu.enqueue_indirect_dma source(%dma_start3A_30 : memref<256x512xf32, #tpu.memory_space<hbm>>) target(%dma_start3A_24 : memref<8x512xf32, #tpu.memory_space<vmem>>) offsets(%dma_start3A_27 : memref<8xi32, #tpu.memory_space<vmem>>) semaphore(%arg12 : memref<!tpu.dma_semaphore, #tpu.memory_space<semaphore_mem>>)
    %dma_start3A_31 = arith.constant 2 : i32
    %dma_start3A_32 = arith.constant 16 : i32
    %dma_start3A_33 = arith.constant 0 : i32
    %dma_start3A_34 = tpu.memref_slice %arg8[%dma_start3A_32, %dma_start3A_33] : memref<32x512xf32, #tpu.memory_space<vmem>> -> memref<8x512xf32, #tpu.memory_space<vmem>>
    %dma_start3A_35 = arith.constant 0 : i32
    %dma_start3A_36 = tpu.memref_slice %arg6[%dma_start3A_31, %dma_start3A_35] : memref<4x256xi32, #tpu.memory_space<vmem>> -> memref<1x8xi32, #tpu.memory_space<vmem>>
    %dma_start3A_37 = tpu.memref_squeeze %dma_start3A_36 : memref<1x8xi32, #tpu.memory_space<vmem>> -> memref<8xi32, #tpu.memory_space<vmem>>
    %dma_start3A_38 = arith.constant 0 : i32
    %dma_start3A_39 = arith.constant 0 : i32
    %dma_start3A_40 = tpu.memref_slice %arg3[%dma_start3A_38, %dma_start3A_39] : memref<256x512xf32, #tpu.memory_space<hbm>> -> memref<256x512xf32, #tpu.memory_space<hbm>>
    tpu.enqueue_indirect_dma source(%dma_start3A_40 : memref<256x512xf32, #tpu.memory_space<hbm>>) target(%dma_start3A_34 : memref<8x512xf32, #tpu.memory_space<vmem>>) offsets(%dma_start3A_37 : memref<8xi32, #tpu.memory_space<vmem>>) semaphore(%arg12 : memref<!tpu.dma_semaphore, #tpu.memory_space<semaphore_mem>>)
    %dma_start3A_41 = arith.constant 3 : i32
    %dma_start3A_42 = arith.constant 24 : i32
    %dma_start3A_43 = arith.constant 0 : i32
    %dma_start3A_44 = tpu.memref_slice %arg8[%dma_start3A_42, %dma_start3A_43] : memref<32x512xf32, #tpu.memory_space<vmem>> -> memref<8x512xf32, #tpu.memory_space<vmem>>
    %dma_start3A_45 = arith.constant 0 : i32
    %dma_start3A_46 = tpu.memref_slice %arg6[%dma_start3A_41, %dma_start3A_45] : memref<4x256xi32, #tpu.memory_space<vmem>> -> memref<1x8xi32, #tpu.memory_space<vmem>>
    %dma_start3A_47 = tpu.memref_squeeze %dma_start3A_46 : memref<1x8xi32, #tpu.memory_space<vmem>> -> memref<8xi32, #tpu.memory_space<vmem>>
    %dma_start3A_48 = arith.constant 0 : i32
    %dma_start3A_49 = arith.constant 0 : i32
    %dma_start3A_50 = tpu.memref_slice %arg3[%dma_start3A_48, %dma_start3A_49] : memref<256x512xf32, #tpu.memory_space<hbm>> -> memref<256x512xf32, #tpu.memory_space<hbm>>
    tpu.enqueue_indirect_dma source(%dma_start3A_50 : memref<256x512xf32, #tpu.memory_space<hbm>>) target(%dma_start3A_44 : memref<8x512xf32, #tpu.memory_space<vmem>>) offsets(%dma_start3A_47 : memref<8xi32, #tpu.memory_space<vmem>>) semaphore(%arg12 : memref<!tpu.dma_semaphore, #tpu.memory_space<semaphore_mem>>)
    %scan3A = arith.constant 0 : i32
    %scan3A_51 = arith.constant 0 : i32
    %scan3A_52 = arith.constant 16 : i32
    %scan3A_53 = arith.addi %scan3A_51, %scan3A_52 : i32
    %scan3A_54 = arith.constant 1 : i32
    scf.for %scan3A_71 = %scan3A_51 to %scan3A_53 step %scan3A_54  : i32 {
      %mul3A_72 = arith.constant 2 : i32
      %mul3A_73 = arith.muli %mul3A_72, %scan3A_71 : i32
      %add3A_74 = arith.constant 1 : i32
      %add3A_75 = arith.addi %mul3A_73, %add3A_74 : i32
      %lt3A = arith.constant 32 : i32
      %lt3A_76 = arith.cmpi slt, %add3A_75, %lt3A : i32
      %convert_element_type3A_77 = arith.extui %lt3A_76 : i1 to i32
      %cond3A_78 = arith.constant 0 : i32
      %cond3A_79 = arith.cmpi ne, %convert_element_type3A_77, %cond3A_78 : i32
      scf.if %cond3A_79 {
        %add3A_178 = arith.constant 1 : i32
        %add3A_179 = arith.addi %mul3A_73, %add3A_178 : i32
        %mul3A_180 = arith.constant 8 : i32
        %mul3A_181 = arith.muli %add3A_179, %mul3A_180 : i32
        %multiple_of3A = tpu.assume_multiple %mul3A_181, 8 : i32
        %dma_start3A_182 = arith.constant 0 : i32
        %dma_start3A_183 = arith.constant 0 : i32
        %dma_start3A_184 = arith.constant 0 : i32
        %dma_start3A_185 = tpu.memref_slice %arg9[%dma_start3A_183, %dma_start3A_184] : memref<32x512xf32, #tpu.memory_space<vmem>> -> memref<8x512xf32, #tpu.memory_space<vmem>>
        %dma_start3A_186 = tpu.memref_slice %arg6[%dma_start3A_182, %multiple_of3A] : memref<4x256xi32, #tpu.memory_space<vmem>> -> memref<1x8xi32, #tpu.memory_space<vmem>>
        %dma_start3A_187 = tpu.memref_squeeze %dma_start3A_186 : memref<1x8xi32, #tpu.memory_space<vmem>> -> memref<8xi32, #tpu.memory_space<vmem>>
        %dma_start3A_188 = arith.constant 0 : i32
        %dma_start3A_189 = arith.constant 0 : i32
        %dma_start3A_190 = tpu.memref_slice %arg3[%dma_start3A_188, %dma_start3A_189] : memref<256x512xf32, #tpu.memory_space<hbm>> -> memref<256x512xf32, #tpu.memory_space<hbm>>
        tpu.enqueue_indirect_dma source(%dma_start3A_190 : memref<256x512xf32, #tpu.memory_space<hbm>>) target(%dma_start3A_185 : memref<8x512xf32, #tpu.memory_space<vmem>>) offsets(%dma_start3A_187 : memref<8xi32, #tpu.memory_space<vmem>>) semaphore(%arg13 : memref<!tpu.dma_semaphore, #tpu.memory_space<semaphore_mem>>)
        %dma_start3A_191 = arith.constant 1 : i32
        %dma_start3A_192 = arith.constant 8 : i32
        %dma_start3A_193 = arith.constant 0 : i32
        %dma_start3A_194 = tpu.memref_slice %arg9[%dma_start3A_192, %dma_start3A_193] : memref<32x512xf32, #tpu.memory_space<vmem>> -> memref<8x512xf32, #tpu.memory_space<vmem>>
        %dma_start3A_195 = tpu.memref_slice %arg6[%dma_start3A_191, %multiple_of3A] : memref<4x256xi32, #tpu.memory_space<vmem>> -> memref<1x8xi32, #tpu.memory_space<vmem>>
        %dma_start3A_196 = tpu.memref_squeeze %dma_start3A_195 : memref<1x8xi32, #tpu.memory_space<vmem>> -> memref<8xi32, #tpu.memory_space<vmem>>
        %dma_start3A_197 = arith.constant 0 : i32
        %dma_start3A_198 = arith.constant 0 : i32
        %dma_start3A_199 = tpu.memref_slice %arg3[%dma_start3A_197, %dma_start3A_198] : memref<256x512xf32, #tpu.memory_space<hbm>> -> memref<256x512xf32, #tpu.memory_space<hbm>>
        tpu.enqueue_indirect_dma source(%dma_start3A_199 : memref<256x512xf32, #tpu.memory_space<hbm>>) target(%dma_start3A_194 : memref<8x512xf32, #tpu.memory_space<vmem>>) offsets(%dma_start3A_196 : memref<8xi32, #tpu.memory_space<vmem>>) semaphore(%arg13 : memref<!tpu.dma_semaphore, #tpu.memory_space<semaphore_mem>>)
        %dma_start3A_200 = arith.constant 2 : i32
        %dma_start3A_201 = arith.constant 16 : i32
        %dma_start3A_202 = arith.constant 0 : i32
        %dma_start3A_203 = tpu.memref_slice %arg9[%dma_start3A_201, %dma_start3A_202] : memref<32x512xf32, #tpu.memory_space<vmem>> -> memref<8x512xf32, #tpu.memory_space<vmem>>
        %dma_start3A_204 = tpu.memref_slice %arg6[%dma_start3A_200, %multiple_of3A] : memref<4x256xi32, #tpu.memory_space<vmem>> -> memref<1x8xi32, #tpu.memory_space<vmem>>
        %dma_start3A_205 = tpu.memref_squeeze %dma_start3A_204 : memref<1x8xi32, #tpu.memory_space<vmem>> -> memref<8xi32, #tpu.memory_space<vmem>>
        %dma_start3A_206 = arith.constant 0 : i32
        %dma_start3A_207 = arith.constant 0 : i32
        %dma_start3A_208 = tpu.memref_slice %arg3[%dma_start3A_206, %dma_start3A_207] : memref<256x512xf32, #tpu.memory_space<hbm>> -> memref<256x512xf32, #tpu.memory_space<hbm>>
        tpu.enqueue_indirect_dma source(%dma_start3A_208 : memref<256x512xf32, #tpu.memory_space<hbm>>) target(%dma_start3A_203 : memref<8x512xf32, #tpu.memory_space<vmem>>) offsets(%dma_start3A_205 : memref<8xi32, #tpu.memory_space<vmem>>) semaphore(%arg13 : memref<!tpu.dma_semaphore, #tpu.memory_space<semaphore_mem>>)
        %dma_start3A_209 = arith.constant 3 : i32
        %dma_start3A_210 = arith.constant 24 : i32
        %dma_start3A_211 = arith.constant 0 : i32
        %dma_start3A_212 = tpu.memref_slice %arg9[%dma_start3A_210, %dma_start3A_211] : memref<32x512xf32, #tpu.memory_space<vmem>> -> memref<8x512xf32, #tpu.memory_space<vmem>>
        %dma_start3A_213 = tpu.memref_slice %arg6[%dma_start3A_209, %multiple_of3A] : memref<4x256xi32, #tpu.memory_space<vmem>> -> memref<1x8xi32, #tpu.memory_space<vmem>>
        %dma_start3A_214 = tpu.memref_squeeze %dma_start3A_213 : memref<1x8xi32, #tpu.memory_space<vmem>> -> memref<8xi32, #tpu.memory_space<vmem>>
        %dma_start3A_215 = arith.constant 0 : i32
        %dma_start3A_216 = arith.constant 0 : i32
        %dma_start3A_217 = tpu.memref_slice %arg3[%dma_start3A_215, %dma_start3A_216] : memref<256x512xf32, #tpu.memory_space<hbm>> -> memref<256x512xf32, #tpu.memory_space<hbm>>
        tpu.enqueue_indirect_dma source(%dma_start3A_217 : memref<256x512xf32, #tpu.memory_space<hbm>>) target(%dma_start3A_212 : memref<8x512xf32, #tpu.memory_space<vmem>>) offsets(%dma_start3A_214 : memref<8xi32, #tpu.memory_space<vmem>>) semaphore(%arg13 : memref<!tpu.dma_semaphore, #tpu.memory_space<semaphore_mem>>)
      } else {
      }
      %and3A = arith.constant 7 : i32
      %and3A_80 = arith.andi %mul3A_73, %and3A : i32
      %eq3A_81 = arith.constant 0 : i32
      %eq3A_82 = arith.cmpi eq, %and3A_80, %eq3A_81 : i32
      %convert_element_type3A_83 = arith.extui %eq3A_82 : i1 to i32
      %cond3A_84 = arith.constant 0 : i32
      %cond3A_85 = arith.cmpi ne, %convert_element_type3A_83, %cond3A_84 : i32
      scf.if %cond3A_85 {
        %dma_wait3A_178 = arith.constant 0 : i32
        %dma_wait3A_179 = arith.constant 0 : i32
        %dma_wait3A_180 = tpu.memref_slice %arg4[%dma_wait3A_178, %dma_wait3A_179] : memref<8192x512xf32, #tpu.memory_space<hbm>> -> memref<64x512xf32, #tpu.memory_space<hbm>>
        %dma_wait3A_181 = arith.constant 0 : i32
        %dma_wait3A_182 = arith.constant 0 : i32
        %dma_wait3A_183 = tpu.memref_slice %arg4[%dma_wait3A_181, %dma_wait3A_182] : memref<8192x512xf32, #tpu.memory_space<hbm>> -> memref<64x512xf32, #tpu.memory_space<hbm>>
        tpu.wait_dma2 semaphore(%arg16 : memref<!tpu.dma_semaphore, #tpu.memory_space<semaphore_mem>>) src(%dma_wait3A_183 : memref<64x512xf32, #tpu.memory_space<hbm>>) dst(%arg7 : memref<64x512xf32, #tpu.memory_space<vmem>>)
      } else {
      }
      %ge3A = arith.constant 2 : i32
      %ge3A_86 = arith.cmpi sge, %mul3A_73, %ge3A : i32
      %convert_element_type3A_87 = arith.extui %ge3A_86 : i1 to i32
      %cond3A_88 = arith.constant 0 : i32
      %cond3A_89 = arith.cmpi ne, %convert_element_type3A_87, %cond3A_88 : i32
      scf.if %cond3A_89 {
        %dma_wait3A_178 = arith.constant 0 : i32
        %dma_wait3A_179 = arith.constant 0 : i32
        %dma_wait3A_180 = arith.constant 0 : i32
        %dma_wait3A_181 = tpu.memref_slice %arg5[%dma_wait3A_178, %dma_wait3A_179, %dma_wait3A_180] : memref<1025x4x4096xf32, #tpu.memory_space<hbm>> -> memref<1x4x4096xf32, #tpu.memory_space<hbm>>
        %dma_wait3A_182 = arith.constant 0 : i32
        %dma_wait3A_183 = arith.constant 0 : i32
        %dma_wait3A_184 = arith.constant 0 : i32
        %dma_wait3A_185 = tpu.memref_slice %arg5[%dma_wait3A_182, %dma_wait3A_183, %dma_wait3A_184] : memref<1025x4x4096xf32, #tpu.memory_space<hbm>> -> memref<1x4x4096xf32, #tpu.memory_space<hbm>>
        tpu.wait_dma2 semaphore(%arg14 : memref<!tpu.dma_semaphore, #tpu.memory_space<semaphore_mem>>) src(%arg10 : memref<1x4x4096xf32, #tpu.memory_space<vmem>>) dst(%dma_wait3A_185 : memref<1x4x4096xf32, #tpu.memory_space<hbm>>)
      } else {
      }
      %dma_wait3A_90 = arith.constant 0 : i32
      %dma_wait3A_91 = arith.constant 0 : i32
      %dma_wait3A_92 = tpu.memref_slice %arg6[%dma_wait3A_90, %dma_wait3A_91] : memref<4x256xi32, #tpu.memory_space<vmem>> -> memref<1x32xi32, #tpu.memory_space<vmem>>
      %dma_wait3A_93 = tpu.memref_squeeze %dma_wait3A_92 : memref<1x32xi32, #tpu.memory_space<vmem>> -> memref<32xi32, #tpu.memory_space<vmem>>
      %dma_wait3A_94 = arith.constant 0 : i32
      %dma_wait3A_95 = arith.constant 0 : i32
      %dma_wait3A_96 = tpu.memref_slice %arg3[%dma_wait3A_94, %dma_wait3A_95] : memref<256x512xf32, #tpu.memory_space<hbm>> -> memref<256x512xf32, #tpu.memory_space<hbm>>
      tpu.wait_indirect_dma semaphore(%arg12 : memref<!tpu.dma_semaphore, #tpu.memory_space<semaphore_mem>>) src(%dma_wait3A_96 : memref<256x512xf32, #tpu.memory_space<hbm>>) dst(%arg8 : memref<32x512xf32, #tpu.memory_space<vmem>>)
      %and3A_97 = arith.constant 7 : i32
      %and3A_98 = arith.andi %mul3A_73, %and3A_97 : i32
      %mul3A_99 = arith.constant 8 : i32
      %mul3A_100 = arith.muli %and3A_98, %mul3A_99 : i32
      %parallel_loop3A = arith.constant 0 : i32
      %parallel_loop3A_101 = arith.constant 32 : i32
      %parallel_loop3A_102 = arith.constant 1 : i32
      scf.for %parallel_loop3A_178 = %parallel_loop3A to %parallel_loop3A_101 step %parallel_loop3A_102  : i32 {
        %parallel_loop3A_179 = arith.constant 3 : i32
        %parallel_loop3A_180 = arith.shrsi %parallel_loop3A_178, %parallel_loop3A_179 : i32
        %parallel_loop3A_181 = arith.constant 7 : i32
        %parallel_loop3A_182 = arith.andi %parallel_loop3A_178, %parallel_loop3A_181 : i32
        %parallel_loop3A_183 = arith.addi %mul3A_100, %parallel_loop3A_182 : i32
        %parallel_loop3A_184 = arith.constant 512 : i32
        %parallel_loop3A_185 = arith.muli %parallel_loop3A_182, %parallel_loop3A_184 : i32
        %parallel_loop3A_186 = arith.index_cast %parallel_loop3A_178 : i32 to index
        %parallel_loop3A_187 = arith.constant 0 : index
        %parallel_loop3A_188 = tpu.vector_load %arg8[%parallel_loop3A_186, %parallel_loop3A_187] {strides = array<i32>} : memref<32x512xf32, #tpu.memory_space<vmem>>, vector<1x16xf32>,
        %parallel_loop3A_189 = vector.shape_cast %parallel_loop3A_188 : vector<1x16xf32> to vector<16xf32>
        %parallel_loop3A_190 = arith.index_cast %parallel_loop3A_183 : i32 to index
        %parallel_loop3A_191 = arith.constant 0 : index
        %parallel_loop3A_192 = tpu.vector_load %arg7[%parallel_loop3A_190, %parallel_loop3A_191] {strides = array<i32>} : memref<64x512xf32, #tpu.memory_space<vmem>>, vector<1x16xf32>,
        %parallel_loop3A_193 = vector.shape_cast %parallel_loop3A_192 : vector<1x16xf32> to vector<16xf32>
        %parallel_loop3A_194 = arith.addf %parallel_loop3A_189, %parallel_loop3A_193 : vector<16xf32>
        %parallel_loop3A_195 = arith.constant 0 : i32
        %parallel_loop3A_196 = arith.addi %parallel_loop3A_185, %parallel_loop3A_195 : i32
        %parallel_loop3A_197 = arith.constant 0 : i32
        %parallel_loop3A_198 = arith.index_cast %parallel_loop3A_197 : i32 to index
        %parallel_loop3A_199 = arith.index_cast %parallel_loop3A_180 : i32 to index
        %parallel_loop3A_200 = arith.index_cast %parallel_loop3A_196 : i32 to index
        %parallel_loop3A_201 = tpu.vector_load %arg10[%parallel_loop3A_198, %parallel_loop3A_199, %parallel_loop3A_200] {strides = array<i32>} : memref<1x4x4096xf32, #tpu.memory_space<vmem>>, vector<1x1x16xf32>,
        %parallel_loop3A_202 = vector.shape_cast %parallel_loop3A_201 : vector<1x1x16xf32> to vector<16xf32>
        %parallel_loop3A_203 = vector.shape_cast %parallel_loop3A_194 : vector<16xf32> to vector<1x1x16xf32>
        tpu.vector_store %arg10[%parallel_loop3A_198, %parallel_loop3A_199, %parallel_loop3A_200], %parallel_loop3A_203 {strides = array<i32>} : memref<1x4x4096xf32, #tpu.memory_space<vmem>>, vector<1x1x16xf32>,
        %parallel_loop3A_204 = arith.index_cast %parallel_loop3A_178 : i32 to index
        %parallel_loop3A_205 = arith.constant 16 : index
        %parallel_loop3A_206 = tpu.vector_load %arg8[%parallel_loop3A_204, %parallel_loop3A_205] {strides = array<i32>} : memref<32x512xf32, #tpu.memory_space<vmem>>, vector<1x16xf32>,
        %parallel_loop3A_207 = vector.shape_cast %parallel_loop3A_206 : vector<1x16xf32> to vector<16xf32>
        %parallel_loop3A_208 = arith.index_cast %parallel_loop3A_183 : i32 to index
        %parallel_loop3A_209 = arith.constant 16 : index
        %parallel_loop3A_210 = tpu.vector_load %arg7[%parallel_loop3A_208, %parallel_loop3A_209] {strides = array<i32>} : memref<64x512xf32, #tpu.memory_space<vmem>>, vector<1x16xf32>,
        %parallel_loop3A_211 = vector.shape_cast %parallel_loop3A_210 : vector<1x16xf32> to vector<16xf32>
        %parallel_loop3A_212 = arith.addf %parallel_loop3A_207, %parallel_loop3A_211 : vector<16xf32>
        %parallel_loop3A_213 = arith.constant 16 : i32
        %parallel_loop3A_214 = arith.addi %parallel_loop3A_185, %parallel_loop3A_213 : i32
        %parallel_loop3A_215 = arith.constant 0 : i32
        %parallel_loop3A_216 = arith.index_cast %parallel_loop3A_215 : i32 to index
        %parallel_loop3A_217 = arith.index_cast %parallel_loop3A_180 : i32 to index
        %parallel_loop3A_218 = arith.index_cast %parallel_loop3A_214 : i32 to index
        %parallel_loop3A_219 = tpu.vector_load %arg10[%parallel_loop3A_216, %parallel_loop3A_217, %parallel_loop3A_218] {strides = array<i32>} : memref<1x4x4096xf32, #tpu.memory_space<vmem>>, vector<1x1x16xf32>,
        %parallel_loop3A_220 = vector.shape_cast %parallel_loop3A_219 : vector<1x1x16xf32> to vector<16xf32>
        %parallel_loop3A_221 = vector.shape_cast %parallel_loop3A_212 : vector<16xf32> to vector<1x1x16xf32>
        tpu.vector_store %arg10[%parallel_loop3A_216, %parallel_loop3A_217, %parallel_loop3A_218], %parallel_loop3A_221 {strides = array<i32>} : memref<1x4x4096xf32, #tpu.memory_space<vmem>>, vector<1x1x16xf32>,
        %parallel_loop3A_222 = arith.index_cast %parallel_loop3A_178 : i32 to index
        %parallel_loop3A_223 = arith.constant 32 : index
        %parallel_loop3A_224 = tpu.vector_load %arg8[%parallel_loop3A_222, %parallel_loop3A_223] {strides = array<i32>} : memref<32x512xf32, #tpu.memory_space<vmem>>, vector<1x16xf32>,
        %parallel_loop3A_225 = vector.shape_cast %parallel_loop3A_224 : vector<1x16xf32> to vector<16xf32>
        %parallel_loop3A_226 = arith.index_cast %parallel_loop3A_183 : i32 to index
        %parallel_loop3A_227 = arith.constant 32 : index
        %parallel_loop3A_228 = tpu.vector_load %arg7[%parallel_loop3A_226, %parallel_loop3A_227] {strides = array<i32>} : memref<64x512xf32, #tpu.memory_space<vmem>>, vector<1x16xf32>,
        %parallel_loop3A_229 = vector.shape_cast %parallel_loop3A_228 : vector<1x16xf32> to vector<16xf32>
        %parallel_loop3A_230 = arith.addf %parallel_loop3A_225, %parallel_loop3A_229 : vector<16xf32>
        %parallel_loop3A_231 = arith.constant 32 : i32
        %parallel_loop3A_232 = arith.addi %parallel_loop3A_185, %parallel_loop3A_231 : i32
        %parallel_loop3A_233 = arith.constant 0 : i32
        %parallel_loop3A_234 = arith.index_cast %parallel_loop3A_233 : i32 to index
        %parallel_loop3A_235 = arith.index_cast %parallel_loop3A_180 : i32 to index
        %parallel_loop3A_236 = arith.index_cast %parallel_loop3A_232 : i32 to index
        %parallel_loop3A_237 = tpu.vector_load %arg10[%parallel_loop3A_234, %parallel_loop3A_235, %parallel_loop3A_236] {strides = array<i32>} : memref<1x4x4096xf32, #tpu.memory_space<vmem>>, vector<1x1x16xf32>,
        %parallel_loop3A_238 = vector.shape_cast %parallel_loop3A_237 : vector<1x1x16xf32> to vector<16xf32>
        %parallel_loop3A_239 = vector.shape_cast %parallel_loop3A_230 : vector<16xf32> to vector<1x1x16xf32>
        tpu.vector_store %arg10[%parallel_loop3A_234, %parallel_loop3A_235, %parallel_loop3A_236], %parallel_loop3A_239 {strides = array<i32>} : memref<1x4x4096xf32, #tpu.memory_space<vmem>>, vector<1x1x16xf32>,
        %parallel_loop3A_240 = arith.index_cast %parallel_loop3A_178 : i32 to index
        %parallel_loop3A_241 = arith.constant 48 : index
        %parallel_loop3A_242 = tpu.vector_load %arg8[%parallel_loop3A_240, %parallel_loop3A_241] {strides = array<i32>} : memref<32x512xf32, #tpu.memory_space<vmem>>, vector<1x16xf32>,
        %parallel_loop3A_243 = vector.shape_cast %parallel_loop3A_242 : vector<1x16xf32> to vector<16xf32>
        %parallel_loop3A_244 = arith.index_cast %parallel_loop3A_183 : i32 to index
        %parallel_loop3A_245 = arith.constant 48 : index
        %parallel_loop3A_246 = tpu.vector_load %arg7[%parallel_loop3A_244, %parallel_loop3A_245] {strides = array<i32>} : memref<64x512xf32, #tpu.memory_space<vmem>>, vector<1x16xf32>,
        %parallel_loop3A_247 = vector.shape_cast %parallel_loop3A_246 : vector<1x16xf32> to vector<16xf32>
        %parallel_loop3A_248 = arith.addf %parallel_loop3A_243, %parallel_loop3A_247 : vector<16xf32>
        %parallel_loop3A_249 = arith.constant 48 : i32
        %parallel_loop3A_250 = arith.addi %parallel_loop3A_185, %parallel_loop3A_249 : i32
        %parallel_loop3A_251 = arith.constant 0 : i32
        %parallel_loop3A_252 = arith.index_cast %parallel_loop3A_251 : i32 to index
        %parallel_loop3A_253 = arith.index_cast %parallel_loop3A_180 : i32 to index
        %parallel_loop3A_254 = arith.index_cast %parallel_loop3A_250 : i32 to index
        %parallel_loop3A_255 = tpu.vector_load %arg10[%parallel_loop3A_252, %parallel_loop3A_253, %parallel_loop3A_254] {strides = array<i32>} : memref<1x4x4096xf32, #tpu.memory_space<vmem>>, vector<1x1x16xf32>,
        %parallel_loop3A_256 = vector.shape_cast %parallel_loop3A_255 : vector<1x1x16xf32> to vector<16xf32>
        %parallel_loop3A_257 = vector.shape_cast %parallel_loop3A_248 : vector<16xf32> to vector<1x1x16xf32>
        tpu.vector_store %arg10[%parallel_loop3A_252, %parallel_loop3A_253, %parallel_loop3A_254], %parallel_loop3A_257 {strides = array<i32>} : memref<1x4x4096xf32, #tpu.memory_space<vmem>>, vector<1x1x16xf32>,
        %parallel_loop3A_258 = arith.index_cast %parallel_loop3A_178 : i32 to index
        %parallel_loop3A_259 = arith.constant 64 : index
        %parallel_loop3A_260 = tpu.vector_load %arg8[%parallel_loop3A_258, %parallel_loop3A_259] {strides = array<i32>} : memref<32x512xf32, #tpu.memory_space<vmem>>, vector<1x16xf32>,
        %parallel_loop3A_261 = vector.shape_cast %parallel_loop3A_260 : vector<1x16xf32> to vector<16xf32>
        %parallel_loop3A_262 = arith.index_cast %parallel_loop3A_183 : i32 to index
        %parallel_loop3A_263 = arith.constant 64 : index
        %parallel_loop3A_264 = tpu.vector_load %arg7[%parallel_loop3A_262, %parallel_loop3A_263] {strides = array<i32>} : memref<64x512xf32, #tpu.memory_space<vmem>>, vector<1x16xf32>,
        %parallel_loop3A_265 = vector.shape_cast %parallel_loop3A_264 : vector<1x16xf32> to vector<16xf32>
        %parallel_loop3A_266 = arith.addf %parallel_loop3A_261, %parallel_loop3A_265 : vector<16xf32>
        %parallel_loop3A_267 = arith.constant 64 : i32
        %parallel_loop3A_268 = arith.addi %parallel_loop3A_185, %parallel_loop3A_267 : i32
        %parallel_loop3A_269 = arith.constant 0 : i32
        %parallel_loop3A_270 = arith.index_cast %parallel_loop3A_269 : i32 to index
        %parallel_loop3A_271 = arith.index_cast %parallel_loop3A_180 : i32 to index
        %parallel_loop3A_272 = arith.index_cast %parallel_loop3A_268 : i32 to index
        %parallel_loop3A_273 = tpu.vector_load %arg10[%parallel_loop3A_270, %parallel_loop3A_271, %parallel_loop3A_272] {strides = array<i32>} : memref<1x4x4096xf32, #tpu.memory_space<vmem>>, vector<1x1x16xf32>,
        %parallel_loop3A_274 = vector.shape_cast %parallel_loop3A_273 : vector<1x1x16xf32> to vector<16xf32>
        %parallel_loop3A_275 = vector.shape_cast %parallel_loop3A_266 : vector<16xf32> to vector<1x1x16xf32>
        tpu.vector_store %arg10[%parallel_loop3A_270, %parallel_loop3A_271, %parallel_loop3A_272], %parallel_loop3A_275 {strides = array<i32>} : memref<1x4x4096xf32, #tpu.memory_space<vmem>>, vector<1x1x16xf32>,
        %parallel_loop3A_276 = arith.index_cast %parallel_loop3A_178 : i32 to index
        %parallel_loop3A_277 = arith.constant 80 : index
        %parallel_loop3A_278 = tpu.vector_load %arg8[%parallel_loop3A_276, %parallel_loop3A_277] {strides = array<i32>} : memref<32x512xf32, #tpu.memory_space<vmem>>, vector<1x16xf32>,
        %parallel_loop3A_279 = vector.shape_cast %parallel_loop3A_278 : vector<1x16xf32> to vector<16xf32>
        %parallel_loop3A_280 = arith.index_cast %parallel_loop3A_183 : i32 to index
        %parallel_loop3A_281 = arith.constant 80 : index
        %parallel_loop3A_282 = tpu.vector_load %arg7[%parallel_loop3A_280, %parallel_loop3A_281] {strides = array<i32>} : memref<64x512xf32, #tpu.memory_space<vmem>>, vector<1x16xf32>,
        %parallel_loop3A_283 = vector.shape_cast %parallel_loop3A_282 : vector<1x16xf32> to vector<16xf32>
        %parallel_loop3A_284 = arith.addf %parallel_loop3A_279, %parallel_loop3A_283 : vector<16xf32>
        %parallel_loop3A_285 = arith.constant 80 : i32
        %parallel_loop3A_286 = arith.addi %parallel_loop3A_185, %parallel_loop3A_285 : i32
        %parallel_loop3A_287 = arith.constant 0 : i32
        %parallel_loop3A_288 = arith.index_cast %parallel_loop3A_287 : i32 to index
        %parallel_loop3A_289 = arith.index_cast %parallel_loop3A_180 : i32 to index
        %parallel_loop3A_290 = arith.index_cast %parallel_loop3A_286 : i32 to index
        %parallel_loop3A_291 = tpu.vector_load %arg10[%parallel_loop3A_288, %parallel_loop3A_289, %parallel_loop3A_290] {strides = array<i32>} : memref<1x4x4096xf32, #tpu.memory_space<vmem>>, vector<1x1x16xf32>,
        %parallel_loop3A_292 = vector.shape_cast %parallel_loop3A_291 : vector<1x1x16xf32> to vector<16xf32>
        %parallel_loop3A_293 = vector.shape_cast %parallel_loop3A_284 : vector<16xf32> to vector<1x1x16xf32>
        tpu.vector_store %arg10[%parallel_loop3A_288, %parallel_loop3A_289, %parallel_loop3A_290], %parallel_loop3A_293 {strides = array<i32>} : memref<1x4x4096xf32, #tpu.memory_space<vmem>>, vector<1x1x16xf32>,
        %parallel_loop3A_294 = arith.index_cast %parallel_loop3A_178 : i32 to index
        %parallel_loop3A_295 = arith.constant 96 : index
        %parallel_loop3A_296 = tpu.vector_load %arg8[%parallel_loop3A_294, %parallel_loop3A_295] {strides = array<i32>} : memref<32x512xf32, #tpu.memory_space<vmem>>, vector<1x16xf32>,
        %parallel_loop3A_297 = vector.shape_cast %parallel_loop3A_296 : vector<1x16xf32> to vector<16xf32>
        %parallel_loop3A_298 = arith.index_cast %parallel_loop3A_183 : i32 to index
        %parallel_loop3A_299 = arith.constant 96 : index
        %parallel_loop3A_300 = tpu.vector_load %arg7[%parallel_loop3A_298, %parallel_loop3A_299] {strides = array<i32>} : memref<64x512xf32, #tpu.memory_space<vmem>>, vector<1x16xf32>,
        %parallel_loop3A_301 = vector.shape_cast %parallel_loop3A_300 : vector<1x16xf32> to vector<16xf32>
        %parallel_loop3A_302 = arith.addf %parallel_loop3A_297, %parallel_loop3A_301 : vector<16xf32>
        %parallel_loop3A_303 = arith.constant 96 : i32
        %parallel_loop3A_304 = arith.addi %parallel_loop3A_185, %parallel_loop3A_303 : i32
        %parallel_loop3A_305 = arith.constant 0 : i32
        %parallel_loop3A_306 = arith.index_cast %parallel_loop3A_305 : i32 to index
        %parallel_loop3A_307 = arith.index_cast %parallel_loop3A_180 : i32 to index
        %parallel_loop3A_308 = arith.index_cast %parallel_loop3A_304 : i32 to index
        %parallel_loop3A_309 = tpu.vector_load %arg10[%parallel_loop3A_306, %parallel_loop3A_307, %parallel_loop3A_308] {strides = array<i32>} : memref<1x4x4096xf32, #tpu.memory_space<vmem>>, vector<1x1x16xf32>,
        %parallel_loop3A_310 = vector.shape_cast %parallel_loop3A_309 : vector<1x1x16xf32> to vector<16xf32>
        %parallel_loop3A_311 = vector.shape_cast %parallel_loop3A_302 : vector<16xf32> to vector<1x1x16xf32>
        tpu.vector_store %arg10[%parallel_loop3A_306, %parallel_loop3A_307, %parallel_loop3A_308], %parallel_loop3A_311 {strides = array<i32>} : memref<1x4x4096xf32, #tpu.memory_space<vmem>>, vector<1x1x16xf32>,
        %parallel_loop3A_312 = arith.index_cast %parallel_loop3A_178 : i32 to index
        %parallel_loop3A_313 = arith.constant 112 : index
        %parallel_loop3A_314 = tpu.vector_load %arg8[%parallel_loop3A_312, %parallel_loop3A_313] {strides = array<i32>} : memref<32x512xf32, #tpu.memory_space<vmem>>, vector<1x16xf32>,
        %parallel_loop3A_315 = vector.shape_cast %parallel_loop3A_314 : vector<1x16xf32> to vector<16xf32>
        %parallel_loop3A_316 = arith.index_cast %parallel_loop3A_183 : i32 to index
        %parallel_loop3A_317 = arith.constant 112 : index
        %parallel_loop3A_318 = tpu.vector_load %arg7[%parallel_loop3A_316, %parallel_loop3A_317] {strides = array<i32>} : memref<64x512xf32, #tpu.memory_space<vmem>>, vector<1x16xf32>,
        %parallel_loop3A_319 = vector.shape_cast %parallel_loop3A_318 : vector<1x16xf32> to vector<16xf32>
        %parallel_loop3A_320 = arith.addf %parallel_loop3A_315, %parallel_loop3A_319 : vector<16xf32>
        %parallel_loop3A_321 = arith.constant 112 : i32
        %parallel_loop3A_322 = arith.addi %parallel_loop3A_185, %parallel_loop3A_321 : i32
        %parallel_loop3A_323 = arith.constant 0 : i32
        %parallel_loop3A_324 = arith.index_cast %parallel_loop3A_323 : i32 to index
        %parallel_loop3A_325 = arith.index_cast %parallel_loop3A_180 : i32 to index
        %parallel_loop3A_326 = arith.index_cast %parallel_loop3A_322 : i32 to index
        %parallel_loop3A_327 = tpu.vector_load %arg10[%parallel_loop3A_324, %parallel_loop3A_325, %parallel_loop3A_326] {strides = array<i32>} : memref<1x4x4096xf32, #tpu.memory_space<vmem>>, vector<1x1x16xf32>,
        %parallel_loop3A_328 = vector.shape_cast %parallel_loop3A_327 : vector<1x1x16xf32> to vector<16xf32>
        %parallel_loop3A_329 = vector.shape_cast %parallel_loop3A_320 : vector<16xf32> to vector<1x1x16xf32>
        tpu.vector_store %arg10[%parallel_loop3A_324, %parallel_loop3A_325, %parallel_loop3A_326], %parallel_loop3A_329 {strides = array<i32>} : memref<1x4x4096xf32, #tpu.memory_space<vmem>>, vector<1x1x16xf32>,
        %parallel_loop3A_330 = arith.index_cast %parallel_loop3A_178 : i32 to index
        %parallel_loop3A_331 = arith.constant 128 : index
        %parallel_loop3A_332 = tpu.vector_load %arg8[%parallel_loop3A_330, %parallel_loop3A_331] {strides = array<i32>} : memref<32x512xf32, #tpu.memory_space<vmem>>, vector<1x16xf32>,
        %parallel_loop3A_333 = vector.shape_cast %parallel_loop3A_332 : vector<1x16xf32> to vector<16xf32>
        %parallel_loop3A_334 = arith.index_cast %parallel_loop3A_183 : i32 to index
        %parallel_loop3A_335 = arith.constant 128 : index
        %parallel_loop3A_336 = tpu.vector_load %arg7[%parallel_loop3A_334, %parallel_loop3A_335] {strides = array<i32>} : memref<64x512xf32, #tpu.memory_space<vmem>>, vector<1x16xf32>,
        %parallel_loop3A_337 = vector.shape_cast %parallel_loop3A_336 : vector<1x16xf32> to vector<16xf32>
        %parallel_loop3A_338 = arith.addf %parallel_loop3A_333, %parallel_loop3A_337 : vector<16xf32>
        %parallel_loop3A_339 = arith.constant 128 : i32
        %parallel_loop3A_340 = arith.addi %parallel_loop3A_185, %parallel_loop3A_339 : i32
        %parallel_loop3A_341 = arith.constant 0 : i32
        %parallel_loop3A_342 = arith.index_cast %parallel_loop3A_341 : i32 to index
        %parallel_loop3A_343 = arith.index_cast %parallel_loop3A_180 : i32 to index
        %parallel_loop3A_344 = arith.index_cast %parallel_loop3A_340 : i32 to index
        %parallel_loop3A_345 = tpu.vector_load %arg10[%parallel_loop3A_342, %parallel_loop3A_343, %parallel_loop3A_344] {strides = array<i32>} : memref<1x4x4096xf32, #tpu.memory_space<vmem>>, vector<1x1x16xf32>,
        %parallel_loop3A_346 = vector.shape_cast %parallel_loop3A_345 : vector<1x1x16xf32> to vector<16xf32>
        %parallel_loop3A_347 = vector.shape_cast %parallel_loop3A_338 : vector<16xf32> to vector<1x1x16xf32>
        tpu.vector_store %arg10[%parallel_loop3A_342, %parallel_loop3A_343, %parallel_loop3A_344], %parallel_loop3A_347 {strides = array<i32>} : memref<1x4x4096xf32, #tpu.memory_space<vmem>>, vector<1x1x16xf32>,
        %parallel_loop3A_348 = arith.index_cast %parallel_loop3A_178 : i32 to index
        %parallel_loop3A_349 = arith.constant 144 : index
        %parallel_loop3A_350 = tpu.vector_load %arg8[%parallel_loop3A_348, %parallel_loop3A_349] {strides = array<i32>} : memref<32x512xf32, #tpu.memory_space<vmem>>, vector<1x16xf32>,
        %parallel_loop3A_351 = vector.shape_cast %parallel_loop3A_350 : vector<1x16xf32> to vector<16xf32>
        %parallel_loop3A_352 = arith.index_cast %parallel_loop3A_183 : i32 to index
        %parallel_loop3A_353 = arith.constant 144 : index
        %parallel_loop3A_354 = tpu.vector_load %arg7[%parallel_loop3A_352, %parallel_loop3A_353] {strides = array<i32>} : memref<64x512xf32, #tpu.memory_space<vmem>>, vector<1x16xf32>,
        %parallel_loop3A_355 = vector.shape_cast %parallel_loop3A_354 : vector<1x16xf32> to vector<16xf32>
        %parallel_loop3A_356 = arith.addf %parallel_loop3A_351, %parallel_loop3A_355 : vector<16xf32>
        %parallel_loop3A_357 = arith.constant 144 : i32
        %parallel_loop3A_358 = arith.addi %parallel_loop3A_185, %parallel_loop3A_357 : i32
        %parallel_loop3A_359 = arith.constant 0 : i32
        %parallel_loop3A_360 = arith.index_cast %parallel_loop3A_359 : i32 to index
        %parallel_loop3A_361 = arith.index_cast %parallel_loop3A_180 : i32 to index
        %parallel_loop3A_362 = arith.index_cast %parallel_loop3A_358 : i32 to index
        %parallel_loop3A_363 = tpu.vector_load %arg10[%parallel_loop3A_360, %parallel_loop3A_361, %parallel_loop3A_362] {strides = array<i32>} : memref<1x4x4096xf32, #tpu.memory_space<vmem>>, vector<1x1x16xf32>,
        %parallel_loop3A_364 = vector.shape_cast %parallel_loop3A_363 : vector<1x1x16xf32> to vector<16xf32>
        %parallel_loop3A_365 = vector.shape_cast %parallel_loop3A_356 : vector<16xf32> to vector<1x1x16xf32>
        tpu.vector_store %arg10[%parallel_loop3A_360, %parallel_loop3A_361, %parallel_loop3A_362], %parallel_loop3A_365 {strides = array<i32>} : memref<1x4x4096xf32, #tpu.memory_space<vmem>>, vector<1x1x16xf32>,
        %parallel_loop3A_366 = arith.index_cast %parallel_loop3A_178 : i32 to index
        %parallel_loop3A_367 = arith.constant 160 : index
        %parallel_loop3A_368 = tpu.vector_load %arg8[%parallel_loop3A_366, %parallel_loop3A_367] {strides = array<i32>} : memref<32x512xf32, #tpu.memory_space<vmem>>, vector<1x16xf32>,
        %parallel_loop3A_369 = vector.shape_cast %parallel_loop3A_368 : vector<1x16xf32> to vector<16xf32>
        %parallel_loop3A_370 = arith.index_cast %parallel_loop3A_183 : i32 to index
        %parallel_loop3A_371 = arith.constant 160 : index
        %parallel_loop3A_372 = tpu.vector_load %arg7[%parallel_loop3A_370, %parallel_loop3A_371] {strides = array<i32>} : memref<64x512xf32, #tpu.memory_space<vmem>>, vector<1x16xf32>,
        %parallel_loop3A_373 = vector.shape_cast %parallel_loop3A_372 : vector<1x16xf32> to vector<16xf32>
        %parallel_loop3A_374 = arith.addf %parallel_loop3A_369, %parallel_loop3A_373 : vector<16xf32>
        %parallel_loop3A_375 = arith.constant 160 : i32
        %parallel_loop3A_376 = arith.addi %parallel_loop3A_185, %parallel_loop3A_375 : i32
        %parallel_loop3A_377 = arith.constant 0 : i32
        %parallel_loop3A_378 = arith.index_cast %parallel_loop3A_377 : i32 to index
        %parallel_loop3A_379 = arith.index_cast %parallel_loop3A_180 : i32 to index
        %parallel_loop3A_380 = arith.index_cast %parallel_loop3A_376 : i32 to index
        %parallel_loop3A_381 = tpu.vector_load %arg10[%parallel_loop3A_378, %parallel_loop3A_379, %parallel_loop3A_380] {strides = array<i32>} : memref<1x4x4096xf32, #tpu.memory_space<vmem>>, vector<1x1x16xf32>,
        %parallel_loop3A_382 = vector.shape_cast %parallel_loop3A_381 : vector<1x1x16xf32> to vector<16xf32>
        %parallel_loop3A_383 = vector.shape_cast %parallel_loop3A_374 : vector<16xf32> to vector<1x1x16xf32>
        tpu.vector_store %arg10[%parallel_loop3A_378, %parallel_loop3A_379, %parallel_loop3A_380], %parallel_loop3A_383 {strides = array<i32>} : memref<1x4x4096xf32, #tpu.memory_space<vmem>>, vector<1x1x16xf32>,
        %parallel_loop3A_384 = arith.index_cast %parallel_loop3A_178 : i32 to index
        %parallel_loop3A_385 = arith.constant 176 : index
        %parallel_loop3A_386 = tpu.vector_load %arg8[%parallel_loop3A_384, %parallel_loop3A_385] {strides = array<i32>} : memref<32x512xf32, #tpu.memory_space<vmem>>, vector<1x16xf32>,
        %parallel_loop3A_387 = vector.shape_cast %parallel_loop3A_386 : vector<1x16xf32> to vector<16xf32>
        %parallel_loop3A_388 = arith.index_cast %parallel_loop3A_183 : i32 to index
        %parallel_loop3A_389 = arith.constant 176 : index
        %parallel_loop3A_390 = tpu.vector_load %arg7[%parallel_loop3A_388, %parallel_loop3A_389] {strides = array<i32>} : memref<64x512xf32, #tpu.memory_space<vmem>>, vector<1x16xf32>,
        %parallel_loop3A_391 = vector.shape_cast %parallel_loop3A_390 : vector<1x16xf32> to vector<16xf32>
        %parallel_loop3A_392 = arith.addf %parallel_loop3A_387, %parallel_loop3A_391 : vector<16xf32>
        %parallel_loop3A_393 = arith.constant 176 : i32
        %parallel_loop3A_394 = arith.addi %parallel_loop3A_185, %parallel_loop3A_393 : i32
        %parallel_loop3A_395 = arith.constant 0 : i32
        %parallel_loop3A_396 = arith.index_cast %parallel_loop3A_395 : i32 to index
        %parallel_loop3A_397 = arith.index_cast %parallel_loop3A_180 : i32 to index
        %parallel_loop3A_398 = arith.index_cast %parallel_loop3A_394 : i32 to index
        %parallel_loop3A_399 = tpu.vector_load %arg10[%parallel_loop3A_396, %parallel_loop3A_397, %parallel_loop3A_398] {strides = array<i32>} : memref<1x4x4096xf32, #tpu.memory_space<vmem>>, vector<1x1x16xf32>,
        %parallel_loop3A_400 = vector.shape_cast %parallel_loop3A_399 : vector<1x1x16xf32> to vector<16xf32>
        %parallel_loop3A_401 = vector.shape_cast %parallel_loop3A_392 : vector<16xf32> to vector<1x1x16xf32>
        tpu.vector_store %arg10[%parallel_loop3A_396, %parallel_loop3A_397, %parallel_loop3A_398], %parallel_loop3A_401 {strides = array<i32>} : memref<1x4x4096xf32, #tpu.memory_space<vmem>>, vector<1x1x16xf32>,
        %parallel_loop3A_402 = arith.index_cast %parallel_loop3A_178 : i32 to index
        %parallel_loop3A_403 = arith.constant 192 : index
        %parallel_loop3A_404 = tpu.vector_load %arg8[%parallel_loop3A_402, %parallel_loop3A_403] {strides = array<i32>} : memref<32x512xf32, #tpu.memory_space<vmem>>, vector<1x16xf32>,
        %parallel_loop3A_405 = vector.shape_cast %parallel_loop3A_404 : vector<1x16xf32> to vector<16xf32>
        %parallel_loop3A_406 = arith.index_cast %parallel_loop3A_183 : i32 to index
        %parallel_loop3A_407 = arith.constant 192 : index
        %parallel_loop3A_408 = tpu.vector_load %arg7[%parallel_loop3A_406, %parallel_loop3A_407] {strides = array<i32>} : memref<64x512xf32, #tpu.memory_space<vmem>>, vector<1x16xf32>,
        %parallel_loop3A_409 = vector.shape_cast %parallel_loop3A_408 : vector<1x16xf32> to vector<16xf32>
        %parallel_loop3A_410 = arith.addf %parallel_loop3A_405, %parallel_loop3A_409 : vector<16xf32>
        %parallel_loop3A_411 = arith.constant 192 : i32
        %parallel_loop3A_412 = arith.addi %parallel_loop3A_185, %parallel_loop3A_411 : i32
        %parallel_loop3A_413 = arith.constant 0 : i32
        %parallel_loop3A_414 = arith.index_cast %parallel_loop3A_413 : i32 to index
        %parallel_loop3A_415 = arith.index_cast %parallel_loop3A_180 : i32 to index
        %parallel_loop3A_416 = arith.index_cast %parallel_loop3A_412 : i32 to index
        %parallel_loop3A_417 = tpu.vector_load %arg10[%parallel_loop3A_414, %parallel_loop3A_415, %parallel_loop3A_416] {strides = array<i32>} : memref<1x4x4096xf32, #tpu.memory_space<vmem>>, vector<1x1x16xf32>,
        %parallel_loop3A_418 = vector.shape_cast %parallel_loop3A_417 : vector<1x1x16xf32> to vector<16xf32>
        %parallel_loop3A_419 = vector.shape_cast %parallel_loop3A_410 : vector<16xf32> to vector<1x1x16xf32>
        tpu.vector_store %arg10[%parallel_loop3A_414, %parallel_loop3A_415, %parallel_loop3A_416], %parallel_loop3A_419 {strides = array<i32>} : memref<1x4x4096xf32, #tpu.memory_space<vmem>>, vector<1x1x16xf32>,
        %parallel_loop3A_420 = arith.index_cast %parallel_loop3A_178 : i32 to index
        %parallel_loop3A_421 = arith.constant 208 : index
        %parallel_loop3A_422 = tpu.vector_load %arg8[%parallel_loop3A_420, %parallel_loop3A_421] {strides = array<i32>} : memref<32x512xf32, #tpu.memory_space<vmem>>, vector<1x16xf32>,
        %parallel_loop3A_423 = vector.shape_cast %parallel_loop3A_422 : vector<1x16xf32> to vector<16xf32>
        %parallel_loop3A_424 = arith.index_cast %parallel_loop3A_183 : i32 to index
        %parallel_loop3A_425 = arith.constant 208 : index
        %parallel_loop3A_426 = tpu.vector_load %arg7[%parallel_loop3A_424, %parallel_loop3A_425] {strides = array<i32>} : memref<64x512xf32, #tpu.memory_space<vmem>>, vector<1x16xf32>,
        %parallel_loop3A_427 = vector.shape_cast %parallel_loop3A_426 : vector<1x16xf32> to vector<16xf32>
        %parallel_loop3A_428 = arith.addf %parallel_loop3A_423, %parallel_loop3A_427 : vector<16xf32>
        %parallel_loop3A_429 = arith.constant 208 : i32
        %parallel_loop3A_430 = arith.addi %parallel_loop3A_185, %parallel_loop3A_429 : i32
        %parallel_loop3A_431 = arith.constant 0 : i32
        %parallel_loop3A_432 = arith.index_cast %parallel_loop3A_431 : i32 to index
        %parallel_loop3A_433 = arith.index_cast %parallel_loop3A_180 : i32 to index
        %parallel_loop3A_434 = arith.index_cast %parallel_loop3A_430 : i32 to index
        %parallel_loop3A_435 = tpu.vector_load %arg10[%parallel_loop3A_432, %parallel_loop3A_433, %parallel_loop3A_434] {strides = array<i32>} : memref<1x4x4096xf32, #tpu.memory_space<vmem>>, vector<1x1x16xf32>,
        %parallel_loop3A_436 = vector.shape_cast %parallel_loop3A_435 : vector<1x1x16xf32> to vector<16xf32>
        %parallel_loop3A_437 = vector.shape_cast %parallel_loop3A_428 : vector<16xf32> to vector<1x1x16xf32>
        tpu.vector_store %arg10[%parallel_loop3A_432, %parallel_loop3A_433, %parallel_loop3A_434], %parallel_loop3A_437 {strides = array<i32>} : memref<1x4x4096xf32, #tpu.memory_space<vmem>>, vector<1x1x16xf32>,
        %parallel_loop3A_438 = arith.index_cast %parallel_loop3A_178 : i32 to index
        %parallel_loop3A_439 = arith.constant 224 : index
        %parallel_loop3A_440 = tpu.vector_load %arg8[%parallel_loop3A_438, %parallel_loop3A_439] {strides = array<i32>} : memref<32x512xf32, #tpu.memory_space<vmem>>, vector<1x16xf32>,
        %parallel_loop3A_441 = vector.shape_cast %parallel_loop3A_440 : vector<1x16xf32> to vector<16xf32>
        %parallel_loop3A_442 = arith.index_cast %parallel_loop3A_183 : i32 to index
        %parallel_loop3A_443 = arith.constant 224 : index
        %parallel_loop3A_444 = tpu.vector_load %arg7[%parallel_loop3A_442, %parallel_loop3A_443] {strides = array<i32>} : memref<64x512xf32, #tpu.memory_space<vmem>>, vector<1x16xf32>,
        %parallel_loop3A_445 = vector.shape_cast %parallel_loop3A_444 : vector<1x16xf32> to vector<16xf32>
        %parallel_loop3A_446 = arith.addf %parallel_loop3A_441, %parallel_loop3A_445 : vector<16xf32>
        %parallel_loop3A_447 = arith.constant 224 : i32
        %parallel_loop3A_448 = arith.addi %parallel_loop3A_185, %parallel_loop3A_447 : i32
        %parallel_loop3A_449 = arith.constant 0 : i32
        %parallel_loop3A_450 = arith.index_cast %parallel_loop3A_449 : i32 to index
        %parallel_loop3A_451 = arith.index_cast %parallel_loop3A_180 : i32 to index
        %parallel_loop3A_452 = arith.index_cast %parallel_loop3A_448 : i32 to index
        %parallel_loop3A_453 = tpu.vector_load %arg10[%parallel_loop3A_450, %parallel_loop3A_451, %parallel_loop3A_452] {strides = array<i32>} : memref<1x4x4096xf32, #tpu.memory_space<vmem>>, vector<1x1x16xf32>,
        %parallel_loop3A_454 = vector.shape_cast %parallel_loop3A_453 : vector<1x1x16xf32> to vector<16xf32>
        %parallel_loop3A_455 = vector.shape_cast %parallel_loop3A_446 : vector<16xf32> to vector<1x1x16xf32>
        tpu.vector_store %arg10[%parallel_loop3A_450, %parallel_loop3A_451, %parallel_loop3A_452], %parallel_loop3A_455 {strides = array<i32>} : memref<1x4x4096xf32, #tpu.memory_space<vmem>>, vector<1x1x16xf32>,
        %parallel_loop3A_456 = arith.index_cast %parallel_loop3A_178 : i32 to index
        %parallel_loop3A_457 = arith.constant 240 : index
        %parallel_loop3A_458 = tpu.vector_load %arg8[%parallel_loop3A_456, %parallel_loop3A_457] {strides = array<i32>} : memref<32x512xf32, #tpu.memory_space<vmem>>, vector<1x16xf32>,
        %parallel_loop3A_459 = vector.shape_cast %parallel_loop3A_458 : vector<1x16xf32> to vector<16xf32>
        %parallel_loop3A_460 = arith.index_cast %parallel_loop3A_183 : i32 to index
        %parallel_loop3A_461 = arith.constant 240 : index
        %parallel_loop3A_462 = tpu.vector_load %arg7[%parallel_loop3A_460, %parallel_loop3A_461] {strides = array<i32>} : memref<64x512xf32, #tpu.memory_space<vmem>>, vector<1x16xf32>,
        %parallel_loop3A_463 = vector.shape_cast %parallel_loop3A_462 : vector<1x16xf32> to vector<16xf32>
        %parallel_loop3A_464 = arith.addf %parallel_loop3A_459, %parallel_loop3A_463 : vector<16xf32>
        %parallel_loop3A_465 = arith.constant 240 : i32
        %parallel_loop3A_466 = arith.addi %parallel_loop3A_185, %parallel_loop3A_465 : i32
        %parallel_loop3A_467 = arith.constant 0 : i32
        %parallel_loop3A_468 = arith.index_cast %parallel_loop3A_467 : i32 to index
        %parallel_loop3A_469 = arith.index_cast %parallel_loop3A_180 : i32 to index
        %parallel_loop3A_470 = arith.index_cast %parallel_loop3A_466 : i32 to index
        %parallel_loop3A_471 = tpu.vector_load %arg10[%parallel_loop3A_468, %parallel_loop3A_469, %parallel_loop3A_470] {strides = array<i32>} : memref<1x4x4096xf32, #tpu.memory_space<vmem>>, vector<1x1x16xf32>,
        %parallel_loop3A_472 = vector.shape_cast %parallel_loop3A_471 : vector<1x1x16xf32> to vector<16xf32>
        %parallel_loop3A_473 = vector.shape_cast %parallel_loop3A_464 : vector<16xf32> to vector<1x1x16xf32>
        tpu.vector_store %arg10[%parallel_loop3A_468, %parallel_loop3A_469, %parallel_loop3A_470], %parallel_loop3A_473 {strides = array<i32>} : memref<1x4x4096xf32, #tpu.memory_space<vmem>>, vector<1x1x16xf32>,
        %parallel_loop3A_474 = arith.index_cast %parallel_loop3A_178 : i32 to index
        %parallel_loop3A_475 = arith.constant 256 : index
        %parallel_loop3A_476 = tpu.vector_load %arg8[%parallel_loop3A_474, %parallel_loop3A_475] {strides = array<i32>} : memref<32x512xf32, #tpu.memory_space<vmem>>, vector<1x16xf32>,
        %parallel_loop3A_477 = vector.shape_cast %parallel_loop3A_476 : vector<1x16xf32> to vector<16xf32>
        %parallel_loop3A_478 = arith.index_cast %parallel_loop3A_183 : i32 to index
        %parallel_loop3A_479 = arith.constant 256 : index
        %parallel_loop3A_480 = tpu.vector_load %arg7[%parallel_loop3A_478, %parallel_loop3A_479] {strides = array<i32>} : memref<64x512xf32, #tpu.memory_space<vmem>>, vector<1x16xf32>,
        %parallel_loop3A_481 = vector.shape_cast %parallel_loop3A_480 : vector<1x16xf32> to vector<16xf32>
        %parallel_loop3A_482 = arith.addf %parallel_loop3A_477, %parallel_loop3A_481 : vector<16xf32>
        %parallel_loop3A_483 = arith.constant 256 : i32
        %parallel_loop3A_484 = arith.addi %parallel_loop3A_185, %parallel_loop3A_483 : i32
        %parallel_loop3A_485 = arith.constant 0 : i32
        %parallel_loop3A_486 = arith.index_cast %parallel_loop3A_485 : i32 to index
        %parallel_loop3A_487 = arith.index_cast %parallel_loop3A_180 : i32 to index
        %parallel_loop3A_488 = arith.index_cast %parallel_loop3A_484 : i32 to index
        %parallel_loop3A_489 = tpu.vector_load %arg10[%parallel_loop3A_486, %parallel_loop3A_487, %parallel_loop3A_488] {strides = array<i32>} : memref<1x4x4096xf32, #tpu.memory_space<vmem>>, vector<1x1x16xf32>,
        %parallel_loop3A_490 = vector.shape_cast %parallel_loop3A_489 : vector<1x1x16xf32> to vector<16xf32>
        %parallel_loop3A_491 = vector.shape_cast %parallel_loop3A_482 : vector<16xf32> to vector<1x1x16xf32>
        tpu.vector_store %arg10[%parallel_loop3A_486, %parallel_loop3A_487, %parallel_loop3A_488], %parallel_loop3A_491 {strides = array<i32>} : memref<1x4x4096xf32, #tpu.memory_space<vmem>>, vector<1x1x16xf32>,
        %parallel_loop3A_492 = arith.index_cast %parallel_loop3A_178 : i32 to index
        %parallel_loop3A_493 = arith.constant 272 : index
        %parallel_loop3A_494 = tpu.vector_load %arg8[%parallel_loop3A_492, %parallel_loop3A_493] {strides = array<i32>} : memref<32x512xf32, #tpu.memory_space<vmem>>, vector<1x16xf32>,
        %parallel_loop3A_495 = vector.shape_cast %parallel_loop3A_494 : vector<1x16xf32> to vector<16xf32>
        %parallel_loop3A_496 = arith.index_cast %parallel_loop3A_183 : i32 to index
        %parallel_loop3A_497 = arith.constant 272 : index
        %parallel_loop3A_498 = tpu.vector_load %arg7[%parallel_loop3A_496, %parallel_loop3A_497] {strides = array<i32>} : memref<64x512xf32, #tpu.memory_space<vmem>>, vector<1x16xf32>,
        %parallel_loop3A_499 = vector.shape_cast %parallel_loop3A_498 : vector<1x16xf32> to vector<16xf32>
        %parallel_loop3A_500 = arith.addf %parallel_loop3A_495, %parallel_loop3A_499 : vector<16xf32>
        %parallel_loop3A_501 = arith.constant 272 : i32
        %parallel_loop3A_502 = arith.addi %parallel_loop3A_185, %parallel_loop3A_501 : i32
        %parallel_loop3A_503 = arith.constant 0 : i32
        %parallel_loop3A_504 = arith.index_cast %parallel_loop3A_503 : i32 to index
        %parallel_loop3A_505 = arith.index_cast %parallel_loop3A_180 : i32 to index
        %parallel_loop3A_506 = arith.index_cast %parallel_loop3A_502 : i32 to index
        %parallel_loop3A_507 = tpu.vector_load %arg10[%parallel_loop3A_504, %parallel_loop3A_505, %parallel_loop3A_506] {strides = array<i32>} : memref<1x4x4096xf32, #tpu.memory_space<vmem>>, vector<1x1x16xf32>,
        %parallel_loop3A_508 = vector.shape_cast %parallel_loop3A_507 : vector<1x1x16xf32> to vector<16xf32>
        %parallel_loop3A_509 = vector.shape_cast %parallel_loop3A_500 : vector<16xf32> to vector<1x1x16xf32>
        tpu.vector_store %arg10[%parallel_loop3A_504, %parallel_loop3A_505, %parallel_loop3A_506], %parallel_loop3A_509 {strides = array<i32>} : memref<1x4x4096xf32, #tpu.memory_space<vmem>>, vector<1x1x16xf32>,
        %parallel_loop3A_510 = arith.index_cast %parallel_loop3A_178 : i32 to index
        %parallel_loop3A_511 = arith.constant 288 : index
        %parallel_loop3A_512 = tpu.vector_load %arg8[%parallel_loop3A_510, %parallel_loop3A_511] {strides = array<i32>} : memref<32x512xf32, #tpu.memory_space<vmem>>, vector<1x16xf32>,
        %parallel_loop3A_513 = vector.shape_cast %parallel_loop3A_512 : vector<1x16xf32> to vector<16xf32>
        %parallel_loop3A_514 = arith.index_cast %parallel_loop3A_183 : i32 to index
        %parallel_loop3A_515 = arith.constant 288 : index
        %parallel_loop3A_516 = tpu.vector_load %arg7[%parallel_loop3A_514, %parallel_loop3A_515] {strides = array<i32>} : memref<64x512xf32, #tpu.memory_space<vmem>>, vector<1x16xf32>,
        %parallel_loop3A_517 = vector.shape_cast %parallel_loop3A_516 : vector<1x16xf32> to vector<16xf32>
        %parallel_loop3A_518 = arith.addf %parallel_loop3A_513, %parallel_loop3A_517 : vector<16xf32>
        %parallel_loop3A_519 = arith.constant 288 : i32
        %parallel_loop3A_520 = arith.addi %parallel_loop3A_185, %parallel_loop3A_519 : i32
        %parallel_loop3A_521 = arith.constant 0 : i32
        %parallel_loop3A_522 = arith.index_cast %parallel_loop3A_521 : i32 to index
        %parallel_loop3A_523 = arith.index_cast %parallel_loop3A_180 : i32 to index
        %parallel_loop3A_524 = arith.index_cast %parallel_loop3A_520 : i32 to index
        %parallel_loop3A_525 = tpu.vector_load %arg10[%parallel_loop3A_522, %parallel_loop3A_523, %parallel_loop3A_524] {strides = array<i32>} : memref<1x4x4096xf32, #tpu.memory_space<vmem>>, vector<1x1x16xf32>,
        %parallel_loop3A_526 = vector.shape_cast %parallel_loop3A_525 : vector<1x1x16xf32> to vector<16xf32>
        %parallel_loop3A_527 = vector.shape_cast %parallel_loop3A_518 : vector<16xf32> to vector<1x1x16xf32>
        tpu.vector_store %arg10[%parallel_loop3A_522, %parallel_loop3A_523, %parallel_loop3A_524], %parallel_loop3A_527 {strides = array<i32>} : memref<1x4x4096xf32, #tpu.memory_space<vmem>>, vector<1x1x16xf32>,
        %parallel_loop3A_528 = arith.index_cast %parallel_loop3A_178 : i32 to index
        %parallel_loop3A_529 = arith.constant 304 : index
        %parallel_loop3A_530 = tpu.vector_load %arg8[%parallel_loop3A_528, %parallel_loop3A_529] {strides = array<i32>} : memref<32x512xf32, #tpu.memory_space<vmem>>, vector<1x16xf32>,
        %parallel_loop3A_531 = vector.shape_cast %parallel_loop3A_530 : vector<1x16xf32> to vector<16xf32>
        %parallel_loop3A_532 = arith.index_cast %parallel_loop3A_183 : i32 to index
        %parallel_loop3A_533 = arith.constant 304 : index
        %parallel_loop3A_534 = tpu.vector_load %arg7[%parallel_loop3A_532, %parallel_loop3A_533] {strides = array<i32>} : memref<64x512xf32, #tpu.memory_space<vmem>>, vector<1x16xf32>,
        %parallel_loop3A_535 = vector.shape_cast %parallel_loop3A_534 : vector<1x16xf32> to vector<16xf32>
        %parallel_loop3A_536 = arith.addf %parallel_loop3A_531, %parallel_loop3A_535 : vector<16xf32>
        %parallel_loop3A_537 = arith.constant 304 : i32
        %parallel_loop3A_538 = arith.addi %parallel_loop3A_185, %parallel_loop3A_537 : i32
        %parallel_loop3A_539 = arith.constant 0 : i32
        %parallel_loop3A_540 = arith.index_cast %parallel_loop3A_539 : i32 to index
        %parallel_loop3A_541 = arith.index_cast %parallel_loop3A_180 : i32 to index
        %parallel_loop3A_542 = arith.index_cast %parallel_loop3A_538 : i32 to index
        %parallel_loop3A_543 = tpu.vector_load %arg10[%parallel_loop3A_540, %parallel_loop3A_541, %parallel_loop3A_542] {strides = array<i32>} : memref<1x4x4096xf32, #tpu.memory_space<vmem>>, vector<1x1x16xf32>,
        %parallel_loop3A_544 = vector.shape_cast %parallel_loop3A_543 : vector<1x1x16xf32> to vector<16xf32>
        %parallel_loop3A_545 = vector.shape_cast %parallel_loop3A_536 : vector<16xf32> to vector<1x1x16xf32>
        tpu.vector_store %arg10[%parallel_loop3A_540, %parallel_loop3A_541, %parallel_loop3A_542], %parallel_loop3A_545 {strides = array<i32>} : memref<1x4x4096xf32, #tpu.memory_space<vmem>>, vector<1x1x16xf32>,
        %parallel_loop3A_546 = arith.index_cast %parallel_loop3A_178 : i32 to index
        %parallel_loop3A_547 = arith.constant 320 : index
        %parallel_loop3A_548 = tpu.vector_load %arg8[%parallel_loop3A_546, %parallel_loop3A_547] {strides = array<i32>} : memref<32x512xf32, #tpu.memory_space<vmem>>, vector<1x16xf32>,
        %parallel_loop3A_549 = vector.shape_cast %parallel_loop3A_548 : vector<1x16xf32> to vector<16xf32>
        %parallel_loop3A_550 = arith.index_cast %parallel_loop3A_183 : i32 to index
        %parallel_loop3A_551 = arith.constant 320 : index
        %parallel_loop3A_552 = tpu.vector_load %arg7[%parallel_loop3A_550, %parallel_loop3A_551] {strides = array<i32>} : memref<64x512xf32, #tpu.memory_space<vmem>>, vector<1x16xf32>,
        %parallel_loop3A_553 = vector.shape_cast %parallel_loop3A_552 : vector<1x16xf32> to vector<16xf32>
        %parallel_loop3A_554 = arith.addf %parallel_loop3A_549, %parallel_loop3A_553 : vector<16xf32>
        %parallel_loop3A_555 = arith.constant 320 : i32
        %parallel_loop3A_556 = arith.addi %parallel_loop3A_185, %parallel_loop3A_555 : i32
        %parallel_loop3A_557 = arith.constant 0 : i32
        %parallel_loop3A_558 = arith.index_cast %parallel_loop3A_557 : i32 to index
        %parallel_loop3A_559 = arith.index_cast %parallel_loop3A_180 : i32 to index
        %parallel_loop3A_560 = arith.index_cast %parallel_loop3A_556 : i32 to index
        %parallel_loop3A_561 = tpu.vector_load %arg10[%parallel_loop3A_558, %parallel_loop3A_559, %parallel_loop3A_560] {strides = array<i32>} : memref<1x4x4096xf32, #tpu.memory_space<vmem>>, vector<1x1x16xf32>,
        %parallel_loop3A_562 = vector.shape_cast %parallel_loop3A_561 : vector<1x1x16xf32> to vector<16xf32>
        %parallel_loop3A_563 = vector.shape_cast %parallel_loop3A_554 : vector<16xf32> to vector<1x1x16xf32>
        tpu.vector_store %arg10[%parallel_loop3A_558, %parallel_loop3A_559, %parallel_loop3A_560], %parallel_loop3A_563 {strides = array<i32>} : memref<1x4x4096xf32, #tpu.memory_space<vmem>>, vector<1x1x16xf32>,
        %parallel_loop3A_564 = arith.index_cast %parallel_loop3A_178 : i32 to index
        %parallel_loop3A_565 = arith.constant 336 : index
        %parallel_loop3A_566 = tpu.vector_load %arg8[%parallel_loop3A_564, %parallel_loop3A_565] {strides = array<i32>} : memref<32x512xf32, #tpu.memory_space<vmem>>, vector<1x16xf32>,
        %parallel_loop3A_567 = vector.shape_cast %parallel_loop3A_566 : vector<1x16xf32> to vector<16xf32>
        %parallel_loop3A_568 = arith.index_cast %parallel_loop3A_183 : i32 to index
        %parallel_loop3A_569 = arith.constant 336 : index
        %parallel_loop3A_570 = tpu.vector_load %arg7[%parallel_loop3A_568, %parallel_loop3A_569] {strides = array<i32>} : memref<64x512xf32, #tpu.memory_space<vmem>>, vector<1x16xf32>,
        %parallel_loop3A_571 = vector.shape_cast %parallel_loop3A_570 : vector<1x16xf32> to vector<16xf32>
        %parallel_loop3A_572 = arith.addf %parallel_loop3A_567, %parallel_loop3A_571 : vector<16xf32>
        %parallel_loop3A_573 = arith.constant 336 : i32
        %parallel_loop3A_574 = arith.addi %parallel_loop3A_185, %parallel_loop3A_573 : i32
        %parallel_loop3A_575 = arith.constant 0 : i32
        %parallel_loop3A_576 = arith.index_cast %parallel_loop3A_575 : i32 to index
        %parallel_loop3A_577 = arith.index_cast %parallel_loop3A_180 : i32 to index
        %parallel_loop3A_578 = arith.index_cast %parallel_loop3A_574 : i32 to index
        %parallel_loop3A_579 = tpu.vector_load %arg10[%parallel_loop3A_576, %parallel_loop3A_577, %parallel_loop3A_578] {strides = array<i32>} : memref<1x4x4096xf32, #tpu.memory_space<vmem>>, vector<1x1x16xf32>,
        %parallel_loop3A_580 = vector.shape_cast %parallel_loop3A_579 : vector<1x1x16xf32> to vector<16xf32>
        %parallel_loop3A_581 = vector.shape_cast %parallel_loop3A_572 : vector<16xf32> to vector<1x1x16xf32>
        tpu.vector_store %arg10[%parallel_loop3A_576, %parallel_loop3A_577, %parallel_loop3A_578], %parallel_loop3A_581 {strides = array<i32>} : memref<1x4x4096xf32, #tpu.memory_space<vmem>>, vector<1x1x16xf32>,
        %parallel_loop3A_582 = arith.index_cast %parallel_loop3A_178 : i32 to index
        %parallel_loop3A_583 = arith.constant 352 : index
        %parallel_loop3A_584 = tpu.vector_load %arg8[%parallel_loop3A_582, %parallel_loop3A_583] {strides = array<i32>} : memref<32x512xf32, #tpu.memory_space<vmem>>, vector<1x16xf32>,
        %parallel_loop3A_585 = vector.shape_cast %parallel_loop3A_584 : vector<1x16xf32> to vector<16xf32>
        %parallel_loop3A_586 = arith.index_cast %parallel_loop3A_183 : i32 to index
        %parallel_loop3A_587 = arith.constant 352 : index
        %parallel_loop3A_588 = tpu.vector_load %arg7[%parallel_loop3A_586, %parallel_loop3A_587] {strides = array<i32>} : memref<64x512xf32, #tpu.memory_space<vmem>>, vector<1x16xf32>,
        %parallel_loop3A_589 = vector.shape_cast %parallel_loop3A_588 : vector<1x16xf32> to vector<16xf32>
        %parallel_loop3A_590 = arith.addf %parallel_loop3A_585, %parallel_loop3A_589 : vector<16xf32>
        %parallel_loop3A_591 = arith.constant 352 : i32
        %parallel_loop3A_592 = arith.addi %parallel_loop3A_185, %parallel_loop3A_591 : i32
        %parallel_loop3A_593 = arith.constant 0 : i32
        %parallel_loop3A_594 = arith.index_cast %parallel_loop3A_593 : i32 to index
        %parallel_loop3A_595 = arith.index_cast %parallel_loop3A_180 : i32 to index
        %parallel_loop3A_596 = arith.index_cast %parallel_loop3A_592 : i32 to index
        %parallel_loop3A_597 = tpu.vector_load %arg10[%parallel_loop3A_594, %parallel_loop3A_595, %parallel_loop3A_596] {strides = array<i32>} : memref<1x4x4096xf32, #tpu.memory_space<vmem>>, vector<1x1x16xf32>,
        %parallel_loop3A_598 = vector.shape_cast %parallel_loop3A_597 : vector<1x1x16xf32> to vector<16xf32>
        %parallel_loop3A_599 = vector.shape_cast %parallel_loop3A_590 : vector<16xf32> to vector<1x1x16xf32>
        tpu.vector_store %arg10[%parallel_loop3A_594, %parallel_loop3A_595, %parallel_loop3A_596], %parallel_loop3A_599 {strides = array<i32>} : memref<1x4x4096xf32, #tpu.memory_space<vmem>>, vector<1x1x16xf32>,
        %parallel_loop3A_600 = arith.index_cast %parallel_loop3A_178 : i32 to index
        %parallel_loop3A_601 = arith.constant 368 : index
        %parallel_loop3A_602 = tpu.vector_load %arg8[%parallel_loop3A_600, %parallel_loop3A_601] {strides = array<i32>} : memref<32x512xf32, #tpu.memory_space<vmem>>, vector<1x16xf32>,
        %parallel_loop3A_603 = vector.shape_cast %parallel_loop3A_602 : vector<1x16xf32> to vector<16xf32>
        %parallel_loop3A_604 = arith.index_cast %parallel_loop3A_183 : i32 to index
        %parallel_loop3A_605 = arith.constant 368 : index
        %parallel_loop3A_606 = tpu.vector_load %arg7[%parallel_loop3A_604, %parallel_loop3A_605] {strides = array<i32>} : memref<64x512xf32, #tpu.memory_space<vmem>>, vector<1x16xf32>,
        %parallel_loop3A_607 = vector.shape_cast %parallel_loop3A_606 : vector<1x16xf32> to vector<16xf32>
        %parallel_loop3A_608 = arith.addf %parallel_loop3A_603, %parallel_loop3A_607 : vector<16xf32>
        %parallel_loop3A_609 = arith.constant 368 : i32
        %parallel_loop3A_610 = arith.addi %parallel_loop3A_185, %parallel_loop3A_609 : i32
        %parallel_loop3A_611 = arith.constant 0 : i32
        %parallel_loop3A_612 = arith.index_cast %parallel_loop3A_611 : i32 to index
        %parallel_loop3A_613 = arith.index_cast %parallel_loop3A_180 : i32 to index
        %parallel_loop3A_614 = arith.index_cast %parallel_loop3A_610 : i32 to index
        %parallel_loop3A_615 = tpu.vector_load %arg10[%parallel_loop3A_612, %parallel_loop3A_613, %parallel_loop3A_614] {strides = array<i32>} : memref<1x4x4096xf32, #tpu.memory_space<vmem>>, vector<1x1x16xf32>,
        %parallel_loop3A_616 = vector.shape_cast %parallel_loop3A_615 : vector<1x1x16xf32> to vector<16xf32>
        %parallel_loop3A_617 = vector.shape_cast %parallel_loop3A_608 : vector<16xf32> to vector<1x1x16xf32>
        tpu.vector_store %arg10[%parallel_loop3A_612, %parallel_loop3A_613, %parallel_loop3A_614], %parallel_loop3A_617 {strides = array<i32>} : memref<1x4x4096xf32, #tpu.memory_space<vmem>>, vector<1x1x16xf32>,
        %parallel_loop3A_618 = arith.index_cast %parallel_loop3A_178 : i32 to index
        %parallel_loop3A_619 = arith.constant 384 : index
        %parallel_loop3A_620 = tpu.vector_load %arg8[%parallel_loop3A_618, %parallel_loop3A_619] {strides = array<i32>} : memref<32x512xf32, #tpu.memory_space<vmem>>, vector<1x16xf32>,
        %parallel_loop3A_621 = vector.shape_cast %parallel_loop3A_620 : vector<1x16xf32> to vector<16xf32>
        %parallel_loop3A_622 = arith.index_cast %parallel_loop3A_183 : i32 to index
        %parallel_loop3A_623 = arith.constant 384 : index
        %parallel_loop3A_624 = tpu.vector_load %arg7[%parallel_loop3A_622, %parallel_loop3A_623] {strides = array<i32>} : memref<64x512xf32, #tpu.memory_space<vmem>>, vector<1x16xf32>,
        %parallel_loop3A_625 = vector.shape_cast %parallel_loop3A_624 : vector<1x16xf32> to vector<16xf32>
        %parallel_loop3A_626 = arith.addf %parallel_loop3A_621, %parallel_loop3A_625 : vector<16xf32>
        %parallel_loop3A_627 = arith.constant 384 : i32
        %parallel_loop3A_628 = arith.addi %parallel_loop3A_185, %parallel_loop3A_627 : i32
        %parallel_loop3A_629 = arith.constant 0 : i32
        %parallel_loop3A_630 = arith.index_cast %parallel_loop3A_629 : i32 to index
        %parallel_loop3A_631 = arith.index_cast %parallel_loop3A_180 : i32 to index
        %parallel_loop3A_632 = arith.index_cast %parallel_loop3A_628 : i32 to index
        %parallel_loop3A_633 = tpu.vector_load %arg10[%parallel_loop3A_630, %parallel_loop3A_631, %parallel_loop3A_632] {strides = array<i32>} : memref<1x4x4096xf32, #tpu.memory_space<vmem>>, vector<1x1x16xf32>,
        %parallel_loop3A_634 = vector.shape_cast %parallel_loop3A_633 : vector<1x1x16xf32> to vector<16xf32>
        %parallel_loop3A_635 = vector.shape_cast %parallel_loop3A_626 : vector<16xf32> to vector<1x1x16xf32>
        tpu.vector_store %arg10[%parallel_loop3A_630, %parallel_loop3A_631, %parallel_loop3A_632], %parallel_loop3A_635 {strides = array<i32>} : memref<1x4x4096xf32, #tpu.memory_space<vmem>>, vector<1x1x16xf32>,
        %parallel_loop3A_636 = arith.index_cast %parallel_loop3A_178 : i32 to index
        %parallel_loop3A_637 = arith.constant 400 : index
        %parallel_loop3A_638 = tpu.vector_load %arg8[%parallel_loop3A_636, %parallel_loop3A_637] {strides = array<i32>} : memref<32x512xf32, #tpu.memory_space<vmem>>, vector<1x16xf32>,
        %parallel_loop3A_639 = vector.shape_cast %parallel_loop3A_638 : vector<1x16xf32> to vector<16xf32>
        %parallel_loop3A_640 = arith.index_cast %parallel_loop3A_183 : i32 to index
        %parallel_loop3A_641 = arith.constant 400 : index
        %parallel_loop3A_642 = tpu.vector_load %arg7[%parallel_loop3A_640, %parallel_loop3A_641] {strides = array<i32>} : memref<64x512xf32, #tpu.memory_space<vmem>>, vector<1x16xf32>,
        %parallel_loop3A_643 = vector.shape_cast %parallel_loop3A_642 : vector<1x16xf32> to vector<16xf32>
        %parallel_loop3A_644 = arith.addf %parallel_loop3A_639, %parallel_loop3A_643 : vector<16xf32>
        %parallel_loop3A_645 = arith.constant 400 : i32
        %parallel_loop3A_646 = arith.addi %parallel_loop3A_185, %parallel_loop3A_645 : i32
        %parallel_loop3A_647 = arith.constant 0 : i32
        %parallel_loop3A_648 = arith.index_cast %parallel_loop3A_647 : i32 to index
        %parallel_loop3A_649 = arith.index_cast %parallel_loop3A_180 : i32 to index
        %parallel_loop3A_650 = arith.index_cast %parallel_loop3A_646 : i32 to index
        %parallel_loop3A_651 = tpu.vector_load %arg10[%parallel_loop3A_648, %parallel_loop3A_649, %parallel_loop3A_650] {strides = array<i32>} : memref<1x4x4096xf32, #tpu.memory_space<vmem>>, vector<1x1x16xf32>,
        %parallel_loop3A_652 = vector.shape_cast %parallel_loop3A_651 : vector<1x1x16xf32> to vector<16xf32>
        %parallel_loop3A_653 = vector.shape_cast %parallel_loop3A_644 : vector<16xf32> to vector<1x1x16xf32>
        tpu.vector_store %arg10[%parallel_loop3A_648, %parallel_loop3A_649, %parallel_loop3A_650], %parallel_loop3A_653 {strides = array<i32>} : memref<1x4x4096xf32, #tpu.memory_space<vmem>>, vector<1x1x16xf32>,
        %parallel_loop3A_654 = arith.index_cast %parallel_loop3A_178 : i32 to index
        %parallel_loop3A_655 = arith.constant 416 : index
        %parallel_loop3A_656 = tpu.vector_load %arg8[%parallel_loop3A_654, %parallel_loop3A_655] {strides = array<i32>} : memref<32x512xf32, #tpu.memory_space<vmem>>, vector<1x16xf32>,
        %parallel_loop3A_657 = vector.shape_cast %parallel_loop3A_656 : vector<1x16xf32> to vector<16xf32>
        %parallel_loop3A_658 = arith.index_cast %parallel_loop3A_183 : i32 to index
        %parallel_loop3A_659 = arith.constant 416 : index
        %parallel_loop3A_660 = tpu.vector_load %arg7[%parallel_loop3A_658, %parallel_loop3A_659] {strides = array<i32>} : memref<64x512xf32, #tpu.memory_space<vmem>>, vector<1x16xf32>,
        %parallel_loop3A_661 = vector.shape_cast %parallel_loop3A_660 : vector<1x16xf32> to vector<16xf32>
        %parallel_loop3A_662 = arith.addf %parallel_loop3A_657, %parallel_loop3A_661 : vector<16xf32>
        %parallel_loop3A_663 = arith.constant 416 : i32
        %parallel_loop3A_664 = arith.addi %parallel_loop3A_185, %parallel_loop3A_663 : i32
        %parallel_loop3A_665 = arith.constant 0 : i32
        %parallel_loop3A_666 = arith.index_cast %parallel_loop3A_665 : i32 to index
        %parallel_loop3A_667 = arith.index_cast %parallel_loop3A_180 : i32 to index
        %parallel_loop3A_668 = arith.index_cast %parallel_loop3A_664 : i32 to index
        %parallel_loop3A_669 = tpu.vector_load %arg10[%parallel_loop3A_666, %parallel_loop3A_667, %parallel_loop3A_668] {strides = array<i32>} : memref<1x4x4096xf32, #tpu.memory_space<vmem>>, vector<1x1x16xf32>,
        %parallel_loop3A_670 = vector.shape_cast %parallel_loop3A_669 : vector<1x1x16xf32> to vector<16xf32>
        %parallel_loop3A_671 = vector.shape_cast %parallel_loop3A_662 : vector<16xf32> to vector<1x1x16xf32>
        tpu.vector_store %arg10[%parallel_loop3A_666, %parallel_loop3A_667, %parallel_loop3A_668], %parallel_loop3A_671 {strides = array<i32>} : memref<1x4x4096xf32, #tpu.memory_space<vmem>>, vector<1x1x16xf32>,
        %parallel_loop3A_672 = arith.index_cast %parallel_loop3A_178 : i32 to index
        %parallel_loop3A_673 = arith.constant 432 : index
        %parallel_loop3A_674 = tpu.vector_load %arg8[%parallel_loop3A_672, %parallel_loop3A_673] {strides = array<i32>} : memref<32x512xf32, #tpu.memory_space<vmem>>, vector<1x16xf32>,
        %parallel_loop3A_675 = vector.shape_cast %parallel_loop3A_674 : vector<1x16xf32> to vector<16xf32>
        %parallel_loop3A_676 = arith.index_cast %parallel_loop3A_183 : i32 to index
        %parallel_loop3A_677 = arith.constant 432 : index
        %parallel_loop3A_678 = tpu.vector_load %arg7[%parallel_loop3A_676, %parallel_loop3A_677] {strides = array<i32>} : memref<64x512xf32, #tpu.memory_space<vmem>>, vector<1x16xf32>,
        %parallel_loop3A_679 = vector.shape_cast %parallel_loop3A_678 : vector<1x16xf32> to vector<16xf32>
        %parallel_loop3A_680 = arith.addf %parallel_loop3A_675, %parallel_loop3A_679 : vector<16xf32>
        %parallel_loop3A_681 = arith.constant 432 : i32
        %parallel_loop3A_682 = arith.addi %parallel_loop3A_185, %parallel_loop3A_681 : i32
        %parallel_loop3A_683 = arith.constant 0 : i32
        %parallel_loop3A_684 = arith.index_cast %parallel_loop3A_683 : i32 to index
        %parallel_loop3A_685 = arith.index_cast %parallel_loop3A_180 : i32 to index
        %parallel_loop3A_686 = arith.index_cast %parallel_loop3A_682 : i32 to index
        %parallel_loop3A_687 = tpu.vector_load %arg10[%parallel_loop3A_684, %parallel_loop3A_685, %parallel_loop3A_686] {strides = array<i32>} : memref<1x4x4096xf32, #tpu.memory_space<vmem>>, vector<1x1x16xf32>,
        %parallel_loop3A_688 = vector.shape_cast %parallel_loop3A_687 : vector<1x1x16xf32> to vector<16xf32>
        %parallel_loop3A_689 = vector.shape_cast %parallel_loop3A_680 : vector<16xf32> to vector<1x1x16xf32>
        tpu.vector_store %arg10[%parallel_loop3A_684, %parallel_loop3A_685, %parallel_loop3A_686], %parallel_loop3A_689 {strides = array<i32>} : memref<1x4x4096xf32, #tpu.memory_space<vmem>>, vector<1x1x16xf32>,
        %parallel_loop3A_690 = arith.index_cast %parallel_loop3A_178 : i32 to index
        %parallel_loop3A_691 = arith.constant 448 : index
        %parallel_loop3A_692 = tpu.vector_load %arg8[%parallel_loop3A_690, %parallel_loop3A_691] {strides = array<i32>} : memref<32x512xf32, #tpu.memory_space<vmem>>, vector<1x16xf32>,
        %parallel_loop3A_693 = vector.shape_cast %parallel_loop3A_692 : vector<1x16xf32> to vector<16xf32>
        %parallel_loop3A_694 = arith.index_cast %parallel_loop3A_183 : i32 to index
        %parallel_loop3A_695 = arith.constant 448 : index
        %parallel_loop3A_696 = tpu.vector_load %arg7[%parallel_loop3A_694, %parallel_loop3A_695] {strides = array<i32>} : memref<64x512xf32, #tpu.memory_space<vmem>>, vector<1x16xf32>,
        %parallel_loop3A_697 = vector.shape_cast %parallel_loop3A_696 : vector<1x16xf32> to vector<16xf32>
        %parallel_loop3A_698 = arith.addf %parallel_loop3A_693, %parallel_loop3A_697 : vector<16xf32>
        %parallel_loop3A_699 = arith.constant 448 : i32
        %parallel_loop3A_700 = arith.addi %parallel_loop3A_185, %parallel_loop3A_699 : i32
        %parallel_loop3A_701 = arith.constant 0 : i32
        %parallel_loop3A_702 = arith.index_cast %parallel_loop3A_701 : i32 to index
        %parallel_loop3A_703 = arith.index_cast %parallel_loop3A_180 : i32 to index
        %parallel_loop3A_704 = arith.index_cast %parallel_loop3A_700 : i32 to index
        %parallel_loop3A_705 = tpu.vector_load %arg10[%parallel_loop3A_702, %parallel_loop3A_703, %parallel_loop3A_704] {strides = array<i32>} : memref<1x4x4096xf32, #tpu.memory_space<vmem>>, vector<1x1x16xf32>,
        %parallel_loop3A_706 = vector.shape_cast %parallel_loop3A_705 : vector<1x1x16xf32> to vector<16xf32>
        %parallel_loop3A_707 = vector.shape_cast %parallel_loop3A_698 : vector<16xf32> to vector<1x1x16xf32>
        tpu.vector_store %arg10[%parallel_loop3A_702, %parallel_loop3A_703, %parallel_loop3A_704], %parallel_loop3A_707 {strides = array<i32>} : memref<1x4x4096xf32, #tpu.memory_space<vmem>>, vector<1x1x16xf32>,
        %parallel_loop3A_708 = arith.index_cast %parallel_loop3A_178 : i32 to index
        %parallel_loop3A_709 = arith.constant 464 : index
        %parallel_loop3A_710 = tpu.vector_load %arg8[%parallel_loop3A_708, %parallel_loop3A_709] {strides = array<i32>} : memref<32x512xf32, #tpu.memory_space<vmem>>, vector<1x16xf32>,
        %parallel_loop3A_711 = vector.shape_cast %parallel_loop3A_710 : vector<1x16xf32> to vector<16xf32>
        %parallel_loop3A_712 = arith.index_cast %parallel_loop3A_183 : i32 to index
        %parallel_loop3A_713 = arith.constant 464 : index
        %parallel_loop3A_714 = tpu.vector_load %arg7[%parallel_loop3A_712, %parallel_loop3A_713] {strides = array<i32>} : memref<64x512xf32, #tpu.memory_space<vmem>>, vector<1x16xf32>,
        %parallel_loop3A_715 = vector.shape_cast %parallel_loop3A_714 : vector<1x16xf32> to vector<16xf32>
        %parallel_loop3A_716 = arith.addf %parallel_loop3A_711, %parallel_loop3A_715 : vector<16xf32>
        %parallel_loop3A_717 = arith.constant 464 : i32
        %parallel_loop3A_718 = arith.addi %parallel_loop3A_185, %parallel_loop3A_717 : i32
        %parallel_loop3A_719 = arith.constant 0 : i32
        %parallel_loop3A_720 = arith.index_cast %parallel_loop3A_719 : i32 to index
        %parallel_loop3A_721 = arith.index_cast %parallel_loop3A_180 : i32 to index
        %parallel_loop3A_722 = arith.index_cast %parallel_loop3A_718 : i32 to index
        %parallel_loop3A_723 = tpu.vector_load %arg10[%parallel_loop3A_720, %parallel_loop3A_721, %parallel_loop3A_722] {strides = array<i32>} : memref<1x4x4096xf32, #tpu.memory_space<vmem>>, vector<1x1x16xf32>,
        %parallel_loop3A_724 = vector.shape_cast %parallel_loop3A_723 : vector<1x1x16xf32> to vector<16xf32>
        %parallel_loop3A_725 = vector.shape_cast %parallel_loop3A_716 : vector<16xf32> to vector<1x1x16xf32>
        tpu.vector_store %arg10[%parallel_loop3A_720, %parallel_loop3A_721, %parallel_loop3A_722], %parallel_loop3A_725 {strides = array<i32>} : memref<1x4x4096xf32, #tpu.memory_space<vmem>>, vector<1x1x16xf32>,
        %parallel_loop3A_726 = arith.index_cast %parallel_loop3A_178 : i32 to index
        %parallel_loop3A_727 = arith.constant 480 : index
        %parallel_loop3A_728 = tpu.vector_load %arg8[%parallel_loop3A_726, %parallel_loop3A_727] {strides = array<i32>} : memref<32x512xf32, #tpu.memory_space<vmem>>, vector<1x16xf32>,
        %parallel_loop3A_729 = vector.shape_cast %parallel_loop3A_728 : vector<1x16xf32> to vector<16xf32>
        %parallel_loop3A_730 = arith.index_cast %parallel_loop3A_183 : i32 to index
        %parallel_loop3A_731 = arith.constant 480 : index
        %parallel_loop3A_732 = tpu.vector_load %arg7[%parallel_loop3A_730, %parallel_loop3A_731] {strides = array<i32>} : memref<64x512xf32, #tpu.memory_space<vmem>>, vector<1x16xf32>,
        %parallel_loop3A_733 = vector.shape_cast %parallel_loop3A_732 : vector<1x16xf32> to vector<16xf32>
        %parallel_loop3A_734 = arith.addf %parallel_loop3A_729, %parallel_loop3A_733 : vector<16xf32>
        %parallel_loop3A_735 = arith.constant 480 : i32
        %parallel_loop3A_736 = arith.addi %parallel_loop3A_185, %parallel_loop3A_735 : i32
        %parallel_loop3A_737 = arith.constant 0 : i32
        %parallel_loop3A_738 = arith.index_cast %parallel_loop3A_737 : i32 to index
        %parallel_loop3A_739 = arith.index_cast %parallel_loop3A_180 : i32 to index
        %parallel_loop3A_740 = arith.index_cast %parallel_loop3A_736 : i32 to index
        %parallel_loop3A_741 = tpu.vector_load %arg10[%parallel_loop3A_738, %parallel_loop3A_739, %parallel_loop3A_740] {strides = array<i32>} : memref<1x4x4096xf32, #tpu.memory_space<vmem>>, vector<1x1x16xf32>,
        %parallel_loop3A_742 = vector.shape_cast %parallel_loop3A_741 : vector<1x1x16xf32> to vector<16xf32>
        %parallel_loop3A_743 = vector.shape_cast %parallel_loop3A_734 : vector<16xf32> to vector<1x1x16xf32>
        tpu.vector_store %arg10[%parallel_loop3A_738, %parallel_loop3A_739, %parallel_loop3A_740], %parallel_loop3A_743 {strides = array<i32>} : memref<1x4x4096xf32, #tpu.memory_space<vmem>>, vector<1x1x16xf32>,
        %parallel_loop3A_744 = arith.index_cast %parallel_loop3A_178 : i32 to index
        %parallel_loop3A_745 = arith.constant 496 : index
        %parallel_loop3A_746 = tpu.vector_load %arg8[%parallel_loop3A_744, %parallel_loop3A_745] {strides = array<i32>} : memref<32x512xf32, #tpu.memory_space<vmem>>, vector<1x16xf32>,
        %parallel_loop3A_747 = vector.shape_cast %parallel_loop3A_746 : vector<1x16xf32> to vector<16xf32>
        %parallel_loop3A_748 = arith.index_cast %parallel_loop3A_183 : i32 to index
        %parallel_loop3A_749 = arith.constant 496 : index
        %parallel_loop3A_750 = tpu.vector_load %arg7[%parallel_loop3A_748, %parallel_loop3A_749] {strides = array<i32>} : memref<64x512xf32, #tpu.memory_space<vmem>>, vector<1x16xf32>,
        %parallel_loop3A_751 = vector.shape_cast %parallel_loop3A_750 : vector<1x16xf32> to vector<16xf32>
        %parallel_loop3A_752 = arith.addf %parallel_loop3A_747, %parallel_loop3A_751 : vector<16xf32>
        %parallel_loop3A_753 = arith.constant 496 : i32
        %parallel_loop3A_754 = arith.addi %parallel_loop3A_185, %parallel_loop3A_753 : i32
        %parallel_loop3A_755 = arith.constant 0 : i32
        %parallel_loop3A_756 = arith.index_cast %parallel_loop3A_755 : i32 to index
        %parallel_loop3A_757 = arith.index_cast %parallel_loop3A_180 : i32 to index
        %parallel_loop3A_758 = arith.index_cast %parallel_loop3A_754 : i32 to index
        %parallel_loop3A_759 = tpu.vector_load %arg10[%parallel_loop3A_756, %parallel_loop3A_757, %parallel_loop3A_758] {strides = array<i32>} : memref<1x4x4096xf32, #tpu.memory_space<vmem>>, vector<1x1x16xf32>,
        %parallel_loop3A_760 = vector.shape_cast %parallel_loop3A_759 : vector<1x1x16xf32> to vector<16xf32>
        %parallel_loop3A_761 = vector.shape_cast %parallel_loop3A_752 : vector<16xf32> to vector<1x1x16xf32>
        tpu.vector_store %arg10[%parallel_loop3A_756, %parallel_loop3A_757, %parallel_loop3A_758], %parallel_loop3A_761 {strides = array<i32>} : memref<1x4x4096xf32, #tpu.memory_space<vmem>>, vector<1x1x16xf32>,
      } {sc.loop_unroll_factor = 2 : i64, sc.parallel_access}
      %and3A_103 = arith.constant 7 : i32
      %and3A_104 = arith.andi %mul3A_73, %and3A_103 : i32
      %eq3A_105 = arith.constant 7 : i32
      %eq3A_106 = arith.cmpi eq, %and3A_104, %eq3A_105 : i32
      %add3A_107 = arith.constant 1 : i32
      %add3A_108 = arith.addi %mul3A_73, %add3A_107 : i32
      %lt3A_109 = arith.constant 32 : i32
      %lt3A_110 = arith.cmpi slt, %add3A_108, %lt3A_109 : i32
      %and3A_111 = arith.andi %eq3A_106, %lt3A_110 : i1
      %convert_element_type3A_112 = arith.extui %and3A_111 : i1 to i32
      %cond3A_113 = arith.constant 0 : i32
      %cond3A_114 = arith.cmpi ne, %convert_element_type3A_112, %cond3A_113 : i32
      scf.if %cond3A_114 {
        %add3A_178 = arith.constant 1 : i32
        %add3A_179 = arith.addi %mul3A_73, %add3A_178 : i32
        %mul3A_180 = arith.constant 8 : i32
        %mul3A_181 = arith.muli %add3A_179, %mul3A_180 : i32
        %add3A_182 = arith.addi %mul3A_2, %mul3A_181 : i32
        %dma_start3A_183 = arith.constant 0 : i32
        %dma_start3A_184 = tpu.memref_slice %arg4[%add3A_182, %dma_start3A_183] : memref<8192x512xf32, #tpu.memory_space<hbm>> -> memref<64x512xf32, #tpu.memory_space<hbm>>
        %dma_start3A_185 = arith.constant 0 : i32
        %dma_start3A_186 = tpu.memref_slice %arg4[%add3A_182, %dma_start3A_185] : memref<8192x512xf32, #tpu.memory_space<hbm>> -> memref<64x512xf32, #tpu.memory_space<hbm>>
        tpu.enqueue_dma source(%dma_start3A_186 : memref<64x512xf32, #tpu.memory_space<hbm>>) target(%arg7 : memref<64x512xf32, #tpu.memory_space<vmem>>) target_semaphore(%arg16 : memref<!tpu.dma_semaphore, #tpu.memory_space<semaphore_mem>>)
      } else {
      }
      %add3A_115 = arith.addi %mul3A_4, %mul3A_73 : i32
      %dma_start3A_116 = arith.constant 0 : i32
      %dma_start3A_117 = arith.constant 0 : i32
      %dma_start3A_118 = tpu.memref_slice %arg5[%add3A_115, %dma_start3A_116, %dma_start3A_117] : memref<1025x4x4096xf32, #tpu.memory_space<hbm>> -> memref<1x4x4096xf32, #tpu.memory_space<hbm>>
      %dma_start3A_119 = arith.constant 0 : i32
      %dma_start3A_120 = arith.constant 0 : i32
      %dma_start3A_121 = tpu.memref_slice %arg5[%add3A_115, %dma_start3A_119, %dma_start3A_120] : memref<1025x4x4096xf32, #tpu.memory_space<hbm>> -> memref<1x4x4096xf32, #tpu.memory_space<hbm>>
      tpu.enqueue_dma source(%arg10 : memref<1x4x4096xf32, #tpu.memory_space<vmem>>) target(%dma_start3A_121 : memref<1x4x4096xf32, #tpu.memory_space<hbm>>) target_semaphore(%arg14 : memref<!tpu.dma_semaphore, #tpu.memory_space<semaphore_mem>>)
      %mul3A_122 = arith.constant 2 : i32
      %mul3A_123 = arith.muli %mul3A_122, %scan3A_71 : i32
      %add3A_124 = arith.constant 1 : i32
      %add3A_125 = arith.addi %mul3A_123, %add3A_124 : i32
      %add3A_126 = arith.constant 1 : i32
      %add3A_127 = arith.addi %add3A_125, %add3A_126 : i32
      %lt3A_128 = arith.constant 32 : i32
      %lt3A_129 = arith.cmpi slt, %add3A_127, %lt3A_128 : i32
      %convert_element_type3A_130 = arith.extui %lt3A_129 : i1 to i32
      %cond3A_131 = arith.constant 0 : i32
      %cond3A_132 = arith.cmpi ne, %convert_element_type3A_130, %cond3A_131 : i32
      scf.if %cond3A_132 {
        %add3A_178 = arith.constant 1 : i32
        %add3A_179 = arith.addi %add3A_125, %add3A_178 : i32
        %mul3A_180 = arith.constant 8 : i32
        %mul3A_181 = arith.muli %add3A_179, %mul3A_180 : i32
        %multiple_of3A = tpu.assume_multiple %mul3A_181, 8 : i32
        %dma_start3A_182 = arith.constant 0 : i32
        %dma_start3A_183 = arith.constant 0 : i32
        %dma_start3A_184 = arith.constant 0 : i32
        %dma_start3A_185 = tpu.memref_slice %arg8[%dma_start3A_183, %dma_start3A_184] : memref<32x512xf32, #tpu.memory_space<vmem>> -> memref<8x512xf32, #tpu.memory_space<vmem>>
        %dma_start3A_186 = tpu.memref_slice %arg6[%dma_start3A_182, %multiple_of3A] : memref<4x256xi32, #tpu.memory_space<vmem>> -> memref<1x8xi32, #tpu.memory_space<vmem>>
        %dma_start3A_187 = tpu.memref_squeeze %dma_start3A_186 : memref<1x8xi32, #tpu.memory_space<vmem>> -> memref<8xi32, #tpu.memory_space<vmem>>
        %dma_start3A_188 = arith.constant 0 : i32
        %dma_start3A_189 = arith.constant 0 : i32
        %dma_start3A_190 = tpu.memref_slice %arg3[%dma_start3A_188, %dma_start3A_189] : memref<256x512xf32, #tpu.memory_space<hbm>> -> memref<256x512xf32, #tpu.memory_space<hbm>>
        tpu.enqueue_indirect_dma source(%dma_start3A_190 : memref<256x512xf32, #tpu.memory_space<hbm>>) target(%dma_start3A_185 : memref<8x512xf32, #tpu.memory_space<vmem>>) offsets(%dma_start3A_187 : memref<8xi32, #tpu.memory_space<vmem>>) semaphore(%arg12 : memref<!tpu.dma_semaphore, #tpu.memory_space<semaphore_mem>>)
        %dma_start3A_191 = arith.constant 1 : i32
        %dma_start3A_192 = arith.constant 8 : i32
        %dma_start3A_193 = arith.constant 0 : i32
        %dma_start3A_194 = tpu.memref_slice %arg8[%dma_start3A_192, %dma_start3A_193] : memref<32x512xf32, #tpu.memory_space<vmem>> -> memref<8x512xf32, #tpu.memory_space<vmem>>
        %dma_start3A_195 = tpu.memref_slice %arg6[%dma_start3A_191, %multiple_of3A] : memref<4x256xi32, #tpu.memory_space<vmem>> -> memref<1x8xi32, #tpu.memory_space<vmem>>
        %dma_start3A_196 = tpu.memref_squeeze %dma_start3A_195 : memref<1x8xi32, #tpu.memory_space<vmem>> -> memref<8xi32, #tpu.memory_space<vmem>>
        %dma_start3A_197 = arith.constant 0 : i32
        %dma_start3A_198 = arith.constant 0 : i32
        %dma_start3A_199 = tpu.memref_slice %arg3[%dma_start3A_197, %dma_start3A_198] : memref<256x512xf32, #tpu.memory_space<hbm>> -> memref<256x512xf32, #tpu.memory_space<hbm>>
        tpu.enqueue_indirect_dma source(%dma_start3A_199 : memref<256x512xf32, #tpu.memory_space<hbm>>) target(%dma_start3A_194 : memref<8x512xf32, #tpu.memory_space<vmem>>) offsets(%dma_start3A_196 : memref<8xi32, #tpu.memory_space<vmem>>) semaphore(%arg12 : memref<!tpu.dma_semaphore, #tpu.memory_space<semaphore_mem>>)
        %dma_start3A_200 = arith.constant 2 : i32
        %dma_start3A_201 = arith.constant 16 : i32
        %dma_start3A_202 = arith.constant 0 : i32
        %dma_start3A_203 = tpu.memref_slice %arg8[%dma_start3A_201, %dma_start3A_202] : memref<32x512xf32, #tpu.memory_space<vmem>> -> memref<8x512xf32, #tpu.memory_space<vmem>>
        %dma_start3A_204 = tpu.memref_slice %arg6[%dma_start3A_200, %multiple_of3A] : memref<4x256xi32, #tpu.memory_space<vmem>> -> memref<1x8xi32, #tpu.memory_space<vmem>>
        %dma_start3A_205 = tpu.memref_squeeze %dma_start3A_204 : memref<1x8xi32, #tpu.memory_space<vmem>> -> memref<8xi32, #tpu.memory_space<vmem>>
        %dma_start3A_206 = arith.constant 0 : i32
        %dma_start3A_207 = arith.constant 0 : i32
        %dma_start3A_208 = tpu.memref_slice %arg3[%dma_start3A_206, %dma_start3A_207] : memref<256x512xf32, #tpu.memory_space<hbm>> -> memref<256x512xf32, #tpu.memory_space<hbm>>
        tpu.enqueue_indirect_dma source(%dma_start3A_208 : memref<256x512xf32, #tpu.memory_space<hbm>>) target(%dma_start3A_203 : memref<8x512xf32, #tpu.memory_space<vmem>>) offsets(%dma_start3A_205 : memref<8xi32, #tpu.memory_space<vmem>>) semaphore(%arg12 : memref<!tpu.dma_semaphore, #tpu.memory_space<semaphore_mem>>)
        %dma_start3A_209 = arith.constant 3 : i32
        %dma_start3A_210 = arith.constant 24 : i32
        %dma_start3A_211 = arith.constant 0 : i32
        %dma_start3A_212 = tpu.memref_slice %arg8[%dma_start3A_210, %dma_start3A_211] : memref<32x512xf32, #tpu.memory_space<vmem>> -> memref<8x512xf32, #tpu.memory_space<vmem>>
        %dma_start3A_213 = tpu.memref_slice %arg6[%dma_start3A_209, %multiple_of3A] : memref<4x256xi32, #tpu.memory_space<vmem>> -> memref<1x8xi32, #tpu.memory_space<vmem>>
        %dma_start3A_214 = tpu.memref_squeeze %dma_start3A_213 : memref<1x8xi32, #tpu.memory_space<vmem>> -> memref<8xi32, #tpu.memory_space<vmem>>
        %dma_start3A_215 = arith.constant 0 : i32
        %dma_start3A_216 = arith.constant 0 : i32
        %dma_start3A_217 = tpu.memref_slice %arg3[%dma_start3A_215, %dma_start3A_216] : memref<256x512xf32, #tpu.memory_space<hbm>> -> memref<256x512xf32, #tpu.memory_space<hbm>>
        tpu.enqueue_indirect_dma source(%dma_start3A_217 : memref<256x512xf32, #tpu.memory_space<hbm>>) target(%dma_start3A_212 : memref<8x512xf32, #tpu.memory_space<vmem>>) offsets(%dma_start3A_214 : memref<8xi32, #tpu.memory_space<vmem>>) semaphore(%arg12 : memref<!tpu.dma_semaphore, #tpu.memory_space<semaphore_mem>>)
      } else {
      }
      %and3A_133 = arith.constant 7 : i32
      %and3A_134 = arith.andi %add3A_125, %and3A_133 : i32
      %eq3A_135 = arith.constant 0 : i32
      %eq3A_136 = arith.cmpi eq, %and3A_134, %eq3A_135 : i32
      %convert_element_type3A_137 = arith.extui %eq3A_136 : i1 to i32
      %cond3A_138 = arith.constant 0 : i32
      %cond3A_139 = arith.cmpi ne, %convert_element_type3A_137, %cond3A_138 : i32
      scf.if %cond3A_139 {
        %dma_wait3A_178 = arith.constant 0 : i32
        %dma_wait3A_179 = arith.constant 0 : i32
        %dma_wait3A_180 = tpu.memref_slice %arg4[%dma_wait3A_178, %dma_wait3A_179] : memref<8192x512xf32, #tpu.memory_space<hbm>> -> memref<64x512xf32, #tpu.memory_space<hbm>>
        %dma_wait3A_181 = arith.constant 0 : i32
        %dma_wait3A_182 = arith.constant 0 : i32
        %dma_wait3A_183 = tpu.memref_slice %arg4[%dma_wait3A_181, %dma_wait3A_182] : memref<8192x512xf32, #tpu.memory_space<hbm>> -> memref<64x512xf32, #tpu.memory_space<hbm>>
        tpu.wait_dma2 semaphore(%arg16 : memref<!tpu.dma_semaphore, #tpu.memory_space<semaphore_mem>>) src(%dma_wait3A_183 : memref<64x512xf32, #tpu.memory_space<hbm>>) dst(%arg7 : memref<64x512xf32, #tpu.memory_space<vmem>>)
      } else {
      }
      %ge3A_140 = arith.constant 2 : i32
      %ge3A_141 = arith.cmpi sge, %add3A_125, %ge3A_140 : i32
      %convert_element_type3A_142 = arith.extui %ge3A_141 : i1 to i32
      %cond3A_143 = arith.constant 0 : i32
      %cond3A_144 = arith.cmpi ne, %convert_element_type3A_142, %cond3A_143 : i32
      scf.if %cond3A_144 {
        %dma_wait3A_178 = arith.constant 0 : i32
        %dma_wait3A_179 = arith.constant 0 : i32
        %dma_wait3A_180 = arith.constant 0 : i32
        %dma_wait3A_181 = tpu.memref_slice %arg5[%dma_wait3A_178, %dma_wait3A_179, %dma_wait3A_180] : memref<1025x4x4096xf32, #tpu.memory_space<hbm>> -> memref<1x4x4096xf32, #tpu.memory_space<hbm>>
        %dma_wait3A_182 = arith.constant 0 : i32
        %dma_wait3A_183 = arith.constant 0 : i32
        %dma_wait3A_184 = arith.constant 0 : i32
        %dma_wait3A_185 = tpu.memref_slice %arg5[%dma_wait3A_182, %dma_wait3A_183, %dma_wait3A_184] : memref<1025x4x4096xf32, #tpu.memory_space<hbm>> -> memref<1x4x4096xf32, #tpu.memory_space<hbm>>
        tpu.wait_dma2 semaphore(%arg15 : memref<!tpu.dma_semaphore, #tpu.memory_space<semaphore_mem>>) src(%arg11 : memref<1x4x4096xf32, #tpu.memory_space<vmem>>) dst(%dma_wait3A_185 : memref<1x4x4096xf32, #tpu.memory_space<hbm>>)
      } else {
      }
      %dma_wait3A_145 = arith.constant 0 : i32
      %dma_wait3A_146 = arith.constant 0 : i32
      %dma_wait3A_147 = tpu.memref_slice %arg6[%dma_wait3A_145, %dma_wait3A_146] : memref<4x256xi32, #tpu.memory_space<vmem>> -> memref<1x32xi32, #tpu.memory_space<vmem>>
      %dma_wait3A_148 = tpu.memref_squeeze %dma_wait3A_147 : memref<1x32xi32, #tpu.memory_space<vmem>> -> memref<32xi32, #tpu.memory_space<vmem>>
      %dma_wait3A_149 = arith.constant 0 : i32
      %dma_wait3A_150 = arith.constant 0 : i32
      %dma_wait3A_151 = tpu.memref_slice %arg3[%dma_wait3A_149, %dma_wait3A_150] : memref<256x512xf32, #tpu.memory_space<hbm>> -> memref<256x512xf32, #tpu.memory_space<hbm>>
      tpu.wait_indirect_dma semaphore(%arg13 : memref<!tpu.dma_semaphore, #tpu.memory_space<semaphore_mem>>) src(%dma_wait3A_151 : memref<256x512xf32, #tpu.memory_space<hbm>>) dst(%arg9 : memref<32x512xf32, #tpu.memory_space<vmem>>)
      %and3A_152 = arith.constant 7 : i32
      %and3A_153 = arith.andi %add3A_125, %and3A_152 : i32
      %mul3A_154 = arith.constant 8 : i32
      %mul3A_155 = arith.muli %and3A_153, %mul3A_154 : i32
      %parallel_loop3A_156 = arith.constant 0 : i32
      %parallel_loop3A_157 = arith.constant 32 : i32
      %parallel_loop3A_158 = arith.constant 1 : i32
      scf.for %parallel_loop3A_178 = %parallel_loop3A_156 to %parallel_loop3A_157 step %parallel_loop3A_158  : i32 {
        %parallel_loop3A_179 = arith.constant 3 : i32
        %parallel_loop3A_180 = arith.shrsi %parallel_loop3A_178, %parallel_loop3A_179 : i32
        %parallel_loop3A_181 = arith.constant 7 : i32
        %parallel_loop3A_182 = arith.andi %parallel_loop3A_178, %parallel_loop3A_181 : i32
        %parallel_loop3A_183 = arith.addi %mul3A_155, %parallel_loop3A_182 : i32
        %parallel_loop3A_184 = arith.constant 512 : i32
        %parallel_loop3A_185 = arith.muli %parallel_loop3A_182, %parallel_loop3A_184 : i32
        %parallel_loop3A_186 = arith.index_cast %parallel_loop3A_178 : i32 to index
        %parallel_loop3A_187 = arith.constant 0 : index
        %parallel_loop3A_188 = tpu.vector_load %arg9[%parallel_loop3A_186, %parallel_loop3A_187] {strides = array<i32>} : memref<32x512xf32, #tpu.memory_space<vmem>>, vector<1x16xf32>,
        %parallel_loop3A_189 = vector.shape_cast %parallel_loop3A_188 : vector<1x16xf32> to vector<16xf32>
        %parallel_loop3A_190 = arith.index_cast %parallel_loop3A_183 : i32 to index
        %parallel_loop3A_191 = arith.constant 0 : index
        %parallel_loop3A_192 = tpu.vector_load %arg7[%parallel_loop3A_190, %parallel_loop3A_191] {strides = array<i32>} : memref<64x512xf32, #tpu.memory_space<vmem>>, vector<1x16xf32>,
        %parallel_loop3A_193 = vector.shape_cast %parallel_loop3A_192 : vector<1x16xf32> to vector<16xf32>
        %parallel_loop3A_194 = arith.addf %parallel_loop3A_189, %parallel_loop3A_193 : vector<16xf32>
        %parallel_loop3A_195 = arith.constant 0 : i32
        %parallel_loop3A_196 = arith.addi %parallel_loop3A_185, %parallel_loop3A_195 : i32
        %parallel_loop3A_197 = arith.constant 0 : i32
        %parallel_loop3A_198 = arith.index_cast %parallel_loop3A_197 : i32 to index
        %parallel_loop3A_199 = arith.index_cast %parallel_loop3A_180 : i32 to index
        %parallel_loop3A_200 = arith.index_cast %parallel_loop3A_196 : i32 to index
        %parallel_loop3A_201 = tpu.vector_load %arg11[%parallel_loop3A_198, %parallel_loop3A_199, %parallel_loop3A_200] {strides = array<i32>} : memref<1x4x4096xf32, #tpu.memory_space<vmem>>, vector<1x1x16xf32>,
        %parallel_loop3A_202 = vector.shape_cast %parallel_loop3A_201 : vector<1x1x16xf32> to vector<16xf32>
        %parallel_loop3A_203 = vector.shape_cast %parallel_loop3A_194 : vector<16xf32> to vector<1x1x16xf32>
        tpu.vector_store %arg11[%parallel_loop3A_198, %parallel_loop3A_199, %parallel_loop3A_200], %parallel_loop3A_203 {strides = array<i32>} : memref<1x4x4096xf32, #tpu.memory_space<vmem>>, vector<1x1x16xf32>,
        %parallel_loop3A_204 = arith.index_cast %parallel_loop3A_178 : i32 to index
        %parallel_loop3A_205 = arith.constant 16 : index
        %parallel_loop3A_206 = tpu.vector_load %arg9[%parallel_loop3A_204, %parallel_loop3A_205] {strides = array<i32>} : memref<32x512xf32, #tpu.memory_space<vmem>>, vector<1x16xf32>,
        %parallel_loop3A_207 = vector.shape_cast %parallel_loop3A_206 : vector<1x16xf32> to vector<16xf32>
        %parallel_loop3A_208 = arith.index_cast %parallel_loop3A_183 : i32 to index
        %parallel_loop3A_209 = arith.constant 16 : index
        %parallel_loop3A_210 = tpu.vector_load %arg7[%parallel_loop3A_208, %parallel_loop3A_209] {strides = array<i32>} : memref<64x512xf32, #tpu.memory_space<vmem>>, vector<1x16xf32>,
        %parallel_loop3A_211 = vector.shape_cast %parallel_loop3A_210 : vector<1x16xf32> to vector<16xf32>
        %parallel_loop3A_212 = arith.addf %parallel_loop3A_207, %parallel_loop3A_211 : vector<16xf32>
        %parallel_loop3A_213 = arith.constant 16 : i32
        %parallel_loop3A_214 = arith.addi %parallel_loop3A_185, %parallel_loop3A_213 : i32
        %parallel_loop3A_215 = arith.constant 0 : i32
        %parallel_loop3A_216 = arith.index_cast %parallel_loop3A_215 : i32 to index
        %parallel_loop3A_217 = arith.index_cast %parallel_loop3A_180 : i32 to index
        %parallel_loop3A_218 = arith.index_cast %parallel_loop3A_214 : i32 to index
        %parallel_loop3A_219 = tpu.vector_load %arg11[%parallel_loop3A_216, %parallel_loop3A_217, %parallel_loop3A_218] {strides = array<i32>} : memref<1x4x4096xf32, #tpu.memory_space<vmem>>, vector<1x1x16xf32>,
        %parallel_loop3A_220 = vector.shape_cast %parallel_loop3A_219 : vector<1x1x16xf32> to vector<16xf32>
        %parallel_loop3A_221 = vector.shape_cast %parallel_loop3A_212 : vector<16xf32> to vector<1x1x16xf32>
        tpu.vector_store %arg11[%parallel_loop3A_216, %parallel_loop3A_217, %parallel_loop3A_218], %parallel_loop3A_221 {strides = array<i32>} : memref<1x4x4096xf32, #tpu.memory_space<vmem>>, vector<1x1x16xf32>,
        %parallel_loop3A_222 = arith.index_cast %parallel_loop3A_178 : i32 to index
        %parallel_loop3A_223 = arith.constant 32 : index
        %parallel_loop3A_224 = tpu.vector_load %arg9[%parallel_loop3A_222, %parallel_loop3A_223] {strides = array<i32>} : memref<32x512xf32, #tpu.memory_space<vmem>>, vector<1x16xf32>,
        %parallel_loop3A_225 = vector.shape_cast %parallel_loop3A_224 : vector<1x16xf32> to vector<16xf32>
        %parallel_loop3A_226 = arith.index_cast %parallel_loop3A_183 : i32 to index
        %parallel_loop3A_227 = arith.constant 32 : index
        %parallel_loop3A_228 = tpu.vector_load %arg7[%parallel_loop3A_226, %parallel_loop3A_227] {strides = array<i32>} : memref<64x512xf32, #tpu.memory_space<vmem>>, vector<1x16xf32>,
        %parallel_loop3A_229 = vector.shape_cast %parallel_loop3A_228 : vector<1x16xf32> to vector<16xf32>
        %parallel_loop3A_230 = arith.addf %parallel_loop3A_225, %parallel_loop3A_229 : vector<16xf32>
        %parallel_loop3A_231 = arith.constant 32 : i32
        %parallel_loop3A_232 = arith.addi %parallel_loop3A_185, %parallel_loop3A_231 : i32
        %parallel_loop3A_233 = arith.constant 0 : i32
        %parallel_loop3A_234 = arith.index_cast %parallel_loop3A_233 : i32 to index
        %parallel_loop3A_235 = arith.index_cast %parallel_loop3A_180 : i32 to index
        %parallel_loop3A_236 = arith.index_cast %parallel_loop3A_232 : i32 to index
        %parallel_loop3A_237 = tpu.vector_load %arg11[%parallel_loop3A_234, %parallel_loop3A_235, %parallel_loop3A_236] {strides = array<i32>} : memref<1x4x4096xf32, #tpu.memory_space<vmem>>, vector<1x1x16xf32>,
        %parallel_loop3A_238 = vector.shape_cast %parallel_loop3A_237 : vector<1x1x16xf32> to vector<16xf32>
        %parallel_loop3A_239 = vector.shape_cast %parallel_loop3A_230 : vector<16xf32> to vector<1x1x16xf32>
        tpu.vector_store %arg11[%parallel_loop3A_234, %parallel_loop3A_235, %parallel_loop3A_236], %parallel_loop3A_239 {strides = array<i32>} : memref<1x4x4096xf32, #tpu.memory_space<vmem>>, vector<1x1x16xf32>,
        %parallel_loop3A_240 = arith.index_cast %parallel_loop3A_178 : i32 to index
        %parallel_loop3A_241 = arith.constant 48 : index
        %parallel_loop3A_242 = tpu.vector_load %arg9[%parallel_loop3A_240, %parallel_loop3A_241] {strides = array<i32>} : memref<32x512xf32, #tpu.memory_space<vmem>>, vector<1x16xf32>,
        %parallel_loop3A_243 = vector.shape_cast %parallel_loop3A_242 : vector<1x16xf32> to vector<16xf32>
        %parallel_loop3A_244 = arith.index_cast %parallel_loop3A_183 : i32 to index
        %parallel_loop3A_245 = arith.constant 48 : index
        %parallel_loop3A_246 = tpu.vector_load %arg7[%parallel_loop3A_244, %parallel_loop3A_245] {strides = array<i32>} : memref<64x512xf32, #tpu.memory_space<vmem>>, vector<1x16xf32>,
        %parallel_loop3A_247 = vector.shape_cast %parallel_loop3A_246 : vector<1x16xf32> to vector<16xf32>
        %parallel_loop3A_248 = arith.addf %parallel_loop3A_243, %parallel_loop3A_247 : vector<16xf32>
        %parallel_loop3A_249 = arith.constant 48 : i32
        %parallel_loop3A_250 = arith.addi %parallel_loop3A_185, %parallel_loop3A_249 : i32
        %parallel_loop3A_251 = arith.constant 0 : i32
        %parallel_loop3A_252 = arith.index_cast %parallel_loop3A_251 : i32 to index
        %parallel_loop3A_253 = arith.index_cast %parallel_loop3A_180 : i32 to index
        %parallel_loop3A_254 = arith.index_cast %parallel_loop3A_250 : i32 to index
        %parallel_loop3A_255 = tpu.vector_load %arg11[%parallel_loop3A_252, %parallel_loop3A_253, %parallel_loop3A_254] {strides = array<i32>} : memref<1x4x4096xf32, #tpu.memory_space<vmem>>, vector<1x1x16xf32>,
        %parallel_loop3A_256 = vector.shape_cast %parallel_loop3A_255 : vector<1x1x16xf32> to vector<16xf32>
        %parallel_loop3A_257 = vector.shape_cast %parallel_loop3A_248 : vector<16xf32> to vector<1x1x16xf32>
        tpu.vector_store %arg11[%parallel_loop3A_252, %parallel_loop3A_253, %parallel_loop3A_254], %parallel_loop3A_257 {strides = array<i32>} : memref<1x4x4096xf32, #tpu.memory_space<vmem>>, vector<1x1x16xf32>,
        %parallel_loop3A_258 = arith.index_cast %parallel_loop3A_178 : i32 to index
        %parallel_loop3A_259 = arith.constant 64 : index
        %parallel_loop3A_260 = tpu.vector_load %arg9[%parallel_loop3A_258, %parallel_loop3A_259] {strides = array<i32>} : memref<32x512xf32, #tpu.memory_space<vmem>>, vector<1x16xf32>,
        %parallel_loop3A_261 = vector.shape_cast %parallel_loop3A_260 : vector<1x16xf32> to vector<16xf32>
        %parallel_loop3A_262 = arith.index_cast %parallel_loop3A_183 : i32 to index
        %parallel_loop3A_263 = arith.constant 64 : index
        %parallel_loop3A_264 = tpu.vector_load %arg7[%parallel_loop3A_262, %parallel_loop3A_263] {strides = array<i32>} : memref<64x512xf32, #tpu.memory_space<vmem>>, vector<1x16xf32>,
        %parallel_loop3A_265 = vector.shape_cast %parallel_loop3A_264 : vector<1x16xf32> to vector<16xf32>
        %parallel_loop3A_266 = arith.addf %parallel_loop3A_261, %parallel_loop3A_265 : vector<16xf32>
        %parallel_loop3A_267 = arith.constant 64 : i32
        %parallel_loop3A_268 = arith.addi %parallel_loop3A_185, %parallel_loop3A_267 : i32
        %parallel_loop3A_269 = arith.constant 0 : i32
        %parallel_loop3A_270 = arith.index_cast %parallel_loop3A_269 : i32 to index
        %parallel_loop3A_271 = arith.index_cast %parallel_loop3A_180 : i32 to index
        %parallel_loop3A_272 = arith.index_cast %parallel_loop3A_268 : i32 to index
        %parallel_loop3A_273 = tpu.vector_load %arg11[%parallel_loop3A_270, %parallel_loop3A_271, %parallel_loop3A_272] {strides = array<i32>} : memref<1x4x4096xf32, #tpu.memory_space<vmem>>, vector<1x1x16xf32>,
        %parallel_loop3A_274 = vector.shape_cast %parallel_loop3A_273 : vector<1x1x16xf32> to vector<16xf32>
        %parallel_loop3A_275 = vector.shape_cast %parallel_loop3A_266 : vector<16xf32> to vector<1x1x16xf32>
        tpu.vector_store %arg11[%parallel_loop3A_270, %parallel_loop3A_271, %parallel_loop3A_272], %parallel_loop3A_275 {strides = array<i32>} : memref<1x4x4096xf32, #tpu.memory_space<vmem>>, vector<1x1x16xf32>,
        %parallel_loop3A_276 = arith.index_cast %parallel_loop3A_178 : i32 to index
        %parallel_loop3A_277 = arith.constant 80 : index
        %parallel_loop3A_278 = tpu.vector_load %arg9[%parallel_loop3A_276, %parallel_loop3A_277] {strides = array<i32>} : memref<32x512xf32, #tpu.memory_space<vmem>>, vector<1x16xf32>,
        %parallel_loop3A_279 = vector.shape_cast %parallel_loop3A_278 : vector<1x16xf32> to vector<16xf32>
        %parallel_loop3A_280 = arith.index_cast %parallel_loop3A_183 : i32 to index
        %parallel_loop3A_281 = arith.constant 80 : index
        %parallel_loop3A_282 = tpu.vector_load %arg7[%parallel_loop3A_280, %parallel_loop3A_281] {strides = array<i32>} : memref<64x512xf32, #tpu.memory_space<vmem>>, vector<1x16xf32>,
        %parallel_loop3A_283 = vector.shape_cast %parallel_loop3A_282 : vector<1x16xf32> to vector<16xf32>
        %parallel_loop3A_284 = arith.addf %parallel_loop3A_279, %parallel_loop3A_283 : vector<16xf32>
        %parallel_loop3A_285 = arith.constant 80 : i32
        %parallel_loop3A_286 = arith.addi %parallel_loop3A_185, %parallel_loop3A_285 : i32
        %parallel_loop3A_287 = arith.constant 0 : i32
        %parallel_loop3A_288 = arith.index_cast %parallel_loop3A_287 : i32 to index
        %parallel_loop3A_289 = arith.index_cast %parallel_loop3A_180 : i32 to index
        %parallel_loop3A_290 = arith.index_cast %parallel_loop3A_286 : i32 to index
        %parallel_loop3A_291 = tpu.vector_load %arg11[%parallel_loop3A_288, %parallel_loop3A_289, %parallel_loop3A_290] {strides = array<i32>} : memref<1x4x4096xf32, #tpu.memory_space<vmem>>, vector<1x1x16xf32>,
        %parallel_loop3A_292 = vector.shape_cast %parallel_loop3A_291 : vector<1x1x16xf32> to vector<16xf32>
        %parallel_loop3A_293 = vector.shape_cast %parallel_loop3A_284 : vector<16xf32> to vector<1x1x16xf32>
        tpu.vector_store %arg11[%parallel_loop3A_288, %parallel_loop3A_289, %parallel_loop3A_290], %parallel_loop3A_293 {strides = array<i32>} : memref<1x4x4096xf32, #tpu.memory_space<vmem>>, vector<1x1x16xf32>,
        %parallel_loop3A_294 = arith.index_cast %parallel_loop3A_178 : i32 to index
        %parallel_loop3A_295 = arith.constant 96 : index
        %parallel_loop3A_296 = tpu.vector_load %arg9[%parallel_loop3A_294, %parallel_loop3A_295] {strides = array<i32>} : memref<32x512xf32, #tpu.memory_space<vmem>>, vector<1x16xf32>,
        %parallel_loop3A_297 = vector.shape_cast %parallel_loop3A_296 : vector<1x16xf32> to vector<16xf32>
        %parallel_loop3A_298 = arith.index_cast %parallel_loop3A_183 : i32 to index
        %parallel_loop3A_299 = arith.constant 96 : index
        %parallel_loop3A_300 = tpu.vector_load %arg7[%parallel_loop3A_298, %parallel_loop3A_299] {strides = array<i32>} : memref<64x512xf32, #tpu.memory_space<vmem>>, vector<1x16xf32>,
        %parallel_loop3A_301 = vector.shape_cast %parallel_loop3A_300 : vector<1x16xf32> to vector<16xf32>
        %parallel_loop3A_302 = arith.addf %parallel_loop3A_297, %parallel_loop3A_301 : vector<16xf32>
        %parallel_loop3A_303 = arith.constant 96 : i32
        %parallel_loop3A_304 = arith.addi %parallel_loop3A_185, %parallel_loop3A_303 : i32
        %parallel_loop3A_305 = arith.constant 0 : i32
        %parallel_loop3A_306 = arith.index_cast %parallel_loop3A_305 : i32 to index
        %parallel_loop3A_307 = arith.index_cast %parallel_loop3A_180 : i32 to index
        %parallel_loop3A_308 = arith.index_cast %parallel_loop3A_304 : i32 to index
        %parallel_loop3A_309 = tpu.vector_load %arg11[%parallel_loop3A_306, %parallel_loop3A_307, %parallel_loop3A_308] {strides = array<i32>} : memref<1x4x4096xf32, #tpu.memory_space<vmem>>, vector<1x1x16xf32>,
        %parallel_loop3A_310 = vector.shape_cast %parallel_loop3A_309 : vector<1x1x16xf32> to vector<16xf32>
        %parallel_loop3A_311 = vector.shape_cast %parallel_loop3A_302 : vector<16xf32> to vector<1x1x16xf32>
        tpu.vector_store %arg11[%parallel_loop3A_306, %parallel_loop3A_307, %parallel_loop3A_308], %parallel_loop3A_311 {strides = array<i32>} : memref<1x4x4096xf32, #tpu.memory_space<vmem>>, vector<1x1x16xf32>,
        %parallel_loop3A_312 = arith.index_cast %parallel_loop3A_178 : i32 to index
        %parallel_loop3A_313 = arith.constant 112 : index
        %parallel_loop3A_314 = tpu.vector_load %arg9[%parallel_loop3A_312, %parallel_loop3A_313] {strides = array<i32>} : memref<32x512xf32, #tpu.memory_space<vmem>>, vector<1x16xf32>,
        %parallel_loop3A_315 = vector.shape_cast %parallel_loop3A_314 : vector<1x16xf32> to vector<16xf32>
        %parallel_loop3A_316 = arith.index_cast %parallel_loop3A_183 : i32 to index
        %parallel_loop3A_317 = arith.constant 112 : index
        %parallel_loop3A_318 = tpu.vector_load %arg7[%parallel_loop3A_316, %parallel_loop3A_317] {strides = array<i32>} : memref<64x512xf32, #tpu.memory_space<vmem>>, vector<1x16xf32>,
        %parallel_loop3A_319 = vector.shape_cast %parallel_loop3A_318 : vector<1x16xf32> to vector<16xf32>
        %parallel_loop3A_320 = arith.addf %parallel_loop3A_315, %parallel_loop3A_319 : vector<16xf32>
        %parallel_loop3A_321 = arith.constant 112 : i32
        %parallel_loop3A_322 = arith.addi %parallel_loop3A_185, %parallel_loop3A_321 : i32
        %parallel_loop3A_323 = arith.constant 0 : i32
        %parallel_loop3A_324 = arith.index_cast %parallel_loop3A_323 : i32 to index
        %parallel_loop3A_325 = arith.index_cast %parallel_loop3A_180 : i32 to index
        %parallel_loop3A_326 = arith.index_cast %parallel_loop3A_322 : i32 to index
        %parallel_loop3A_327 = tpu.vector_load %arg11[%parallel_loop3A_324, %parallel_loop3A_325, %parallel_loop3A_326] {strides = array<i32>} : memref<1x4x4096xf32, #tpu.memory_space<vmem>>, vector<1x1x16xf32>,
        %parallel_loop3A_328 = vector.shape_cast %parallel_loop3A_327 : vector<1x1x16xf32> to vector<16xf32>
        %parallel_loop3A_329 = vector.shape_cast %parallel_loop3A_320 : vector<16xf32> to vector<1x1x16xf32>
        tpu.vector_store %arg11[%parallel_loop3A_324, %parallel_loop3A_325, %parallel_loop3A_326], %parallel_loop3A_329 {strides = array<i32>} : memref<1x4x4096xf32, #tpu.memory_space<vmem>>, vector<1x1x16xf32>,
        %parallel_loop3A_330 = arith.index_cast %parallel_loop3A_178 : i32 to index
        %parallel_loop3A_331 = arith.constant 128 : index
        %parallel_loop3A_332 = tpu.vector_load %arg9[%parallel_loop3A_330, %parallel_loop3A_331] {strides = array<i32>} : memref<32x512xf32, #tpu.memory_space<vmem>>, vector<1x16xf32>,
        %parallel_loop3A_333 = vector.shape_cast %parallel_loop3A_332 : vector<1x16xf32> to vector<16xf32>
        %parallel_loop3A_334 = arith.index_cast %parallel_loop3A_183 : i32 to index
        %parallel_loop3A_335 = arith.constant 128 : index
        %parallel_loop3A_336 = tpu.vector_load %arg7[%parallel_loop3A_334, %parallel_loop3A_335] {strides = array<i32>} : memref<64x512xf32, #tpu.memory_space<vmem>>, vector<1x16xf32>,
        %parallel_loop3A_337 = vector.shape_cast %parallel_loop3A_336 : vector<1x16xf32> to vector<16xf32>
        %parallel_loop3A_338 = arith.addf %parallel_loop3A_333, %parallel_loop3A_337 : vector<16xf32>
        %parallel_loop3A_339 = arith.constant 128 : i32
        %parallel_loop3A_340 = arith.addi %parallel_loop3A_185, %parallel_loop3A_339 : i32
        %parallel_loop3A_341 = arith.constant 0 : i32
        %parallel_loop3A_342 = arith.index_cast %parallel_loop3A_341 : i32 to index
        %parallel_loop3A_343 = arith.index_cast %parallel_loop3A_180 : i32 to index
        %parallel_loop3A_344 = arith.index_cast %parallel_loop3A_340 : i32 to index
        %parallel_loop3A_345 = tpu.vector_load %arg11[%parallel_loop3A_342, %parallel_loop3A_343, %parallel_loop3A_344] {strides = array<i32>} : memref<1x4x4096xf32, #tpu.memory_space<vmem>>, vector<1x1x16xf32>,
        %parallel_loop3A_346 = vector.shape_cast %parallel_loop3A_345 : vector<1x1x16xf32> to vector<16xf32>
        %parallel_loop3A_347 = vector.shape_cast %parallel_loop3A_338 : vector<16xf32> to vector<1x1x16xf32>
        tpu.vector_store %arg11[%parallel_loop3A_342, %parallel_loop3A_343, %parallel_loop3A_344], %parallel_loop3A_347 {strides = array<i32>} : memref<1x4x4096xf32, #tpu.memory_space<vmem>>, vector<1x1x16xf32>,
        %parallel_loop3A_348 = arith.index_cast %parallel_loop3A_178 : i32 to index
        %parallel_loop3A_349 = arith.constant 144 : index
        %parallel_loop3A_350 = tpu.vector_load %arg9[%parallel_loop3A_348, %parallel_loop3A_349] {strides = array<i32>} : memref<32x512xf32, #tpu.memory_space<vmem>>, vector<1x16xf32>,
        %parallel_loop3A_351 = vector.shape_cast %parallel_loop3A_350 : vector<1x16xf32> to vector<16xf32>
        %parallel_loop3A_352 = arith.index_cast %parallel_loop3A_183 : i32 to index
        %parallel_loop3A_353 = arith.constant 144 : index
        %parallel_loop3A_354 = tpu.vector_load %arg7[%parallel_loop3A_352, %parallel_loop3A_353] {strides = array<i32>} : memref<64x512xf32, #tpu.memory_space<vmem>>, vector<1x16xf32>,
        %parallel_loop3A_355 = vector.shape_cast %parallel_loop3A_354 : vector<1x16xf32> to vector<16xf32>
        %parallel_loop3A_356 = arith.addf %parallel_loop3A_351, %parallel_loop3A_355 : vector<16xf32>
        %parallel_loop3A_357 = arith.constant 144 : i32
        %parallel_loop3A_358 = arith.addi %parallel_loop3A_185, %parallel_loop3A_357 : i32
        %parallel_loop3A_359 = arith.constant 0 : i32
        %parallel_loop3A_360 = arith.index_cast %parallel_loop3A_359 : i32 to index
        %parallel_loop3A_361 = arith.index_cast %parallel_loop3A_180 : i32 to index
        %parallel_loop3A_362 = arith.index_cast %parallel_loop3A_358 : i32 to index
        %parallel_loop3A_363 = tpu.vector_load %arg11[%parallel_loop3A_360, %parallel_loop3A_361, %parallel_loop3A_362] {strides = array<i32>} : memref<1x4x4096xf32, #tpu.memory_space<vmem>>, vector<1x1x16xf32>,
        %parallel_loop3A_364 = vector.shape_cast %parallel_loop3A_363 : vector<1x1x16xf32> to vector<16xf32>
        %parallel_loop3A_365 = vector.shape_cast %parallel_loop3A_356 : vector<16xf32> to vector<1x1x16xf32>
        tpu.vector_store %arg11[%parallel_loop3A_360, %parallel_loop3A_361, %parallel_loop3A_362], %parallel_loop3A_365 {strides = array<i32>} : memref<1x4x4096xf32, #tpu.memory_space<vmem>>, vector<1x1x16xf32>,
        %parallel_loop3A_366 = arith.index_cast %parallel_loop3A_178 : i32 to index
        %parallel_loop3A_367 = arith.constant 160 : index
        %parallel_loop3A_368 = tpu.vector_load %arg9[%parallel_loop3A_366, %parallel_loop3A_367] {strides = array<i32>} : memref<32x512xf32, #tpu.memory_space<vmem>>, vector<1x16xf32>,
        %parallel_loop3A_369 = vector.shape_cast %parallel_loop3A_368 : vector<1x16xf32> to vector<16xf32>
        %parallel_loop3A_370 = arith.index_cast %parallel_loop3A_183 : i32 to index
        %parallel_loop3A_371 = arith.constant 160 : index
        %parallel_loop3A_372 = tpu.vector_load %arg7[%parallel_loop3A_370, %parallel_loop3A_371] {strides = array<i32>} : memref<64x512xf32, #tpu.memory_space<vmem>>, vector<1x16xf32>,
        %parallel_loop3A_373 = vector.shape_cast %parallel_loop3A_372 : vector<1x16xf32> to vector<16xf32>
        %parallel_loop3A_374 = arith.addf %parallel_loop3A_369, %parallel_loop3A_373 : vector<16xf32>
        %parallel_loop3A_375 = arith.constant 160 : i32
        %parallel_loop3A_376 = arith.addi %parallel_loop3A_185, %parallel_loop3A_375 : i32
        %parallel_loop3A_377 = arith.constant 0 : i32
        %parallel_loop3A_378 = arith.index_cast %parallel_loop3A_377 : i32 to index
        %parallel_loop3A_379 = arith.index_cast %parallel_loop3A_180 : i32 to index
        %parallel_loop3A_380 = arith.index_cast %parallel_loop3A_376 : i32 to index
        %parallel_loop3A_381 = tpu.vector_load %arg11[%parallel_loop3A_378, %parallel_loop3A_379, %parallel_loop3A_380] {strides = array<i32>} : memref<1x4x4096xf32, #tpu.memory_space<vmem>>, vector<1x1x16xf32>,
        %parallel_loop3A_382 = vector.shape_cast %parallel_loop3A_381 : vector<1x1x16xf32> to vector<16xf32>
        %parallel_loop3A_383 = vector.shape_cast %parallel_loop3A_374 : vector<16xf32> to vector<1x1x16xf32>
        tpu.vector_store %arg11[%parallel_loop3A_378, %parallel_loop3A_379, %parallel_loop3A_380], %parallel_loop3A_383 {strides = array<i32>} : memref<1x4x4096xf32, #tpu.memory_space<vmem>>, vector<1x1x16xf32>,
        %parallel_loop3A_384 = arith.index_cast %parallel_loop3A_178 : i32 to index
        %parallel_loop3A_385 = arith.constant 176 : index
        %parallel_loop3A_386 = tpu.vector_load %arg9[%parallel_loop3A_384, %parallel_loop3A_385] {strides = array<i32>} : memref<32x512xf32, #tpu.memory_space<vmem>>, vector<1x16xf32>,
        %parallel_loop3A_387 = vector.shape_cast %parallel_loop3A_386 : vector<1x16xf32> to vector<16xf32>
        %parallel_loop3A_388 = arith.index_cast %parallel_loop3A_183 : i32 to index
        %parallel_loop3A_389 = arith.constant 176 : index
        %parallel_loop3A_390 = tpu.vector_load %arg7[%parallel_loop3A_388, %parallel_loop3A_389] {strides = array<i32>} : memref<64x512xf32, #tpu.memory_space<vmem>>, vector<1x16xf32>,
        %parallel_loop3A_391 = vector.shape_cast %parallel_loop3A_390 : vector<1x16xf32> to vector<16xf32>
        %parallel_loop3A_392 = arith.addf %parallel_loop3A_387, %parallel_loop3A_391 : vector<16xf32>
        %parallel_loop3A_393 = arith.constant 176 : i32
        %parallel_loop3A_394 = arith.addi %parallel_loop3A_185, %parallel_loop3A_393 : i32
        %parallel_loop3A_395 = arith.constant 0 : i32
        %parallel_loop3A_396 = arith.index_cast %parallel_loop3A_395 : i32 to index
        %parallel_loop3A_397 = arith.index_cast %parallel_loop3A_180 : i32 to index
        %parallel_loop3A_398 = arith.index_cast %parallel_loop3A_394 : i32 to index
        %parallel_loop3A_399 = tpu.vector_load %arg11[%parallel_loop3A_396, %parallel_loop3A_397, %parallel_loop3A_398] {strides = array<i32>} : memref<1x4x4096xf32, #tpu.memory_space<vmem>>, vector<1x1x16xf32>,
        %parallel_loop3A_400 = vector.shape_cast %parallel_loop3A_399 : vector<1x1x16xf32> to vector<16xf32>
        %parallel_loop3A_401 = vector.shape_cast %parallel_loop3A_392 : vector<16xf32> to vector<1x1x16xf32>
        tpu.vector_store %arg11[%parallel_loop3A_396, %parallel_loop3A_397, %parallel_loop3A_398], %parallel_loop3A_401 {strides = array<i32>} : memref<1x4x4096xf32, #tpu.memory_space<vmem>>, vector<1x1x16xf32>,
        %parallel_loop3A_402 = arith.index_cast %parallel_loop3A_178 : i32 to index
        %parallel_loop3A_403 = arith.constant 192 : index
        %parallel_loop3A_404 = tpu.vector_load %arg9[%parallel_loop3A_402, %parallel_loop3A_403] {strides = array<i32>} : memref<32x512xf32, #tpu.memory_space<vmem>>, vector<1x16xf32>,
        %parallel_loop3A_405 = vector.shape_cast %parallel_loop3A_404 : vector<1x16xf32> to vector<16xf32>
        %parallel_loop3A_406 = arith.index_cast %parallel_loop3A_183 : i32 to index
        %parallel_loop3A_407 = arith.constant 192 : index
        %parallel_loop3A_408 = tpu.vector_load %arg7[%parallel_loop3A_406, %parallel_loop3A_407] {strides = array<i32>} : memref<64x512xf32, #tpu.memory_space<vmem>>, vector<1x16xf32>,
        %parallel_loop3A_409 = vector.shape_cast %parallel_loop3A_408 : vector<1x16xf32> to vector<16xf32>
        %parallel_loop3A_410 = arith.addf %parallel_loop3A_405, %parallel_loop3A_409 : vector<16xf32>
        %parallel_loop3A_411 = arith.constant 192 : i32
        %parallel_loop3A_412 = arith.addi %parallel_loop3A_185, %parallel_loop3A_411 : i32
        %parallel_loop3A_413 = arith.constant 0 : i32
        %parallel_loop3A_414 = arith.index_cast %parallel_loop3A_413 : i32 to index
        %parallel_loop3A_415 = arith.index_cast %parallel_loop3A_180 : i32 to index
        %parallel_loop3A_416 = arith.index_cast %parallel_loop3A_412 : i32 to index
        %parallel_loop3A_417 = tpu.vector_load %arg11[%parallel_loop3A_414, %parallel_loop3A_415, %parallel_loop3A_416] {strides = array<i32>} : memref<1x4x4096xf32, #tpu.memory_space<vmem>>, vector<1x1x16xf32>,
        %parallel_loop3A_418 = vector.shape_cast %parallel_loop3A_417 : vector<1x1x16xf32> to vector<16xf32>
        %parallel_loop3A_419 = vector.shape_cast %parallel_loop3A_410 : vector<16xf32> to vector<1x1x16xf32>
        tpu.vector_store %arg11[%parallel_loop3A_414, %parallel_loop3A_415, %parallel_loop3A_416], %parallel_loop3A_419 {strides = array<i32>} : memref<1x4x4096xf32, #tpu.memory_space<vmem>>, vector<1x1x16xf32>,
        %parallel_loop3A_420 = arith.index_cast %parallel_loop3A_178 : i32 to index
        %parallel_loop3A_421 = arith.constant 208 : index
        %parallel_loop3A_422 = tpu.vector_load %arg9[%parallel_loop3A_420, %parallel_loop3A_421] {strides = array<i32>} : memref<32x512xf32, #tpu.memory_space<vmem>>, vector<1x16xf32>,
        %parallel_loop3A_423 = vector.shape_cast %parallel_loop3A_422 : vector<1x16xf32> to vector<16xf32>
        %parallel_loop3A_424 = arith.index_cast %parallel_loop3A_183 : i32 to index
        %parallel_loop3A_425 = arith.constant 208 : index
        %parallel_loop3A_426 = tpu.vector_load %arg7[%parallel_loop3A_424, %parallel_loop3A_425] {strides = array<i32>} : memref<64x512xf32, #tpu.memory_space<vmem>>, vector<1x16xf32>,
        %parallel_loop3A_427 = vector.shape_cast %parallel_loop3A_426 : vector<1x16xf32> to vector<16xf32>
        %parallel_loop3A_428 = arith.addf %parallel_loop3A_423, %parallel_loop3A_427 : vector<16xf32>
        %parallel_loop3A_429 = arith.constant 208 : i32
        %parallel_loop3A_430 = arith.addi %parallel_loop3A_185, %parallel_loop3A_429 : i32
        %parallel_loop3A_431 = arith.constant 0 : i32
        %parallel_loop3A_432 = arith.index_cast %parallel_loop3A_431 : i32 to index
        %parallel_loop3A_433 = arith.index_cast %parallel_loop3A_180 : i32 to index
        %parallel_loop3A_434 = arith.index_cast %parallel_loop3A_430 : i32 to index
        %parallel_loop3A_435 = tpu.vector_load %arg11[%parallel_loop3A_432, %parallel_loop3A_433, %parallel_loop3A_434] {strides = array<i32>} : memref<1x4x4096xf32, #tpu.memory_space<vmem>>, vector<1x1x16xf32>,
        %parallel_loop3A_436 = vector.shape_cast %parallel_loop3A_435 : vector<1x1x16xf32> to vector<16xf32>
        %parallel_loop3A_437 = vector.shape_cast %parallel_loop3A_428 : vector<16xf32> to vector<1x1x16xf32>
        tpu.vector_store %arg11[%parallel_loop3A_432, %parallel_loop3A_433, %parallel_loop3A_434], %parallel_loop3A_437 {strides = array<i32>} : memref<1x4x4096xf32, #tpu.memory_space<vmem>>, vector<1x1x16xf32>,
        %parallel_loop3A_438 = arith.index_cast %parallel_loop3A_178 : i32 to index
        %parallel_loop3A_439 = arith.constant 224 : index
        %parallel_loop3A_440 = tpu.vector_load %arg9[%parallel_loop3A_438, %parallel_loop3A_439] {strides = array<i32>} : memref<32x512xf32, #tpu.memory_space<vmem>>, vector<1x16xf32>,
        %parallel_loop3A_441 = vector.shape_cast %parallel_loop3A_440 : vector<1x16xf32> to vector<16xf32>
        %parallel_loop3A_442 = arith.index_cast %parallel_loop3A_183 : i32 to index
        %parallel_loop3A_443 = arith.constant 224 : index
        %parallel_loop3A_444 = tpu.vector_load %arg7[%parallel_loop3A_442, %parallel_loop3A_443] {strides = array<i32>} : memref<64x512xf32, #tpu.memory_space<vmem>>, vector<1x16xf32>,
        %parallel_loop3A_445 = vector.shape_cast %parallel_loop3A_444 : vector<1x16xf32> to vector<16xf32>
        %parallel_loop3A_446 = arith.addf %parallel_loop3A_441, %parallel_loop3A_445 : vector<16xf32>
        %parallel_loop3A_447 = arith.constant 224 : i32
        %parallel_loop3A_448 = arith.addi %parallel_loop3A_185, %parallel_loop3A_447 : i32
        %parallel_loop3A_449 = arith.constant 0 : i32
        %parallel_loop3A_450 = arith.index_cast %parallel_loop3A_449 : i32 to index
        %parallel_loop3A_451 = arith.index_cast %parallel_loop3A_180 : i32 to index
        %parallel_loop3A_452 = arith.index_cast %parallel_loop3A_448 : i32 to index
        %parallel_loop3A_453 = tpu.vector_load %arg11[%parallel_loop3A_450, %parallel_loop3A_451, %parallel_loop3A_452] {strides = array<i32>} : memref<1x4x4096xf32, #tpu.memory_space<vmem>>, vector<1x1x16xf32>,
        %parallel_loop3A_454 = vector.shape_cast %parallel_loop3A_453 : vector<1x1x16xf32> to vector<16xf32>
        %parallel_loop3A_455 = vector.shape_cast %parallel_loop3A_446 : vector<16xf32> to vector<1x1x16xf32>
        tpu.vector_store %arg11[%parallel_loop3A_450, %parallel_loop3A_451, %parallel_loop3A_452], %parallel_loop3A_455 {strides = array<i32>} : memref<1x4x4096xf32, #tpu.memory_space<vmem>>, vector<1x1x16xf32>,
        %parallel_loop3A_456 = arith.index_cast %parallel_loop3A_178 : i32 to index
        %parallel_loop3A_457 = arith.constant 240 : index
        %parallel_loop3A_458 = tpu.vector_load %arg9[%parallel_loop3A_456, %parallel_loop3A_457] {strides = array<i32>} : memref<32x512xf32, #tpu.memory_space<vmem>>, vector<1x16xf32>,
        %parallel_loop3A_459 = vector.shape_cast %parallel_loop3A_458 : vector<1x16xf32> to vector<16xf32>
        %parallel_loop3A_460 = arith.index_cast %parallel_loop3A_183 : i32 to index
        %parallel_loop3A_461 = arith.constant 240 : index
        %parallel_loop3A_462 = tpu.vector_load %arg7[%parallel_loop3A_460, %parallel_loop3A_461] {strides = array<i32>} : memref<64x512xf32, #tpu.memory_space<vmem>>, vector<1x16xf32>,
        %parallel_loop3A_463 = vector.shape_cast %parallel_loop3A_462 : vector<1x16xf32> to vector<16xf32>
        %parallel_loop3A_464 = arith.addf %parallel_loop3A_459, %parallel_loop3A_463 : vector<16xf32>
        %parallel_loop3A_465 = arith.constant 240 : i32
        %parallel_loop3A_466 = arith.addi %parallel_loop3A_185, %parallel_loop3A_465 : i32
        %parallel_loop3A_467 = arith.constant 0 : i32
        %parallel_loop3A_468 = arith.index_cast %parallel_loop3A_467 : i32 to index
        %parallel_loop3A_469 = arith.index_cast %parallel_loop3A_180 : i32 to index
        %parallel_loop3A_470 = arith.index_cast %parallel_loop3A_466 : i32 to index
        %parallel_loop3A_471 = tpu.vector_load %arg11[%parallel_loop3A_468, %parallel_loop3A_469, %parallel_loop3A_470] {strides = array<i32>} : memref<1x4x4096xf32, #tpu.memory_space<vmem>>, vector<1x1x16xf32>,
        %parallel_loop3A_472 = vector.shape_cast %parallel_loop3A_471 : vector<1x1x16xf32> to vector<16xf32>
        %parallel_loop3A_473 = vector.shape_cast %parallel_loop3A_464 : vector<16xf32> to vector<1x1x16xf32>
        tpu.vector_store %arg11[%parallel_loop3A_468, %parallel_loop3A_469, %parallel_loop3A_470], %parallel_loop3A_473 {strides = array<i32>} : memref<1x4x4096xf32, #tpu.memory_space<vmem>>, vector<1x1x16xf32>,
        %parallel_loop3A_474 = arith.index_cast %parallel_loop3A_178 : i32 to index
        %parallel_loop3A_475 = arith.constant 256 : index
        %parallel_loop3A_476 = tpu.vector_load %arg9[%parallel_loop3A_474, %parallel_loop3A_475] {strides = array<i32>} : memref<32x512xf32, #tpu.memory_space<vmem>>, vector<1x16xf32>,
        %parallel_loop3A_477 = vector.shape_cast %parallel_loop3A_476 : vector<1x16xf32> to vector<16xf32>
        %parallel_loop3A_478 = arith.index_cast %parallel_loop3A_183 : i32 to index
        %parallel_loop3A_479 = arith.constant 256 : index
        %parallel_loop3A_480 = tpu.vector_load %arg7[%parallel_loop3A_478, %parallel_loop3A_479] {strides = array<i32>} : memref<64x512xf32, #tpu.memory_space<vmem>>, vector<1x16xf32>,
        %parallel_loop3A_481 = vector.shape_cast %parallel_loop3A_480 : vector<1x16xf32> to vector<16xf32>
        %parallel_loop3A_482 = arith.addf %parallel_loop3A_477, %parallel_loop3A_481 : vector<16xf32>
        %parallel_loop3A_483 = arith.constant 256 : i32
        %parallel_loop3A_484 = arith.addi %parallel_loop3A_185, %parallel_loop3A_483 : i32
        %parallel_loop3A_485 = arith.constant 0 : i32
        %parallel_loop3A_486 = arith.index_cast %parallel_loop3A_485 : i32 to index
        %parallel_loop3A_487 = arith.index_cast %parallel_loop3A_180 : i32 to index
        %parallel_loop3A_488 = arith.index_cast %parallel_loop3A_484 : i32 to index
        %parallel_loop3A_489 = tpu.vector_load %arg11[%parallel_loop3A_486, %parallel_loop3A_487, %parallel_loop3A_488] {strides = array<i32>} : memref<1x4x4096xf32, #tpu.memory_space<vmem>>, vector<1x1x16xf32>,
        %parallel_loop3A_490 = vector.shape_cast %parallel_loop3A_489 : vector<1x1x16xf32> to vector<16xf32>
        %parallel_loop3A_491 = vector.shape_cast %parallel_loop3A_482 : vector<16xf32> to vector<1x1x16xf32>
        tpu.vector_store %arg11[%parallel_loop3A_486, %parallel_loop3A_487, %parallel_loop3A_488], %parallel_loop3A_491 {strides = array<i32>} : memref<1x4x4096xf32, #tpu.memory_space<vmem>>, vector<1x1x16xf32>,
        %parallel_loop3A_492 = arith.index_cast %parallel_loop3A_178 : i32 to index
        %parallel_loop3A_493 = arith.constant 272 : index
        %parallel_loop3A_494 = tpu.vector_load %arg9[%parallel_loop3A_492, %parallel_loop3A_493] {strides = array<i32>} : memref<32x512xf32, #tpu.memory_space<vmem>>, vector<1x16xf32>,
        %parallel_loop3A_495 = vector.shape_cast %parallel_loop3A_494 : vector<1x16xf32> to vector<16xf32>
        %parallel_loop3A_496 = arith.index_cast %parallel_loop3A_183 : i32 to index
        %parallel_loop3A_497 = arith.constant 272 : index
        %parallel_loop3A_498 = tpu.vector_load %arg7[%parallel_loop3A_496, %parallel_loop3A_497] {strides = array<i32>} : memref<64x512xf32, #tpu.memory_space<vmem>>, vector<1x16xf32>,
        %parallel_loop3A_499 = vector.shape_cast %parallel_loop3A_498 : vector<1x16xf32> to vector<16xf32>
        %parallel_loop3A_500 = arith.addf %parallel_loop3A_495, %parallel_loop3A_499 : vector<16xf32>
        %parallel_loop3A_501 = arith.constant 272 : i32
        %parallel_loop3A_502 = arith.addi %parallel_loop3A_185, %parallel_loop3A_501 : i32
        %parallel_loop3A_503 = arith.constant 0 : i32
        %parallel_loop3A_504 = arith.index_cast %parallel_loop3A_503 : i32 to index
        %parallel_loop3A_505 = arith.index_cast %parallel_loop3A_180 : i32 to index
        %parallel_loop3A_506 = arith.index_cast %parallel_loop3A_502 : i32 to index
        %parallel_loop3A_507 = tpu.vector_load %arg11[%parallel_loop3A_504, %parallel_loop3A_505, %parallel_loop3A_506] {strides = array<i32>} : memref<1x4x4096xf32, #tpu.memory_space<vmem>>, vector<1x1x16xf32>,
        %parallel_loop3A_508 = vector.shape_cast %parallel_loop3A_507 : vector<1x1x16xf32> to vector<16xf32>
        %parallel_loop3A_509 = vector.shape_cast %parallel_loop3A_500 : vector<16xf32> to vector<1x1x16xf32>
        tpu.vector_store %arg11[%parallel_loop3A_504, %parallel_loop3A_505, %parallel_loop3A_506], %parallel_loop3A_509 {strides = array<i32>} : memref<1x4x4096xf32, #tpu.memory_space<vmem>>, vector<1x1x16xf32>,
        %parallel_loop3A_510 = arith.index_cast %parallel_loop3A_178 : i32 to index
        %parallel_loop3A_511 = arith.constant 288 : index
        %parallel_loop3A_512 = tpu.vector_load %arg9[%parallel_loop3A_510, %parallel_loop3A_511] {strides = array<i32>} : memref<32x512xf32, #tpu.memory_space<vmem>>, vector<1x16xf32>,
        %parallel_loop3A_513 = vector.shape_cast %parallel_loop3A_512 : vector<1x16xf32> to vector<16xf32>
        %parallel_loop3A_514 = arith.index_cast %parallel_loop3A_183 : i32 to index
        %parallel_loop3A_515 = arith.constant 288 : index
        %parallel_loop3A_516 = tpu.vector_load %arg7[%parallel_loop3A_514, %parallel_loop3A_515] {strides = array<i32>} : memref<64x512xf32, #tpu.memory_space<vmem>>, vector<1x16xf32>,
        %parallel_loop3A_517 = vector.shape_cast %parallel_loop3A_516 : vector<1x16xf32> to vector<16xf32>
        %parallel_loop3A_518 = arith.addf %parallel_loop3A_513, %parallel_loop3A_517 : vector<16xf32>
        %parallel_loop3A_519 = arith.constant 288 : i32
        %parallel_loop3A_520 = arith.addi %parallel_loop3A_185, %parallel_loop3A_519 : i32
        %parallel_loop3A_521 = arith.constant 0 : i32
        %parallel_loop3A_522 = arith.index_cast %parallel_loop3A_521 : i32 to index
        %parallel_loop3A_523 = arith.index_cast %parallel_loop3A_180 : i32 to index
        %parallel_loop3A_524 = arith.index_cast %parallel_loop3A_520 : i32 to index
        %parallel_loop3A_525 = tpu.vector_load %arg11[%parallel_loop3A_522, %parallel_loop3A_523, %parallel_loop3A_524] {strides = array<i32>} : memref<1x4x4096xf32, #tpu.memory_space<vmem>>, vector<1x1x16xf32>,
        %parallel_loop3A_526 = vector.shape_cast %parallel_loop3A_525 : vector<1x1x16xf32> to vector<16xf32>
        %parallel_loop3A_527 = vector.shape_cast %parallel_loop3A_518 : vector<16xf32> to vector<1x1x16xf32>
        tpu.vector_store %arg11[%parallel_loop3A_522, %parallel_loop3A_523, %parallel_loop3A_524], %parallel_loop3A_527 {strides = array<i32>} : memref<1x4x4096xf32, #tpu.memory_space<vmem>>, vector<1x1x16xf32>,
        %parallel_loop3A_528 = arith.index_cast %parallel_loop3A_178 : i32 to index
        %parallel_loop3A_529 = arith.constant 304 : index
        %parallel_loop3A_530 = tpu.vector_load %arg9[%parallel_loop3A_528, %parallel_loop3A_529] {strides = array<i32>} : memref<32x512xf32, #tpu.memory_space<vmem>>, vector<1x16xf32>,
        %parallel_loop3A_531 = vector.shape_cast %parallel_loop3A_530 : vector<1x16xf32> to vector<16xf32>
        %parallel_loop3A_532 = arith.index_cast %parallel_loop3A_183 : i32 to index
        %parallel_loop3A_533 = arith.constant 304 : index
        %parallel_loop3A_534 = tpu.vector_load %arg7[%parallel_loop3A_532, %parallel_loop3A_533] {strides = array<i32>} : memref<64x512xf32, #tpu.memory_space<vmem>>, vector<1x16xf32>,
        %parallel_loop3A_535 = vector.shape_cast %parallel_loop3A_534 : vector<1x16xf32> to vector<16xf32>
        %parallel_loop3A_536 = arith.addf %parallel_loop3A_531, %parallel_loop3A_535 : vector<16xf32>
        %parallel_loop3A_537 = arith.constant 304 : i32
        %parallel_loop3A_538 = arith.addi %parallel_loop3A_185, %parallel_loop3A_537 : i32
        %parallel_loop3A_539 = arith.constant 0 : i32
        %parallel_loop3A_540 = arith.index_cast %parallel_loop3A_539 : i32 to index
        %parallel_loop3A_541 = arith.index_cast %parallel_loop3A_180 : i32 to index
        %parallel_loop3A_542 = arith.index_cast %parallel_loop3A_538 : i32 to index
        %parallel_loop3A_543 = tpu.vector_load %arg11[%parallel_loop3A_540, %parallel_loop3A_541, %parallel_loop3A_542] {strides = array<i32>} : memref<1x4x4096xf32, #tpu.memory_space<vmem>>, vector<1x1x16xf32>,
        %parallel_loop3A_544 = vector.shape_cast %parallel_loop3A_543 : vector<1x1x16xf32> to vector<16xf32>
        %parallel_loop3A_545 = vector.shape_cast %parallel_loop3A_536 : vector<16xf32> to vector<1x1x16xf32>
        tpu.vector_store %arg11[%parallel_loop3A_540, %parallel_loop3A_541, %parallel_loop3A_542], %parallel_loop3A_545 {strides = array<i32>} : memref<1x4x4096xf32, #tpu.memory_space<vmem>>, vector<1x1x16xf32>,
        %parallel_loop3A_546 = arith.index_cast %parallel_loop3A_178 : i32 to index
        %parallel_loop3A_547 = arith.constant 320 : index
        %parallel_loop3A_548 = tpu.vector_load %arg9[%parallel_loop3A_546, %parallel_loop3A_547] {strides = array<i32>} : memref<32x512xf32, #tpu.memory_space<vmem>>, vector<1x16xf32>,
        %parallel_loop3A_549 = vector.shape_cast %parallel_loop3A_548 : vector<1x16xf32> to vector<16xf32>
        %parallel_loop3A_550 = arith.index_cast %parallel_loop3A_183 : i32 to index
        %parallel_loop3A_551 = arith.constant 320 : index
        %parallel_loop3A_552 = tpu.vector_load %arg7[%parallel_loop3A_550, %parallel_loop3A_551] {strides = array<i32>} : memref<64x512xf32, #tpu.memory_space<vmem>>, vector<1x16xf32>,
        %parallel_loop3A_553 = vector.shape_cast %parallel_loop3A_552 : vector<1x16xf32> to vector<16xf32>
        %parallel_loop3A_554 = arith.addf %parallel_loop3A_549, %parallel_loop3A_553 : vector<16xf32>
        %parallel_loop3A_555 = arith.constant 320 : i32
        %parallel_loop3A_556 = arith.addi %parallel_loop3A_185, %parallel_loop3A_555 : i32
        %parallel_loop3A_557 = arith.constant 0 : i32
        %parallel_loop3A_558 = arith.index_cast %parallel_loop3A_557 : i32 to index
        %parallel_loop3A_559 = arith.index_cast %parallel_loop3A_180 : i32 to index
        %parallel_loop3A_560 = arith.index_cast %parallel_loop3A_556 : i32 to index
        %parallel_loop3A_561 = tpu.vector_load %arg11[%parallel_loop3A_558, %parallel_loop3A_559, %parallel_loop3A_560] {strides = array<i32>} : memref<1x4x4096xf32, #tpu.memory_space<vmem>>, vector<1x1x16xf32>,
        %parallel_loop3A_562 = vector.shape_cast %parallel_loop3A_561 : vector<1x1x16xf32> to vector<16xf32>
        %parallel_loop3A_563 = vector.shape_cast %parallel_loop3A_554 : vector<16xf32> to vector<1x1x16xf32>
        tpu.vector_store %arg11[%parallel_loop3A_558, %parallel_loop3A_559, %parallel_loop3A_560], %parallel_loop3A_563 {strides = array<i32>} : memref<1x4x4096xf32, #tpu.memory_space<vmem>>, vector<1x1x16xf32>,
        %parallel_loop3A_564 = arith.index_cast %parallel_loop3A_178 : i32 to index
        %parallel_loop3A_565 = arith.constant 336 : index
        %parallel_loop3A_566 = tpu.vector_load %arg9[%parallel_loop3A_564, %parallel_loop3A_565] {strides = array<i32>} : memref<32x512xf32, #tpu.memory_space<vmem>>, vector<1x16xf32>,
        %parallel_loop3A_567 = vector.shape_cast %parallel_loop3A_566 : vector<1x16xf32> to vector<16xf32>
        %parallel_loop3A_568 = arith.index_cast %parallel_loop3A_183 : i32 to index
        %parallel_loop3A_569 = arith.constant 336 : index
        %parallel_loop3A_570 = tpu.vector_load %arg7[%parallel_loop3A_568, %parallel_loop3A_569] {strides = array<i32>} : memref<64x512xf32, #tpu.memory_space<vmem>>, vector<1x16xf32>,
        %parallel_loop3A_571 = vector.shape_cast %parallel_loop3A_570 : vector<1x16xf32> to vector<16xf32>
        %parallel_loop3A_572 = arith.addf %parallel_loop3A_567, %parallel_loop3A_571 : vector<16xf32>
        %parallel_loop3A_573 = arith.constant 336 : i32
        %parallel_loop3A_574 = arith.addi %parallel_loop3A_185, %parallel_loop3A_573 : i32
        %parallel_loop3A_575 = arith.constant 0 : i32
        %parallel_loop3A_576 = arith.index_cast %parallel_loop3A_575 : i32 to index
        %parallel_loop3A_577 = arith.index_cast %parallel_loop3A_180 : i32 to index
        %parallel_loop3A_578 = arith.index_cast %parallel_loop3A_574 : i32 to index
        %parallel_loop3A_579 = tpu.vector_load %arg11[%parallel_loop3A_576, %parallel_loop3A_577, %parallel_loop3A_578] {strides = array<i32>} : memref<1x4x4096xf32, #tpu.memory_space<vmem>>, vector<1x1x16xf32>,
        %parallel_loop3A_580 = vector.shape_cast %parallel_loop3A_579 : vector<1x1x16xf32> to vector<16xf32>
        %parallel_loop3A_581 = vector.shape_cast %parallel_loop3A_572 : vector<16xf32> to vector<1x1x16xf32>
        tpu.vector_store %arg11[%parallel_loop3A_576, %parallel_loop3A_577, %parallel_loop3A_578], %parallel_loop3A_581 {strides = array<i32>} : memref<1x4x4096xf32, #tpu.memory_space<vmem>>, vector<1x1x16xf32>,
        %parallel_loop3A_582 = arith.index_cast %parallel_loop3A_178 : i32 to index
        %parallel_loop3A_583 = arith.constant 352 : index
        %parallel_loop3A_584 = tpu.vector_load %arg9[%parallel_loop3A_582, %parallel_loop3A_583] {strides = array<i32>} : memref<32x512xf32, #tpu.memory_space<vmem>>, vector<1x16xf32>,
        %parallel_loop3A_585 = vector.shape_cast %parallel_loop3A_584 : vector<1x16xf32> to vector<16xf32>
        %parallel_loop3A_586 = arith.index_cast %parallel_loop3A_183 : i32 to index
        %parallel_loop3A_587 = arith.constant 352 : index
        %parallel_loop3A_588 = tpu.vector_load %arg7[%parallel_loop3A_586, %parallel_loop3A_587] {strides = array<i32>} : memref<64x512xf32, #tpu.memory_space<vmem>>, vector<1x16xf32>,
        %parallel_loop3A_589 = vector.shape_cast %parallel_loop3A_588 : vector<1x16xf32> to vector<16xf32>
        %parallel_loop3A_590 = arith.addf %parallel_loop3A_585, %parallel_loop3A_589 : vector<16xf32>
        %parallel_loop3A_591 = arith.constant 352 : i32
        %parallel_loop3A_592 = arith.addi %parallel_loop3A_185, %parallel_loop3A_591 : i32
        %parallel_loop3A_593 = arith.constant 0 : i32
        %parallel_loop3A_594 = arith.index_cast %parallel_loop3A_593 : i32 to index
        %parallel_loop3A_595 = arith.index_cast %parallel_loop3A_180 : i32 to index
        %parallel_loop3A_596 = arith.index_cast %parallel_loop3A_592 : i32 to index
        %parallel_loop3A_597 = tpu.vector_load %arg11[%parallel_loop3A_594, %parallel_loop3A_595, %parallel_loop3A_596] {strides = array<i32>} : memref<1x4x4096xf32, #tpu.memory_space<vmem>>, vector<1x1x16xf32>,
        %parallel_loop3A_598 = vector.shape_cast %parallel_loop3A_597 : vector<1x1x16xf32> to vector<16xf32>
        %parallel_loop3A_599 = vector.shape_cast %parallel_loop3A_590 : vector<16xf32> to vector<1x1x16xf32>
        tpu.vector_store %arg11[%parallel_loop3A_594, %parallel_loop3A_595, %parallel_loop3A_596], %parallel_loop3A_599 {strides = array<i32>} : memref<1x4x4096xf32, #tpu.memory_space<vmem>>, vector<1x1x16xf32>,
        %parallel_loop3A_600 = arith.index_cast %parallel_loop3A_178 : i32 to index
        %parallel_loop3A_601 = arith.constant 368 : index
        %parallel_loop3A_602 = tpu.vector_load %arg9[%parallel_loop3A_600, %parallel_loop3A_601] {strides = array<i32>} : memref<32x512xf32, #tpu.memory_space<vmem>>, vector<1x16xf32>,
        %parallel_loop3A_603 = vector.shape_cast %parallel_loop3A_602 : vector<1x16xf32> to vector<16xf32>
        %parallel_loop3A_604 = arith.index_cast %parallel_loop3A_183 : i32 to index
        %parallel_loop3A_605 = arith.constant 368 : index
        %parallel_loop3A_606 = tpu.vector_load %arg7[%parallel_loop3A_604, %parallel_loop3A_605] {strides = array<i32>} : memref<64x512xf32, #tpu.memory_space<vmem>>, vector<1x16xf32>,
        %parallel_loop3A_607 = vector.shape_cast %parallel_loop3A_606 : vector<1x16xf32> to vector<16xf32>
        %parallel_loop3A_608 = arith.addf %parallel_loop3A_603, %parallel_loop3A_607 : vector<16xf32>
        %parallel_loop3A_609 = arith.constant 368 : i32
        %parallel_loop3A_610 = arith.addi %parallel_loop3A_185, %parallel_loop3A_609 : i32
        %parallel_loop3A_611 = arith.constant 0 : i32
        %parallel_loop3A_612 = arith.index_cast %parallel_loop3A_611 : i32 to index
        %parallel_loop3A_613 = arith.index_cast %parallel_loop3A_180 : i32 to index
        %parallel_loop3A_614 = arith.index_cast %parallel_loop3A_610 : i32 to index
        %parallel_loop3A_615 = tpu.vector_load %arg11[%parallel_loop3A_612, %parallel_loop3A_613, %parallel_loop3A_614] {strides = array<i32>} : memref<1x4x4096xf32, #tpu.memory_space<vmem>>, vector<1x1x16xf32>,
        %parallel_loop3A_616 = vector.shape_cast %parallel_loop3A_615 : vector<1x1x16xf32> to vector<16xf32>
        %parallel_loop3A_617 = vector.shape_cast %parallel_loop3A_608 : vector<16xf32> to vector<1x1x16xf32>
        tpu.vector_store %arg11[%parallel_loop3A_612, %parallel_loop3A_613, %parallel_loop3A_614], %parallel_loop3A_617 {strides = array<i32>} : memref<1x4x4096xf32, #tpu.memory_space<vmem>>, vector<1x1x16xf32>,
        %parallel_loop3A_618 = arith.index_cast %parallel_loop3A_178 : i32 to index
        %parallel_loop3A_619 = arith.constant 384 : index
        %parallel_loop3A_620 = tpu.vector_load %arg9[%parallel_loop3A_618, %parallel_loop3A_619] {strides = array<i32>} : memref<32x512xf32, #tpu.memory_space<vmem>>, vector<1x16xf32>,
        %parallel_loop3A_621 = vector.shape_cast %parallel_loop3A_620 : vector<1x16xf32> to vector<16xf32>
        %parallel_loop3A_622 = arith.index_cast %parallel_loop3A_183 : i32 to index
        %parallel_loop3A_623 = arith.constant 384 : index
        %parallel_loop3A_624 = tpu.vector_load %arg7[%parallel_loop3A_622, %parallel_loop3A_623] {strides = array<i32>} : memref<64x512xf32, #tpu.memory_space<vmem>>, vector<1x16xf32>,
        %parallel_loop3A_625 = vector.shape_cast %parallel_loop3A_624 : vector<1x16xf32> to vector<16xf32>
        %parallel_loop3A_626 = arith.addf %parallel_loop3A_621, %parallel_loop3A_625 : vector<16xf32>
        %parallel_loop3A_627 = arith.constant 384 : i32
        %parallel_loop3A_628 = arith.addi %parallel_loop3A_185, %parallel_loop3A_627 : i32
        %parallel_loop3A_629 = arith.constant 0 : i32
        %parallel_loop3A_630 = arith.index_cast %parallel_loop3A_629 : i32 to index
        %parallel_loop3A_631 = arith.index_cast %parallel_loop3A_180 : i32 to index
        %parallel_loop3A_632 = arith.index_cast %parallel_loop3A_628 : i32 to index
        %parallel_loop3A_633 = tpu.vector_load %arg11[%parallel_loop3A_630, %parallel_loop3A_631, %parallel_loop3A_632] {strides = array<i32>} : memref<1x4x4096xf32, #tpu.memory_space<vmem>>, vector<1x1x16xf32>,
        %parallel_loop3A_634 = vector.shape_cast %parallel_loop3A_633 : vector<1x1x16xf32> to vector<16xf32>
        %parallel_loop3A_635 = vector.shape_cast %parallel_loop3A_626 : vector<16xf32> to vector<1x1x16xf32>
        tpu.vector_store %arg11[%parallel_loop3A_630, %parallel_loop3A_631, %parallel_loop3A_632], %parallel_loop3A_635 {strides = array<i32>} : memref<1x4x4096xf32, #tpu.memory_space<vmem>>, vector<1x1x16xf32>,
        %parallel_loop3A_636 = arith.index_cast %parallel_loop3A_178 : i32 to index
        %parallel_loop3A_637 = arith.constant 400 : index
        %parallel_loop3A_638 = tpu.vector_load %arg9[%parallel_loop3A_636, %parallel_loop3A_637] {strides = array<i32>} : memref<32x512xf32, #tpu.memory_space<vmem>>, vector<1x16xf32>,
        %parallel_loop3A_639 = vector.shape_cast %parallel_loop3A_638 : vector<1x16xf32> to vector<16xf32>
        %parallel_loop3A_640 = arith.index_cast %parallel_loop3A_183 : i32 to index
        %parallel_loop3A_641 = arith.constant 400 : index
        %parallel_loop3A_642 = tpu.vector_load %arg7[%parallel_loop3A_640, %parallel_loop3A_641] {strides = array<i32>} : memref<64x512xf32, #tpu.memory_space<vmem>>, vector<1x16xf32>,
        %parallel_loop3A_643 = vector.shape_cast %parallel_loop3A_642 : vector<1x16xf32> to vector<16xf32>
        %parallel_loop3A_644 = arith.addf %parallel_loop3A_639, %parallel_loop3A_643 : vector<16xf32>
        %parallel_loop3A_645 = arith.constant 400 : i32
        %parallel_loop3A_646 = arith.addi %parallel_loop3A_185, %parallel_loop3A_645 : i32
        %parallel_loop3A_647 = arith.constant 0 : i32
        %parallel_loop3A_648 = arith.index_cast %parallel_loop3A_647 : i32 to index
        %parallel_loop3A_649 = arith.index_cast %parallel_loop3A_180 : i32 to index
        %parallel_loop3A_650 = arith.index_cast %parallel_loop3A_646 : i32 to index
        %parallel_loop3A_651 = tpu.vector_load %arg11[%parallel_loop3A_648, %parallel_loop3A_649, %parallel_loop3A_650] {strides = array<i32>} : memref<1x4x4096xf32, #tpu.memory_space<vmem>>, vector<1x1x16xf32>,
        %parallel_loop3A_652 = vector.shape_cast %parallel_loop3A_651 : vector<1x1x16xf32> to vector<16xf32>
        %parallel_loop3A_653 = vector.shape_cast %parallel_loop3A_644 : vector<16xf32> to vector<1x1x16xf32>
        tpu.vector_store %arg11[%parallel_loop3A_648, %parallel_loop3A_649, %parallel_loop3A_650], %parallel_loop3A_653 {strides = array<i32>} : memref<1x4x4096xf32, #tpu.memory_space<vmem>>, vector<1x1x16xf32>,
        %parallel_loop3A_654 = arith.index_cast %parallel_loop3A_178 : i32 to index
        %parallel_loop3A_655 = arith.constant 416 : index
        %parallel_loop3A_656 = tpu.vector_load %arg9[%parallel_loop3A_654, %parallel_loop3A_655] {strides = array<i32>} : memref<32x512xf32, #tpu.memory_space<vmem>>, vector<1x16xf32>,
        %parallel_loop3A_657 = vector.shape_cast %parallel_loop3A_656 : vector<1x16xf32> to vector<16xf32>
        %parallel_loop3A_658 = arith.index_cast %parallel_loop3A_183 : i32 to index
        %parallel_loop3A_659 = arith.constant 416 : index
        %parallel_loop3A_660 = tpu.vector_load %arg7[%parallel_loop3A_658, %parallel_loop3A_659] {strides = array<i32>} : memref<64x512xf32, #tpu.memory_space<vmem>>, vector<1x16xf32>,
        %parallel_loop3A_661 = vector.shape_cast %parallel_loop3A_660 : vector<1x16xf32> to vector<16xf32>
        %parallel_loop3A_662 = arith.addf %parallel_loop3A_657, %parallel_loop3A_661 : vector<16xf32>
        %parallel_loop3A_663 = arith.constant 416 : i32
        %parallel_loop3A_664 = arith.addi %parallel_loop3A_185, %parallel_loop3A_663 : i32
        %parallel_loop3A_665 = arith.constant 0 : i32
        %parallel_loop3A_666 = arith.index_cast %parallel_loop3A_665 : i32 to index
        %parallel_loop3A_667 = arith.index_cast %parallel_loop3A_180 : i32 to index
        %parallel_loop3A_668 = arith.index_cast %parallel_loop3A_664 : i32 to index
        %parallel_loop3A_669 = tpu.vector_load %arg11[%parallel_loop3A_666, %parallel_loop3A_667, %parallel_loop3A_668] {strides = array<i32>} : memref<1x4x4096xf32, #tpu.memory_space<vmem>>, vector<1x1x16xf32>,
        %parallel_loop3A_670 = vector.shape_cast %parallel_loop3A_669 : vector<1x1x16xf32> to vector<16xf32>
        %parallel_loop3A_671 = vector.shape_cast %parallel_loop3A_662 : vector<16xf32> to vector<1x1x16xf32>
        tpu.vector_store %arg11[%parallel_loop3A_666, %parallel_loop3A_667, %parallel_loop3A_668], %parallel_loop3A_671 {strides = array<i32>} : memref<1x4x4096xf32, #tpu.memory_space<vmem>>, vector<1x1x16xf32>,
        %parallel_loop3A_672 = arith.index_cast %parallel_loop3A_178 : i32 to index
        %parallel_loop3A_673 = arith.constant 432 : index
        %parallel_loop3A_674 = tpu.vector_load %arg9[%parallel_loop3A_672, %parallel_loop3A_673] {strides = array<i32>} : memref<32x512xf32, #tpu.memory_space<vmem>>, vector<1x16xf32>,
        %parallel_loop3A_675 = vector.shape_cast %parallel_loop3A_674 : vector<1x16xf32> to vector<16xf32>
        %parallel_loop3A_676 = arith.index_cast %parallel_loop3A_183 : i32 to index
        %parallel_loop3A_677 = arith.constant 432 : index
        %parallel_loop3A_678 = tpu.vector_load %arg7[%parallel_loop3A_676, %parallel_loop3A_677] {strides = array<i32>} : memref<64x512xf32, #tpu.memory_space<vmem>>, vector<1x16xf32>,
        %parallel_loop3A_679 = vector.shape_cast %parallel_loop3A_678 : vector<1x16xf32> to vector<16xf32>
        %parallel_loop3A_680 = arith.addf %parallel_loop3A_675, %parallel_loop3A_679 : vector<16xf32>
        %parallel_loop3A_681 = arith.constant 432 : i32
        %parallel_loop3A_682 = arith.addi %parallel_loop3A_185, %parallel_loop3A_681 : i32
        %parallel_loop3A_683 = arith.constant 0 : i32
        %parallel_loop3A_684 = arith.index_cast %parallel_loop3A_683 : i32 to index
        %parallel_loop3A_685 = arith.index_cast %parallel_loop3A_180 : i32 to index
        %parallel_loop3A_686 = arith.index_cast %parallel_loop3A_682 : i32 to index
        %parallel_loop3A_687 = tpu.vector_load %arg11[%parallel_loop3A_684, %parallel_loop3A_685, %parallel_loop3A_686] {strides = array<i32>} : memref<1x4x4096xf32, #tpu.memory_space<vmem>>, vector<1x1x16xf32>,
        %parallel_loop3A_688 = vector.shape_cast %parallel_loop3A_687 : vector<1x1x16xf32> to vector<16xf32>
        %parallel_loop3A_689 = vector.shape_cast %parallel_loop3A_680 : vector<16xf32> to vector<1x1x16xf32>
        tpu.vector_store %arg11[%parallel_loop3A_684, %parallel_loop3A_685, %parallel_loop3A_686], %parallel_loop3A_689 {strides = array<i32>} : memref<1x4x4096xf32, #tpu.memory_space<vmem>>, vector<1x1x16xf32>,
        %parallel_loop3A_690 = arith.index_cast %parallel_loop3A_178 : i32 to index
        %parallel_loop3A_691 = arith.constant 448 : index
        %parallel_loop3A_692 = tpu.vector_load %arg9[%parallel_loop3A_690, %parallel_loop3A_691] {strides = array<i32>} : memref<32x512xf32, #tpu.memory_space<vmem>>, vector<1x16xf32>,
        %parallel_loop3A_693 = vector.shape_cast %parallel_loop3A_692 : vector<1x16xf32> to vector<16xf32>
        %parallel_loop3A_694 = arith.index_cast %parallel_loop3A_183 : i32 to index
        %parallel_loop3A_695 = arith.constant 448 : index
        %parallel_loop3A_696 = tpu.vector_load %arg7[%parallel_loop3A_694, %parallel_loop3A_695] {strides = array<i32>} : memref<64x512xf32, #tpu.memory_space<vmem>>, vector<1x16xf32>,
        %parallel_loop3A_697 = vector.shape_cast %parallel_loop3A_696 : vector<1x16xf32> to vector<16xf32>
        %parallel_loop3A_698 = arith.addf %parallel_loop3A_693, %parallel_loop3A_697 : vector<16xf32>
        %parallel_loop3A_699 = arith.constant 448 : i32
        %parallel_loop3A_700 = arith.addi %parallel_loop3A_185, %parallel_loop3A_699 : i32
        %parallel_loop3A_701 = arith.constant 0 : i32
        %parallel_loop3A_702 = arith.index_cast %parallel_loop3A_701 : i32 to index
        %parallel_loop3A_703 = arith.index_cast %parallel_loop3A_180 : i32 to index
        %parallel_loop3A_704 = arith.index_cast %parallel_loop3A_700 : i32 to index
        %parallel_loop3A_705 = tpu.vector_load %arg11[%parallel_loop3A_702, %parallel_loop3A_703, %parallel_loop3A_704] {strides = array<i32>} : memref<1x4x4096xf32, #tpu.memory_space<vmem>>, vector<1x1x16xf32>,
        %parallel_loop3A_706 = vector.shape_cast %parallel_loop3A_705 : vector<1x1x16xf32> to vector<16xf32>
        %parallel_loop3A_707 = vector.shape_cast %parallel_loop3A_698 : vector<16xf32> to vector<1x1x16xf32>
        tpu.vector_store %arg11[%parallel_loop3A_702, %parallel_loop3A_703, %parallel_loop3A_704], %parallel_loop3A_707 {strides = array<i32>} : memref<1x4x4096xf32, #tpu.memory_space<vmem>>, vector<1x1x16xf32>,
        %parallel_loop3A_708 = arith.index_cast %parallel_loop3A_178 : i32 to index
        %parallel_loop3A_709 = arith.constant 464 : index
        %parallel_loop3A_710 = tpu.vector_load %arg9[%parallel_loop3A_708, %parallel_loop3A_709] {strides = array<i32>} : memref<32x512xf32, #tpu.memory_space<vmem>>, vector<1x16xf32>,
        %parallel_loop3A_711 = vector.shape_cast %parallel_loop3A_710 : vector<1x16xf32> to vector<16xf32>
        %parallel_loop3A_712 = arith.index_cast %parallel_loop3A_183 : i32 to index
        %parallel_loop3A_713 = arith.constant 464 : index
        %parallel_loop3A_714 = tpu.vector_load %arg7[%parallel_loop3A_712, %parallel_loop3A_713] {strides = array<i32>} : memref<64x512xf32, #tpu.memory_space<vmem>>, vector<1x16xf32>,
        %parallel_loop3A_715 = vector.shape_cast %parallel_loop3A_714 : vector<1x16xf32> to vector<16xf32>
        %parallel_loop3A_716 = arith.addf %parallel_loop3A_711, %parallel_loop3A_715 : vector<16xf32>
        %parallel_loop3A_717 = arith.constant 464 : i32
        %parallel_loop3A_718 = arith.addi %parallel_loop3A_185, %parallel_loop3A_717 : i32
        %parallel_loop3A_719 = arith.constant 0 : i32
        %parallel_loop3A_720 = arith.index_cast %parallel_loop3A_719 : i32 to index
        %parallel_loop3A_721 = arith.index_cast %parallel_loop3A_180 : i32 to index
        %parallel_loop3A_722 = arith.index_cast %parallel_loop3A_718 : i32 to index
        %parallel_loop3A_723 = tpu.vector_load %arg11[%parallel_loop3A_720, %parallel_loop3A_721, %parallel_loop3A_722] {strides = array<i32>} : memref<1x4x4096xf32, #tpu.memory_space<vmem>>, vector<1x1x16xf32>,
        %parallel_loop3A_724 = vector.shape_cast %parallel_loop3A_723 : vector<1x1x16xf32> to vector<16xf32>
        %parallel_loop3A_725 = vector.shape_cast %parallel_loop3A_716 : vector<16xf32> to vector<1x1x16xf32>
        tpu.vector_store %arg11[%parallel_loop3A_720, %parallel_loop3A_721, %parallel_loop3A_722], %parallel_loop3A_725 {strides = array<i32>} : memref<1x4x4096xf32, #tpu.memory_space<vmem>>, vector<1x1x16xf32>,
        %parallel_loop3A_726 = arith.index_cast %parallel_loop3A_178 : i32 to index
        %parallel_loop3A_727 = arith.constant 480 : index
        %parallel_loop3A_728 = tpu.vector_load %arg9[%parallel_loop3A_726, %parallel_loop3A_727] {strides = array<i32>} : memref<32x512xf32, #tpu.memory_space<vmem>>, vector<1x16xf32>,
        %parallel_loop3A_729 = vector.shape_cast %parallel_loop3A_728 : vector<1x16xf32> to vector<16xf32>
        %parallel_loop3A_730 = arith.index_cast %parallel_loop3A_183 : i32 to index
        %parallel_loop3A_731 = arith.constant 480 : index
        %parallel_loop3A_732 = tpu.vector_load %arg7[%parallel_loop3A_730, %parallel_loop3A_731] {strides = array<i32>} : memref<64x512xf32, #tpu.memory_space<vmem>>, vector<1x16xf32>,
        %parallel_loop3A_733 = vector.shape_cast %parallel_loop3A_732 : vector<1x16xf32> to vector<16xf32>
        %parallel_loop3A_734 = arith.addf %parallel_loop3A_729, %parallel_loop3A_733 : vector<16xf32>
        %parallel_loop3A_735 = arith.constant 480 : i32
        %parallel_loop3A_736 = arith.addi %parallel_loop3A_185, %parallel_loop3A_735 : i32
        %parallel_loop3A_737 = arith.constant 0 : i32
        %parallel_loop3A_738 = arith.index_cast %parallel_loop3A_737 : i32 to index
        %parallel_loop3A_739 = arith.index_cast %parallel_loop3A_180 : i32 to index
        %parallel_loop3A_740 = arith.index_cast %parallel_loop3A_736 : i32 to index
        %parallel_loop3A_741 = tpu.vector_load %arg11[%parallel_loop3A_738, %parallel_loop3A_739, %parallel_loop3A_740] {strides = array<i32>} : memref<1x4x4096xf32, #tpu.memory_space<vmem>>, vector<1x1x16xf32>,
        %parallel_loop3A_742 = vector.shape_cast %parallel_loop3A_741 : vector<1x1x16xf32> to vector<16xf32>
        %parallel_loop3A_743 = vector.shape_cast %parallel_loop3A_734 : vector<16xf32> to vector<1x1x16xf32>
        tpu.vector_store %arg11[%parallel_loop3A_738, %parallel_loop3A_739, %parallel_loop3A_740], %parallel_loop3A_743 {strides = array<i32>} : memref<1x4x4096xf32, #tpu.memory_space<vmem>>, vector<1x1x16xf32>,
        %parallel_loop3A_744 = arith.index_cast %parallel_loop3A_178 : i32 to index
        %parallel_loop3A_745 = arith.constant 496 : index
        %parallel_loop3A_746 = tpu.vector_load %arg9[%parallel_loop3A_744, %parallel_loop3A_745] {strides = array<i32>} : memref<32x512xf32, #tpu.memory_space<vmem>>, vector<1x16xf32>,
        %parallel_loop3A_747 = vector.shape_cast %parallel_loop3A_746 : vector<1x16xf32> to vector<16xf32>
        %parallel_loop3A_748 = arith.index_cast %parallel_loop3A_183 : i32 to index
        %parallel_loop3A_749 = arith.constant 496 : index
        %parallel_loop3A_750 = tpu.vector_load %arg7[%parallel_loop3A_748, %parallel_loop3A_749] {strides = array<i32>} : memref<64x512xf32, #tpu.memory_space<vmem>>, vector<1x16xf32>,
        %parallel_loop3A_751 = vector.shape_cast %parallel_loop3A_750 : vector<1x16xf32> to vector<16xf32>
        %parallel_loop3A_752 = arith.addf %parallel_loop3A_747, %parallel_loop3A_751 : vector<16xf32>
        %parallel_loop3A_753 = arith.constant 496 : i32
        %parallel_loop3A_754 = arith.addi %parallel_loop3A_185, %parallel_loop3A_753 : i32
        %parallel_loop3A_755 = arith.constant 0 : i32
        %parallel_loop3A_756 = arith.index_cast %parallel_loop3A_755 : i32 to index
        %parallel_loop3A_757 = arith.index_cast %parallel_loop3A_180 : i32 to index
        %parallel_loop3A_758 = arith.index_cast %parallel_loop3A_754 : i32 to index
        %parallel_loop3A_759 = tpu.vector_load %arg11[%parallel_loop3A_756, %parallel_loop3A_757, %parallel_loop3A_758] {strides = array<i32>} : memref<1x4x4096xf32, #tpu.memory_space<vmem>>, vector<1x1x16xf32>,
        %parallel_loop3A_760 = vector.shape_cast %parallel_loop3A_759 : vector<1x1x16xf32> to vector<16xf32>
        %parallel_loop3A_761 = vector.shape_cast %parallel_loop3A_752 : vector<16xf32> to vector<1x1x16xf32>
        tpu.vector_store %arg11[%parallel_loop3A_756, %parallel_loop3A_757, %parallel_loop3A_758], %parallel_loop3A_761 {strides = array<i32>} : memref<1x4x4096xf32, #tpu.memory_space<vmem>>, vector<1x1x16xf32>,
      } {sc.loop_unroll_factor = 2 : i64, sc.parallel_access}
      %and3A_159 = arith.constant 7 : i32
      %and3A_160 = arith.andi %add3A_125, %and3A_159 : i32
      %eq3A_161 = arith.constant 7 : i32
      %eq3A_162 = arith.cmpi eq, %and3A_160, %eq3A_161 : i32
      %add3A_163 = arith.constant 1 : i32
      %add3A_164 = arith.addi %add3A_125, %add3A_163 : i32
      %lt3A_165 = arith.constant 32 : i32
      %lt3A_166 = arith.cmpi slt, %add3A_164, %lt3A_165 : i32
      %and3A_167 = arith.andi %eq3A_162, %lt3A_166 : i1
      %convert_element_type3A_168 = arith.extui %and3A_167 : i1 to i32
      %cond3A_169 = arith.constant 0 : i32
      %cond3A_170 = arith.cmpi ne, %convert_element_type3A_168, %cond3A_169 : i32
      scf.if %cond3A_170 {
        %add3A_178 = arith.constant 1 : i32
        %add3A_179 = arith.addi %add3A_125, %add3A_178 : i32
        %mul3A_180 = arith.constant 8 : i32
        %mul3A_181 = arith.muli %add3A_179, %mul3A_180 : i32
        %add3A_182 = arith.addi %mul3A_2, %mul3A_181 : i32
        %dma_start3A_183 = arith.constant 0 : i32
        %dma_start3A_184 = tpu.memref_slice %arg4[%add3A_182, %dma_start3A_183] : memref<8192x512xf32, #tpu.memory_space<hbm>> -> memref<64x512xf32, #tpu.memory_space<hbm>>
        %dma_start3A_185 = arith.constant 0 : i32
        %dma_start3A_186 = tpu.memref_slice %arg4[%add3A_182, %dma_start3A_185] : memref<8192x512xf32, #tpu.memory_space<hbm>> -> memref<64x512xf32, #tpu.memory_space<hbm>>
        tpu.enqueue_dma source(%dma_start3A_186 : memref<64x512xf32, #tpu.memory_space<hbm>>) target(%arg7 : memref<64x512xf32, #tpu.memory_space<vmem>>) target_semaphore(%arg16 : memref<!tpu.dma_semaphore, #tpu.memory_space<semaphore_mem>>)
      } else {
      }
      %add3A_171 = arith.addi %mul3A_4, %add3A_125 : i32
      %dma_start3A_172 = arith.constant 0 : i32
      %dma_start3A_173 = arith.constant 0 : i32
      %dma_start3A_174 = tpu.memref_slice %arg5[%add3A_171, %dma_start3A_172, %dma_start3A_173] : memref<1025x4x4096xf32, #tpu.memory_space<hbm>> -> memref<1x4x4096xf32, #tpu.memory_space<hbm>>
      %dma_start3A_175 = arith.constant 0 : i32
      %dma_start3A_176 = arith.constant 0 : i32
      %dma_start3A_177 = tpu.memref_slice %arg5[%add3A_171, %dma_start3A_175, %dma_start3A_176] : memref<1025x4x4096xf32, #tpu.memory_space<hbm>> -> memref<1x4x4096xf32, #tpu.memory_space<hbm>>
      tpu.enqueue_dma source(%arg11 : memref<1x4x4096xf32, #tpu.memory_space<vmem>>) target(%dma_start3A_177 : memref<1x4x4096xf32, #tpu.memory_space<hbm>>) target_semaphore(%arg15 : memref<!tpu.dma_semaphore, #tpu.memory_space<semaphore_mem>>)
    }
    %scan3A_55 = arith.constant 16 : i32
    %dma_wait3A = arith.constant 0 : i32
    %dma_wait3A_56 = arith.constant 0 : i32
    %dma_wait3A_57 = arith.constant 0 : i32
    %dma_wait3A_58 = tpu.memref_slice %arg5[%dma_wait3A, %dma_wait3A_56, %dma_wait3A_57] : memref<1025x4x4096xf32, #tpu.memory_space<hbm>> -> memref<1x4x4096xf32, #tpu.memory_space<hbm>>
    %dma_wait3A_59 = arith.constant 0 : i32
    %dma_wait3A_60 = arith.constant 0 : i32
    %dma_wait3A_61 = arith.constant 0 : i32
    %dma_wait3A_62 = tpu.memref_slice %arg5[%dma_wait3A_59, %dma_wait3A_60, %dma_wait3A_61] : memref<1025x4x4096xf32, #tpu.memory_space<hbm>> -> memref<1x4x4096xf32, #tpu.memory_space<hbm>>
    tpu.wait_dma2 semaphore(%arg14 : memref<!tpu.dma_semaphore, #tpu.memory_space<semaphore_mem>>) src(%arg10 : memref<1x4x4096xf32, #tpu.memory_space<vmem>>) dst(%dma_wait3A_62 : memref<1x4x4096xf32, #tpu.memory_space<hbm>>)
    %dma_wait3A_63 = arith.constant 0 : i32
    %dma_wait3A_64 = arith.constant 0 : i32
    %dma_wait3A_65 = arith.constant 0 : i32
    %dma_wait3A_66 = tpu.memref_slice %arg5[%dma_wait3A_63, %dma_wait3A_64, %dma_wait3A_65] : memref<1025x4x4096xf32, #tpu.memory_space<hbm>> -> memref<1x4x4096xf32, #tpu.memory_space<hbm>>
    %dma_wait3A_67 = arith.constant 0 : i32
    %dma_wait3A_68 = arith.constant 0 : i32
    %dma_wait3A_69 = arith.constant 0 : i32
    %dma_wait3A_70 = tpu.memref_slice %arg5[%dma_wait3A_67, %dma_wait3A_68, %dma_wait3A_69] : memref<1025x4x4096xf32, #tpu.memory_space<hbm>> -> memref<1x4x4096xf32, #tpu.memory_space<hbm>>
    tpu.wait_dma2 semaphore(%arg15 : memref<!tpu.dma_semaphore, #tpu.memory_space<semaphore_mem>>) src(%arg11 : memref<1x4x4096xf32, #tpu.memory_space<vmem>>) dst(%dma_wait3A_70 : memref<1x4x4096xf32, #tpu.memory_space<hbm>>)
    return
  }
}

</mosaic_0001>

<sc_bundles>
// kernel: _megabyte.3.cloned.1.call-start
scs
__scs_entry_jumppad:
0x0: {  	(pc) =	sbr.rel $0x88, $3  }
0x1: {  	(tag) =	ssettag $0x0;
	lr =	simm.s32 $0x1  }
0x2: {  	[smem:$0x3F9E] =	sst lr;
	_ =	strace $0xD0000000  }
0x3: {  	_ = 	snop  }
0x4: {  	_ = 	snop  }
0x5: {  	_ = 	snop  }
0x6: {  	_ = 	snop  }
0x7: {  	_ = 	snop  }
__scs_overlays_trampoline_lowered:
0x8: {  	[smem:$0x3FAD] =	sst s0  }
0x9: {  	[smem:$0x3FAE] =	sst s1  }
0xa: {  	[smem:$0x3FAF] =	sst s2  }
0xb: {  	[smem:$0x3FB0] =	sst s3  }
0xc: {  	[smem:$0x3FB1] =	sst s4  }
0xd: {  	[smem:$0x3FB2] =	sst s5  }
0xe: {  	[smem:$0x3FB3] =	sst s6  }
0xf: {  	[smem:$0x3FB4] =	sst s7  }
0x10: {  	[smem:$0x3FB5] =	sst s8  }
0x11: {  	[smem:$0x3FB6] =	sst s9;
	s0 =	simm.s32 @!p0 $0x0  }
0x12: {  	s1 =	sld [smem:$0x3F9C];
	s0 =	simm.s32 @p0 $0x1  }
0x13: {  	[smem:$0x3FB7] =	sst s0;
	s0 =	simm.s32 @!p1 $0x0  }
0x14: {  	s2 =	sld [smem:$0x3F9B];
	s0 =	simm.s32 @p1 $0x1  }
0x15: {  	[smem:$0x3FB8] =	sst s0;
	s0 =	simm.s32 @!p2 $0x0  }
0x16: {  	s3 =	sld [smem:$0x3FDB];
	s0 =	simm.s32 @p2 $0x1  }
0x17: {  	s4 =	simm.s32 $0x1BF5;
	[smem:$0x3FBA] =	sst s0  }
0x18: {  	s0 =	sld [smem:$0x3F9D];
	_ =	swait.ge [sflag:s4], $0x0  }
0x19: {  	s7 =	sld [smem:$0x3F9E]  }
0x1a: {  	s8 =	sadd.s32 $0xFFFFE003, lr  }
0x1b: {  	s9 =	sadd.s32 $0xFFFFFEF7, lr;
	s5 =	simm.s32 $0xFFFFFFFF;
	p2 =	slt.u32 s8, $0xFFFFF086  }
0x1c: {  	p1 =	slt.u32 s9, $0xF7A;
	s5 =	simm.s32 @!p2 $0x0  }
0x1d: {  	s5 =	simm.s32 @p1 $0x1;
	p0 =	seq.s32 s7, s2  }
0x1e: {  	s7 =	smul.u32 @!p0 $0xF7A, s2;
	p2 =	seq.s32 @!p0 s5, $0x0  }
0x1f: {  	s9 =	smul.u32 $0xF7A, s1;
	s8 =	simm.s32 @!p0 $0x1BF5;
	p2 =	por !p2, p0  }
0x20: {  	[sflag:s8] =	ssyncset.s32 @!p0 $0xFFFFF086;
	s6 =	sadd.s32 @!p0 s3, s7;
	s7 =	simm.s32 @!p0 $0x108  }
0x21: {  	s3 =	sadd.s32 s3, s9;
	s6 =	sadd.s32 @!p0 $0x88, s6;
	s7 =	simm.s32 @p2 $0x1082  }
0x22: {  	[simem:s7], [sflag:s8] =	dma.local @!p0 [hbm:s6], $0xF7A  }
0x23: {  	s9 =	sor.u32 $0xD0000000, s2;
	s6 =	simm.s32 $0x108;
	_ =	swait.ge @!p0 [sflag:s8], $0x0  }
0x24: {  	s3 =	sadd.s32 $0x88, s3;
	s6 =	simm.s32 @!p1 $0x1082;
	[sflag:s4] =	ssyncset.s32 $0xFFFFF086  }
0x25: {  	[simem:s6], [sflag:s4] =	dma.local [hbm:s3], $0xF7A  }
0x26: {  	[smem:$0x3F9E] =	sst s1;
	(tag) =	ssettag s2;
	_ =	strace s9  }
0x27: {  	s1 =	sld [smem:$0x3FAE]  }
0x28: {  	s2 =	sld [smem:$0x3FAF]  }
0x29: {  	s4 =	sld [smem:$0x3FB1]  }
0x2a: {  	p0 =	seq.s32 s5, $0x0;
	s5 =	sld [smem:$0x3FB2]  }
0x2b: {  	s6 =	sld [smem:$0x3FB3]  }
0x2c: {  	s7 =	sld [smem:$0x3FB4]  }
0x2d: {  	s3 =	simm.s32 $0x108;
	s8 =	sld [smem:$0x3FB5]  }
0x2e: {  	s3 =	simm.s32 @!p0 $0x1082;
	s9 =	sld [smem:$0x3FB6]  }
0x2f: {  	lr =	sadd.s32 s0, s3;
	s0 =	sld [smem:$0x3FAD]  }
0x30: {  	s3 =	sld [smem:$0x3FB0]  }
0x31: {  	[smem:$0x3FB9] =	sst s10  }
0x32: {  	s10 =	sld [smem:$0x3FB7];
	_ =	sdelay $0x3  }
0x33: {  	p0 =	seq.s32 s10, $0x1;
	s10 =	sld [smem:$0x3FB9];
	_ =	sdelay $0x3  }
0x34: {  	[smem:$0x3FB9] =	sst s10  }
0x35: {  	s10 =	sld [smem:$0x3FB8];
	_ =	sdelay $0x3  }
0x36: {  	p1 =	seq.s32 s10, $0x1;
	s10 =	sld [smem:$0x3FB9];
	_ =	sdelay $0x3  }
0x37: {  	[smem:$0x3FB9] =	sst s10  }
0x38: {  	s10 =	sld [smem:$0x3FBA]  }
0x39: {  	_ = 	snop;
	(pc) =	sbr.ind lr, $3  }
0x3a: {  	_ = 	snop  }
0x3b: {  	_ = 	snop  }
0x3c: {  	p2 =	seq.s32 s10, $0x1;
	s10 =	sld [smem:$0x3FB9]  }
0x3d: {  	_ =	shalt  }
0x3e: {  	_ =	shalt  }
0x3f: {  	_ =	shalt  }
0x40: {  	_ =	shalt  }
0x41: {  	_ =	shalt  }
0x42: {  	_ =	shalt  }
0x43: {  	_ =	shalt  }
0x44: {  	_ =	shalt  }
0x45: {  	_ =	shalt  }
0x46: {  	_ =	shalt  }
0x47: {  	_ =	shalt  }
0x48: {  	_ =	shalt  }
0x49: {  	_ =	shalt  }
0x4a: {  	_ =	shalt  }
0x4b: {  	_ =	shalt  }
0x4c: {  	_ =	shalt  }
0x4d: {  	_ =	shalt  }
0x4e: {  	_ =	shalt  }
0x4f: {  	_ =	shalt  }
0x50: {  	_ =	shalt  }
0x51: {  	_ =	shalt  }
0x52: {  	_ =	shalt  }
0x53: {  	_ =	shalt  }
0x54: {  	_ =	shalt  }
0x55: {  	_ =	shalt  }
0x56: {  	_ =	shalt  }
0x57: {  	_ =	shalt  }
0x58: {  	_ =	shalt  }
0x59: {  	_ =	shalt  }
0x5a: {  	_ =	shalt  }
0x5b: {  	_ =	shalt  }
0x5c: {  	_ =	shalt  }
0x5d: {  	_ =	shalt  }
0x5e: {  	_ =	shalt  }
0x5f: {  	_ =	shalt  }
0x60: {  	_ =	shalt  }
0x61: {  	_ =	shalt  }
0x62: {  	_ =	shalt  }
0x63: {  	_ =	shalt  }
0x64: {  	_ =	shalt  }
0x65: {  	_ =	shalt  }
0x66: {  	_ =	shalt  }
0x67: {  	_ =	shalt  }
0x68: {  	_ =	shalt  }
0x69: {  	_ =	shalt  }
0x6a: {  	_ =	shalt  }
0x6b: {  	_ =	shalt  }
0x6c: {  	_ =	shalt  }
0x6d: {  	_ =	shalt  }
0x6e: {  	_ =	shalt  }
0x6f: {  	_ =	shalt  }
0x70: {  	_ =	shalt  }
0x71: {  	_ =	shalt  }
0x72: {  	_ =	shalt  }
0x73: {  	_ =	shalt  }
0x74: {  	_ =	shalt  }
0x75: {  	_ =	shalt  }
0x76: {  	_ =	shalt  }
0x77: {  	_ =	shalt  }
0x78: {  	_ =	shalt  }
0x79: {  	_ =	shalt  }
0x7a: {  	_ =	shalt  }
0x7b: {  	_ =	shalt  }
0x7c: {  	_ =	shalt  }
0x7d: {  	_ =	shalt  }
0x7e: {  	_ =	shalt  }
0x7f: {  	_ =	shalt  }
0x80: {  	_ =	shalt  }
0x81: {  	_ =	shalt  }
0x82: {  	_ =	shalt  }
0x83: {  	_ =	shalt  }
0x84: {  	_ =	shalt  }
0x85: {  	_ =	shalt  }
0x86: {  	_ =	shalt  }
0x87: {  	_ =	shalt  }
.Lfunc_end0:
.L_simem_size_0:
called_computation_lowered:
.L_overlay_start_0:
0x88: {  	s2 =	sld [smem:$0x3FD9]  }
0x89: {  	s3 =	sld [smem:$0x3FFE];
	_ =	sdelay $0x1  }
0x8a: {  	s1 =	srdreg.scid  }
0x8b: {  	s0 =	sand.u32 $0x1, s1  }
0x8c: {  	s18 =	sshll.u32 s0, $0xA;
	s2 =	sadd.s32 s3, s2  }
0x8d: {  	s2 =	sadd.s32 s2, s18  }
0x8e: {  	[smem:$0x3FC5] =	sst s2  }
0x8f: {  	_ = 	snop  }
0x90: {  	s2 =	sld [smem:$0x3FC9]  }
0x91: {  	s19 =	sld [smem:$0x3FC8]  }
0x92: {  	s4 =	sld [smem:$0x3FC7]  }
0x93: {  	s5 =	sld [smem:$0x3FD0];
	(tm) =	ssettm $0x1  }
0x94: {  	s6 =	sld [smem:$0x3FFB];
	_ =	sdelay $0x3  }
0x95: {  	_ =	strace s6  }
0x96: {  	s6 =	sld [smem:$0x3FFC];
	_ =	sdelay $0x3  }
0x97: {  	_ =	strace s6  }
0x98: {  	s6 =	sld [smem:$0x3FFD];
	_ =	sdelay $0x3  }
0x99: {  	_ =	strace s6  }
0x9a: {  	_ =	strace $0x8FFFFFFF  }
0x9b: {  	s20 =	sld [smem:$0x3FDB];
	_ =	sdelay $0x1  }
0x9c: {  	s7 =	simm.s32 $_scs_section_size  }
0x9d: {  	s8 =	simm.s32 $_size__tile_overlayer_lowered;
	s9 =	simm.s32 $_tile_overlayer_lowered  }
0x9e: {  	s23 =	simm.s32 $0x1BFF;
	s22 =	sshll.u32 s9, $0x1;
	s6 =	sadd.s32 s7, s20  }
0x9f: {  	s10 =	simm.s32 $0x0;
	s21 =	sshll.u32 s8, $0x1;
	s8 =	sadd.s32 s22, s6  }
0xa0: {  	[timem:s10], [sflag:s23] =	dma.local [hbm:s8], s21  }
0xa1: {  	_ =	swait.ge [sflag:s23], s21  }
0xa2: {  	s7 =	ssub.s32 $0x0, s21;
	[sflag:s23] =	ssyncset.done $0x0  }
0xa3: {  	[sflag:s23] =	ssyncadd.s32 s7;
	_ =	sdelay $0x1  }
0xa4: {  	s24 =	simm.s32 $0x1B8B  }
0xa5: {  	_ =	swait.ge [sflag:s24], $0x1  }
0xa6: {  	[sflag:s24] =	ssyncset.done $0x0  }
0xa7: {  	s25 =	simm.s32 $0x1B8E;
	[sflag:s24] =	ssyncadd.s32 $0xFFFFFFFF  }
0xa8: {  	s26 =	simm.s32 $execute0_lowered;
	[smem:$0x3FD2] =	sst s25  }
0xa9: {  	s7 =	sshll.u32 s26, $0x1;
	_ =	strace $0x80000046;
	[dreg:$0x1] =	wrdreg $0xFFFFFFFF  }
0xaa: {  	s28 =	simm.s32 $_size_execute0_lowered;
	s6 =	sadd.s32 s6, s7;
	[dreg:$0x0] =	wrdreg $0x0  }
0xab: {  	s7 =	sshll.u32 s28, $0x1;
	[dreg:$0x2] =	wrdreg s6  }
0xac: {  	[dreg:$0x3] =	wrdreg s7  }
0xad: {  	[dreg:$0x4] =	wrdreg $0xC0  }
0xae: {  	_ =	task [dreg:s10], $0x5FFFF  }
0xaf: {  	[dreg:$0x1] =	wrdreg $0xFFFFFFFF  }
0xb0: {  	[dreg:$0x0] =	wrdreg $0x60  }
0xb1: {  	[dreg:$0x2] =	wrdreg s2  }
0xb2: {  	[dreg:$0x3] =	wrdreg s19  }
0xb3: {  	[dreg:$0x4] =	wrdreg s4  }
0xb4: {  	[dreg:$0x5] =	wrdreg s5  }
0xb5: {  	[dreg:$0x6] =	wrdreg $0x9  }
0xb6: {  	_ =	task.clear_ibuf [dreg:s10], $0x7FFFF;
	_ =	strace $0x90000046  }
0xb7: {  	s29 =	simm.s32 $0x9;
	_ =	strace $0x80000048  }
0xb8: {  	_ =	swait.ge [sflag:s29], $0x1  }
0xb9: {  	[sflag:s29] =	ssyncadd.s32 $0xFFFFFFFF  }
0xba: {  	_ =	strace $0x90000048  }
0xbb: {  	_ =	sfence  }
0xbc: {  	s30 =	sld [smem:$0x0];
	_ =	sdelay $0x2  }
0xbd: {  	s31 =	sshll.u32 s1, $0xD;
	s1 =	sshrl.u32 s1, $0x2  }
0xbe: {  	s3 =	sand.u32 $0x4000, s31;
	s1 =	sadd.s32 s1, s30  }
0xbf: {  	s0 =	sor.u32 s3, s0;
	s1 =	sshll.u32 s1, $0x11  }
0xc0: {  	s0 =	sor.u32 s1, s0  }
0xc1: {  	s0 =	sadd.s32 $0x8F2B, s0  }
0xc2: {  	[sflag:s0] =	ssyncadd.remote.s32 $0x1  }
0xc3: {  	_ =	sfence.sel $0xFFFF  }
0xc4: {  	[dreg:$0x0] =	wrdreg $0xFFFFFFFF;
	(pc) =	sbr.abs _section_cstart, $3  }
0xc5: {  	[dreg:$0x1] =	wrdreg $0xFFFFFFFF  }
0xc6: {  	_ =	task.clear_ibuf [dreg:s10], $0x2FFFF;
	_ =	strace $0x9FFFFFFF  }
0xc7: {  	(tm) =	ssettm $0x7FFFFFFF  }
tec
execute0_lowered:
.L_overlay_start_1:
0x0: {  	(tag) =	ssettag $0x1  }
0x1: {  	s0 =	rddreg [dreg:$0x0]  }
0x2: {  	s6 =	rddreg [dreg:$0x1]  }
0x3: {  	s1 =	rddreg [dreg:$0x2]  }
0x4: {  	s7 =	rddreg [dreg:$0x3];
	s2 =	srdreg.scid  }
0x5: {  	s4 =	stileid.u32;
	s8 =	simm.s32 $0x0;
	s2 =	sand.u32 $0x1, s2  }
0x6: {  	s4 =	sshll.u32 s4, $0x1;
	[smem:$0x7FF] =	sst s8;
	s25 =	sadd.s32 $0x200000, s7  }
0x7: {  	s30 =	sadd.s32 $0x100, s6;
	_ =	strace $0x80000047;
	[smem:$0x7F9] =	sst s25  }
0x8: {  	s3 =	ssub.s32 $0x2, s2;
	s2 =	sor.u32 s2, s4;
	[smem:$0x7FC] =	sst s30  }
0x9: {  	s5 =	sshrl.u32 s3, $0x1;
	s4 =	sshll.u32 s2, $0x5;
	s26 =	sshll.u32 s2, $0x7  }
0xa: {  	s28 =	sshll.u32 s2, $0xE;
	[smem:$0x7F8] =	sst s4;
	s0 =	sadd.s32 s0, s26  }
0xb: {  	v1 =	vlaneseq.u32;
	s3 =	ssub.s32 s3, s5;
	s29 =	sadd.s32 s1, s28;
	[smem:$0x7FA] =	sst s0  }
0xc: {  	v0 =	vimm.f32 $0.0e+00;
	v2 =	vshrl.u32 v1, $0x3;
	[smem:$0x7FB] =	sst s29;
	s31 =	smax.u32 s3, $0x1  }
0xd: {  	vm0 =	vmmov $0xffff;
	v1 =	vand.u32 $0x7, v1;
	v2 =	vmul.u32 $0x8, v2;
	p0 =	sne.s32 s2, $0x0;
	s2 =	simm.s32 $0x0;
	[smem:$0x7FD] =	sst s31  }
.LBB2_1:
.Ltmp0:
0xe: {  	(pc) =	sbr.rel @p0 .LBB2_5-.Ltmp0, $2  }
0xf: {  	_ =	sdelay $0x2  }
0x10: {  	[smem:$0x7F7] =	sst s2  }
0x11: {  	s0 =	sand.u32 $0x70, s8;
	s1 =	sand.u32 $0x3E00, s8  }
0x12: {  	s0 =	sor.u32 s0, s1  }
0x13: {  	s2 =	sadd.s32 $0x10400, s0;
	[tilespmem:s0+$0x10400] =	vst v0  }
0x14: {  	[tilespmem:s2+$0x180] =	vst v0  }
0x15: {  	s1 =	simm.s32 $0x0;
	s0 =	sadd.s32 $0x10, s8;
	[tilespmem:s2+$0x80] =	vst v0  }
.LBB2_3:
0x16: {  	s3 =	sand.u32 $0x70, s0;
	[tilespmem:s2+$0x100] =	vst v0;
	s1 =	sadd.s32 $0x40, s1;
	p1 =	sne.s32 s0, $0xFF0  }
.Ltmp1:
0x17: {  	s0 =	sadd.s32 $0x10, s0;
	s2 =	sand.u32 $0x3E00, s1;
	(pc) =	sbr.rel @p1 .LBB2_3-.Ltmp1, $4  }
0x18: {  	s3 =	sor.u32 s3, s2  }
0x19: {  	s2 =	sadd.s32 $0x10400, s3;
	[tilespmem:s3+$0x10400] =	vst v0  }
0x1a: {  	[tilespmem:s2+$0x180] =	vst v0  }
0x1b: {  	[tilespmem:s2+$0x80] =	vst v0  }
0x1c: {  	s0 =	sld [smem:$0x7F9];
	_ =	sdelay $0x1  }
0x1d: {  	[tilespmem:s2+$0x100] =	vst v0;
	s1 =	simm.s32 $0x10400;
	s31 =	simm.s32 $0x6  }
0x1e: {  	[hbm4b:s0+s8] =	stream.linear.scatter [tilespmem:s1], [sflag:$0x6], $0x4000, $0x38;
	[tilespmem:$0x18400] =	vst v63  }
0x1f: {  	_ =	swait.ge [sflag:s31], $0x4000  }
0x20: {  	[sflag:s31] =	ssyncset.done $0x0  }
0x21: {  	[sflag:s31] =	ssyncadd.s32 $0xFFFFC000  }
.LBB2_5:
0x22: {  	s0 =	sld [smem:$0x7FA];
	_ =	sdelay $0x1  }
0x23: {  	s3 =	simm.s32 $0x0;
	s20 =	simm.s32 $0x6  }
0x24: {  	[tilespmem:s3], [sflag:$0x6] =	stream.linear.gather [hbm4b:s0+s3], $0x400, $0x38;
	[tilespmem:$0x18400] =	vst v63  }
0x25: {  	_ =	swait.ge [sflag:s20], $0x400  }
0x26: {  	s21 =	sld [smem:$0x7FB]  }
0x27: {  	[sflag:s20] =	ssyncset.done $0x0  }
0x28: {  	s1 =	simm.s32 $0x400;
	[sflag:s20] =	ssyncadd.s32 $0xFFFFFC00  }
0x29: {  	[tilespmem:s1], [sflag:$0x5] =	stream.linear.gather [hbm4b:s21+s3], $0x8000, $0x38;
	[tilespmem:$0x18400] =	vst v63  }
0x2a: {  	v3 =	vld.msk [tilespmem:$0x0], $0xff;
	_ =	sdelay $0x4  }
0x2b: {  	v4 =	vshll.u32 v3, $0x2  }
0x2c: {  	v3 =	vand.u32 $0x7, v3;
	v4 =	vand.u32 $0xFFFFFFE0, v4  }
0x2d: {  	v3 =	vor.u32 v3, v4  }
0x2e: {  	v3 =	vperm.xlane v3, v1;
	_ =	sdelay $0x1  }
0x2f: {  	v3 =	vadd.s32 v2, v3;
	_ =	sdelay $0x2  }
0x30: {  	s24 =	sld [smem:$0x7FC]  }
0x31: {  	s23 =	simm.s32 $0x8400;
	s22 =	rddreg [dreg:$0x1]  }
0x32: {  	[tilespmem:s23], [sflag:$0x1] =	stream.indirect_vreg.gather [hbm4b:s22+s3], $0x80, v3, vm0, $0xb8;
	[tilespmem:$0x18400] =	vst v63  }
0x33: {  	s2 =	simm.s32 $0x8C00  }
0x34: {  	[tilespmem:s2], [sflag:$0x1] =	stream.indirect_vreg.gather [hbm4b:s24+s3], $0x80, v3, vm0, $0xb8;
	[tilespmem:$0x18400] =	vst v63  }
0x35: {  	v3 =	vld.msk [tilespmem:$0x80], $0xff;
	_ =	sdelay $0x4  }
0x36: {  	v61 =	vshll.u32 v3, $0x2  }
0x37: {  	v3 =	vand.u32 $0x7, v3;
	v4 =	vand.u32 $0xFFFFFFE0, v61  }
0x38: {  	v3 =	vor.u32 v3, v4  }
0x39: {  	v3 =	vperm.xlane v3, v1;
	_ =	sdelay $0x1  }
0x3a: {  	v3 =	vadd.s32 v2, v3;
	_ =	sdelay $0x3  }
0x3b: {  	s25 =	simm.s32 $0x9400  }
0x3c: {  	[tilespmem:s25], [sflag:$0x1] =	stream.indirect_vreg.gather [hbm4b:s22+s3], $0x80, v3, vm0, $0xb8;
	[tilespmem:$0x18400] =	vst v63  }
0x3d: {  	s26 =	simm.s32 $0x9C00  }
0x3e: {  	[tilespmem:s26], [sflag:$0x1] =	stream.indirect_vreg.gather [hbm4b:s24+s3], $0x80, v3, vm0, $0xb8;
	[tilespmem:$0x18400] =	vst v63  }
0x3f: {  	v3 =	vld.msk [tilespmem:$0x100], $0xff;
	_ =	sdelay $0x4  }
0x40: {  	v62 =	vshll.u32 v3, $0x2  }
0x41: {  	v3 =	vand.u32 $0x7, v3;
	v4 =	vand.u32 $0xFFFFFFE0, v62  }
0x42: {  	v3 =	vor.u32 v3, v4  }
0x43: {  	v3 =	vperm.xlane v3, v1;
	_ =	sdelay $0x1  }
0x44: {  	v3 =	vadd.s32 v2, v3;
	_ =	sdelay $0x3  }
0x45: {  	s28 =	simm.s32 $0xA400  }
0x46: {  	[tilespmem:s28], [sflag:$0x1] =	stream.indirect_vreg.gather [hbm4b:s22+s3], $0x80, v3, vm0, $0xb8;
	[tilespmem:$0x18400] =	vst v63  }
0x47: {  	s29 =	simm.s32 $0xAC00  }
0x48: {  	[tilespmem:s29], [sflag:$0x1] =	stream.indirect_vreg.gather [hbm4b:s24+s3], $0x80, v3, vm0, $0xb8;
	[tilespmem:$0x18400] =	vst v63  }
0x49: {  	v3 =	vld.msk [tilespmem:$0x180], $0xff;
	_ =	sdelay $0x4  }
0x4a: {  	v63 =	vshll.u32 v3, $0x2  }
0x4b: {  	v3 =	vand.u32 $0x7, v3;
	v4 =	vand.u32 $0xFFFFFFE0, v63  }
0x4c: {  	v3 =	vor.u32 v3, v4  }
0x4d: {  	v3 =	vperm.xlane v3, v1;
	_ =	sdelay $0x1  }
0x4e: {  	v3 =	vadd.s32 v2, v3;
	_ =	sdelay $0x3  }
0x4f: {  	s30 =	simm.s32 $0xB400  }
0x50: {  	[tilespmem:s30], [sflag:$0x1] =	stream.indirect_vreg.gather [hbm4b:s22+s3], $0x80, v3, vm0, $0xb8;
	[tilespmem:$0x18400] =	vst v63  }
0x51: {  	s31 =	simm.s32 $0xBC00;
	s4 =	simm.s32 $0x0  }
0x52: {  	[tilespmem:s31], [sflag:$0x1] =	stream.indirect_vreg.gather [hbm4b:s24+s3], $0x80, v3, vm0, $0xb8;
	[tilespmem:$0x18400] =	vst v63  }
.LBB2_6:
0x53: {  	s0 =	sshllo.u32 s4, $0x1  }
0x54: {  	s1 =	sshll.u32 s4, $0x6;
	[smem:$0x7F4] =	sst s0;
	s0 =	sshll.u32 s0, $0x3  }
0x55: {  	s1 =	sand.u32 $0x200, s1;
	s0 =	sand.u32 $0x78, s0  }
0x56: {  	s0 =	sor.u32 s0, s1  }
0x57: {  	v3 =	vld.msk [tilespmem:s0+$0x0], $0xff;
	_ =	sdelay $0x4  }
0x58: {  	v4 =	vshll.u32 v3, $0x2  }
0x59: {  	v3 =	vand.u32 $0x7, v3;
	v4 =	vand.u32 $0xFFFFFFE0, v4  }
0x5a: {  	v3 =	vor.u32 v3, v4  }
0x5b: {  	v3 =	vperm.xlane v3, v1;
	_ =	sdelay $0x1  }
0x5c: {  	v3 =	vadd.s32 v2, v3;
	_ =	sdelay $0x2  }
0x5d: {  	s2 =	rddreg [dreg:$0x1]  }
0x5e: {  	s19 =	simm.s32 $0xC400;
	s3 =	sld [smem:$0x7FC]  }
0x5f: {  	[tilespmem:s19], [sflag:$0x2] =	stream.indirect_vreg.gather [hbm4b:s2+s8], $0x80, v3, vm0, $0xb8;
	[tilespmem:$0x18400] =	vst v63  }
0x60: {  	s20 =	simm.s32 $0xCC00;
	s21 =	sor.u32 $0x80, s0  }
0x61: {  	[tilespmem:s20], [sflag:$0x2] =	stream.indirect_vreg.gather [hbm4b:s3+s8], $0x80, v3, vm0, $0xb8;
	[tilespmem:$0x18400] =	vst v63  }
0x62: {  	v3 =	vld.msk [tilespmem:s21+$0x0], $0xff;
	_ =	sdelay $0x4  }
0x63: {  	v4 =	vshll.u32 v3, $0x2  }
0x64: {  	v3 =	vand.u32 $0x7, v3;
	v4 =	vand.u32 $0xFFFFFFE0, v4  }
0x65: {  	v3 =	vor.u32 v3, v4  }
0x66: {  	v3 =	vperm.xlane v3, v1;
	_ =	sdelay $0x1  }
0x67: {  	v3 =	vadd.s32 v2, v3;
	_ =	sdelay $0x3  }
0x68: {  	s22 =	simm.s32 $0xD400  }
0x69: {  	[tilespmem:s22], [sflag:$0x2] =	stream.indirect_vreg.gather [hbm4b:s2+s8], $0x80, v3, vm0, $0xb8;
	[tilespmem:$0x18400] =	vst v63  }
0x6a: {  	s23 =	simm.s32 $0xDC00;
	s24 =	sor.u32 $0x100, s0  }
0x6b: {  	[tilespmem:s23], [sflag:$0x2] =	stream.indirect_vreg.gather [hbm4b:s3+s8], $0x80, v3, vm0, $0xb8;
	[tilespmem:$0x18400] =	vst v63  }
0x6c: {  	v3 =	vld.msk [tilespmem:s24+$0x0], $0xff;
	_ =	sdelay $0x4  }
0x6d: {  	v4 =	vshll.u32 v3, $0x2  }
0x6e: {  	v3 =	vand.u32 $0x7, v3;
	v4 =	vand.u32 $0xFFFFFFE0, v4  }
0x6f: {  	v3 =	vor.u32 v3, v4  }
0x70: {  	v3 =	vperm.xlane v3, v1;
	_ =	sdelay $0x1  }
0x71: {  	v3 =	vadd.s32 v2, v3;
	_ =	sdelay $0x3  }
0x72: {  	s25 =	simm.s32 $0xE400  }
0x73: {  	[tilespmem:s25], [sflag:$0x2] =	stream.indirect_vreg.gather [hbm4b:s2+s8], $0x80, v3, vm0, $0xb8;
	[tilespmem:$0x18400] =	vst v63  }
0x74: {  	s26 =	simm.s32 $0xEC00;
	s0 =	sor.u32 $0x180, s0  }
0x75: {  	[tilespmem:s26], [sflag:$0x2] =	stream.indirect_vreg.gather [hbm4b:s3+s8], $0x80, v3, vm0, $0xb8;
	[tilespmem:$0x18400] =	vst v63  }
0x76: {  	v3 =	vld.msk [tilespmem:s0+$0x0], $0xff;
	_ =	sdelay $0x4  }
0x77: {  	v4 =	vshll.u32 v3, $0x2  }
0x78: {  	v3 =	vand.u32 $0x7, v3;
	v4 =	vand.u32 $0xFFFFFFE0, v4  }
0x79: {  	v3 =	vor.u32 v3, v4  }
0x7a: {  	v3 =	vperm.xlane v3, v1;
	_ =	sdelay $0x1  }
0x7b: {  	v3 =	vadd.s32 v2, v3;
	_ =	sdelay $0x1  }
0x7c: {  	s6 =	sshll.u32 s4, $0x1  }
0x7d: {  	s9 =	sand.u32 $0x6, s6  }
0x7e: {  	s5 =	simm.s32 $0xF400;
	p1 =	sne.s32 s9, $0x0  }
0x7f: {  	[tilespmem:s5], [sflag:$0x2] =	stream.indirect_vreg.gather [hbm4b:s2+s8], $0x80, v3, vm0, $0xb8;
	[tilespmem:$0x18400] =	vst v63  }
0x80: {  	s7 =	simm.s32 $0xFC00;
	[smem:$0x7F5] =	sst s6;
	s1 =	simm.s32 @!p1 $0x5  }
0x81: {  	[tilespmem:s7], [sflag:$0x2] =	stream.indirect_vreg.gather [hbm4b:s3+s8], $0x80, v3, vm0, $0xb8;
	[tilespmem:$0x18400] =	vst v63  }
0x82: {  	_ =	swait.ge @!p1 [sflag:s1], $0x8000  }
0x83: {  	p2 =	seq.s32 s4, $0x0;
	s0 =	sshll.u32 s9, $0xC;
	[sflag:s1] =	ssyncset.done @!p1 $0x0  }
0x84: {  	[smem:$0x7F6] =	sst s4;
	[sflag:s1] =	ssyncadd.s32 @!p1 $0xFFFF8000;
	s1 =	simm.s32 @!p2 $0x3  }
0x85: {  	s0 =	sor.u32 $0x400, s0;
	_ =	swait.ge @!p2 [sflag:s1], $0x4000  }
0x86: {  	s10 =	simm.s32 $0x1;
	v3 =	vmov s0;
	[sflag:s1] =	ssyncset.done @!p2 $0x0  }
0x87: {  	s11 =	simm.s32 $0x1;
	s9 =	simm.s32 $0x0;
	[sflag:s1] =	ssyncadd.s32 @!p2 $0xFFFFC000  }
0x88: {  	s12 =	simm.s32 $0x80;
	s13 =	sand.u32 $0x3000, s9;
	_ =	swait.ge [sflag:s10], $0x4000  }
0x89: {  	s14 =	sor.u32 $0x8400, s13;
	s0 =	sand.u32 $0x7, s11;
	[sflag:s10] =	ssyncset.done $0x0  }
0x8a: {  	s2 =	sshll.u32 s0, $0x7;
	s1 =	sand.u32 $0x380, s12;
	[sflag:s10] =	ssyncadd.s32 $0xFFFFC000  }
0x8b: {  	s5 =	sor.u32 s1, s14;
	v4 =	vld.idx.msk [tilespmem:v3+s2+$0x0 ss:$0x1], $0xffff  }
0x8c: {  	v5 =	vld [tilespmem:s5+$0x0];
	_ =	sdelay $0x4  }
0x8d: {  	s15 =	sand.u32 $0x180, s9;
	s0 =	sshll.u32 s0, $0xB;
	v4 =	vadd.f32 v4, v5  }
0x8e: {  	s13 =	sor.u32 s15, s0  }
0x8f: {  	[tilespmem:s13+$0x10400] =	vst v4  }
0x90: {  	v4 =	vld.idx.msk [tilespmem:v3+s2+$0x10 ss:$0x1], $0xffff  }
0x91: {  	v5 =	vld [tilespmem:s5+$0x10];
	_ =	sdelay $0x1  }
0x92: {  	s16 =	simm.s32 $0x0  }
0x93: {  	s17 =	simm.s32 $0x0;
	s6 =	sand.u32 $0x6, s16  }
0x94: {  	s0 =	sshll.u32 s6, $0x7;
	s4 =	sand.u32 $0x300, s17  }
0x95: {  	s4 =	sor.u32 s4, s14;
	v6 =	vld.idx.msk [tilespmem:v3+s0+$0x0 ss:$0x1], $0xffff;
	v4 =	vadd.f32 v4, v5  }
0x96: {  	v5 =	vld [tilespmem:s4+$0x0]  }
0x97: {  	[tilespmem:s13+$0x10410] =	vst v4  }
0x98: {  	v4 =	vld.idx.msk [tilespmem:v3+s2+$0x20 ss:$0x1], $0xffff  }
0x99: {  	v7 =	vld [tilespmem:s5+$0x20];
	_ =	sdelay $0x1  }
0x9a: {  	s18 =	sshll.u32 s6, $0xB;
	v5 =	vadd.f32 v6, v5  }
0x9b: {  	s17 =	sor.u32 s15, s18  }
0x9c: {  	[tilespmem:s17+$0x10400] =	vst v5  }
0x9d: {  	v5 =	vld.idx.msk [tilespmem:v3+s0+$0x10 ss:$0x1], $0xffff;
	v4 =	vadd.f32 v4, v7  }
0x9e: {  	v6 =	vld [tilespmem:s4+$0x10]  }
0x9f: {  	[tilespmem:s13+$0x10420] =	vst v4  }
0xa0: {  	v4 =	vld.idx.msk [tilespmem:v3+s2+$0x30 ss:$0x1], $0xffff  }
0xa1: {  	v7 =	vld [tilespmem:s5+$0x30];
	_ =	sdelay $0x1  }
0xa2: {  	v5 =	vadd.f32 v5, v6;
	_ =	sdelay $0x1  }
0xa3: {  	[tilespmem:s17+$0x10410] =	vst v5  }
0xa4: {  	v5 =	vld.idx.msk [tilespmem:v3+s0+$0x20 ss:$0x1], $0xffff;
	v4 =	vadd.f32 v4, v7  }
0xa5: {  	v6 =	vld [tilespmem:s4+$0x20]  }
0xa6: {  	[tilespmem:s13+$0x10430] =	vst v4  }
0xa7: {  	v4 =	vld.idx.msk [tilespmem:v3+s2+$0x40 ss:$0x1], $0xffff  }
0xa8: {  	v7 =	vld [tilespmem:s5+$0x40];
	_ =	sdelay $0x1  }
0xa9: {  	v5 =	vadd.f32 v5, v6;
	_ =	sdelay $0x1  }
0xaa: {  	[tilespmem:s17+$0x10420] =	vst v5  }
0xab: {  	v5 =	vld.idx.msk [tilespmem:v3+s0+$0x30 ss:$0x1], $0xffff;
	v4 =	vadd.f32 v4, v7  }
0xac: {  	v6 =	vld [tilespmem:s4+$0x30]  }
0xad: {  	[tilespmem:s13+$0x10440] =	vst v4  }
0xae: {  	v4 =	vld.idx.msk [tilespmem:v3+s2+$0x50 ss:$0x1], $0xffff  }
0xaf: {  	v7 =	vld [tilespmem:s5+$0x50];
	_ =	sdelay $0x1  }
0xb0: {  	v5 =	vadd.f32 v5, v6;
	_ =	sdelay $0x1  }
0xb1: {  	[tilespmem:s17+$0x10430] =	vst v5  }
0xb2: {  	v5 =	vld.idx.msk [tilespmem:v3+s0+$0x40 ss:$0x1], $0xffff;
	v4 =	vadd.f32 v4, v7  }
0xb3: {  	v6 =	vld [tilespmem:s4+$0x40]  }
0xb4: {  	[tilespmem:s13+$0x10450] =	vst v4  }
0xb5: {  	v4 =	vld.idx.msk [tilespmem:v3+s2+$0x60 ss:$0x1], $0xffff  }
0xb6: {  	v7 =	vld [tilespmem:s5+$0x60];
	_ =	sdelay $0x1  }
0xb7: {  	v5 =	vadd.f32 v5, v6;
	_ =	sdelay $0x1  }
0xb8: {  	[tilespmem:s17+$0x10440] =	vst v5  }
0xb9: {  	v5 =	vld.idx.msk [tilespmem:v3+s0+$0x50 ss:$0x1], $0xffff;
	v4 =	vadd.f32 v4, v7  }
0xba: {  	v6 =	vld [tilespmem:s4+$0x50]  }
0xbb: {  	[tilespmem:s13+$0x10460] =	vst v4  }
0xbc: {  	v4 =	vld.idx.msk [tilespmem:v3+s2+$0x70 ss:$0x1], $0xffff  }
0xbd: {  	v7 =	vld [tilespmem:s5+$0x70];
	_ =	sdelay $0x1  }
0xbe: {  	v5 =	vadd.f32 v5, v6;
	_ =	sdelay $0x1  }
0xbf: {  	[tilespmem:s17+$0x10450] =	vst v5  }
0xc0: {  	v5 =	vld.idx.msk [tilespmem:v3+s0+$0x60 ss:$0x1], $0xffff;
	v4 =	vadd.f32 v4, v7  }
0xc1: {  	v6 =	vld [tilespmem:s4+$0x60]  }
0xc2: {  	[tilespmem:s13+$0x10470] =	vst v4  }
0xc3: {  	v4 =	vld.idx.msk [tilespmem:v3+s2+$0x400 ss:$0x1], $0xffff  }
0xc4: {  	v7 =	vld [tilespmem:s5+$0x400];
	_ =	sdelay $0x1  }
0xc5: {  	v5 =	vadd.f32 v5, v6;
	_ =	sdelay $0x1  }
0xc6: {  	[tilespmem:s17+$0x10460] =	vst v5  }
0xc7: {  	v5 =	vld.idx.msk [tilespmem:v3+s0+$0x70 ss:$0x1], $0xffff;
	v4 =	vadd.f32 v4, v7  }
0xc8: {  	v6 =	vld [tilespmem:s4+$0x70]  }
0xc9: {  	[tilespmem:s13+$0x10600] =	vst v4  }
0xca: {  	v4 =	vld.idx.msk [tilespmem:v3+s2+$0x410 ss:$0x1], $0xffff  }
0xcb: {  	v7 =	vld [tilespmem:s5+$0x410];
	_ =	sdelay $0x1  }
0xcc: {  	v5 =	vadd.f32 v5, v6;
	_ =	sdelay $0x1  }
0xcd: {  	[tilespmem:s17+$0x10470] =	vst v5  }
0xce: {  	v5 =	vld.idx.msk [tilespmem:v3+s0+$0x400 ss:$0x1], $0xffff;
	v4 =	vadd.f32 v4, v7  }
0xcf: {  	v6 =	vld [tilespmem:s4+$0x400]  }
0xd0: {  	[tilespmem:s13+$0x10610] =	vst v4  }
0xd1: {  	v4 =	vld.idx.msk [tilespmem:v3+s2+$0x420 ss:$0x1], $0xffff  }
0xd2: {  	v7 =	vld [tilespmem:s5+$0x420];
	_ =	sdelay $0x1  }
0xd3: {  	v5 =	vadd.f32 v5, v6;
	_ =	sdelay $0x1  }
0xd4: {  	[tilespmem:s17+$0x10600] =	vst v5  }
0xd5: {  	v5 =	vld.idx.msk [tilespmem:v3+s0+$0x410 ss:$0x1], $0xffff;
	v4 =	vadd.f32 v4, v7  }
0xd6: {  	v6 =	vld [tilespmem:s4+$0x410]  }
0xd7: {  	[tilespmem:s13+$0x10620] =	vst v4  }
0xd8: {  	v4 =	vld.idx.msk [tilespmem:v3+s2+$0x430 ss:$0x1], $0xffff  }
0xd9: {  	v7 =	vld [tilespmem:s5+$0x430];
	_ =	sdelay $0x1  }
0xda: {  	v5 =	vadd.f32 v5, v6;
	_ =	sdelay $0x1  }
0xdb: {  	[tilespmem:s17+$0x10610] =	vst v5  }
0xdc: {  	v5 =	vld.idx.msk [tilespmem:v3+s0+$0x420 ss:$0x1], $0xffff;
	v4 =	vadd.f32 v4, v7  }
0xdd: {  	v6 =	vld [tilespmem:s4+$0x420]  }
0xde: {  	[tilespmem:s13+$0x10630] =	vst v4  }
0xdf: {  	v4 =	vld.idx.msk [tilespmem:v3+s2+$0x440 ss:$0x1], $0xffff  }
0xe0: {  	v7 =	vld [tilespmem:s5+$0x440];
	_ =	sdelay $0x1  }
0xe1: {  	v5 =	vadd.f32 v5, v6;
	_ =	sdelay $0x1  }
0xe2: {  	[tilespmem:s17+$0x10620] =	vst v5  }
0xe3: {  	v5 =	vld.idx.msk [tilespmem:v3+s0+$0x430 ss:$0x1], $0xffff;
	v4 =	vadd.f32 v4, v7  }
0xe4: {  	v6 =	vld [tilespmem:s4+$0x430]  }
0xe5: {  	[tilespmem:s13+$0x10640] =	vst v4  }
0xe6: {  	v4 =	vld.idx.msk [tilespmem:v3+s2+$0x450 ss:$0x1], $0xffff  }
0xe7: {  	v7 =	vld [tilespmem:s5+$0x450];
	_ =	sdelay $0x1  }
0xe8: {  	v5 =	vadd.f32 v5, v6;
	_ =	sdelay $0x1  }
0xe9: {  	[tilespmem:s17+$0x10630] =	vst v5  }
0xea: {  	v5 =	vld.idx.msk [tilespmem:v3+s0+$0x440 ss:$0x1], $0xffff;
	v4 =	vadd.f32 v4, v7  }
0xeb: {  	v6 =	vld [tilespmem:s4+$0x440]  }
0xec: {  	s19 =	simm.s32 $0x2;
	s21 =	simm.s32 $0x3;
	s22 =	simm.s32 $0x400;
	[tilespmem:s13+$0x10650] =	vst v4  }
0xed: {  	s23 =	simm.s32 $0x180;
	s7 =	sand.u32 $0x7, s21;
	s6 =	sand.u32 $0x3000, s22;
	v4 =	vld.idx.msk [tilespmem:v3+s2+$0x460 ss:$0x1], $0xffff  }
0xee: {  	s3 =	sand.u32 $0x380, s23;
	s20 =	sshll.u32 s7, $0x7;
	s6 =	sor.u32 $0x8400, s6;
	v7 =	vld [tilespmem:s5+$0x460]  }
0xef: {  	s24 =	sand.u32 $0x6, s19;
	s25 =	simm.s32 $0x100;
	s3 =	sor.u32 s3, s6;
	v8 =	vld.idx.msk [tilespmem:v3+s20+$0x0 ss:$0x1], $0xffff  }
0xf0: {  	s21 =	sshll.u32 s24, $0x7;
	s1 =	sand.u32 $0x300, s25;
	v5 =	vadd.f32 v5, v6;
	v6 =	vld [tilespmem:s3+$0x0]  }
0xf1: {  	s1 =	sor.u32 s1, s6;
	v9 =	vld.idx.msk [tilespmem:v3+s21+$0x0 ss:$0x1], $0xffff  }
0xf2: {  	[tilespmem:s17+$0x10640] =	vst v5;
	v5 =	vld [tilespmem:s1+$0x0]  }
0xf3: {  	v10 =	vld.idx.msk [tilespmem:v3+s0+$0x450 ss:$0x1], $0xffff;
	v4 =	vadd.f32 v4, v7  }
0xf4: {  	s26 =	simm.s32 $0x20;
	v7 =	vld [tilespmem:s4+$0x450]  }
0xf5: {  	s7 =	sshll.u32 s7, $0xB;
	s6 =	sand.u32 $0x180, s26;
	v6 =	vadd.f32 v8, v6;
	[tilespmem:s13+$0x10660] =	vst v4  }
0xf6: {  	s7 =	sor.u32 s6, s7;
	v4 =	vld.idx.msk [tilespmem:v3+s2+$0x470 ss:$0x1], $0xffff  }
0xf7: {  	s8 =	sshll.u32 s24, $0xB;
	v5 =	vadd.f32 v9, v5;
	[tilespmem:s7+$0x10400] =	vst v6;
	v6 =	vld [tilespmem:s5+$0x470]  }
0xf8: {  	s6 =	sor.u32 s6, s8;
	v8 =	vld.idx.msk [tilespmem:v3+s20+$0x10 ss:$0x1], $0xffff  }
0xf9: {  	v7 =	vadd.f32 v10, v7;
	[tilespmem:s6+$0x10400] =	vst v5;
	v5 =	vld [tilespmem:s3+$0x10]  }
0xfa: {  	v9 =	vld.idx.msk [tilespmem:v3+s21+$0x10 ss:$0x1], $0xffff  }
0xfb: {  	[tilespmem:s17+$0x10650] =	vst v7;
	v7 =	vld [tilespmem:s1+$0x10]  }
0xfc: {  	v10 =	vld.idx.msk [tilespmem:v3+s0+$0x460 ss:$0x1], $0xffff;
	v4 =	vadd.f32 v4, v6  }
0xfd: {  	v6 =	vld [tilespmem:s4+$0x460]  }
0xfe: {  	v5 =	vadd.f32 v8, v5;
	[tilespmem:s13+$0x10670] =	vst v4  }
0xff: {  	v4 =	vld.idx.msk [tilespmem:v3+s2+$0x800 ss:$0x1], $0xffff  }
0x100: {  	v7 =	vadd.f32 v9, v7;
	[tilespmem:s7+$0x10410] =	vst v5;
	v5 =	vld [tilespmem:s5+$0x800]  }
0x101: {  	v8 =	vld.idx.msk [tilespmem:v3+s20+$0x20 ss:$0x1], $0xffff  }
0x102: {  	v6 =	vadd.f32 v10, v6;
	[tilespmem:s6+$0x10410] =	vst v7;
	v7 =	vld [tilespmem:s3+$0x20]  }
0x103: {  	v9 =	vld.idx.msk [tilespmem:v3+s21+$0x20 ss:$0x1], $0xffff  }
0x104: {  	[tilespmem:s17+$0x10660] =	vst v6;
	v6 =	vld [tilespmem:s1+$0x20]  }
0x105: {  	v10 =	vld.idx.msk [tilespmem:v3+s0+$0x470 ss:$0x1], $0xffff;
	v4 =	vadd.f32 v4, v5  }
0x106: {  	v5 =	vld [tilespmem:s4+$0x470]  }
0x107: {  	v7 =	vadd.f32 v8, v7;
	[tilespmem:s13+$0x10800] =	vst v4  }
0x108: {  	v4 =	vld.idx.msk [tilespmem:v3+s2+$0x810 ss:$0x1], $0xffff  }
0x109: {  	v6 =	vadd.f32 v9, v6;
	[tilespmem:s7+$0x10420] =	vst v7;
	v7 =	vld [tilespmem:s5+$0x810]  }
0x10a: {  	v8 =	vld.idx.msk [tilespmem:v3+s20+$0x30 ss:$0x1], $0xffff  }
0x10b: {  	v5 =	vadd.f32 v10, v5;
	[tilespmem:s6+$0x10420] =	vst v6;
	v6 =	vld [tilespmem:s3+$0x30]  }
0x10c: {  	v9 =	vld.idx.msk [tilespmem:v3+s21+$0x30 ss:$0x1], $0xffff  }
0x10d: {  	[tilespmem:s17+$0x10670] =	vst v5;
	v5 =	vld [tilespmem:s1+$0x30]  }
0x10e: {  	v4 =	vadd.f32 v4, v7  }
0x10f: {  	v10 =	vld.idx.msk [tilespmem:v3+s0+$0x800 ss:$0x1], $0xffff  }
0x110: {  	v7 =	vld [tilespmem:s4+$0x800];
	v6 =	vadd.f32 v8, v6;
	[tilespmem:s13+$0x10810] =	vst v4  }
0x111: {  	v4 =	vld.idx.msk [tilespmem:v3+s2+$0x820 ss:$0x1], $0xffff  }
0x112: {  	v5 =	vadd.f32 v9, v5;
	[tilespmem:s7+$0x10430] =	vst v6;
	v6 =	vld [tilespmem:s5+$0x820]  }
0x113: {  	v8 =	vld.idx.msk [tilespmem:v3+s20+$0x40 ss:$0x1], $0xffff  }
0x114: {  	[tilespmem:s6+$0x10430] =	vst v5;
	v5 =	vld [tilespmem:s3+$0x40]  }
0x115: {  	v7 =	vadd.f32 v10, v7;
	v9 =	vld.idx.msk [tilespmem:v3+s21+$0x40 ss:$0x1], $0xffff  }
0x116: {  	v10 =	vld [tilespmem:s1+$0x40]  }
0x117: {  	[tilespmem:s17+$0x10800] =	vst v7;
	v4 =	vadd.f32 v4, v6  }
0x118: {  	v7 =	vld.idx.msk [tilespmem:v3+s0+$0x810 ss:$0x1], $0xffff  }
0x119: {  	v6 =	vld [tilespmem:s4+$0x810];
	v5 =	vadd.f32 v8, v5;
	[tilespmem:s13+$0x10820] =	vst v4  }
0x11a: {  	v4 =	vld.idx.msk [tilespmem:v3+s2+$0x830 ss:$0x1], $0xffff  }
0x11b: {  	v8 =	vadd.f32 v9, v10;
	[tilespmem:s7+$0x10440] =	vst v5;
	v5 =	vld [tilespmem:s5+$0x830]  }
0x11c: {  	v9 =	vld.idx.msk [tilespmem:v3+s20+$0x50 ss:$0x1], $0xffff  }
0x11d: {  	[tilespmem:s6+$0x10440] =	vst v8;
	v8 =	vld [tilespmem:s3+$0x50]  }
0x11e: {  	v6 =	vadd.f32 v7, v6;
	v7 =	vld.idx.msk [tilespmem:v3+s21+$0x50 ss:$0x1], $0xffff  }
0x11f: {  	v10 =	vld [tilespmem:s1+$0x50]  }
0x120: {  	[tilespmem:s17+$0x10810] =	vst v6;
	v4 =	vadd.f32 v4, v5  }
0x121: {  	v6 =	vld.idx.msk [tilespmem:v3+s0+$0x820 ss:$0x1], $0xffff  }
0x122: {  	v5 =	vld [tilespmem:s4+$0x820];
	v8 =	vadd.f32 v9, v8;
	[tilespmem:s13+$0x10830] =	vst v4  }
0x123: {  	v4 =	vld.idx.msk [tilespmem:v3+s2+$0x840 ss:$0x1], $0xffff  }
0x124: {  	v7 =	vadd.f32 v7, v10;
	[tilespmem:s7+$0x10450] =	vst v8;
	v8 =	vld [tilespmem:s5+$0x840]  }
0x125: {  	v9 =	vld.idx.msk [tilespmem:v3+s20+$0x60 ss:$0x1], $0xffff  }
0x126: {  	[tilespmem:s6+$0x10450] =	vst v7;
	v7 =	vld [tilespmem:s3+$0x60]  }
0x127: {  	v5 =	vadd.f32 v6, v5;
	v6 =	vld.idx.msk [tilespmem:v3+s21+$0x60 ss:$0x1], $0xffff  }
0x128: {  	v10 =	vld [tilespmem:s1+$0x60]  }
0x129: {  	[tilespmem:s17+$0x10820] =	vst v5;
	v4 =	vadd.f32 v4, v8  }
0x12a: {  	v5 =	vld.idx.msk [tilespmem:v3+s0+$0x830 ss:$0x1], $0xffff  }
0x12b: {  	v8 =	vld [tilespmem:s4+$0x830];
	v7 =	vadd.f32 v9, v7;
	[tilespmem:s13+$0x10840] =	vst v4  }
0x12c: {  	v4 =	vld.idx.msk [tilespmem:v3+s2+$0x850 ss:$0x1], $0xffff  }
0x12d: {  	v6 =	vadd.f32 v6, v10;
	[tilespmem:s7+$0x10460] =	vst v7;
	v7 =	vld [tilespmem:s5+$0x850]  }
0x12e: {  	v9 =	vld.idx.msk [tilespmem:v3+s20+$0x70 ss:$0x1], $0xffff  }
0x12f: {  	[tilespmem:s6+$0x10460] =	vst v6;
	v6 =	vld [tilespmem:s3+$0x70]  }
0x130: {  	v5 =	vadd.f32 v5, v8;
	v8 =	vld.idx.msk [tilespmem:v3+s21+$0x70 ss:$0x1], $0xffff  }
0x131: {  	v10 =	vld [tilespmem:s1+$0x70]  }
0x132: {  	[tilespmem:s17+$0x10830] =	vst v5;
	v4 =	vadd.f32 v4, v7  }
0x133: {  	v5 =	vld.idx.msk [tilespmem:v3+s0+$0x840 ss:$0x1], $0xffff  }
0x134: {  	v7 =	vld [tilespmem:s4+$0x840];
	v6 =	vadd.f32 v9, v6;
	[tilespmem:s13+$0x10850] =	vst v4  }
0x135: {  	v4 =	vld.idx.msk [tilespmem:v3+s2+$0x860 ss:$0x1], $0xffff  }
0x136: {  	v8 =	vadd.f32 v8, v10;
	[tilespmem:s7+$0x10470] =	vst v6;
	v6 =	vld [tilespmem:s5+$0x860]  }
0x137: {  	v9 =	vld.idx.msk [tilespmem:v3+s20+$0x400 ss:$0x1], $0xffff  }
0x138: {  	[tilespmem:s6+$0x10470] =	vst v8;
	v8 =	vld [tilespmem:s3+$0x400]  }
0x139: {  	v5 =	vadd.f32 v5, v7;
	v7 =	vld.idx.msk [tilespmem:v3+s21+$0x400 ss:$0x1], $0xffff  }
0x13a: {  	v10 =	vld [tilespmem:s1+$0x400]  }
0x13b: {  	[tilespmem:s17+$0x10840] =	vst v5;
	v4 =	vadd.f32 v4, v6  }
0x13c: {  	v5 =	vld.idx.msk [tilespmem:v3+s0+$0x850 ss:$0x1], $0xffff  }
0x13d: {  	v6 =	vld [tilespmem:s4+$0x850];
	v8 =	vadd.f32 v9, v8;
	[tilespmem:s13+$0x10860] =	vst v4  }
0x13e: {  	v4 =	vld.idx.msk [tilespmem:v3+s2+$0x870 ss:$0x1], $0xffff  }
0x13f: {  	v7 =	vadd.f32 v7, v10;
	[tilespmem:s7+$0x10600] =	vst v8;
	v8 =	vld [tilespmem:s5+$0x870]  }
0x140: {  	v9 =	vld.idx.msk [tilespmem:v3+s20+$0x410 ss:$0x1], $0xffff  }
0x141: {  	[tilespmem:s6+$0x10600] =	vst v7;
	v7 =	vld [tilespmem:s3+$0x410]  }
0x142: {  	v5 =	vadd.f32 v5, v6;
	v6 =	vld.idx.msk [tilespmem:v3+s21+$0x410 ss:$0x1], $0xffff  }
0x143: {  	v10 =	vld [tilespmem:s1+$0x410]  }
0x144: {  	s8 =	sand.u32 $0x7, s9;
	[tilespmem:s17+$0x10850] =	vst v5;
	v4 =	vadd.f32 v4, v8  }
0x145: {  	s5 =	sshll.u32 s8, $0x7;
	v5 =	vld.idx.msk [tilespmem:v3+s0+$0x860 ss:$0x1], $0xffff  }
0x146: {  	s5 =	sadd.s32 $0x80, s5;
	v8 =	vld [tilespmem:s4+$0x860];
	v7 =	vadd.f32 v9, v7;
	[tilespmem:s13+$0x10870] =	vst v4  }
0x147: {  	s10 =	sor.u32 $0xC00, s5;
	v4 =	vld.idx.msk [tilespmem:v3+s2+$0xC00 ss:$0x1], $0xffff  }
0x148: {  	v6 =	vadd.f32 v6, v10;
	[tilespmem:s7+$0x10610] =	vst v7;
	v7 =	vld [tilespmem:s10+$0x8400]  }
0x149: {  	v9 =	vld.idx.msk [tilespmem:v3+s20+$0x420 ss:$0x1], $0xffff  }
0x14a: {  	[tilespmem:s6+$0x10610] =	vst v6;
	v6 =	vld [tilespmem:s3+$0x420]  }
0x14b: {  	v5 =	vadd.f32 v5, v8;
	v8 =	vld.idx.msk [tilespmem:v3+s21+$0x420 ss:$0x1], $0xffff  }
0x14c: {  	v10 =	vld [tilespmem:s1+$0x420]  }
0x14d: {  	[tilespmem:s17+$0x10860] =	vst v5;
	v4 =	vadd.f32 v4, v7  }
0x14e: {  	v5 =	vld.idx.msk [tilespmem:v3+s0+$0x870 ss:$0x1], $0xffff  }
0x14f: {  	v7 =	vld [tilespmem:s4+$0x870];
	v6 =	vadd.f32 v9, v6;
	[tilespmem:s13+$0x10A00] =	vst v4  }
0x150: {  	s11 =	sor.u32 $0xC10, s5;
	v4 =	vld.idx.msk [tilespmem:v3+s2+$0xC10 ss:$0x1], $0xffff  }
0x151: {  	v8 =	vadd.f32 v8, v10;
	[tilespmem:s7+$0x10620] =	vst v6;
	v6 =	vld [tilespmem:s11+$0x8400]  }
0x152: {  	v9 =	vld.idx.msk [tilespmem:v3+s20+$0x430 ss:$0x1], $0xffff  }
0x153: {  	[tilespmem:s6+$0x10620] =	vst v8;
	v8 =	vld [tilespmem:s3+$0x430]  }
0x154: {  	s12 =	sand.u32 $0x3, s9;
	v5 =	vadd.f32 v5, v7;
	v7 =	vld.idx.msk [tilespmem:v3+s21+$0x430 ss:$0x1], $0xffff  }
0x155: {  	s4 =	sshll.u32 s12, $0x8;
	v10 =	vld [tilespmem:s1+$0x430]  }
0x156: {  	s4 =	sadd.s32 $0x0, s4;
	[tilespmem:s17+$0x10870] =	vst v5;
	v4 =	vadd.f32 v4, v6  }
0x157: {  	s14 =	sor.u32 $0xC00, s4;
	v5 =	vld.idx.msk [tilespmem:v3+s0+$0xC00 ss:$0x1], $0xffff  }
0x158: {  	v6 =	vld [tilespmem:s14+$0x8400];
	v8 =	vadd.f32 v9, v8;
	[tilespmem:s13+$0x10A10] =	vst v4  }
0x159: {  	s15 =	sor.u32 $0xC20, s5;
	v4 =	vld.idx.msk [tilespmem:v3+s2+$0xC20 ss:$0x1], $0xffff  }
0x15a: {  	v7 =	vadd.f32 v7, v10;
	[tilespmem:s7+$0x10630] =	vst v8;
	v8 =	vld [tilespmem:s15+$0x8400]  }
0x15b: {  	v9 =	vld.idx.msk [tilespmem:v3+s20+$0x440 ss:$0x1], $0xffff  }
0x15c: {  	[tilespmem:s6+$0x10630] =	vst v7;
	v7 =	vld [tilespmem:s3+$0x440]  }
0x15d: {  	v5 =	vadd.f32 v5, v6;
	v6 =	vld.idx.msk [tilespmem:v3+s21+$0x440 ss:$0x1], $0xffff  }
0x15e: {  	v10 =	vld [tilespmem:s1+$0x440]  }
0x15f: {  	[tilespmem:s17+$0x10A00] =	vst v5;
	v4 =	vadd.f32 v4, v8  }
0x160: {  	s16 =	sor.u32 $0xC10, s4;
	v5 =	vld.idx.msk [tilespmem:v3+s0+$0xC10 ss:$0x1], $0xffff  }
0x161: {  	v8 =	vld [tilespmem:s16+$0x8400];
	v7 =	vadd.f32 v9, v7;
	[tilespmem:s13+$0x10A20] =	vst v4  }
0x162: {  	s18 =	sor.u32 $0xC30, s5;
	v4 =	vld.idx.msk [tilespmem:v3+s2+$0xC30 ss:$0x1], $0xffff  }
0x163: {  	s11 =	simm.s32 $0x5;
	v6 =	vadd.f32 v6, v10;
	[tilespmem:s7+$0x10640] =	vst v7;
	v7 =	vld [tilespmem:s18+$0x8400]  }
0x164: {  	s11 =	sand.u32 $0x7, s11;
	v9 =	vld.idx.msk [tilespmem:v3+s20+$0x450 ss:$0x1], $0xffff  }
0x165: {  	s12 =	sshll.u32 s11, $0x7;
	[tilespmem:s6+$0x10640] =	vst v6;
	v6 =	vld [tilespmem:s3+$0x450]  }
0x166: {  	s25 =	simm.s32 $0x4;
	v12 =	vld.idx.msk [tilespmem:v3+s12+$0x0 ss:$0x1], $0xffff  }
0x167: {  	s22 =	sand.u32 $0x6, s25;
	v5 =	vadd.f32 v5, v8;
	v8 =	vld.idx.msk [tilespmem:v3+s21+$0x450 ss:$0x1], $0xffff  }
0x168: {  	s10 =	sshll.u32 s22, $0x7;
	v10 =	vld [tilespmem:s1+$0x450];
	v4 =	vadd.f32 v4, v7  }
0x169: {  	[tilespmem:s17+$0x10A10] =	vst v5;
	v5 =	vld.idx.msk [tilespmem:v3+s10+$0x0 ss:$0x1], $0xffff  }
0x16a: {  	v11 =	vld.idx.msk [tilespmem:v3+s0+$0xC20 ss:$0x1], $0xffff;
	v6 =	vadd.f32 v9, v6;
	[tilespmem:s13+$0x10A30] =	vst v4  }
0x16b: {  	s14 =	sor.u32 $0xC40, s5;
	v4 =	vld.idx.msk [tilespmem:v3+s2+$0xC40 ss:$0x1], $0xffff  }
0x16c: {  	s26 =	simm.s32 $0x800;
	[tilespmem:s7+$0x10650] =	vst v6;
	v6 =	vld [tilespmem:s14+$0x8400]  }
0x16d: {  	s28 =	simm.s32 $0x280;
	s15 =	sand.u32 $0x3000, s26;
	v9 =	vld.idx.msk [tilespmem:v3+s20+$0x460 ss:$0x1], $0xffff  }
0x16e: {  	s19 =	sor.u32 $0xC20, s4;
	s8 =	sor.u32 $0x8400, s15;
	v8 =	vadd.f32 v8, v10;
	s14 =	sand.u32 $0x380, s28;
	v10 =	vld [tilespmem:s3+$0x460]  }
0x16f: {  	s15 =	simm.s32 $0x200;
	v7 =	vld [tilespmem:s19+$0x8400];
	s23 =	sor.u32 s14, s8  }
0x170: {  	s16 =	sand.u32 $0x300, s15;
	[tilespmem:s6+$0x10650] =	vst v8;
	v8 =	vld [tilespmem:s23+$0x0]  }
0x171: {  	s24 =	sor.u32 s16, s8;
	v13 =	vld.idx.msk [tilespmem:v3+s21+$0x460 ss:$0x1], $0xffff;
	v4 =	vadd.f32 v4, v6  }
0x172: {  	v6 =	vld [tilespmem:s24+$0x0]  }
0x173: {  	v9 =	vadd.f32 v9, v10;
	v10 =	vld [tilespmem:s1+$0x460];
	[tilespmem:s13+$0x10A40] =	vst v4  }
0x174: {  	s29 =	simm.s32 $0x40;
	s18 =	sor.u32 $0xC50, s5;
	v4 =	vld.idx.msk [tilespmem:v3+s2+$0xC50 ss:$0x1], $0xffff  }
0x175: {  	s11 =	sshll.u32 s11, $0xB;
	s19 =	sand.u32 $0x180, s29;
	v8 =	vadd.f32 v12, v8;
	[tilespmem:s7+$0x10660] =	vst v9;
	v9 =	vld [tilespmem:s18+$0x8400]  }
0x176: {  	s14 =	sor.u32 s19, s11;
	v38 =	vld.idx.msk [tilespmem:v3+s20+$0x470 ss:$0x1], $0xffff  }
0x177: {  	s22 =	sshll.u32 s22, $0xB;
	[tilespmem:s14+$0x10400] =	vst v8;
	v5 =	vadd.f32 v5, v6;
	v6 =	vld [tilespmem:s3+$0x470]  }
0x178: {  	s22 =	sor.u32 s19, s22;
	v8 =	vld.idx.msk [tilespmem:v3+s12+$0x10 ss:$0x1], $0xffff  }
0x179: {  	v10 =	vadd.f32 v13, v10;
	[tilespmem:s22+$0x10400] =	vst v5;
	v5 =	vld [tilespmem:s23+$0x10]  }
0x17a: {  	v39 =	vld.idx.msk [tilespmem:v3+s10+$0x10 ss:$0x1], $0xffff;
	v4 =	vadd.f32 v4, v9  }
0x17b: {  	[tilespmem:s6+$0x10660] =	vst v10;
	v9 =	vld [tilespmem:s24+$0x10]  }
0x17c: {  	v10 =	vld.idx.msk [tilespmem:v3+s21+$0x470 ss:$0x1], $0xffff;
	v6 =	vadd.f32 v38, v6;
	[tilespmem:s13+$0x10A50] =	vst v4  }
0x17d: {  	s9 =	sor.u32 $0xC60, s5;
	v4 =	vld.idx.msk [tilespmem:v3+s2+$0xC60 ss:$0x1], $0xffff  }
0x17e: {  	v5 =	vadd.f32 v8, v5;
	[tilespmem:s7+$0x10670] =	vst v6;
	v6 =	vld [tilespmem:s9+$0x8400]  }
0x17f: {  	v8 =	vld.idx.msk [tilespmem:v3+s20+$0x800 ss:$0x1], $0xffff  }
0x180: {  	v9 =	vadd.f32 v39, v9;
	[tilespmem:s14+$0x10410] =	vst v5;
	v5 =	vld [tilespmem:s3+$0x800]  }
0x181: {  	v40 =	vld.idx.msk [tilespmem:v3+s12+$0x20 ss:$0x1], $0xffff  }
0x182: {  	[tilespmem:s22+$0x10410] =	vst v9;
	v9 =	vld [tilespmem:s23+$0x20]  }
0x183: {  	v41 =	vld.idx.msk [tilespmem:v3+s10+$0x20 ss:$0x1], $0xffff;
	v4 =	vadd.f32 v4, v6  }
0x184: {  	v6 =	vld [tilespmem:s24+$0x20]  }
0x185: {  	v5 =	vadd.f32 v8, v5;
	v8 =	vld [tilespmem:s1+$0x470];
	[tilespmem:s13+$0x10A60] =	vst v4  }
0x186: {  	s5 =	sor.u32 $0xC70, s5;
	v4 =	vld.idx.msk [tilespmem:v3+s2+$0xC70 ss:$0x1], $0xffff  }
0x187: {  	v9 =	vadd.f32 v40, v9;
	[tilespmem:s7+$0x10800] =	vst v5;
	v5 =	vld [tilespmem:s5+$0x8400]  }
0x188: {  	v42 =	vld.idx.msk [tilespmem:v3+s20+$0x810 ss:$0x1], $0xffff  }
0x189: {  	v6 =	vadd.f32 v41, v6;
	[tilespmem:s14+$0x10420] =	vst v9;
	v9 =	vld [tilespmem:s3+$0x810]  }
0x18a: {  	v43 =	vld.idx.msk [tilespmem:v3+s12+$0x30 ss:$0x1], $0xffff  }
0x18b: {  	v8 =	vadd.f32 v10, v8;
	[tilespmem:s22+$0x10420] =	vst v6;
	v6 =	vld [tilespmem:s23+$0x30]  }
0x18c: {  	v10 =	vld.idx.msk [tilespmem:v3+s10+$0x30 ss:$0x1], $0xffff  }
0x18d: {  	v7 =	vadd.f32 v11, v7;
	[tilespmem:s6+$0x10670] =	vst v8;
	v8 =	vld [tilespmem:s24+$0x30]  }
0x18e: {  	v11 =	vld.idx.msk [tilespmem:v3+s21+$0x800 ss:$0x1], $0xffff;
	v9 =	vadd.f32 v42, v9  }
0x18f: {  	[tilespmem:s17+$0x10A20] =	vst v7;
	v7 =	vld [tilespmem:s1+$0x800]  }
0x190: {  	v6 =	vadd.f32 v43, v6;
	[tilespmem:s7+$0x10810] =	vst v9;
	v9 =	vld.idx.msk [tilespmem:v3+s0+$0xC30 ss:$0x1], $0xffff  }
0x191: {  	v44 =	vld.idx.msk [tilespmem:v3+s20+$0x820 ss:$0x1], $0xffff  }
0x192: {  	v8 =	vadd.f32 v10, v8;
	[tilespmem:s14+$0x10430] =	vst v6;
	v6 =	vld [tilespmem:s3+$0x820]  }
0x193: {  	v10 =	vld.idx.msk [tilespmem:v3+s12+$0x40 ss:$0x1], $0xffff  }
0x194: {  	v7 =	vadd.f32 v11, v7;
	[tilespmem:s22+$0x10430] =	vst v8;
	v8 =	vld [tilespmem:s23+$0x40]  }
0x195: {  	v11 =	vld.idx.msk [tilespmem:v3+s10+$0x40 ss:$0x1], $0xffff  }
0x196: {  	v45 =	vld [tilespmem:s24+$0x40];
	[tilespmem:s6+$0x10800] =	vst v7  }
0x197: {  	v7 =	vld.idx.msk [tilespmem:v3+s21+$0x810 ss:$0x1], $0xffff;
	v6 =	vadd.f32 v44, v6  }
0x198: {  	s11 =	sor.u32 $0xC30, s4;
	v46 =	vld [tilespmem:s1+$0x810]  }
0x199: {  	v8 =	vadd.f32 v10, v8;
	[tilespmem:s7+$0x10820] =	vst v6;
	v6 =	vld [tilespmem:s11+$0x8400]  }
0x19a: {  	v10 =	vld.idx.msk [tilespmem:v3+s20+$0x830 ss:$0x1], $0xffff  }
0x19b: {  	v11 =	vadd.f32 v11, v45;
	[tilespmem:s14+$0x10440] =	vst v8;
	v8 =	vld [tilespmem:s3+$0x830]  }
0x19c: {  	v47 =	vld.idx.msk [tilespmem:v3+s12+$0x50 ss:$0x1], $0xffff  }
0x19d: {  	v7 =	vadd.f32 v7, v46;
	[tilespmem:s22+$0x10440] =	vst v11;
	v11 =	vld [tilespmem:s23+$0x50]  }
0x19e: {  	v48 =	vld.idx.msk [tilespmem:v3+s10+$0x50 ss:$0x1], $0xffff  }
0x19f: {  	[tilespmem:s6+$0x10810] =	vst v7;
	v6 =	vadd.f32 v9, v6;
	v9 =	vld [tilespmem:s24+$0x50]  }
0x1a0: {  	v7 =	vld.idx.msk [tilespmem:v3+s21+$0x820 ss:$0x1], $0xffff;
	v8 =	vadd.f32 v10, v8  }
0x1a1: {  	[tilespmem:s17+$0x10A30] =	vst v6;
	v6 =	vld [tilespmem:s1+$0x820]  }
0x1a2: {  	v10 =	vadd.f32 v47, v11;
	[tilespmem:s7+$0x10830] =	vst v8;
	v8 =	vld.idx.msk [tilespmem:v3+s0+$0xC40 ss:$0x1], $0xffff  }
0x1a3: {  	v11 =	vld.idx.msk [tilespmem:v3+s20+$0x840 ss:$0x1], $0xffff  }
0x1a4: {  	v9 =	vadd.f32 v48, v9;
	[tilespmem:s14+$0x10450] =	vst v10;
	v10 =	vld [tilespmem:s3+$0x840]  }
0x1a5: {  	v49 =	vld.idx.msk [tilespmem:v3+s12+$0x60 ss:$0x1], $0xffff  }
0x1a6: {  	[tilespmem:s22+$0x10450] =	vst v9;
	v9 =	vld [tilespmem:s23+$0x60];
	v6 =	vadd.f32 v7, v6  }
0x1a7: {  	v7 =	vld.idx.msk [tilespmem:v3+s10+$0x60 ss:$0x1], $0xffff  }
0x1a8: {  	v50 =	vld [tilespmem:s24+$0x60];
	[tilespmem:s6+$0x10820] =	vst v6  }
0x1a9: {  	v6 =	vld.idx.msk [tilespmem:v3+s21+$0x830 ss:$0x1], $0xffff;
	v10 =	vadd.f32 v11, v10  }
0x1aa: {  	s15 =	sor.u32 $0xC40, s4;
	v11 =	vld [tilespmem:s1+$0x830]  }
0x1ab: {  	v9 =	vadd.f32 v49, v9;
	[tilespmem:s7+$0x10840] =	vst v10;
	v10 =	vld [tilespmem:s15+$0x8400]  }
0x1ac: {  	v51 =	vld.idx.msk [tilespmem:v3+s20+$0x850 ss:$0x1], $0xffff  }
0x1ad: {  	v7 =	vadd.f32 v7, v50;
	[tilespmem:s14+$0x10460] =	vst v9;
	v9 =	vld [tilespmem:s3+$0x850]  }
0x1ae: {  	v52 =	vld.idx.msk [tilespmem:v3+s12+$0x70 ss:$0x1], $0xffff  }
0x1af: {  	[tilespmem:s22+$0x10460] =	vst v7;
	v7 =	vld [tilespmem:s23+$0x70];
	v6 =	vadd.f32 v6, v11  }
0x1b0: {  	v11 =	vld.idx.msk [tilespmem:v3+s10+$0x70 ss:$0x1], $0xffff  }
0x1b1: {  	v8 =	vadd.f32 v8, v10;
	v10 =	vld [tilespmem:s24+$0x70];
	[tilespmem:s6+$0x10830] =	vst v6  }
0x1b2: {  	v6 =	vld.idx.msk [tilespmem:v3+s21+$0x840 ss:$0x1], $0xffff;
	v9 =	vadd.f32 v51, v9  }
0x1b3: {  	[tilespmem:s17+$0x10A40] =	vst v8;
	v8 =	vld [tilespmem:s1+$0x840]  }
0x1b4: {  	v7 =	vadd.f32 v52, v7;
	[tilespmem:s7+$0x10850] =	vst v9;
	v9 =	vld.idx.msk [tilespmem:v3+s0+$0xC50 ss:$0x1], $0xffff  }
0x1b5: {  	v53 =	vld.idx.msk [tilespmem:v3+s20+$0x860 ss:$0x1], $0xffff  }
0x1b6: {  	v10 =	vadd.f32 v11, v10;
	[tilespmem:s14+$0x10470] =	vst v7;
	v7 =	vld [tilespmem:s3+$0x860]  }
0x1b7: {  	v11 =	vld.idx.msk [tilespmem:v3+s12+$0x400 ss:$0x1], $0xffff  }
0x1b8: {  	[tilespmem:s22+$0x10470] =	vst v10;
	v10 =	vld [tilespmem:s23+$0x400];
	v6 =	vadd.f32 v6, v8  }
0x1b9: {  	v8 =	vld.idx.msk [tilespmem:v3+s10+$0x400 ss:$0x1], $0xffff  }
0x1ba: {  	v54 =	vld [tilespmem:s24+$0x400];
	[tilespmem:s6+$0x10840] =	vst v6  }
0x1bb: {  	v6 =	vld.idx.msk [tilespmem:v3+s21+$0x850 ss:$0x1], $0xffff;
	v7 =	vadd.f32 v53, v7  }
0x1bc: {  	s16 =	sor.u32 $0xC50, s4;
	v55 =	vld [tilespmem:s1+$0x850]  }
0x1bd: {  	v10 =	vadd.f32 v11, v10;
	[tilespmem:s7+$0x10860] =	vst v7;
	v7 =	vld [tilespmem:s16+$0x8400]  }
0x1be: {  	v11 =	vld.idx.msk [tilespmem:v3+s20+$0x870 ss:$0x1], $0xffff  }
0x1bf: {  	v8 =	vadd.f32 v8, v54;
	[tilespmem:s14+$0x10600] =	vst v10;
	v10 =	vld [tilespmem:s3+$0x870]  }
0x1c0: {  	v56 =	vld.idx.msk [tilespmem:v3+s12+$0x410 ss:$0x1], $0xffff  }
0x1c1: {  	[tilespmem:s22+$0x10600] =	vst v8;
	v8 =	vld [tilespmem:s23+$0x410];
	v6 =	vadd.f32 v6, v55  }
0x1c2: {  	v57 =	vld.idx.msk [tilespmem:v3+s10+$0x410 ss:$0x1], $0xffff  }
0x1c3: {  	s3 =	simm.s32 $0x2;
	v7 =	vadd.f32 v9, v7;
	v9 =	vld [tilespmem:s24+$0x410];
	[tilespmem:s6+$0x10850] =	vst v6  }
0x1c4: {  	s18 =	sand.u32 $0x7, s3;
	v6 =	vld.idx.msk [tilespmem:v3+s21+$0x860 ss:$0x1], $0xffff;
	v10 =	vadd.f32 v11, v10  }
0x1c5: {  	s2 =	sshll.u32 s18, $0x7;
	[tilespmem:s17+$0x10A50] =	vst v7;
	v7 =	vld [tilespmem:s1+$0x860]  }
0x1c6: {  	s30 =	sadd.s32 $0x480, s2;
	v8 =	vadd.f32 v56, v8;
	[tilespmem:s7+$0x10870] =	vst v10;
	v10 =	vld.idx.msk [tilespmem:v3+s0+$0xC60 ss:$0x1], $0xffff  }
0x1c7: {  	s2 =	sor.u32 $0xC00, s30;
	v11 =	vld.idx.msk [tilespmem:v3+s20+$0xC00 ss:$0x1], $0xffff  }
0x1c8: {  	v9 =	vadd.f32 v57, v9;
	[tilespmem:s14+$0x10610] =	vst v8;
	v8 =	vld [tilespmem:s2+$0x8400]  }
0x1c9: {  	v58 =	vld.idx.msk [tilespmem:v3+s12+$0x420 ss:$0x1], $0xffff  }
0x1ca: {  	[tilespmem:s22+$0x10610] =	vst v9;
	v9 =	vld [tilespmem:s23+$0x420];
	v6 =	vadd.f32 v6, v7  }
0x1cb: {  	v7 =	vld.idx.msk [tilespmem:v3+s10+$0x420 ss:$0x1], $0xffff  }
0x1cc: {  	v59 =	vld [tilespmem:s24+$0x420];
	[tilespmem:s6+$0x10860] =	vst v6  }
0x1cd: {  	v6 =	vld.idx.msk [tilespmem:v3+s21+$0x870 ss:$0x1], $0xffff;
	v8 =	vadd.f32 v11, v8  }
0x1ce: {  	s19 =	sor.u32 $0xC60, s4;
	v11 =	vld [tilespmem:s1+$0x870]  }
0x1cf: {  	v9 =	vadd.f32 v58, v9;
	[tilespmem:s7+$0x10A00] =	vst v8;
	v8 =	vld [tilespmem:s19+$0x8400]  }
0x1d0: {  	s5 =	sor.u32 $0xC10, s30;
	v60 =	vld.idx.msk [tilespmem:v3+s20+$0xC10 ss:$0x1], $0xffff  }
0x1d1: {  	v7 =	vadd.f32 v7, v59;
	[tilespmem:s14+$0x10620] =	vst v9;
	v9 =	vld [tilespmem:s5+$0x8400]  }
0x1d2: {  	s8 =	simm.s32 $0x1;
	v61 =	vld.idx.msk [tilespmem:v3+s12+$0x430 ss:$0x1], $0xffff  }
0x1d3: {  	s1 =	sand.u32 $0x3, s8;
	[tilespmem:s22+$0x10620] =	vst v7;
	v7 =	vld [tilespmem:s23+$0x430];
	v6 =	vadd.f32 v6, v11  }
0x1d4: {  	s1 =	sshll.u32 s1, $0x8;
	v11 =	vld.idx.msk [tilespmem:v3+s10+$0x430 ss:$0x1], $0xffff  }
0x1d5: {  	s1 =	sadd.s32 $0x400, s1;
	v8 =	vadd.f32 v10, v8;
	v10 =	vld [tilespmem:s24+$0x430];
	[tilespmem:s6+$0x10870] =	vst v6  }
0x1d6: {  	s9 =	sor.u32 $0xC00, s1;
	v6 =	vld.idx.msk [tilespmem:v3+s21+$0xC00 ss:$0x1], $0xffff;
	v9 =	vadd.f32 v60, v9  }
0x1d7: {  	[tilespmem:s17+$0x10A60] =	vst v8;
	v8 =	vld [tilespmem:s9+$0x8400]  }
0x1d8: {  	v7 =	vadd.f32 v61, v7;
	v62 =	vld.idx.msk [tilespmem:v3+s0+$0xC70 ss:$0x1], $0xffff;
	[tilespmem:s7+$0x10A10] =	vst v9  }
0x1d9: {  	s11 =	sor.u32 $0xC20, s30;
	v9 =	vld.idx.msk [tilespmem:v3+s20+$0xC20 ss:$0x1], $0xffff  }
0x1da: {  	v10 =	vadd.f32 v11, v10;
	[tilespmem:s14+$0x10630] =	vst v7;
	v7 =	vld [tilespmem:s11+$0x8400]  }
0x1db: {  	v11 =	vld.idx.msk [tilespmem:v3+s12+$0x440 ss:$0x1], $0xffff  }
0x1dc: {  	[tilespmem:s22+$0x10630] =	vst v10;
	v10 =	vld [tilespmem:s23+$0x440];
	v6 =	vadd.f32 v6, v8  }
0x1dd: {  	v8 =	vld.idx.msk [tilespmem:v3+s10+$0x440 ss:$0x1], $0xffff  }
0x1de: {  	v63 =	vld [tilespmem:s24+$0x440];
	[tilespmem:s6+$0x10A00] =	vst v6  }
0x1df: {  	s2 =	simm.s32 $0x2;
	s15 =	sor.u32 $0xC10, s1;
	s18 =	sor.u32 $0xC30, s1;
	v14 =	vld.idx.msk [tilespmem:v3+s21+$0xC10 ss:$0x1], $0xffff;
	v6 =	vadd.f32 v9, v7  }
0x1e0: {  	s4 =	sor.u32 $0xC70, s4;
	s19 =	sand.u32 $0x3, s2;
	v15 =	vld [tilespmem:s15+$0x8400];
	[dreg:$0x7] =	wrdreg s18  }
0x1e1: {  	s8 =	sor.u32 $0xC40, s1;
	s5 =	sor.u32 $0xC30, s30;
	s0 =	sshll.u32 s19, $0x8;
	v7 =	vadd.f32 v11, v10;
	[tilespmem:s7+$0x10A20] =	vst v6;
	v11 =	vld [tilespmem:s4+$0x8400]  }
0x1e2: {  	s0 =	sadd.s32 $0x800, s0;
	v6 =	vld [tilespmem:s5+$0x8400];
	[dreg:$0x5] =	wrdreg s8  }
0x1e3: {  	s9 =	sor.u32 $0xC20, s0;
	v9 =	vadd.f32 v8, v63;
	[tilespmem:s14+$0x10640] =	vst v7;
	v7 =	vld.idx.msk [tilespmem:v3+s20+$0xC30 ss:$0x1], $0xffff  }
0x1e4: {  	s16 =	sor.u32 $0xC20, s1;
	s31 =	sor.u32 $0xC00, s0;
	v8 =	vld.idx.msk [tilespmem:v3+s12+$0x450 ss:$0x1], $0xffff;
	[dreg:$0xc] =	wrdreg s9  }
0x1e5: {  	s11 =	sor.u32 $0xC10, s0;
	s19 =	sor.u32 $0xC40, s0;
	s18 =	sor.u32 $0xC30, s0;
	[tilespmem:s22+$0x10640] =	vst v9  }
0x1e6: {  	v4 =	vadd.f32 v4, v5;
	s15 =	sor.u32 $0xC50, s1;
	s4 =	sor.u32 $0xC70, s1;
	v9 =	vld [tilespmem:s23+$0x450];
	[dreg:$0x9] =	wrdreg s18  }
0x1e7: {  	s8 =	sor.u32 $0xC60, s1;
	s5 =	sor.u32 $0xC70, s0;
	[dreg:$0x6] =	wrdreg s19  }
0x1e8: {  	s9 =	sor.u32 $0xC60, s0;
	v5 =	vadd.f32 v14, v15;
	s19 =	sor.u32 $0xC50, s0;
	s18 =	simm.s32 $0x480;
	[tilespmem:s13+$0x10A70] =	vst v4;
	v10 =	vld.idx.msk [tilespmem:v3+s10+$0x450 ss:$0x1], $0xffff;
	v4 =	vadd.f32 v62, v11  }
.LBB2_7:
0x1e9: {  	[smem:$0x7F2] =	sst s15  }
0x1ea: {  	[dreg:$0x1e] =	wrdreg s31  }
0x1eb: {  	[dreg:$0x19] =	wrdreg s8  }
0x1ec: {  	[dreg:$0x18] =	wrdreg s4  }
0x1ed: {  	[dreg:$0x17] =	wrdreg s9  }
0x1ee: {  	[dreg:$0x10] =	wrdreg s5  }
0x1ef: {  	[dreg:$0xf] =	wrdreg s11  }
0x1f0: {  	v11 =	vld [tilespmem:s24+$0x450];
	s0 =	smov.u32 s25;
	s25 =	sadd.s32 $0x2, s25;
	s9 =	smov.u32 s6;
	[tilespmem:s6+$0x10A10] =	vst v5  }
0x1f1: {  	s13 =	rddreg [dreg:$0xc];
	s2 =	sadd.s32 $0x1, s2;
	s1 =	sand.u32 $0x6, s25;
	v5 =	vld.idx.msk [tilespmem:v3+s21+$0xC20 ss:$0x1], $0xffff;
	[tilespmem:s17+$0x10A70] =	vst v4;
	v6 =	vadd.f32 v7, v6  }
0x1f2: {  	s26 =	sadd.s32 $0x400, s26;
	s28 =	sadd.s32 $0x100, s28;
	s11 =	sshll.u32 s1, $0x7;
	v4 =	vld [tilespmem:s16+$0x8400];
	v8 =	vadd.f32 v8, v9  }
0x1f3: {  	s29 =	sadd.s32 $0x20, s29;
	s6 =	smov.u32 s22;
	s8 =	smov.u32 s13;
	v7 =	vld.idx.msk [tilespmem:v3+s11+$0x0 ss:$0x1], $0xffff;
	[tilespmem:s7+$0x10A30] =	vst v6  }
0x1f4: {  	s15 =	sand.u32 $0x3, s2;
	s0 =	sadd.s32 $0x3, s0;
	s16 =	sor.u32 $0xC40, s30;
	v6 =	vld.idx.msk [tilespmem:v3+s20+$0xC40 ss:$0x1], $0xffff;
	[tilespmem:s14+$0x10650] =	vst v8  }
0x1f5: {  	s4 =	sand.u32 $0x380, s28;
	s13 =	sadd.s32 $0xFFFFFF80, s28;
	[smem:$0x7F3] =	sst s8;
	v9 =	vadd.f32 v10, v11;
	v8 =	vld [tilespmem:s16+$0x8400]  }
0x1f6: {  	s5 =	sshll.u32 s15, $0x8;
	s17 =	sand.u32 $0x3000, s26;
	s22 =	sand.u32 $0x7, s0;
	v10 =	vld.idx.msk [tilespmem:v3+s12+$0x460 ss:$0x1], $0xffff  }
0x1f7: {  	s0 =	sor.u32 $0x8400, s17;
	s15 =	sshll.u32 s22, $0x7;
	s17 =	sadd.s32 s5, s26;
	[tilespmem:s6+$0x10650] =	vst v9;
	v9 =	vld [tilespmem:s23+$0x460]  }
0x1f8: {  	s5 =	sand.u32 $0x300, s13;
	s8 =	sor.u32 s4, s0;
	s4 =	sor.u32 $0xC10, s17;
	v4 =	vadd.f32 v5, v4;
	v5 =	vld.idx.msk [tilespmem:v3+s15+$0x0 ss:$0x1], $0xffff  }
0x1f9: {  	s13 =	sor.u32 s5, s0;
	s5 =	sor.u32 $0xC20, s17;
	[dreg:$0x13] =	wrdreg s4;
	v11 =	vld [tilespmem:s8+$0x0]  }
0x1fa: {  	s0 =	sor.u32 $0xC40, s17;
	[dreg:$0xc] =	wrdreg s5;
	s16 =	sor.u32 $0xC00, s17;
	[tilespmem:s9+$0x10A20] =	vst v4  }
0x1fb: {  	s31 =	sor.u32 $0xC50, s17;
	[dreg:$0x1b] =	wrdreg s16;
	s16 =	sor.u32 $0xC60, s17;
	v4 =	vld.idx.msk [tilespmem:v3+s10+$0x460 ss:$0x1], $0xffff;
	v6 =	vadd.f32 v6, v8  }
0x1fc: {  	s5 =	sor.u32 $0xC30, s17;
	s17 =	sor.u32 $0xC70, s17;
	[dreg:$0x1f] =	wrdreg s16;
	v8 =	vld [tilespmem:s13+$0x0];
	v9 =	vadd.f32 v10, v9  }
0x1fd: {  	s1 =	sshll.u32 s1, $0xB;
	s4 =	sand.u32 $0x180, s29;
	[dreg:$0x15] =	wrdreg s17;
	v12 =	vld [tilespmem:s24+$0x460];
	[tilespmem:s7+$0x10A40] =	vst v6  }
0x1fe: {  	s17 =	sor.u32 $0xC50, s30;
	s16 =	smov.u32 s19;
	s19 =	sshll.u32 s22, $0xB;
	v5 =	vadd.f32 v5, v11;
	v6 =	vld.idx.msk [tilespmem:v3+s20+$0xC50 ss:$0x1], $0xffff;
	[tilespmem:s14+$0x10660] =	vst v9  }
0x1ff: {  	s22 =	sor.u32 s4, s1;
	s1 =	sor.u32 s4, s19;
	v9 =	vld [tilespmem:s17+$0x8400]  }
0x200: {  	v10 =	vld.idx.msk [tilespmem:v3+s12+$0x470 ss:$0x1], $0xffff;
	[tilespmem:s1+$0x10400] =	vst v5  }
0x201: {  	v7 =	vadd.f32 v7, v8;
	v5 =	vld [tilespmem:s23+$0x470]  }
0x202: {  	v8 =	vld.idx.msk [tilespmem:v3+s15+$0x10 ss:$0x1], $0xffff  }
0x203: {  	v4 =	vadd.f32 v4, v12;
	[tilespmem:s22+$0x10400] =	vst v7;
	v7 =	vld [tilespmem:s8+$0x10];
	_ =	sdelay $0x1  }
0x204: {  	v11 =	vld.idx.msk [tilespmem:v3+s11+$0x10 ss:$0x1], $0xffff;
	[tilespmem:s6+$0x10660] =	vst v4;
	v4 =	vadd.f32 v6, v9  }
0x205: {  	v6 =	vld [tilespmem:s13+$0x10];
	v5 =	vadd.f32 v10, v5  }
0x206: {  	v9 =	vld.idx.msk [tilespmem:v3+s10+$0x470 ss:$0x1], $0xffff;
	[tilespmem:s7+$0x10A50] =	vst v4  }
0x207: {  	s19 =	sor.u32 $0xC60, s30;
	v4 =	vld.idx.msk [tilespmem:v3+s20+$0xC60 ss:$0x1], $0xffff;
	v7 =	vadd.f32 v8, v7;
	[tilespmem:s14+$0x10670] =	vst v5  }
0x208: {  	v5 =	vld [tilespmem:s19+$0x8400]  }
0x209: {  	v8 =	vld.idx.msk [tilespmem:v3+s12+$0x800 ss:$0x1], $0xffff;
	[tilespmem:s1+$0x10410] =	vst v7  }
0x20a: {  	v6 =	vadd.f32 v11, v6;
	v7 =	vld [tilespmem:s23+$0x800]  }
0x20b: {  	v10 =	vld.idx.msk [tilespmem:v3+s15+$0x20 ss:$0x1], $0xffff  }
0x20c: {  	[tilespmem:s22+$0x10410] =	vst v6;
	v6 =	vld [tilespmem:s8+$0x20];
	_ =	sdelay $0x1  }
0x20d: {  	v11 =	vld.idx.msk [tilespmem:v3+s11+$0x20 ss:$0x1], $0xffff;
	v4 =	vadd.f32 v4, v5  }
0x20e: {  	v5 =	vld [tilespmem:s13+$0x20];
	v7 =	vadd.f32 v8, v7  }
0x20f: {  	v62 =	vld [tilespmem:s24+$0x470];
	[tilespmem:s7+$0x10A60] =	vst v4  }
0x210: {  	s19 =	sor.u32 $0xC70, s30;
	v4 =	vld.idx.msk [tilespmem:v3+s20+$0xC70 ss:$0x1], $0xffff;
	v6 =	vadd.f32 v10, v6;
	[tilespmem:s14+$0x10800] =	vst v7  }
0x211: {  	s20 =	smov.u32 s12;
	v7 =	vld [tilespmem:s19+$0x8400]  }
0x212: {  	v8 =	vld.idx.msk [tilespmem:v3+s20+$0x810 ss:$0x1], $0xffff;
	[tilespmem:s1+$0x10420] =	vst v6  }
0x213: {  	s12 =	smov.u32 s15;
	v5 =	vadd.f32 v11, v5;
	v6 =	vld [tilespmem:s23+$0x810]  }
0x214: {  	v10 =	vld.idx.msk [tilespmem:v3+s12+$0x30 ss:$0x1], $0xffff  }
0x215: {  	v9 =	vadd.f32 v9, v62;
	[tilespmem:s22+$0x10420] =	vst v5;
	v5 =	vld [tilespmem:s8+$0x30];
	_ =	sdelay $0x1  }
0x216: {  	v11 =	vld.idx.msk [tilespmem:v3+s11+$0x30 ss:$0x1], $0xffff;
	[tilespmem:s6+$0x10670] =	vst v9  }
0x217: {  	v4 =	vadd.f32 v4, v7;
	v7 =	vld [tilespmem:s13+$0x30]  }
0x218: {  	v9 =	vld.idx.msk [tilespmem:v3+s10+$0x800 ss:$0x1], $0xffff;
	v6 =	vadd.f32 v8, v6  }
0x219: {  	[tilespmem:s7+$0x10A70] =	vst v4;
	s7 =	smov.u32 s14;
	v4 =	vld [tilespmem:s24+$0x800];
	v5 =	vadd.f32 v10, v5  }
0x21a: {  	s14 =	smov.u32 s1;
	[tilespmem:s7+$0x10810] =	vst v6;
	v6 =	vld.idx.msk [tilespmem:v3+s21+$0xC30 ss:$0x1], $0xffff  }
0x21b: {  	v8 =	vld.idx.msk [tilespmem:v3+s20+$0x820 ss:$0x1], $0xffff;
	[tilespmem:s14+$0x10430] =	vst v5  }
0x21c: {  	v7 =	vadd.f32 v11, v7;
	v5 =	vld [tilespmem:s23+$0x820]  }
0x21d: {  	v10 =	vld.idx.msk [tilespmem:v3+s12+$0x40 ss:$0x1], $0xffff  }
0x21e: {  	[tilespmem:s22+$0x10430] =	vst v7;
	v7 =	vld [tilespmem:s8+$0x40]  }
0x21f: {  	v4 =	vadd.f32 v9, v4  }
0x220: {  	v9 =	vld.idx.msk [tilespmem:v3+s11+$0x40 ss:$0x1], $0xffff  }
0x221: {  	v11 =	vld [tilespmem:s13+$0x40];
	[tilespmem:s6+$0x10800] =	vst v4  }
0x222: {  	v4 =	vld.idx.msk [tilespmem:v3+s10+$0x810 ss:$0x1], $0xffff;
	v5 =	vadd.f32 v8, v5  }
0x223: {  	s19 =	rddreg [dreg:$0x7];
	v8 =	vld [tilespmem:s24+$0x810];
	v7 =	vadd.f32 v10, v7  }
0x224: {  	[tilespmem:s7+$0x10820] =	vst v5;
	v5 =	vld [tilespmem:s19+$0x8400]  }
0x225: {  	v10 =	vld.idx.msk [tilespmem:v3+s20+$0x830 ss:$0x1], $0xffff;
	[tilespmem:s14+$0x10440] =	vst v7  }
0x226: {  	v9 =	vadd.f32 v9, v11;
	v7 =	vld [tilespmem:s23+$0x830]  }
0x227: {  	v11 =	vld.idx.msk [tilespmem:v3+s12+$0x50 ss:$0x1], $0xffff  }
0x228: {  	[tilespmem:s22+$0x10440] =	vst v9;
	v9 =	vld [tilespmem:s8+$0x50]  }
0x229: {  	v4 =	vadd.f32 v4, v8  }
0x22a: {  	v8 =	vld.idx.msk [tilespmem:v3+s11+$0x50 ss:$0x1], $0xffff;
	v5 =	vadd.f32 v6, v5  }
0x22b: {  	v6 =	vld [tilespmem:s13+$0x50];
	[tilespmem:s6+$0x10810] =	vst v4  }
0x22c: {  	v4 =	vld.idx.msk [tilespmem:v3+s10+$0x820 ss:$0x1], $0xffff;
	[tilespmem:s9+$0x10A30] =	vst v5;
	v7 =	vadd.f32 v10, v7  }
0x22d: {  	v5 =	vld [tilespmem:s24+$0x820];
	v9 =	vadd.f32 v11, v9  }
0x22e: {  	[tilespmem:s7+$0x10830] =	vst v7;
	v7 =	vld.idx.msk [tilespmem:v3+s21+$0xC40 ss:$0x1], $0xffff  }
0x22f: {  	v10 =	vld.idx.msk [tilespmem:v3+s20+$0x840 ss:$0x1], $0xffff;
	[tilespmem:s14+$0x10450] =	vst v9  }
0x230: {  	v6 =	vadd.f32 v8, v6;
	v8 =	vld [tilespmem:s23+$0x840]  }
0x231: {  	v9 =	vld.idx.msk [tilespmem:v3+s12+$0x60 ss:$0x1], $0xffff  }
0x232: {  	[tilespmem:s22+$0x10450] =	vst v6;
	v6 =	vld [tilespmem:s8+$0x60]  }
0x233: {  	v4 =	vadd.f32 v4, v5  }
0x234: {  	v5 =	vld.idx.msk [tilespmem:v3+s11+$0x60 ss:$0x1], $0xffff  }
0x235: {  	v11 =	vld [tilespmem:s13+$0x60];
	[tilespmem:s6+$0x10820] =	vst v4  }
0x236: {  	v4 =	vld.idx.msk [tilespmem:v3+s10+$0x830 ss:$0x1], $0xffff;
	v8 =	vadd.f32 v10, v8  }
0x237: {  	s4 =	rddreg [dreg:$0x5];
	v10 =	vld [tilespmem:s24+$0x830];
	v6 =	vadd.f32 v9, v6  }
0x238: {  	[tilespmem:s7+$0x10840] =	vst v8;
	v8 =	vld [tilespmem:s4+$0x8400]  }
0x239: {  	v9 =	vld.idx.msk [tilespmem:v3+s20+$0x850 ss:$0x1], $0xffff;
	[tilespmem:s14+$0x10460] =	vst v6  }
0x23a: {  	v5 =	vadd.f32 v5, v11;
	v6 =	vld [tilespmem:s23+$0x850]  }
0x23b: {  	v11 =	vld.idx.msk [tilespmem:v3+s12+$0x70 ss:$0x1], $0xffff  }
0x23c: {  	[tilespmem:s22+$0x10460] =	vst v5;
	v5 =	vld [tilespmem:s8+$0x70]  }
0x23d: {  	v4 =	vadd.f32 v4, v10  }
0x23e: {  	v10 =	vld.idx.msk [tilespmem:v3+s11+$0x70 ss:$0x1], $0xffff;
	v7 =	vadd.f32 v7, v8  }
0x23f: {  	v8 =	vld [tilespmem:s13+$0x70];
	[tilespmem:s6+$0x10830] =	vst v4  }
0x240: {  	v4 =	vld.idx.msk [tilespmem:v3+s10+$0x840 ss:$0x1], $0xffff;
	v6 =	vadd.f32 v9, v6;
	[tilespmem:s9+$0x10A40] =	vst v7  }
0x241: {  	v5 =	vadd.f32 v11, v5;
	v7 =	vld [tilespmem:s24+$0x840]  }
0x242: {  	[tilespmem:s7+$0x10850] =	vst v6;
	v6 =	vld.idx.msk [tilespmem:v3+s21+$0xC50 ss:$0x1], $0xffff  }
0x243: {  	v9 =	vld.idx.msk [tilespmem:v3+s20+$0x860 ss:$0x1], $0xffff;
	[tilespmem:s14+$0x10470] =	vst v5  }
0x244: {  	v8 =	vadd.f32 v10, v8;
	v5 =	vld [tilespmem:s23+$0x860]  }
0x245: {  	v10 =	vld.idx.msk [tilespmem:v3+s12+$0x400 ss:$0x1], $0xffff  }
0x246: {  	[tilespmem:s22+$0x10470] =	vst v8;
	v8 =	vld [tilespmem:s8+$0x400]  }
0x247: {  	v4 =	vadd.f32 v4, v7  }
0x248: {  	v7 =	vld.idx.msk [tilespmem:v3+s11+$0x400 ss:$0x1], $0xffff  }
0x249: {  	s4 =	sld [smem:$0x7F2];
	v11 =	vld [tilespmem:s13+$0x400];
	[tilespmem:s6+$0x10840] =	vst v4  }
0x24a: {  	v4 =	vld.idx.msk [tilespmem:v3+s10+$0x850 ss:$0x1], $0xffff;
	v5 =	vadd.f32 v9, v5  }
0x24b: {  	v9 =	vld [tilespmem:s24+$0x850];
	v8 =	vadd.f32 v10, v8  }
0x24c: {  	[tilespmem:s7+$0x10860] =	vst v5;
	v5 =	vld [tilespmem:s4+$0x8400]  }
0x24d: {  	v10 =	vld.idx.msk [tilespmem:v3+s20+$0x870 ss:$0x1], $0xffff;
	[tilespmem:s14+$0x10600] =	vst v8  }
0x24e: {  	v7 =	vadd.f32 v7, v11;
	v8 =	vld [tilespmem:s23+$0x870]  }
0x24f: {  	s23 =	smov.u32 s8;
	v11 =	vld.idx.msk [tilespmem:v3+s12+$0x410 ss:$0x1], $0xffff  }
0x250: {  	[tilespmem:s22+$0x10600] =	vst v7;
	v7 =	vld [tilespmem:s23+$0x410]  }
0x251: {  	v4 =	vadd.f32 v4, v9  }
0x252: {  	s3 =	sadd.s32 $0x2, s3;
	s18 =	sadd.s32 $0x400, s18;
	s1 =	rddreg [dreg:$0x9];
	v9 =	vld.idx.msk [tilespmem:v3+s11+$0x410 ss:$0x1], $0xffff;
	v5 =	vadd.f32 v6, v5  }
0x253: {  	s15 =	smov.u32 s1;
	s19 =	smov.u32 s5;
	s5 =	rddreg [dreg:$0x6];
	v6 =	vld [tilespmem:s13+$0x410];
	[tilespmem:s6+$0x10850] =	vst v4  }
0x254: {  	[dreg:$0x7] =	wrdreg s15;
	s15 =	smov.u32 s5;
	s5 =	sand.u32 $0x7, s3;
	v4 =	vld.idx.msk [tilespmem:v3+s10+$0x860 ss:$0x1], $0xffff;
	v8 =	vadd.f32 v10, v8;
	[tilespmem:s9+$0x10A50] =	vst v5  }
0x255: {  	[dreg:$0x9] =	wrdreg s19;
	s19 =	smov.u32 s0;
	s0 =	sshll.u32 s5, $0x7;
	v5 =	vld [tilespmem:s24+$0x860];
	v7 =	vadd.f32 v11, v7  }
0x256: {  	s30 =	sadd.s32 s0, s18;
	[tilespmem:s7+$0x10870] =	vst v8;
	v8 =	vld.idx.msk [tilespmem:v3+s21+$0xC60 ss:$0x1], $0xffff  }
0x257: {  	s0 =	sor.u32 $0xC00, s30;
	v10 =	vld.idx.msk [tilespmem:v3+s20+$0xC00 ss:$0x1], $0xffff;
	[tilespmem:s14+$0x10610] =	vst v7  }
0x258: {  	v6 =	vadd.f32 v9, v6;
	v7 =	vld [tilespmem:s0+$0x8400]  }
0x259: {  	v9 =	vld.idx.msk [tilespmem:v3+s12+$0x420 ss:$0x1], $0xffff  }
0x25a: {  	[tilespmem:s22+$0x10610] =	vst v6;
	v6 =	vld [tilespmem:s23+$0x420]  }
0x25b: {  	v4 =	vadd.f32 v4, v5  }
0x25c: {  	v5 =	vld.idx.msk [tilespmem:v3+s11+$0x420 ss:$0x1], $0xffff  }
0x25d: {  	v11 =	vld [tilespmem:s13+$0x420];
	[tilespmem:s6+$0x10860] =	vst v4  }
0x25e: {  	v4 =	vld.idx.msk [tilespmem:v3+s10+$0x870 ss:$0x1], $0xffff;
	v7 =	vadd.f32 v10, v7  }
0x25f: {  	s8 =	rddreg [dreg:$0x19];
	v10 =	vld [tilespmem:s24+$0x870];
	v6 =	vadd.f32 v9, v6  }
0x260: {  	[tilespmem:s7+$0x10A00] =	vst v7;
	v7 =	vld [tilespmem:s8+$0x8400]  }
0x261: {  	s1 =	sor.u32 $0xC10, s30;
	v9 =	vld.idx.msk [tilespmem:v3+s20+$0xC10 ss:$0x1], $0xffff;
	[tilespmem:s14+$0x10620] =	vst v6  }
0x262: {  	v5 =	vadd.f32 v5, v11;
	v6 =	vld [tilespmem:s1+$0x8400]  }
0x263: {  	v11 =	vld.idx.msk [tilespmem:v3+s12+$0x430 ss:$0x1], $0xffff  }
0x264: {  	[tilespmem:s22+$0x10620] =	vst v5;
	v5 =	vld [tilespmem:s23+$0x430]  }
0x265: {  	v4 =	vadd.f32 v4, v10  }
0x266: {  	s24 =	smov.u32 s13;
	v10 =	vld.idx.msk [tilespmem:v3+s11+$0x430 ss:$0x1], $0xffff;
	v7 =	vadd.f32 v8, v7  }
0x267: {  	s17 =	smov.u32 s9;
	v8 =	vld [tilespmem:s24+$0x430];
	[tilespmem:s6+$0x10870] =	vst v4  }
0x268: {  	s4 =	rddreg [dreg:$0x1e];
	v4 =	vld.idx.msk [tilespmem:v3+s10+$0xC00 ss:$0x1], $0xffff;
	v6 =	vadd.f32 v9, v6;
	[tilespmem:s17+$0x10A60] =	vst v7  }
0x269: {  	s9 =	rddreg [dreg:$0x17];
	v5 =	vadd.f32 v11, v5;
	v7 =	vld [tilespmem:s4+$0x8400]  }
0x26a: {  	s13 =	rddreg [dreg:$0x1f];
	v11 =	vld.idx.msk [tilespmem:v3+s21+$0xC70 ss:$0x1], $0xffff;
	[tilespmem:s7+$0x10A10] =	vst v6  }
0x26b: {  	s8 =	smov.u32 s9;
	s9 =	smov.u32 s13;
	s13 =	sor.u32 $0xC20, s30;
	v6 =	vld.idx.msk [tilespmem:v3+s20+$0xC20 ss:$0x1], $0xffff;
	[tilespmem:s14+$0x10630] =	vst v5  }
0x26c: {  	v8 =	vadd.f32 v10, v8;
	v5 =	vld [tilespmem:s13+$0x8400]  }
0x26d: {  	v9 =	vld.idx.msk [tilespmem:v3+s12+$0x440 ss:$0x1], $0xffff  }
0x26e: {  	[tilespmem:s22+$0x10630] =	vst v8;
	v8 =	vld [tilespmem:s23+$0x440]  }
0x26f: {  	[dreg:$0x6] =	wrdreg s19;
	s21 =	smov.u32 s10;
	s10 =	smov.u32 s11;
	v4 =	vadd.f32 v4, v7  }
0x270: {  	s5 =	rddreg [dreg:$0x1b];
	v10 =	vld.idx.msk [tilespmem:v3+s10+$0x440 ss:$0x1], $0xffff  }
0x271: {  	s19 =	smov.u32 s31;
	s31 =	smov.u32 s5;
	s5 =	rddreg [dreg:$0x18];
	v63 =	vld [tilespmem:s24+$0x440];
	[tilespmem:s6+$0x10A00] =	vst v4  }
0x272: {  	s1 =	rddreg [dreg:$0xf];
	v4 =	vld.idx.msk [tilespmem:v3+s21+$0xC10 ss:$0x1], $0xffff;
	v5 =	vadd.f32 v6, v5  }
0x273: {  	s4 =	rddreg [dreg:$0x13];
	v13 =	vld [tilespmem:s1+$0x8400];
	v6 =	vadd.f32 v9, v8  }
0x274: {  	p1 =	slt.u32 s25, $0x1E;
	s11 =	smov.u32 s4;
	s13 =	rddreg [dreg:$0x10];
	v14 =	vld [tilespmem:s5+$0x8400];
	[tilespmem:s7+$0x10A20] =	vst v5  }
.Ltmp2:
0x275: {  	s4 =	smov.u32 s13;
	s13 =	sor.u32 $0xC30, s30;
	v7 =	vld.idx.msk [tilespmem:v3+s20+$0xC30 ss:$0x1], $0xffff;
	[tilespmem:s14+$0x10640] =	vst v6;
	(pc) =	sbr.rel @p1 .LBB2_7-.Ltmp2, $4  }
0x276: {  	v5 =	vadd.f32 v10, v63;
	v6 =	vld [tilespmem:s13+$0x8400]  }
0x277: {  	[dreg:$0x5] =	wrdreg s15;
	v8 =	vld.idx.msk [tilespmem:v3+s12+$0x450 ss:$0x1], $0xffff  }
0x278: {  	s1 =	rddreg [dreg:$0x15];
	[tilespmem:s22+$0x10640] =	vst v5;
	v9 =	vld [tilespmem:s23+$0x450]  }
0x279: {  	s15 =	smov.u32 s16;
	s16 =	sld [smem:$0x7F3];
	s5 =	smov.u32 s1;
	v5 =	vadd.f32 v4, v13;
	v10 =	vld.idx.msk [tilespmem:v3+s10+$0x450 ss:$0x1], $0xffff;
	v4 =	vadd.f32 v11, v14  }
0x27a: {  	v11 =	vld [tilespmem:s24+$0x450];
	_ =	sdelay $0x2  }
0x27b: {  	v8 =	vadd.f32 v8, v9;
	_ =	sdelay $0x1  }
0x27c: {  	v31 =	vadd.f32 v10, v11;
	[tilespmem:s14+$0x10650] =	vst v8  }
0x27d: {  	v8 =	vld.idx.msk [tilespmem:v3+s12+$0x460 ss:$0x1], $0xffff  }
0x27e: {  	v32 =	vld [tilespmem:s23+$0x460];
	[tilespmem:s22+$0x10650] =	vst v31  }
0x27f: {  	v33 =	vld.idx.msk [tilespmem:v3+s10+$0x460 ss:$0x1], $0xffff  }
0x280: {  	v34 =	vld [tilespmem:s24+$0x460];
	_ =	sdelay $0x2  }
0x281: {  	v8 =	vadd.f32 v8, v32;
	_ =	sdelay $0x1  }
0x282: {  	[tilespmem:s14+$0x10660] =	vst v8;
	v35 =	vadd.f32 v33, v34  }
0x283: {  	v36 =	vld.idx.msk [tilespmem:v3+s12+$0x470 ss:$0x1], $0xffff  }
0x284: {  	v37 =	vld [tilespmem:s23+$0x470];
	[tilespmem:s22+$0x10660] =	vst v35  }
0x285: {  	v8 =	vld.idx.msk [tilespmem:v3+s10+$0x470 ss:$0x1], $0xffff  }
0x286: {  	v38 =	vld [tilespmem:s24+$0x470];
	_ =	sdelay $0x2  }
0x287: {  	v9 =	vadd.f32 v36, v37;
	_ =	sdelay $0x1  }
0x288: {  	[tilespmem:s14+$0x10670] =	vst v9;
	v8 =	vadd.f32 v8, v38  }
0x289: {  	v9 =	vld.idx.msk [tilespmem:v3+s12+$0x800 ss:$0x1], $0xffff  }
0x28a: {  	v39 =	vld [tilespmem:s23+$0x800];
	[tilespmem:s22+$0x10670] =	vst v8  }
0x28b: {  	v8 =	vld.idx.msk [tilespmem:v3+s10+$0x800 ss:$0x1], $0xffff  }
0x28c: {  	v40 =	vld [tilespmem:s24+$0x800];
	_ =	sdelay $0x2  }
0x28d: {  	v9 =	vadd.f32 v9, v39;
	_ =	sdelay $0x1  }
0x28e: {  	[tilespmem:s14+$0x10800] =	vst v9;
	v8 =	vadd.f32 v8, v40  }
0x28f: {  	v9 =	vld.idx.msk [tilespmem:v3+s12+$0x810 ss:$0x1], $0xffff  }
0x290: {  	v41 =	vld [tilespmem:s23+$0x810];
	[tilespmem:s22+$0x10800] =	vst v8  }
0x291: {  	v8 =	vld.idx.msk [tilespmem:v3+s10+$0x810 ss:$0x1], $0xffff  }
0x292: {  	v42 =	vld [tilespmem:s24+$0x810];
	_ =	sdelay $0x2  }
0x293: {  	v9 =	vadd.f32 v9, v41;
	_ =	sdelay $0x1  }
0x294: {  	[tilespmem:s14+$0x10810] =	vst v9;
	v8 =	vadd.f32 v8, v42  }
0x295: {  	v9 =	vld.idx.msk [tilespmem:v3+s12+$0x820 ss:$0x1], $0xffff  }
0x296: {  	v43 =	vld [tilespmem:s23+$0x820];
	[tilespmem:s22+$0x10810] =	vst v8  }
0x297: {  	v8 =	vld.idx.msk [tilespmem:v3+s10+$0x820 ss:$0x1], $0xffff  }
0x298: {  	v44 =	vld [tilespmem:s24+$0x820];
	_ =	sdelay $0x2  }
0x299: {  	v9 =	vadd.f32 v9, v43;
	_ =	sdelay $0x1  }
0x29a: {  	[tilespmem:s14+$0x10820] =	vst v9;
	v8 =	vadd.f32 v8, v44  }
0x29b: {  	v9 =	vld.idx.msk [tilespmem:v3+s12+$0x830 ss:$0x1], $0xffff  }
0x29c: {  	v45 =	vld [tilespmem:s23+$0x830];
	[tilespmem:s22+$0x10820] =	vst v8  }
0x29d: {  	v8 =	vld.idx.msk [tilespmem:v3+s10+$0x830 ss:$0x1], $0xffff  }
0x29e: {  	v46 =	vld [tilespmem:s24+$0x830];
	_ =	sdelay $0x2  }
0x29f: {  	v9 =	vadd.f32 v9, v45;
	_ =	sdelay $0x1  }
0x2a0: {  	[tilespmem:s14+$0x10830] =	vst v9;
	v8 =	vadd.f32 v8, v46  }
0x2a1: {  	v9 =	vld.idx.msk [tilespmem:v3+s12+$0x840 ss:$0x1], $0xffff  }
0x2a2: {  	v47 =	vld [tilespmem:s23+$0x840];
	[tilespmem:s22+$0x10830] =	vst v8  }
0x2a3: {  	v8 =	vld.idx.msk [tilespmem:v3+s10+$0x840 ss:$0x1], $0xffff  }
0x2a4: {  	v48 =	vld [tilespmem:s24+$0x840];
	_ =	sdelay $0x2  }
0x2a5: {  	v9 =	vadd.f32 v9, v47;
	_ =	sdelay $0x1  }
0x2a6: {  	[tilespmem:s14+$0x10840] =	vst v9;
	v8 =	vadd.f32 v8, v48  }
0x2a7: {  	v9 =	vld.idx.msk [tilespmem:v3+s12+$0x850 ss:$0x1], $0xffff  }
0x2a8: {  	v49 =	vld [tilespmem:s23+$0x850];
	[tilespmem:s22+$0x10840] =	vst v8  }
0x2a9: {  	v8 =	vld.idx.msk [tilespmem:v3+s10+$0x850 ss:$0x1], $0xffff  }
0x2aa: {  	v50 =	vld [tilespmem:s24+$0x850];
	_ =	sdelay $0x2  }
0x2ab: {  	v9 =	vadd.f32 v9, v49;
	_ =	sdelay $0x1  }
0x2ac: {  	[tilespmem:s14+$0x10850] =	vst v9;
	v8 =	vadd.f32 v8, v50  }
0x2ad: {  	v9 =	vld.idx.msk [tilespmem:v3+s12+$0x860 ss:$0x1], $0xffff  }
0x2ae: {  	v51 =	vld [tilespmem:s23+$0x860];
	[tilespmem:s22+$0x10850] =	vst v8  }
0x2af: {  	v8 =	vld.idx.msk [tilespmem:v3+s10+$0x860 ss:$0x1], $0xffff  }
0x2b0: {  	v52 =	vld [tilespmem:s24+$0x860];
	_ =	sdelay $0x2  }
0x2b1: {  	v9 =	vadd.f32 v9, v51;
	_ =	sdelay $0x1  }
0x2b2: {  	[tilespmem:s14+$0x10860] =	vst v9;
	v8 =	vadd.f32 v8, v52  }
0x2b3: {  	v9 =	vld [tilespmem:s23+$0x870]  }
0x2b4: {  	v53 =	vld.idx.msk [tilespmem:v3+s12+$0x870 ss:$0x1], $0xffff;
	[tilespmem:s22+$0x10860] =	vst v8  }
0x2b5: {  	v8 =	vld [tilespmem:s24+$0x870]  }
0x2b6: {  	v54 =	vld.idx.msk [tilespmem:v3+s10+$0x870 ss:$0x1], $0xffff  }
0x2b7: {  	s0 =	sadd.s32 $0x2, s3  }
0x2b8: {  	s0 =	sand.u32 $0x7, s0  }
0x2b9: {  	s1 =	sadd.s32 $0x400, s18;
	s0 =	sshll.u32 s0, $0x7;
	v9 =	vadd.f32 v53, v9  }
0x2ba: {  	s0 =	sadd.s32 s0, s1  }
0x2bb: {  	s1 =	sor.u32 $0xC00, s0;
	[tilespmem:s14+$0x10870] =	vst v9;
	v8 =	vadd.f32 v54, v8  }
0x2bc: {  	v9 =	vld [tilespmem:s1+$0x8400]  }
0x2bd: {  	v55 =	vld.idx.msk [tilespmem:v3+s12+$0xC00 ss:$0x1], $0xffff;
	[tilespmem:s22+$0x10870] =	vst v8  }
0x2be: {  	v8 =	vld.idx.msk [tilespmem:v3+s10+$0xC00 ss:$0x1], $0xffff  }
0x2bf: {  	v56 =	vld [tilespmem:s31+$0x8400];
	_ =	sdelay $0x2  }
0x2c0: {  	v9 =	vadd.f32 v55, v9;
	_ =	sdelay $0x1  }
0x2c1: {  	s25 =	sor.u32 $0xC10, s0;
	[tilespmem:s14+$0x10A00] =	vst v9;
	v8 =	vadd.f32 v8, v56  }
0x2c2: {  	v9 =	vld [tilespmem:s25+$0x8400]  }
0x2c3: {  	v57 =	vld.idx.msk [tilespmem:v3+s12+$0xC10 ss:$0x1], $0xffff;
	[tilespmem:s22+$0x10A00] =	vst v8  }
0x2c4: {  	v8 =	vld [tilespmem:s11+$0x8400]  }
0x2c5: {  	v58 =	vld.idx.msk [tilespmem:v3+s10+$0xC10 ss:$0x1], $0xffff;
	_ =	sdelay $0x1  }
0x2c6: {  	[tilespmem:s6+$0x10A10] =	vst v5  }
0x2c7: {  	v60 =	vld.idx.msk [tilespmem:v3+s21+$0xC20 ss:$0x1], $0xffff;
	v59 =	vadd.f32 v57, v9  }
0x2c8: {  	v61 =	vld [tilespmem:s16+$0x8400]  }
0x2c9: {  	s26 =	sor.u32 $0xC20, s0;
	[tilespmem:s14+$0x10A10] =	vst v59;
	v62 =	vadd.f32 v58, v8  }
0x2ca: {  	v63 =	vld [tilespmem:s26+$0x8400]  }
0x2cb: {  	v16 =	vld.idx.msk [tilespmem:v3+s12+$0xC20 ss:$0x1], $0xffff;
	[tilespmem:s22+$0x10A10] =	vst v62  }
0x2cc: {  	s28 =	rddreg [dreg:$0xc];
	v12 =	vld.idx.msk [tilespmem:v3+s10+$0xC20 ss:$0x1], $0xffff  }
0x2cd: {  	v9 =	vadd.f32 v60, v61;
	v5 =	vld [tilespmem:s28+$0x8400];
	_ =	sdelay $0x1  }
0x2ce: {  	[tilespmem:s6+$0x10A20] =	vst v9  }
0x2cf: {  	v9 =	vld.idx.msk [tilespmem:v3+s21+$0xC30 ss:$0x1], $0xffff;
	s29 =	rddreg [dreg:$0x7];
	v8 =	vadd.f32 v16, v63  }
0x2d0: {  	v17 =	vld [tilespmem:s29+$0x8400]  }
0x2d1: {  	s31 =	sor.u32 $0xC30, s0;
	[tilespmem:s14+$0x10A20] =	vst v8;
	v5 =	vadd.f32 v12, v5  }
0x2d2: {  	v8 =	vld [tilespmem:s31+$0x8400]  }
0x2d3: {  	v19 =	vadd.f32 v7, v6;
	v18 =	vld.idx.msk [tilespmem:v3+s12+$0xC30 ss:$0x1], $0xffff;
	[tilespmem:s22+$0x10A20] =	vst v5  }
0x2d4: {  	v20 =	vld.idx.msk [tilespmem:v3+s10+$0xC30 ss:$0x1], $0xffff;
	s2 =	rddreg [dreg:$0x9]  }
0x2d5: {  	s3 =	sor.u32 $0xC40, s30;
	v22 =	vadd.f32 v9, v17;
	[tilespmem:s7+$0x10A30] =	vst v19;
	v21 =	vld [tilespmem:s2+$0x8400]  }
0x2d6: {  	v23 =	vld [tilespmem:s3+$0x8400]  }
0x2d7: {  	[tilespmem:s6+$0x10A30] =	vst v22;
	v24 =	vld.idx.msk [tilespmem:v3+s20+$0xC40 ss:$0x1], $0xffff  }
0x2d8: {  	v26 =	vld.idx.msk [tilespmem:v3+s21+$0xC40 ss:$0x1], $0xffff;
	s11 =	rddreg [dreg:$0x5];
	v25 =	vadd.f32 v18, v8  }
0x2d9: {  	v27 =	vld [tilespmem:s11+$0x8400]  }
0x2da: {  	s13 =	sor.u32 $0xC40, s0;
	[tilespmem:s14+$0x10A30] =	vst v25;
	v28 =	vadd.f32 v20, v21  }
0x2db: {  	v29 =	vld [tilespmem:s13+$0x8400]  }
0x2dc: {  	v30 =	vld.idx.msk [tilespmem:v3+s12+$0xC40 ss:$0x1], $0xffff;
	v31 =	vadd.f32 v24, v23;
	[tilespmem:s22+$0x10A30] =	vst v28  }
0x2dd: {  	v32 =	vld.idx.msk [tilespmem:v3+s10+$0xC40 ss:$0x1], $0xffff;
	s16 =	rddreg [dreg:$0x6]  }
0x2de: {  	s18 =	sor.u32 $0xC50, s30;
	v34 =	vadd.f32 v26, v27;
	[tilespmem:s7+$0x10A40] =	vst v31;
	v33 =	vld [tilespmem:s16+$0x8400]  }
0x2df: {  	v35 =	vld [tilespmem:s18+$0x8400]  }
0x2e0: {  	[tilespmem:s6+$0x10A40] =	vst v34;
	v36 =	vld.idx.msk [tilespmem:v3+s20+$0xC50 ss:$0x1], $0xffff  }
0x2e1: {  	v37 =	vadd.f32 v30, v29;
	v38 =	vld.idx.msk [tilespmem:v3+s21+$0xC50 ss:$0x1], $0xffff  }
0x2e2: {  	v39 =	vld [tilespmem:s15+$0x8400]  }
0x2e3: {  	s23 =	sor.u32 $0xC50, s0;
	[tilespmem:s14+$0x10A40] =	vst v37;
	v40 =	vadd.f32 v32, v33  }
0x2e4: {  	v41 =	vld [tilespmem:s23+$0x8400]  }
0x2e5: {  	v42 =	vld.idx.msk [tilespmem:v3+s12+$0xC50 ss:$0x1], $0xffff;
	v43 =	vadd.f32 v36, v35;
	[tilespmem:s22+$0x10A40] =	vst v40  }
0x2e6: {  	v44 =	vld.idx.msk [tilespmem:v3+s10+$0xC50 ss:$0x1], $0xffff  }
0x2e7: {  	s24 =	sor.u32 $0xC60, s30;
	v46 =	vadd.f32 v38, v39;
	[tilespmem:s7+$0x10A50] =	vst v43;
	v45 =	vld [tilespmem:s19+$0x8400]  }
0x2e8: {  	v47 =	vld [tilespmem:s24+$0x8400]  }
0x2e9: {  	[tilespmem:s6+$0x10A50] =	vst v46;
	v48 =	vld.idx.msk [tilespmem:v3+s20+$0xC60 ss:$0x1], $0xffff  }
0x2ea: {  	v49 =	vadd.f32 v42, v41;
	v50 =	vld.idx.msk [tilespmem:v3+s21+$0xC60 ss:$0x1], $0xffff  }
0x2eb: {  	v51 =	vld [tilespmem:s8+$0x8400]  }
0x2ec: {  	s25 =	sor.u32 $0xC60, s0;
	[tilespmem:s14+$0x10A50] =	vst v49;
	v52 =	vadd.f32 v44, v45  }
0x2ed: {  	v53 =	vld [tilespmem:s25+$0x8400]  }
0x2ee: {  	v54 =	vld.idx.msk [tilespmem:v3+s12+$0xC60 ss:$0x1], $0xffff;
	v6 =	vadd.f32 v48, v47;
	[tilespmem:s22+$0x10A50] =	vst v52  }
0x2ef: {  	v5 =	vld [tilespmem:s9+$0x8400]  }
0x2f0: {  	v56 =	vadd.f32 v50, v51;
	[tilespmem:s7+$0x10A60] =	vst v6;
	v55 =	vld.idx.msk [tilespmem:v3+s10+$0xC60 ss:$0x1], $0xffff  }
0x2f1: {  	s26 =	sor.u32 $0xC70, s30;
	v57 =	vld.idx.msk [tilespmem:v3+s20+$0xC70 ss:$0x1], $0xffff  }
0x2f2: {  	[tilespmem:s6+$0x10A60] =	vst v56;
	v58 =	vld [tilespmem:s26+$0x8400]  }
0x2f3: {  	v59 =	vadd.f32 v54, v53;
	v60 =	vld.idx.msk [tilespmem:v3+s21+$0xC70 ss:$0x1], $0xffff  }
0x2f4: {  	v61 =	vld [tilespmem:s4+$0x8400]  }
0x2f5: {  	[tilespmem:s14+$0x10A60] =	vst v59;
	v5 =	vadd.f32 v55, v5  }
0x2f6: {  	s0 =	sor.u32 $0xC70, s0;
	v6 =	vld.idx.msk [tilespmem:v3+s12+$0xC70 ss:$0x1], $0xffff  }
0x2f7: {  	v62 =	vld [tilespmem:s0+$0x8400];
	[tilespmem:s22+$0x10A60] =	vst v5  }
0x2f8: {  	v9 =	vadd.f32 v57, v58;
	v3 =	vld.idx.msk [tilespmem:v3+s10+$0xC70 ss:$0x1], $0xffff  }
0x2f9: {  	[tilespmem:s17+$0x10A70] =	vst v4;
	v63 =	vadd.f32 v60, v61;
	v5 =	vld [tilespmem:s5+$0x8400]  }
0x2fa: {  	[tilespmem:s7+$0x10A70] =	vst v9  }
0x2fb: {  	[tilespmem:s6+$0x10A70] =	vst v63  }
0x2fc: {  	s28 =	sld [smem:$0x7F8]  }
0x2fd: {  	v6 =	vadd.f32 v6, v62;
	s29 =	sld [smem:$0x7F5]  }
0x2fe: {  	v3 =	vadd.f32 v3, v5  }
0x2ff: {  	[tilespmem:s14+$0x10A70] =	vst v6  }
0x300: {  	s30 =	rddreg [dreg:$0x3];
	s0 =	sadd.s32 s28, s29;
	[tilespmem:s22+$0x10A70] =	vst v3  }
0x301: {  	s0 =	sshll.u32 s0, $0xB;
	s5 =	sld [smem:$0x7F6]  }
0x302: {  	s31 =	simm.s32 $0x0;
	s2 =	simm.s32 $0x10400;
	s0 =	sadd.s32 s30, s0  }
0x303: {  	[hbm4b:s0+s31] =	stream.linear.scatter [tilespmem:s2], [sflag:$0x3], $0x4000, $0x38;
	[tilespmem:$0x18400] =	vst v63  }
0x304: {  	s1 =	sadd.s32 $0x2, s29;
	p1 =	seq.s32 s5, $0xF  }
0x305: {  	[smem:$0x7F1] =	sst s1;
	s0 =	sshll.u32 @!p1 s1, $0x3;
	s1 =	sshll.u32 @!p1 s1, $0x5  }
0x306: {  	s0 =	sand.u32 @!p1 $0x70, s0;
	s1 =	sand.u32 @!p1 $0x600, s1  }
0x307: {  	s0 =	sor.u32 @!p1 s0, s1  }
0x308: {  	v3 =	vld.msk @!p1 [tilespmem:s0+$0x0], $0xff;
	_ =	sdelay $0x4  }
0x309: {  	v4 =	vshll.u32 @!p1 v3, $0x2  }
0x30a: {  	v5 =	vlaneseq.u32 @!p1;
	v3 =	vand.u32 @!p1 $0x7, v3;
	v4 =	vand.u32 @!p1 $0xFFFFFFE0, v4  }
0x30b: {  	v3 =	vor.u32 @!p1 v3, v4;
	v4 =	vand.u32 @!p1 $0x7, v5;
	v5 =	vshrl.u32 @!p1 v5, $0x3  }
0x30c: {  	v3 =	vperm.xlane @!p1 v3, v4;
	v5 =	vmul.u32 @!p1 $0x8, v5;
	_ =	sdelay $0x1  }
0x30d: {  	v3 =	vadd.s32 @!p1 v5, v3;
	_ =	sdelay $0x2  }
0x30e: {  	s3 =	rddreg [dreg:$0x1]  }
0x30f: {  	s4 =	sld [smem:$0x7FC];
	vm1 =	vmmov @!p1 $0xffff;
	s2 =	simm.s32 @!p1 $0x8400;
	s1 =	simm.s32 @!p1 $0x0  }
0x310: {  	[tilespmem:s2], [sflag:$0x1] =	stream.indirect_vreg.gather @!p1 [hbm4b:s3+s1], $0x80, v3, vm1, $0xb8;
	[tilespmem:$0x18400] =	vst v63  }
0x311: {  	s2 =	simm.s32 @!p1 $0x8C00  }
0x312: {  	[tilespmem:s2], [sflag:$0x1] =	stream.indirect_vreg.gather @!p1 [hbm4b:s4+s1], $0x80, v3, vm1, $0xb8;
	[tilespmem:$0x18400] =	vst v63  }
0x313: {  	s2 =	sor.u32 @!p1 $0x80, s0  }
0x314: {  	v3 =	vld.msk @!p1 [tilespmem:s2+$0x0], $0xff;
	_ =	sdelay $0x4  }
0x315: {  	v6 =	vshll.u32 @!p1 v3, $0x2  }
0x316: {  	v3 =	vand.u32 @!p1 $0x7, v3;
	v6 =	vand.u32 @!p1 $0xFFFFFFE0, v6  }
0x317: {  	v3 =	vor.u32 @!p1 v3, v6  }
0x318: {  	v3 =	vperm.xlane @!p1 v3, v4;
	_ =	sdelay $0x1  }
0x319: {  	v3 =	vadd.s32 @!p1 v5, v3;
	_ =	sdelay $0x3  }
0x31a: {  	s2 =	simm.s32 @!p1 $0x9400  }
0x31b: {  	[tilespmem:s2], [sflag:$0x1] =	stream.indirect_vreg.gather @!p1 [hbm4b:s3+s1], $0x80, v3, vm1, $0xb8;
	[tilespmem:$0x18400] =	vst v63  }
0x31c: {  	s2 =	simm.s32 @!p1 $0x9C00  }
0x31d: {  	[tilespmem:s2], [sflag:$0x1] =	stream.indirect_vreg.gather @!p1 [hbm4b:s4+s1], $0x80, v3, vm1, $0xb8;
	[tilespmem:$0x18400] =	vst v63  }
0x31e: {  	s2 =	sor.u32 @!p1 $0x100, s0  }
0x31f: {  	v3 =	vld.msk @!p1 [tilespmem:s2+$0x0], $0xff;
	_ =	sdelay $0x4  }
0x320: {  	v6 =	vshll.u32 @!p1 v3, $0x2  }
0x321: {  	v3 =	vand.u32 @!p1 $0x7, v3;
	v6 =	vand.u32 @!p1 $0xFFFFFFE0, v6  }
0x322: {  	v3 =	vor.u32 @!p1 v3, v6  }
0x323: {  	v3 =	vperm.xlane @!p1 v3, v4;
	_ =	sdelay $0x1  }
0x324: {  	v3 =	vadd.s32 @!p1 v5, v3;
	_ =	sdelay $0x3  }
0x325: {  	s2 =	simm.s32 @!p1 $0xA400  }
0x326: {  	[tilespmem:s2], [sflag:$0x1] =	stream.indirect_vreg.gather @!p1 [hbm4b:s3+s1], $0x80, v3, vm1, $0xb8;
	[tilespmem:$0x18400] =	vst v63  }
0x327: {  	s0 =	sor.u32 @!p1 $0x180, s0;
	s2 =	simm.s32 @!p1 $0xAC00  }
0x328: {  	[tilespmem:s2], [sflag:$0x1] =	stream.indirect_vreg.gather @!p1 [hbm4b:s4+s1], $0x80, v3, vm1, $0xb8;
	[tilespmem:$0x18400] =	vst v63  }
0x329: {  	v3 =	vld.msk @!p1 [tilespmem:s0+$0x0], $0xff;
	_ =	sdelay $0x4  }
0x32a: {  	v6 =	vshll.u32 @!p1 v3, $0x2  }
0x32b: {  	v3 =	vand.u32 @!p1 $0x7, v3;
	v6 =	vand.u32 @!p1 $0xFFFFFFE0, v6  }
0x32c: {  	v3 =	vor.u32 @!p1 v3, v6  }
0x32d: {  	v3 =	vperm.xlane @!p1 v3, v4;
	_ =	sdelay $0x1  }
0x32e: {  	v3 =	vadd.s32 @!p1 v5, v3;
	_ =	sdelay $0x3  }
0x32f: {  	p2 =	seq.s32 @!p1 s5, $0x0;
	s0 =	simm.s32 @!p1 $0xB400  }
0x330: {  	[tilespmem:s0], [sflag:$0x1] =	stream.indirect_vreg.gather @!p1 [hbm4b:s3+s1], $0x80, v3, vm1, $0xb8;
	[tilespmem:$0x18400] =	vst v63  }
0x331: {  	p2 =	por p1, !p2;
	s0 =	simm.s32 @!p1 $0xBC00  }
0x332: {  	[tilespmem:s0], [sflag:$0x1] =	stream.indirect_vreg.gather @!p1 [hbm4b:s4+s1], $0x80, v3, vm1, $0xb8;
	[tilespmem:$0x18400] =	vst v63  }
.Ltmp3:
0x333: {  	_ = 	snop;
	(pc) =	sbr.rel @!p2 .LBB2_10-.Ltmp3, $2  }
0x334: {  	s0 =	sld [smem:$0x7F4];
	_ =	sdelay $0x2  }
0x335: {  	s1 =	sand.u32 @!p1 $0x7, s0  }
0x336: {  	s0 =	simm.s32 $0x4  }
0x337: {  	_ =	swait.ge [sflag:s0], $0x4000  }
0x338: {  	[sflag:s0] =	ssyncset.done $0x0  }
0x339: {  	s1 =	simm.s32 @p1 $0x7;
	[sflag:s0] =	ssyncadd.s32 $0xFFFFC000  }
.LBB2_10:
0x33a: {  	s0 =	sshll.u32 s1, $0xC  }
0x33b: {  	[smem:$0x7F0] =	sst s1;
	s0 =	sor.u32 $0x400, s0  }
0x33c: {  	s16 =	simm.s32 $0x2;
	s4 =	simm.s32 $0x0;
	s17 =	simm.s32 $0x1;
	v3 =	vmov s0  }
0x33d: {  	s18 =	simm.s32 $0x80;
	_ =	swait.ge [sflag:s16], $0x4000;
	s2 =	sand.u32 $0x3000, s4  }
0x33e: {  	s1 =	sand.u32 $0x380, s18;
	[sflag:s16] =	ssyncset.done $0x0;
	s3 =	sor.u32 $0xC400, s2  }
0x33f: {  	s0 =	sand.u32 $0x7, s17;
	[sflag:s16] =	ssyncadd.s32 $0xFFFFC000;
	s9 =	sor.u32 s1, s3  }
0x340: {  	s2 =	sshll.u32 s0, $0x7;
	v5 =	vld [tilespmem:s9+$0x0]  }
0x341: {  	v4 =	vld.idx.msk [tilespmem:v3+s2+$0x0 ss:$0x1], $0xffff;
	_ =	sdelay $0x4  }
0x342: {  	s19 =	sand.u32 $0x180, s4;
	s0 =	sshll.u32 s0, $0xB;
	v4 =	vadd.f32 v4, v5  }
0x343: {  	s8 =	sor.u32 s19, s0  }
0x344: {  	[tilespmem:s8+$0x14400] =	vst v4  }
0x345: {  	v4 =	vld.idx.msk [tilespmem:v3+s2+$0x10 ss:$0x1], $0xffff  }
0x346: {  	v5 =	vld [tilespmem:s9+$0x10];
	_ =	sdelay $0x1  }
0x347: {  	s20 =	simm.s32 $0x0  }
0x348: {  	s5 =	simm.s32 $0x0;
	s6 =	sand.u32 $0x6, s20  }
0x349: {  	s5 =	sand.u32 $0x300, s5;
	s0 =	sshll.u32 s6, $0x7  }
0x34a: {  	s5 =	sor.u32 s5, s3;
	v6 =	vld.idx.msk [tilespmem:v3+s0+$0x0 ss:$0x1], $0xffff;
	v4 =	vadd.f32 v4, v5  }
0x34b: {  	v5 =	vld [tilespmem:s5+$0x0]  }
0x34c: {  	[tilespmem:s8+$0x14410] =	vst v4  }
0x34d: {  	v4 =	vld.idx.msk [tilespmem:v3+s2+$0x20 ss:$0x1], $0xffff  }
0x34e: {  	v7 =	vld [tilespmem:s9+$0x20];
	_ =	sdelay $0x1  }
0x34f: {  	s21 =	sshll.u32 s6, $0xB;
	v5 =	vadd.f32 v6, v5  }
0x350: {  	s20 =	sor.u32 s19, s21  }
0x351: {  	[tilespmem:s20+$0x14400] =	vst v5  }
0x352: {  	v5 =	vld.idx.msk [tilespmem:v3+s0+$0x10 ss:$0x1], $0xffff;
	v4 =	vadd.f32 v4, v7  }
0x353: {  	v6 =	vld [tilespmem:s5+$0x10]  }
0x354: {  	[tilespmem:s8+$0x14420] =	vst v4  }
0x355: {  	v4 =	vld.idx.msk [tilespmem:v3+s2+$0x30 ss:$0x1], $0xffff  }
0x356: {  	v7 =	vld [tilespmem:s9+$0x30];
	_ =	sdelay $0x1  }
0x357: {  	v5 =	vadd.f32 v5, v6;
	_ =	sdelay $0x1  }
0x358: {  	[tilespmem:s20+$0x14410] =	vst v5  }
0x359: {  	v5 =	vld.idx.msk [tilespmem:v3+s0+$0x20 ss:$0x1], $0xffff;
	v4 =	vadd.f32 v4, v7  }
0x35a: {  	v6 =	vld [tilespmem:s5+$0x20]  }
0x35b: {  	[tilespmem:s8+$0x14430] =	vst v4  }
0x35c: {  	v4 =	vld.idx.msk [tilespmem:v3+s2+$0x40 ss:$0x1], $0xffff  }
0x35d: {  	v7 =	vld [tilespmem:s9+$0x40];
	_ =	sdelay $0x1  }
0x35e: {  	v5 =	vadd.f32 v5, v6;
	_ =	sdelay $0x1  }
0x35f: {  	[tilespmem:s20+$0x14420] =	vst v5  }
0x360: {  	v5 =	vld.idx.msk [tilespmem:v3+s0+$0x30 ss:$0x1], $0xffff;
	v4 =	vadd.f32 v4, v7  }
0x361: {  	v6 =	vld [tilespmem:s5+$0x30]  }
0x362: {  	[tilespmem:s8+$0x14440] =	vst v4  }
0x363: {  	v4 =	vld.idx.msk [tilespmem:v3+s2+$0x50 ss:$0x1], $0xffff  }
0x364: {  	v7 =	vld [tilespmem:s9+$0x50];
	_ =	sdelay $0x1  }
0x365: {  	v5 =	vadd.f32 v5, v6;
	_ =	sdelay $0x1  }
0x366: {  	[tilespmem:s20+$0x14430] =	vst v5  }
0x367: {  	v5 =	vld.idx.msk [tilespmem:v3+s0+$0x40 ss:$0x1], $0xffff;
	v4 =	vadd.f32 v4, v7  }
0x368: {  	v6 =	vld [tilespmem:s5+$0x40]  }
0x369: {  	[tilespmem:s8+$0x14450] =	vst v4  }
0x36a: {  	v4 =	vld.idx.msk [tilespmem:v3+s2+$0x60 ss:$0x1], $0xffff  }
0x36b: {  	v7 =	vld [tilespmem:s9+$0x60];
	_ =	sdelay $0x1  }
0x36c: {  	v5 =	vadd.f32 v5, v6;
	_ =	sdelay $0x1  }
0x36d: {  	[tilespmem:s20+$0x14440] =	vst v5  }
0x36e: {  	v5 =	vld.idx.msk [tilespmem:v3+s0+$0x50 ss:$0x1], $0xffff;
	v4 =	vadd.f32 v4, v7  }
0x36f: {  	v6 =	vld [tilespmem:s5+$0x50]  }
0x370: {  	[tilespmem:s8+$0x14460] =	vst v4  }
0x371: {  	v4 =	vld.idx.msk [tilespmem:v3+s2+$0x70 ss:$0x1], $0xffff  }
0x372: {  	v7 =	vld [tilespmem:s9+$0x70];
	_ =	sdelay $0x1  }
0x373: {  	v5 =	vadd.f32 v5, v6;
	_ =	sdelay $0x1  }
0x374: {  	[tilespmem:s20+$0x14450] =	vst v5  }
0x375: {  	v5 =	vld.idx.msk [tilespmem:v3+s0+$0x60 ss:$0x1], $0xffff;
	v4 =	vadd.f32 v4, v7  }
0x376: {  	v6 =	vld [tilespmem:s5+$0x60]  }
0x377: {  	[tilespmem:s8+$0x14470] =	vst v4  }
0x378: {  	v4 =	vld.idx.msk [tilespmem:v3+s2+$0x400 ss:$0x1], $0xffff  }
0x379: {  	v7 =	vld [tilespmem:s9+$0x400];
	_ =	sdelay $0x1  }
0x37a: {  	v5 =	vadd.f32 v5, v6;
	_ =	sdelay $0x1  }
0x37b: {  	[tilespmem:s20+$0x14460] =	vst v5  }
0x37c: {  	v5 =	vld.idx.msk [tilespmem:v3+s0+$0x70 ss:$0x1], $0xffff;
	v4 =	vadd.f32 v4, v7  }
0x37d: {  	v6 =	vld [tilespmem:s5+$0x70]  }
0x37e: {  	[tilespmem:s8+$0x14600] =	vst v4  }
0x37f: {  	v4 =	vld.idx.msk [tilespmem:v3+s2+$0x410 ss:$0x1], $0xffff  }
0x380: {  	v7 =	vld [tilespmem:s9+$0x410];
	_ =	sdelay $0x1  }
0x381: {  	v5 =	vadd.f32 v5, v6;
	_ =	sdelay $0x1  }
0x382: {  	[tilespmem:s20+$0x14470] =	vst v5  }
0x383: {  	v5 =	vld.idx.msk [tilespmem:v3+s0+$0x400 ss:$0x1], $0xffff;
	v4 =	vadd.f32 v4, v7  }
0x384: {  	v6 =	vld [tilespmem:s5+$0x400]  }
0x385: {  	[tilespmem:s8+$0x14610] =	vst v4  }
0x386: {  	v4 =	vld.idx.msk [tilespmem:v3+s2+$0x420 ss:$0x1], $0xffff  }
0x387: {  	v7 =	vld [tilespmem:s9+$0x420];
	_ =	sdelay $0x1  }
0x388: {  	v5 =	vadd.f32 v5, v6;
	_ =	sdelay $0x1  }
0x389: {  	[tilespmem:s20+$0x14600] =	vst v5  }
0x38a: {  	v5 =	vld.idx.msk [tilespmem:v3+s0+$0x410 ss:$0x1], $0xffff;
	v4 =	vadd.f32 v4, v7  }
0x38b: {  	v6 =	vld [tilespmem:s5+$0x410]  }
0x38c: {  	[tilespmem:s8+$0x14620] =	vst v4  }
0x38d: {  	v4 =	vld.idx.msk [tilespmem:v3+s2+$0x430 ss:$0x1], $0xffff  }
0x38e: {  	v7 =	vld [tilespmem:s9+$0x430];
	_ =	sdelay $0x1  }
0x38f: {  	v5 =	vadd.f32 v5, v6;
	_ =	sdelay $0x1  }
0x390: {  	[tilespmem:s20+$0x14610] =	vst v5  }
0x391: {  	v5 =	vld.idx.msk [tilespmem:v3+s0+$0x420 ss:$0x1], $0xffff;
	v4 =	vadd.f32 v4, v7  }
0x392: {  	v6 =	vld [tilespmem:s5+$0x420]  }
0x393: {  	[tilespmem:s8+$0x14630] =	vst v4  }
0x394: {  	v4 =	vld.idx.msk [tilespmem:v3+s2+$0x440 ss:$0x1], $0xffff  }
0x395: {  	v7 =	vld [tilespmem:s9+$0x440];
	_ =	sdelay $0x1  }
0x396: {  	v5 =	vadd.f32 v5, v6;
	_ =	sdelay $0x1  }
0x397: {  	[tilespmem:s20+$0x14620] =	vst v5  }
0x398: {  	v5 =	vld.idx.msk [tilespmem:v3+s0+$0x430 ss:$0x1], $0xffff;
	v4 =	vadd.f32 v4, v7  }
0x399: {  	v6 =	vld [tilespmem:s5+$0x430]  }
0x39a: {  	[tilespmem:s8+$0x14640] =	vst v4  }
0x39b: {  	v4 =	vld.idx.msk [tilespmem:v3+s2+$0x450 ss:$0x1], $0xffff  }
0x39c: {  	v7 =	vld [tilespmem:s9+$0x450];
	_ =	sdelay $0x1  }
0x39d: {  	v5 =	vadd.f32 v5, v6;
	_ =	sdelay $0x1  }
0x39e: {  	[tilespmem:s20+$0x14630] =	vst v5  }
0x39f: {  	v5 =	vld.idx.msk [tilespmem:v3+s0+$0x440 ss:$0x1], $0xffff;
	v4 =	vadd.f32 v4, v7  }
0x3a0: {  	v6 =	vld [tilespmem:s5+$0x440]  }
0x3a1: {  	s22 =	simm.s32 $0x2;
	s23 =	simm.s32 $0x3;
	s24 =	simm.s32 $0x400;
	[tilespmem:s8+$0x14650] =	vst v4  }
0x3a2: {  	s25 =	simm.s32 $0x180;
	s10 =	sand.u32 $0x7, s23;
	s6 =	sand.u32 $0x3000, s24;
	v4 =	vld.idx.msk [tilespmem:v3+s2+$0x460 ss:$0x1], $0xffff  }
0x3a3: {  	s3 =	sand.u32 $0x380, s25;
	s21 =	sshll.u32 s10, $0x7;
	s6 =	sor.u32 $0xC400, s6;
	v7 =	vld [tilespmem:s9+$0x460]  }
0x3a4: {  	s26 =	simm.s32 $0x100;
	s11 =	sand.u32 $0x6, s22;
	s3 =	sor.u32 s3, s6;
	v8 =	vld.idx.msk [tilespmem:v3+s21+$0x0 ss:$0x1], $0xffff  }
0x3a5: {  	s7 =	sshll.u32 s11, $0x7;
	s1 =	sand.u32 $0x300, s26;
	v5 =	vadd.f32 v5, v6;
	v6 =	vld [tilespmem:s3+$0x0]  }
0x3a6: {  	s1 =	sor.u32 s1, s6;
	v9 =	vld.idx.msk [tilespmem:v3+s7+$0x0 ss:$0x1], $0xffff  }
0x3a7: {  	[tilespmem:s20+$0x14640] =	vst v5;
	v5 =	vld [tilespmem:s1+$0x0]  }
0x3a8: {  	v10 =	vld.idx.msk [tilespmem:v3+s0+$0x450 ss:$0x1], $0xffff;
	v4 =	vadd.f32 v4, v7  }
0x3a9: {  	s12 =	simm.s32 $0x20;
	v7 =	vld [tilespmem:s5+$0x450]  }
0x3aa: {  	s10 =	sshll.u32 s10, $0xB;
	s6 =	sand.u32 $0x180, s12;
	v6 =	vadd.f32 v8, v6;
	[tilespmem:s8+$0x14660] =	vst v4  }
0x3ab: {  	s10 =	sor.u32 s6, s10;
	v4 =	vld.idx.msk [tilespmem:v3+s2+$0x470 ss:$0x1], $0xffff  }
0x3ac: {  	s11 =	sshll.u32 s11, $0xB;
	v5 =	vadd.f32 v9, v5;
	[tilespmem:s10+$0x14400] =	vst v6;
	v6 =	vld [tilespmem:s9+$0x470]  }
0x3ad: {  	s6 =	sor.u32 s6, s11;
	v8 =	vld.idx.msk [tilespmem:v3+s21+$0x10 ss:$0x1], $0xffff  }
0x3ae: {  	v7 =	vadd.f32 v10, v7;
	[tilespmem:s6+$0x14400] =	vst v5;
	v5 =	vld [tilespmem:s3+$0x10]  }
0x3af: {  	v9 =	vld.idx.msk [tilespmem:v3+s7+$0x10 ss:$0x1], $0xffff  }
0x3b0: {  	[tilespmem:s20+$0x14650] =	vst v7;
	v7 =	vld [tilespmem:s1+$0x10]  }
0x3b1: {  	v10 =	vld.idx.msk [tilespmem:v3+s0+$0x460 ss:$0x1], $0xffff;
	v4 =	vadd.f32 v4, v6  }
0x3b2: {  	v6 =	vld [tilespmem:s5+$0x460]  }
0x3b3: {  	v5 =	vadd.f32 v8, v5;
	[tilespmem:s8+$0x14670] =	vst v4  }
0x3b4: {  	v4 =	vld.idx.msk [tilespmem:v3+s2+$0x800 ss:$0x1], $0xffff  }
0x3b5: {  	v7 =	vadd.f32 v9, v7;
	[tilespmem:s10+$0x14410] =	vst v5;
	v5 =	vld [tilespmem:s9+$0x800]  }
0x3b6: {  	v8 =	vld.idx.msk [tilespmem:v3+s21+$0x20 ss:$0x1], $0xffff  }
0x3b7: {  	v6 =	vadd.f32 v10, v6;
	[tilespmem:s6+$0x14410] =	vst v7;
	v7 =	vld [tilespmem:s3+$0x20]  }
0x3b8: {  	v9 =	vld.idx.msk [tilespmem:v3+s7+$0x20 ss:$0x1], $0xffff  }
0x3b9: {  	[tilespmem:s20+$0x14660] =	vst v6;
	v6 =	vld [tilespmem:s1+$0x20]  }
0x3ba: {  	v10 =	vld.idx.msk [tilespmem:v3+s0+$0x470 ss:$0x1], $0xffff;
	v4 =	vadd.f32 v4, v5  }
0x3bb: {  	v5 =	vld [tilespmem:s5+$0x470]  }
0x3bc: {  	v7 =	vadd.f32 v8, v7;
	[tilespmem:s8+$0x14800] =	vst v4  }
0x3bd: {  	v4 =	vld.idx.msk [tilespmem:v3+s2+$0x810 ss:$0x1], $0xffff  }
0x3be: {  	v6 =	vadd.f32 v9, v6;
	[tilespmem:s10+$0x14420] =	vst v7;
	v7 =	vld [tilespmem:s9+$0x810]  }
0x3bf: {  	v8 =	vld.idx.msk [tilespmem:v3+s21+$0x30 ss:$0x1], $0xffff  }
0x3c0: {  	v5 =	vadd.f32 v10, v5;
	[tilespmem:s6+$0x14420] =	vst v6;
	v6 =	vld [tilespmem:s3+$0x30]  }
0x3c1: {  	v9 =	vld.idx.msk [tilespmem:v3+s7+$0x30 ss:$0x1], $0xffff  }
0x3c2: {  	[tilespmem:s20+$0x14670] =	vst v5;
	v5 =	vld [tilespmem:s1+$0x30]  }
0x3c3: {  	v4 =	vadd.f32 v4, v7  }
0x3c4: {  	v10 =	vld.idx.msk [tilespmem:v3+s0+$0x800 ss:$0x1], $0xffff  }
0x3c5: {  	v7 =	vld [tilespmem:s5+$0x800];
	v6 =	vadd.f32 v8, v6;
	[tilespmem:s8+$0x14810] =	vst v4  }
0x3c6: {  	v4 =	vld.idx.msk [tilespmem:v3+s2+$0x820 ss:$0x1], $0xffff  }
0x3c7: {  	v5 =	vadd.f32 v9, v5;
	[tilespmem:s10+$0x14430] =	vst v6;
	v6 =	vld [tilespmem:s9+$0x820]  }
0x3c8: {  	v8 =	vld.idx.msk [tilespmem:v3+s21+$0x40 ss:$0x1], $0xffff  }
0x3c9: {  	[tilespmem:s6+$0x14430] =	vst v5;
	v5 =	vld [tilespmem:s3+$0x40]  }
0x3ca: {  	v7 =	vadd.f32 v10, v7;
	v9 =	vld.idx.msk [tilespmem:v3+s7+$0x40 ss:$0x1], $0xffff  }
0x3cb: {  	v10 =	vld [tilespmem:s1+$0x40]  }
0x3cc: {  	[tilespmem:s20+$0x14800] =	vst v7;
	v4 =	vadd.f32 v4, v6  }
0x3cd: {  	v7 =	vld.idx.msk [tilespmem:v3+s0+$0x810 ss:$0x1], $0xffff  }
0x3ce: {  	v6 =	vld [tilespmem:s5+$0x810];
	v5 =	vadd.f32 v8, v5;
	[tilespmem:s8+$0x14820] =	vst v4  }
0x3cf: {  	v4 =	vld.idx.msk [tilespmem:v3+s2+$0x830 ss:$0x1], $0xffff  }
0x3d0: {  	v8 =	vadd.f32 v9, v10;
	[tilespmem:s10+$0x14440] =	vst v5;
	v5 =	vld [tilespmem:s9+$0x830]  }
0x3d1: {  	v9 =	vld.idx.msk [tilespmem:v3+s21+$0x50 ss:$0x1], $0xffff  }
0x3d2: {  	[tilespmem:s6+$0x14440] =	vst v8;
	v8 =	vld [tilespmem:s3+$0x50]  }
0x3d3: {  	v6 =	vadd.f32 v7, v6;
	v7 =	vld.idx.msk [tilespmem:v3+s7+$0x50 ss:$0x1], $0xffff  }
0x3d4: {  	v10 =	vld [tilespmem:s1+$0x50]  }
0x3d5: {  	[tilespmem:s20+$0x14810] =	vst v6;
	v4 =	vadd.f32 v4, v5  }
0x3d6: {  	v6 =	vld.idx.msk [tilespmem:v3+s0+$0x820 ss:$0x1], $0xffff  }
0x3d7: {  	v5 =	vld [tilespmem:s5+$0x820];
	v8 =	vadd.f32 v9, v8;
	[tilespmem:s8+$0x14830] =	vst v4  }
0x3d8: {  	v4 =	vld.idx.msk [tilespmem:v3+s2+$0x840 ss:$0x1], $0xffff  }
0x3d9: {  	v7 =	vadd.f32 v7, v10;
	[tilespmem:s10+$0x14450] =	vst v8;
	v8 =	vld [tilespmem:s9+$0x840]  }
0x3da: {  	v9 =	vld.idx.msk [tilespmem:v3+s21+$0x60 ss:$0x1], $0xffff  }
0x3db: {  	[tilespmem:s6+$0x14450] =	vst v7;
	v7 =	vld [tilespmem:s3+$0x60]  }
0x3dc: {  	v5 =	vadd.f32 v6, v5;
	v6 =	vld.idx.msk [tilespmem:v3+s7+$0x60 ss:$0x1], $0xffff  }
0x3dd: {  	v10 =	vld [tilespmem:s1+$0x60]  }
0x3de: {  	[tilespmem:s20+$0x14820] =	vst v5;
	v4 =	vadd.f32 v4, v8  }
0x3df: {  	v5 =	vld.idx.msk [tilespmem:v3+s0+$0x830 ss:$0x1], $0xffff  }
0x3e0: {  	v8 =	vld [tilespmem:s5+$0x830];
	v7 =	vadd.f32 v9, v7;
	[tilespmem:s8+$0x14840] =	vst v4  }
0x3e1: {  	v4 =	vld.idx.msk [tilespmem:v3+s2+$0x850 ss:$0x1], $0xffff  }
0x3e2: {  	v6 =	vadd.f32 v6, v10;
	[tilespmem:s10+$0x14460] =	vst v7;
	v7 =	vld [tilespmem:s9+$0x850]  }
0x3e3: {  	v9 =	vld.idx.msk [tilespmem:v3+s21+$0x70 ss:$0x1], $0xffff  }
0x3e4: {  	[tilespmem:s6+$0x14460] =	vst v6;
	v6 =	vld [tilespmem:s3+$0x70]  }
0x3e5: {  	v5 =	vadd.f32 v5, v8;
	v8 =	vld.idx.msk [tilespmem:v3+s7+$0x70 ss:$0x1], $0xffff  }
0x3e6: {  	v10 =	vld [tilespmem:s1+$0x70]  }
0x3e7: {  	[tilespmem:s20+$0x14830] =	vst v5;
	v4 =	vadd.f32 v4, v7  }
0x3e8: {  	v5 =	vld.idx.msk [tilespmem:v3+s0+$0x840 ss:$0x1], $0xffff  }
0x3e9: {  	v7 =	vld [tilespmem:s5+$0x840];
	v6 =	vadd.f32 v9, v6;
	[tilespmem:s8+$0x14850] =	vst v4  }
0x3ea: {  	v4 =	vld.idx.msk [tilespmem:v3+s2+$0x860 ss:$0x1], $0xffff  }
0x3eb: {  	v8 =	vadd.f32 v8, v10;
	[tilespmem:s10+$0x14470] =	vst v6;
	v6 =	vld [tilespmem:s9+$0x860]  }
0x3ec: {  	v9 =	vld.idx.msk [tilespmem:v3+s21+$0x400 ss:$0x1], $0xffff  }
0x3ed: {  	[tilespmem:s6+$0x14470] =	vst v8;
	v8 =	vld [tilespmem:s3+$0x400]  }
0x3ee: {  	v5 =	vadd.f32 v5, v7;
	v7 =	vld.idx.msk [tilespmem:v3+s7+$0x400 ss:$0x1], $0xffff  }
0x3ef: {  	v10 =	vld [tilespmem:s1+$0x400]  }
0x3f0: {  	[tilespmem:s20+$0x14840] =	vst v5;
	v4 =	vadd.f32 v4, v6  }
0x3f1: {  	v5 =	vld.idx.msk [tilespmem:v3+s0+$0x850 ss:$0x1], $0xffff  }
0x3f2: {  	v6 =	vld [tilespmem:s5+$0x850];
	v8 =	vadd.f32 v9, v8;
	[tilespmem:s8+$0x14860] =	vst v4  }
0x3f3: {  	v4 =	vld.idx.msk [tilespmem:v3+s2+$0x870 ss:$0x1], $0xffff  }
0x3f4: {  	v7 =	vadd.f32 v7, v10;
	[tilespmem:s10+$0x14600] =	vst v8;
	v8 =	vld [tilespmem:s9+$0x870]  }
0x3f5: {  	v9 =	vld.idx.msk [tilespmem:v3+s21+$0x410 ss:$0x1], $0xffff  }
0x3f6: {  	[tilespmem:s6+$0x14600] =	vst v7;
	v7 =	vld [tilespmem:s3+$0x410]  }
0x3f7: {  	v5 =	vadd.f32 v5, v6;
	v6 =	vld.idx.msk [tilespmem:v3+s7+$0x410 ss:$0x1], $0xffff  }
0x3f8: {  	v10 =	vld [tilespmem:s1+$0x410]  }
0x3f9: {  	s13 =	sand.u32 $0x7, s4;
	[tilespmem:s20+$0x14850] =	vst v5;
	v4 =	vadd.f32 v4, v8  }
0x3fa: {  	s9 =	sshll.u32 s13, $0x7;
	v5 =	vld.idx.msk [tilespmem:v3+s0+$0x860 ss:$0x1], $0xffff  }
0x3fb: {  	s9 =	sadd.s32 $0x80, s9;
	v8 =	vld [tilespmem:s5+$0x860];
	v7 =	vadd.f32 v9, v7;
	[tilespmem:s8+$0x14870] =	vst v4  }
0x3fc: {  	s14 =	sor.u32 $0xC00, s9;
	v4 =	vld.idx.msk [tilespmem:v3+s2+$0xC00 ss:$0x1], $0xffff  }
0x3fd: {  	v6 =	vadd.f32 v6, v10;
	[tilespmem:s10+$0x14610] =	vst v7;
	v7 =	vld [tilespmem:s14+$0xC400]  }
0x3fe: {  	v9 =	vld.idx.msk [tilespmem:v3+s21+$0x420 ss:$0x1], $0xffff  }
0x3ff: {  	[tilespmem:s6+$0x14610] =	vst v6;
	v6 =	vld [tilespmem:s3+$0x420]  }
0x400: {  	v5 =	vadd.f32 v5, v8;
	v8 =	vld.idx.msk [tilespmem:v3+s7+$0x420 ss:$0x1], $0xffff  }
0x401: {  	v10 =	vld [tilespmem:s1+$0x420]  }
0x402: {  	[tilespmem:s20+$0x14860] =	vst v5;
	v4 =	vadd.f32 v4, v7  }
0x403: {  	v5 =	vld.idx.msk [tilespmem:v3+s0+$0x870 ss:$0x1], $0xffff  }
0x404: {  	v7 =	vld [tilespmem:s5+$0x870];
	v6 =	vadd.f32 v9, v6;
	[tilespmem:s8+$0x14A00] =	vst v4  }
0x405: {  	s15 =	sor.u32 $0xC10, s9;
	v4 =	vld.idx.msk [tilespmem:v3+s2+$0xC10 ss:$0x1], $0xffff  }
0x406: {  	v8 =	vadd.f32 v8, v10;
	[tilespmem:s10+$0x14620] =	vst v6;
	v6 =	vld [tilespmem:s15+$0xC400]  }
0x407: {  	v9 =	vld.idx.msk [tilespmem:v3+s21+$0x430 ss:$0x1], $0xffff  }
0x408: {  	[tilespmem:s6+$0x14620] =	vst v8;
	v8 =	vld [tilespmem:s3+$0x430]  }
0x409: {  	s4 =	sand.u32 $0x3, s4;
	v5 =	vadd.f32 v5, v7;
	v7 =	vld.idx.msk [tilespmem:v3+s7+$0x430 ss:$0x1], $0xffff  }
0x40a: {  	s4 =	sshll.u32 s4, $0x8;
	v10 =	vld [tilespmem:s1+$0x430]  }
0x40b: {  	s4 =	sadd.s32 $0x0, s4;
	[tilespmem:s20+$0x14870] =	vst v5;
	v4 =	vadd.f32 v4, v6  }
0x40c: {  	s16 =	sor.u32 $0xC00, s4;
	v5 =	vld.idx.msk [tilespmem:v3+s0+$0xC00 ss:$0x1], $0xffff  }
0x40d: {  	v6 =	vld [tilespmem:s16+$0xC400];
	v8 =	vadd.f32 v9, v8;
	[tilespmem:s8+$0x14A10] =	vst v4  }
0x40e: {  	s17 =	sor.u32 $0xC20, s9;
	v4 =	vld.idx.msk [tilespmem:v3+s2+$0xC20 ss:$0x1], $0xffff  }
0x40f: {  	v7 =	vadd.f32 v7, v10;
	[tilespmem:s10+$0x14630] =	vst v8;
	v8 =	vld [tilespmem:s17+$0xC400]  }
0x410: {  	v9 =	vld.idx.msk [tilespmem:v3+s21+$0x440 ss:$0x1], $0xffff  }
0x411: {  	[tilespmem:s6+$0x14630] =	vst v7;
	v7 =	vld [tilespmem:s3+$0x440]  }
0x412: {  	v5 =	vadd.f32 v5, v6;
	v6 =	vld.idx.msk [tilespmem:v3+s7+$0x440 ss:$0x1], $0xffff  }
0x413: {  	v10 =	vld [tilespmem:s1+$0x440]  }
0x414: {  	[tilespmem:s20+$0x14A00] =	vst v5;
	v4 =	vadd.f32 v4, v8  }
0x415: {  	s18 =	sor.u32 $0xC10, s4;
	v5 =	vld.idx.msk [tilespmem:v3+s0+$0xC10 ss:$0x1], $0xffff  }
0x416: {  	v8 =	vld [tilespmem:s18+$0xC400];
	v7 =	vadd.f32 v9, v7;
	[tilespmem:s8+$0x14A20] =	vst v4  }
0x417: {  	s19 =	sor.u32 $0xC30, s9;
	v4 =	vld.idx.msk [tilespmem:v3+s2+$0xC30 ss:$0x1], $0xffff  }
0x418: {  	s13 =	simm.s32 $0x5;
	v6 =	vadd.f32 v6, v10;
	[tilespmem:s10+$0x14640] =	vst v7;
	v7 =	vld [tilespmem:s19+$0xC400]  }
0x419: {  	s13 =	sand.u32 $0x7, s13;
	v9 =	vld.idx.msk [tilespmem:v3+s21+$0x450 ss:$0x1], $0xffff  }
0x41a: {  	s14 =	sshll.u32 s13, $0x7;
	[tilespmem:s6+$0x14640] =	vst v6;
	v6 =	vld [tilespmem:s3+$0x450]  }
0x41b: {  	s26 =	simm.s32 $0x4;
	v12 =	vld.idx.msk [tilespmem:v3+s14+$0x0 ss:$0x1], $0xffff  }
0x41c: {  	s23 =	sand.u32 $0x6, s26;
	v5 =	vadd.f32 v5, v8;
	v8 =	vld.idx.msk [tilespmem:v3+s7+$0x450 ss:$0x1], $0xffff  }
0x41d: {  	s12 =	sshll.u32 s23, $0x7;
	v10 =	vld [tilespmem:s1+$0x450];
	v4 =	vadd.f32 v4, v7  }
0x41e: {  	[tilespmem:s20+$0x14A10] =	vst v5;
	v5 =	vld.idx.msk [tilespmem:v3+s12+$0x0 ss:$0x1], $0xffff  }
0x41f: {  	v11 =	vld.idx.msk [tilespmem:v3+s0+$0xC20 ss:$0x1], $0xffff;
	v6 =	vadd.f32 v9, v6;
	[tilespmem:s8+$0x14A30] =	vst v4  }
0x420: {  	s15 =	sor.u32 $0xC40, s9;
	v4 =	vld.idx.msk [tilespmem:v3+s2+$0xC40 ss:$0x1], $0xffff  }
0x421: {  	s28 =	simm.s32 $0x800;
	[tilespmem:s10+$0x14650] =	vst v6;
	v6 =	vld [tilespmem:s15+$0xC400]  }
0x422: {  	s29 =	simm.s32 $0x280;
	s16 =	sand.u32 $0x3000, s28;
	v9 =	vld.idx.msk [tilespmem:v3+s21+$0x460 ss:$0x1], $0xffff  }
0x423: {  	s22 =	sor.u32 $0xC20, s4;
	s5 =	sor.u32 $0xC400, s16;
	v8 =	vadd.f32 v8, v10;
	s15 =	sand.u32 $0x380, s29;
	v10 =	vld [tilespmem:s3+$0x460]  }
0x424: {  	s16 =	simm.s32 $0x200;
	v7 =	vld [tilespmem:s22+$0xC400];
	s24 =	sor.u32 s15, s5  }
0x425: {  	s17 =	sand.u32 $0x300, s16;
	[tilespmem:s6+$0x14650] =	vst v8;
	v8 =	vld [tilespmem:s24+$0x0]  }
0x426: {  	s25 =	sor.u32 s17, s5;
	v13 =	vld.idx.msk [tilespmem:v3+s7+$0x460 ss:$0x1], $0xffff;
	v4 =	vadd.f32 v4, v6  }
0x427: {  	v6 =	vld [tilespmem:s25+$0x0]  }
0x428: {  	v9 =	vadd.f32 v9, v10;
	v10 =	vld [tilespmem:s1+$0x460];
	[tilespmem:s8+$0x14A40] =	vst v4  }
0x429: {  	s30 =	simm.s32 $0x40;
	s18 =	sor.u32 $0xC50, s9;
	v4 =	vld.idx.msk [tilespmem:v3+s2+$0xC50 ss:$0x1], $0xffff  }
0x42a: {  	s13 =	sshll.u32 s13, $0xB;
	s19 =	sand.u32 $0x180, s30;
	v8 =	vadd.f32 v12, v8;
	[tilespmem:s10+$0x14660] =	vst v9;
	v9 =	vld [tilespmem:s18+$0xC400]  }
0x42b: {  	s22 =	sor.u32 s19, s13;
	v38 =	vld.idx.msk [tilespmem:v3+s21+$0x470 ss:$0x1], $0xffff  }
0x42c: {  	s23 =	sshll.u32 s23, $0xB;
	[tilespmem:s22+$0x14400] =	vst v8;
	v5 =	vadd.f32 v5, v6;
	v6 =	vld [tilespmem:s3+$0x470]  }
0x42d: {  	s23 =	sor.u32 s19, s23;
	v8 =	vld.idx.msk [tilespmem:v3+s14+$0x10 ss:$0x1], $0xffff  }
0x42e: {  	v10 =	vadd.f32 v13, v10;
	[tilespmem:s23+$0x14400] =	vst v5;
	v5 =	vld [tilespmem:s24+$0x10]  }
0x42f: {  	v39 =	vld.idx.msk [tilespmem:v3+s12+$0x10 ss:$0x1], $0xffff;
	v4 =	vadd.f32 v4, v9  }
0x430: {  	[tilespmem:s6+$0x14660] =	vst v10;
	v9 =	vld [tilespmem:s25+$0x10]  }
0x431: {  	v10 =	vld.idx.msk [tilespmem:v3+s7+$0x470 ss:$0x1], $0xffff;
	v6 =	vadd.f32 v38, v6;
	[tilespmem:s8+$0x14A50] =	vst v4  }
0x432: {  	s11 =	sor.u32 $0xC60, s9;
	v4 =	vld.idx.msk [tilespmem:v3+s2+$0xC60 ss:$0x1], $0xffff  }
0x433: {  	v5 =	vadd.f32 v8, v5;
	[tilespmem:s10+$0x14670] =	vst v6;
	v6 =	vld [tilespmem:s11+$0xC400]  }
0x434: {  	v8 =	vld.idx.msk [tilespmem:v3+s21+$0x800 ss:$0x1], $0xffff  }
0x435: {  	v9 =	vadd.f32 v39, v9;
	[tilespmem:s22+$0x14410] =	vst v5;
	v5 =	vld [tilespmem:s3+$0x800]  }
0x436: {  	v40 =	vld.idx.msk [tilespmem:v3+s14+$0x20 ss:$0x1], $0xffff  }
0x437: {  	[tilespmem:s23+$0x14410] =	vst v9;
	v9 =	vld [tilespmem:s24+$0x20]  }
0x438: {  	v41 =	vld.idx.msk [tilespmem:v3+s12+$0x20 ss:$0x1], $0xffff;
	v4 =	vadd.f32 v4, v6  }
0x439: {  	v6 =	vld [tilespmem:s25+$0x20]  }
0x43a: {  	v5 =	vadd.f32 v8, v5;
	v8 =	vld [tilespmem:s1+$0x470];
	[tilespmem:s8+$0x14A60] =	vst v4  }
0x43b: {  	s13 =	sor.u32 $0xC70, s9;
	v4 =	vld.idx.msk [tilespmem:v3+s2+$0xC70 ss:$0x1], $0xffff  }
0x43c: {  	v9 =	vadd.f32 v40, v9;
	[tilespmem:s10+$0x14800] =	vst v5;
	v5 =	vld [tilespmem:s13+$0xC400]  }
0x43d: {  	v42 =	vld.idx.msk [tilespmem:v3+s21+$0x810 ss:$0x1], $0xffff  }
0x43e: {  	v6 =	vadd.f32 v41, v6;
	[tilespmem:s22+$0x14420] =	vst v9;
	v9 =	vld [tilespmem:s3+$0x810]  }
0x43f: {  	v43 =	vld.idx.msk [tilespmem:v3+s14+$0x30 ss:$0x1], $0xffff  }
0x440: {  	v8 =	vadd.f32 v10, v8;
	[tilespmem:s23+$0x14420] =	vst v6;
	v6 =	vld [tilespmem:s24+$0x30]  }
0x441: {  	v10 =	vld.idx.msk [tilespmem:v3+s12+$0x30 ss:$0x1], $0xffff  }
0x442: {  	v7 =	vadd.f32 v11, v7;
	[tilespmem:s6+$0x14670] =	vst v8;
	v8 =	vld [tilespmem:s25+$0x30]  }
0x443: {  	v11 =	vld.idx.msk [tilespmem:v3+s7+$0x800 ss:$0x1], $0xffff;
	v9 =	vadd.f32 v42, v9  }
0x444: {  	[tilespmem:s20+$0x14A20] =	vst v7;
	v7 =	vld [tilespmem:s1+$0x800]  }
0x445: {  	v6 =	vadd.f32 v43, v6;
	[tilespmem:s10+$0x14810] =	vst v9;
	v9 =	vld.idx.msk [tilespmem:v3+s0+$0xC30 ss:$0x1], $0xffff  }
0x446: {  	v44 =	vld.idx.msk [tilespmem:v3+s21+$0x820 ss:$0x1], $0xffff  }
0x447: {  	v8 =	vadd.f32 v10, v8;
	[tilespmem:s22+$0x14430] =	vst v6;
	v6 =	vld [tilespmem:s3+$0x820]  }
0x448: {  	v10 =	vld.idx.msk [tilespmem:v3+s14+$0x40 ss:$0x1], $0xffff  }
0x449: {  	v7 =	vadd.f32 v11, v7;
	[tilespmem:s23+$0x14430] =	vst v8;
	v8 =	vld [tilespmem:s24+$0x40]  }
0x44a: {  	v11 =	vld.idx.msk [tilespmem:v3+s12+$0x40 ss:$0x1], $0xffff  }
0x44b: {  	v45 =	vld [tilespmem:s25+$0x40];
	[tilespmem:s6+$0x14800] =	vst v7  }
0x44c: {  	v7 =	vld.idx.msk [tilespmem:v3+s7+$0x810 ss:$0x1], $0xffff;
	v6 =	vadd.f32 v44, v6  }
0x44d: {  	s15 =	sor.u32 $0xC30, s4;
	v46 =	vld [tilespmem:s1+$0x810]  }
0x44e: {  	v8 =	vadd.f32 v10, v8;
	[tilespmem:s10+$0x14820] =	vst v6;
	v6 =	vld [tilespmem:s15+$0xC400]  }
0x44f: {  	v10 =	vld.idx.msk [tilespmem:v3+s21+$0x830 ss:$0x1], $0xffff  }
0x450: {  	v11 =	vadd.f32 v11, v45;
	[tilespmem:s22+$0x14440] =	vst v8;
	v8 =	vld [tilespmem:s3+$0x830]  }
0x451: {  	v47 =	vld.idx.msk [tilespmem:v3+s14+$0x50 ss:$0x1], $0xffff  }
0x452: {  	v7 =	vadd.f32 v7, v46;
	[tilespmem:s23+$0x14440] =	vst v11;
	v11 =	vld [tilespmem:s24+$0x50]  }
0x453: {  	v48 =	vld.idx.msk [tilespmem:v3+s12+$0x50 ss:$0x1], $0xffff  }
0x454: {  	[tilespmem:s6+$0x14810] =	vst v7;
	v6 =	vadd.f32 v9, v6;
	v9 =	vld [tilespmem:s25+$0x50]  }
0x455: {  	v7 =	vld.idx.msk [tilespmem:v3+s7+$0x820 ss:$0x1], $0xffff;
	v8 =	vadd.f32 v10, v8  }
0x456: {  	[tilespmem:s20+$0x14A30] =	vst v6;
	v6 =	vld [tilespmem:s1+$0x820]  }
0x457: {  	v10 =	vadd.f32 v47, v11;
	[tilespmem:s10+$0x14830] =	vst v8;
	v8 =	vld.idx.msk [tilespmem:v3+s0+$0xC40 ss:$0x1], $0xffff  }
0x458: {  	v11 =	vld.idx.msk [tilespmem:v3+s21+$0x840 ss:$0x1], $0xffff  }
0x459: {  	v9 =	vadd.f32 v48, v9;
	[tilespmem:s22+$0x14450] =	vst v10;
	v10 =	vld [tilespmem:s3+$0x840]  }
0x45a: {  	v49 =	vld.idx.msk [tilespmem:v3+s14+$0x60 ss:$0x1], $0xffff  }
0x45b: {  	[tilespmem:s23+$0x14450] =	vst v9;
	v9 =	vld [tilespmem:s24+$0x60];
	v6 =	vadd.f32 v7, v6  }
0x45c: {  	v7 =	vld.idx.msk [tilespmem:v3+s12+$0x60 ss:$0x1], $0xffff  }
0x45d: {  	v50 =	vld [tilespmem:s25+$0x60];
	[tilespmem:s6+$0x14820] =	vst v6  }
0x45e: {  	v6 =	vld.idx.msk [tilespmem:v3+s7+$0x830 ss:$0x1], $0xffff;
	v10 =	vadd.f32 v11, v10  }
0x45f: {  	s16 =	sor.u32 $0xC40, s4;
	v11 =	vld [tilespmem:s1+$0x830]  }
0x460: {  	v9 =	vadd.f32 v49, v9;
	[tilespmem:s10+$0x14840] =	vst v10;
	v10 =	vld [tilespmem:s16+$0xC400]  }
0x461: {  	v51 =	vld.idx.msk [tilespmem:v3+s21+$0x850 ss:$0x1], $0xffff  }
0x462: {  	v7 =	vadd.f32 v7, v50;
	[tilespmem:s22+$0x14460] =	vst v9;
	v9 =	vld [tilespmem:s3+$0x850]  }
0x463: {  	v52 =	vld.idx.msk [tilespmem:v3+s14+$0x70 ss:$0x1], $0xffff  }
0x464: {  	[tilespmem:s23+$0x14460] =	vst v7;
	v7 =	vld [tilespmem:s24+$0x70];
	v6 =	vadd.f32 v6, v11  }
0x465: {  	v11 =	vld.idx.msk [tilespmem:v3+s12+$0x70 ss:$0x1], $0xffff  }
0x466: {  	v8 =	vadd.f32 v8, v10;
	v10 =	vld [tilespmem:s25+$0x70];
	[tilespmem:s6+$0x14830] =	vst v6  }
0x467: {  	v6 =	vld.idx.msk [tilespmem:v3+s7+$0x840 ss:$0x1], $0xffff;
	v9 =	vadd.f32 v51, v9  }
0x468: {  	[tilespmem:s20+$0x14A40] =	vst v8;
	v8 =	vld [tilespmem:s1+$0x840]  }
0x469: {  	v7 =	vadd.f32 v52, v7;
	[tilespmem:s10+$0x14850] =	vst v9;
	v9 =	vld.idx.msk [tilespmem:v3+s0+$0xC50 ss:$0x1], $0xffff  }
0x46a: {  	v53 =	vld.idx.msk [tilespmem:v3+s21+$0x860 ss:$0x1], $0xffff  }
0x46b: {  	v10 =	vadd.f32 v11, v10;
	[tilespmem:s22+$0x14470] =	vst v7;
	v7 =	vld [tilespmem:s3+$0x860]  }
0x46c: {  	v11 =	vld.idx.msk [tilespmem:v3+s14+$0x400 ss:$0x1], $0xffff  }
0x46d: {  	[tilespmem:s23+$0x14470] =	vst v10;
	v10 =	vld [tilespmem:s24+$0x400];
	v6 =	vadd.f32 v6, v8  }
0x46e: {  	v8 =	vld.idx.msk [tilespmem:v3+s12+$0x400 ss:$0x1], $0xffff  }
0x46f: {  	v54 =	vld [tilespmem:s25+$0x400];
	[tilespmem:s6+$0x14840] =	vst v6  }
0x470: {  	v6 =	vld.idx.msk [tilespmem:v3+s7+$0x850 ss:$0x1], $0xffff;
	v7 =	vadd.f32 v53, v7  }
0x471: {  	s17 =	sor.u32 $0xC50, s4;
	v55 =	vld [tilespmem:s1+$0x850]  }
0x472: {  	v10 =	vadd.f32 v11, v10;
	[tilespmem:s10+$0x14860] =	vst v7;
	v7 =	vld [tilespmem:s17+$0xC400]  }
0x473: {  	v11 =	vld.idx.msk [tilespmem:v3+s21+$0x870 ss:$0x1], $0xffff  }
0x474: {  	v8 =	vadd.f32 v8, v54;
	[tilespmem:s22+$0x14600] =	vst v10;
	v10 =	vld [tilespmem:s3+$0x870]  }
0x475: {  	v56 =	vld.idx.msk [tilespmem:v3+s14+$0x410 ss:$0x1], $0xffff  }
0x476: {  	[tilespmem:s23+$0x14600] =	vst v8;
	v8 =	vld [tilespmem:s24+$0x410];
	v6 =	vadd.f32 v6, v55  }
0x477: {  	v57 =	vld.idx.msk [tilespmem:v3+s12+$0x410 ss:$0x1], $0xffff  }
0x478: {  	s13 =	simm.s32 $0x2;
	v7 =	vadd.f32 v9, v7;
	v9 =	vld [tilespmem:s25+$0x410];
	[tilespmem:s6+$0x14850] =	vst v6  }
0x479: {  	s18 =	sand.u32 $0x7, s13;
	v6 =	vld.idx.msk [tilespmem:v3+s7+$0x860 ss:$0x1], $0xffff;
	v10 =	vadd.f32 v11, v10  }
0x47a: {  	s2 =	sshll.u32 s18, $0x7;
	[tilespmem:s20+$0x14A50] =	vst v7;
	v7 =	vld [tilespmem:s1+$0x860]  }
0x47b: {  	s2 =	sadd.s32 $0x480, s2;
	v8 =	vadd.f32 v56, v8;
	[tilespmem:s10+$0x14870] =	vst v10;
	v10 =	vld.idx.msk [tilespmem:v3+s0+$0xC60 ss:$0x1], $0xffff  }
0x47c: {  	s19 =	sor.u32 $0xC00, s2;
	v11 =	vld.idx.msk [tilespmem:v3+s21+$0xC00 ss:$0x1], $0xffff  }
0x47d: {  	v9 =	vadd.f32 v57, v9;
	[tilespmem:s22+$0x14610] =	vst v8;
	v8 =	vld [tilespmem:s19+$0xC400]  }
0x47e: {  	v58 =	vld.idx.msk [tilespmem:v3+s14+$0x420 ss:$0x1], $0xffff  }
0x47f: {  	[tilespmem:s23+$0x14610] =	vst v9;
	v9 =	vld [tilespmem:s24+$0x420];
	v6 =	vadd.f32 v6, v7  }
0x480: {  	v7 =	vld.idx.msk [tilespmem:v3+s12+$0x420 ss:$0x1], $0xffff  }
0x481: {  	v59 =	vld [tilespmem:s25+$0x420];
	[tilespmem:s6+$0x14860] =	vst v6  }
0x482: {  	v6 =	vld.idx.msk [tilespmem:v3+s7+$0x870 ss:$0x1], $0xffff;
	v8 =	vadd.f32 v11, v8  }
0x483: {  	s5 =	sor.u32 $0xC60, s4;
	v11 =	vld [tilespmem:s1+$0x870]  }
0x484: {  	v9 =	vadd.f32 v58, v9;
	[tilespmem:s10+$0x14A00] =	vst v8;
	v8 =	vld [tilespmem:s5+$0xC400]  }
0x485: {  	s9 =	sor.u32 $0xC10, s2;
	v60 =	vld.idx.msk [tilespmem:v3+s21+$0xC10 ss:$0x1], $0xffff  }
0x486: {  	v7 =	vadd.f32 v7, v59;
	[tilespmem:s22+$0x14620] =	vst v9;
	v9 =	vld [tilespmem:s9+$0xC400]  }
0x487: {  	s11 =	simm.s32 $0x1;
	v61 =	vld.idx.msk [tilespmem:v3+s14+$0x430 ss:$0x1], $0xffff  }
0x488: {  	s1 =	sand.u32 $0x3, s11;
	[tilespmem:s23+$0x14620] =	vst v7;
	v7 =	vld [tilespmem:s24+$0x430];
	v6 =	vadd.f32 v6, v11  }
0x489: {  	s1 =	sshll.u32 s1, $0x8;
	v11 =	vld.idx.msk [tilespmem:v3+s12+$0x430 ss:$0x1], $0xffff  }
0x48a: {  	s1 =	sadd.s32 $0x400, s1;
	v8 =	vadd.f32 v10, v8;
	v10 =	vld [tilespmem:s25+$0x430];
	[tilespmem:s6+$0x14870] =	vst v6  }
0x48b: {  	s15 =	sor.u32 $0xC00, s1;
	v6 =	vld.idx.msk [tilespmem:v3+s7+$0xC00 ss:$0x1], $0xffff;
	v9 =	vadd.f32 v60, v9  }
0x48c: {  	[tilespmem:s20+$0x14A60] =	vst v8;
	v8 =	vld [tilespmem:s15+$0xC400]  }
0x48d: {  	v7 =	vadd.f32 v61, v7;
	v62 =	vld.idx.msk [tilespmem:v3+s0+$0xC70 ss:$0x1], $0xffff;
	[tilespmem:s10+$0x14A10] =	vst v9  }
0x48e: {  	s16 =	sor.u32 $0xC20, s2;
	v9 =	vld.idx.msk [tilespmem:v3+s21+$0xC20 ss:$0x1], $0xffff  }
0x48f: {  	v10 =	vadd.f32 v11, v10;
	[tilespmem:s22+$0x14630] =	vst v7;
	v7 =	vld [tilespmem:s16+$0xC400]  }
0x490: {  	v11 =	vld.idx.msk [tilespmem:v3+s14+$0x440 ss:$0x1], $0xffff  }
0x491: {  	[tilespmem:s23+$0x14630] =	vst v10;
	v10 =	vld [tilespmem:s24+$0x440];
	v6 =	vadd.f32 v6, v8  }
0x492: {  	v8 =	vld.idx.msk [tilespmem:v3+s12+$0x440 ss:$0x1], $0xffff  }
0x493: {  	v63 =	vld [tilespmem:s25+$0x440];
	[tilespmem:s6+$0x14A00] =	vst v6  }
0x494: {  	s11 =	simm.s32 $0x2;
	s17 =	sor.u32 $0xC10, s1;
	s19 =	sor.u32 $0xC30, s1;
	v14 =	vld.idx.msk [tilespmem:v3+s7+$0xC10 ss:$0x1], $0xffff;
	v6 =	vadd.f32 v9, v7  }
0x495: {  	s18 =	sor.u32 $0xC70, s4;
	s4 =	sand.u32 $0x3, s11;
	v15 =	vld [tilespmem:s17+$0xC400];
	[dreg:$0x8] =	wrdreg s19  }
0x496: {  	s5 =	sor.u32 $0xC30, s2;
	s0 =	sshll.u32 s4, $0x8;
	v7 =	vadd.f32 v11, v10;
	[tilespmem:s10+$0x14A20] =	vst v6;
	v11 =	vld [tilespmem:s18+$0xC400]  }
0x497: {  	s0 =	sadd.s32 $0x800, s0;
	v6 =	vld [tilespmem:s5+$0xC400]  }
0x498: {  	s3 =	sor.u32 $0xC70, s1;
	s15 =	sor.u32 $0xC00, s0;
	[tilespmem:s22+$0x14640] =	vst v7;
	v7 =	vld.idx.msk [tilespmem:v3+s21+$0xC30 ss:$0x1], $0xffff  }
0x499: {  	s9 =	sor.u32 $0xC50, s1;
	s18 =	sor.u32 $0xC20, s0;
	v9 =	vadd.f32 v8, v63;
	v8 =	vld.idx.msk [tilespmem:v3+s14+$0x450 ss:$0x1], $0xffff;
	[dreg:$0xb] =	wrdreg s15  }
0x49a: {  	s16 =	sor.u32 $0xC20, s1;
	s31 =	sor.u32 $0xC10, s0;
	[dreg:$0xd] =	wrdreg s18  }
0x49b: {  	v4 =	vadd.f32 v4, v5;
	s4 =	sor.u32 $0xC70, s0;
	s17 =	sor.u32 $0xC40, s1;
	s19 =	sor.u32 $0xC30, s0;
	[tilespmem:s23+$0x14640] =	vst v9  }
0x49c: {  	s5 =	sor.u32 $0xC60, s1;
	s18 =	sor.u32 $0xC40, s0;
	v9 =	vld [tilespmem:s24+$0x450];
	[dreg:$0xa] =	wrdreg s19  }
0x49d: {  	s15 =	sor.u32 $0xC50, s0;
	v5 =	vadd.f32 v14, v15;
	s19 =	simm.s32 $0x480;
	[tilespmem:s8+$0x14A70] =	vst v4;
	s8 =	sor.u32 $0xC60, s0;
	v10 =	vld.idx.msk [tilespmem:v3+s12+$0x450 ss:$0x1], $0xffff;
	v4 =	vadd.f32 v62, v11  }
.LBB2_11:
0x49e: {  	[smem:$0x7EC] =	sst s18  }
0x49f: {  	[smem:$0x7EB] =	sst s17  }
0x4a0: {  	[smem:$0x7EE] =	sst s15  }
0x4a1: {  	[dreg:$0x1d] =	wrdreg s8  }
0x4a2: {  	[dreg:$0x1a] =	wrdreg s5  }
0x4a3: {  	[dreg:$0x12] =	wrdreg s31  }
0x4a4: {  	[dreg:$0x11] =	wrdreg s4  }
0x4a5: {  	[dreg:$0xe] =	wrdreg s3  }
0x4a6: {  	v11 =	vld [tilespmem:s25+$0x450];
	s0 =	smov.u32 s26;
	s26 =	sadd.s32 $0x2, s26;
	s18 =	smov.u32 s6;
	[tilespmem:s6+$0x14A10] =	vst v5  }
0x4a7: {  	s1 =	rddreg [dreg:$0xd];
	s11 =	sadd.s32 $0x1, s11;
	s17 =	sand.u32 $0x6, s26;
	v5 =	vld.idx.msk [tilespmem:v3+s7+$0xC20 ss:$0x1], $0xffff;
	[tilespmem:s20+$0x14A70] =	vst v4;
	v6 =	vadd.f32 v7, v6  }
0x4a8: {  	s8 =	sor.u32 $0xC40, s2;
	s28 =	sadd.s32 $0x400, s28;
	s3 =	sshll.u32 s17, $0x7;
	v4 =	vld [tilespmem:s16+$0xC400];
	v8 =	vadd.f32 v8, v9  }
0x4a9: {  	s29 =	sadd.s32 $0x100, s29;
	s30 =	sadd.s32 $0x20, s30;
	s6 =	smov.u32 s23;
	v7 =	vld.idx.msk [tilespmem:v3+s3+$0x0 ss:$0x1], $0xffff;
	[tilespmem:s10+$0x14A30] =	vst v6  }
0x4aa: {  	s23 =	smov.u32 s1;
	s5 =	sand.u32 $0x3, s11;
	s0 =	sadd.s32 $0x3, s0;
	v6 =	vld.idx.msk [tilespmem:v3+s21+$0xC40 ss:$0x1], $0xffff;
	[tilespmem:s22+$0x14650] =	vst v8  }
0x4ab: {  	[smem:$0x7ED] =	sst s23;
	s15 =	sshll.u32 s5, $0x8;
	s23 =	sand.u32 $0x7, s0;
	v9 =	vadd.f32 v10, v11;
	v8 =	vld [tilespmem:s8+$0xC400]  }
0x4ac: {  	s20 =	sand.u32 $0x380, s29;
	s16 =	sand.u32 $0x3000, s28;
	s1 =	sshll.u32 s23, $0x7;
	v10 =	vld.idx.msk [tilespmem:v3+s14+$0x460 ss:$0x1], $0xffff  }
0x4ad: {  	s4 =	sadd.s32 s15, s28;
	s15 =	sadd.s32 $0xFFFFFF80, s29;
	s0 =	sor.u32 $0xC400, s16;
	[tilespmem:s6+$0x14650] =	vst v9;
	v9 =	vld [tilespmem:s24+$0x460]  }
0x4ae: {  	s16 =	sand.u32 $0x300, s15;
	s15 =	sor.u32 $0xC10, s4;
	s31 =	sor.u32 s20, s0;
	v4 =	vadd.f32 v5, v4;
	v5 =	vld.idx.msk [tilespmem:v3+s1+$0x0 ss:$0x1], $0xffff  }
0x4af: {  	s5 =	sor.u32 $0xC40, s4;
	s20 =	sor.u32 $0xC00, s4;
	[dreg:$0x14] =	wrdreg s15;
	v11 =	vld [tilespmem:s31+$0x0]  }
0x4b0: {  	s15 =	sor.u32 $0xC30, s4;
	[dreg:$0x1c] =	wrdreg s20;
	s20 =	sor.u32 $0xC60, s4;
	[tilespmem:s18+$0x14A20] =	vst v4  }
0x4b1: {  	[smem:$0x7EF] =	sst s20;
	s8 =	sor.u32 s16, s0;
	s16 =	sor.u32 $0xC20, s4;
	v4 =	vld.idx.msk [tilespmem:v3+s12+$0x460 ss:$0x1], $0xffff;
	v6 =	vadd.f32 v6, v8  }
0x4b2: {  	s0 =	sor.u32 $0xC50, s4;
	s4 =	sor.u32 $0xC70, s4;
	[dreg:$0xd] =	wrdreg s16;
	v8 =	vld [tilespmem:s8+$0x0];
	v9 =	vadd.f32 v10, v9  }
0x4b3: {  	s17 =	sshll.u32 s17, $0xB;
	s20 =	sshll.u32 s23, $0xB;
	[dreg:$0x16] =	wrdreg s4;
	v12 =	vld [tilespmem:s25+$0x460];
	[tilespmem:s10+$0x14A40] =	vst v6  }
0x4b4: {  	s4 =	sor.u32 $0xC50, s2;
	s16 =	smov.u32 s9;
	s9 =	sand.u32 $0x180, s30;
	v5 =	vadd.f32 v5, v11;
	v6 =	vld.idx.msk [tilespmem:v3+s21+$0xC50 ss:$0x1], $0xffff;
	[tilespmem:s22+$0x14660] =	vst v9  }
0x4b5: {  	s23 =	sor.u32 s9, s17;
	s17 =	sor.u32 s9, s20;
	v9 =	vld [tilespmem:s4+$0xC400]  }
0x4b6: {  	v10 =	vld.idx.msk [tilespmem:v3+s14+$0x470 ss:$0x1], $0xffff;
	[tilespmem:s17+$0x14400] =	vst v5  }
0x4b7: {  	v7 =	vadd.f32 v7, v8;
	v5 =	vld [tilespmem:s24+$0x470]  }
0x4b8: {  	v8 =	vld.idx.msk [tilespmem:v3+s1+$0x10 ss:$0x1], $0xffff  }
0x4b9: {  	v4 =	vadd.f32 v4, v12;
	[tilespmem:s23+$0x14400] =	vst v7;
	v7 =	vld [tilespmem:s31+$0x10];
	_ =	sdelay $0x1  }
0x4ba: {  	v11 =	vld.idx.msk [tilespmem:v3+s3+$0x10 ss:$0x1], $0xffff;
	[tilespmem:s6+$0x14660] =	vst v4;
	v4 =	vadd.f32 v6, v9  }
0x4bb: {  	v6 =	vld [tilespmem:s8+$0x10];
	v5 =	vadd.f32 v10, v5  }
0x4bc: {  	v9 =	vld.idx.msk [tilespmem:v3+s12+$0x470 ss:$0x1], $0xffff;
	[tilespmem:s10+$0x14A50] =	vst v4  }
0x4bd: {  	s9 =	sor.u32 $0xC60, s2;
	v4 =	vld.idx.msk [tilespmem:v3+s21+$0xC60 ss:$0x1], $0xffff;
	v7 =	vadd.f32 v8, v7;
	[tilespmem:s22+$0x14670] =	vst v5  }
0x4be: {  	v5 =	vld [tilespmem:s9+$0xC400]  }
0x4bf: {  	v8 =	vld.idx.msk [tilespmem:v3+s14+$0x800 ss:$0x1], $0xffff;
	[tilespmem:s17+$0x14410] =	vst v7  }
0x4c0: {  	v6 =	vadd.f32 v11, v6;
	v7 =	vld [tilespmem:s24+$0x800]  }
0x4c1: {  	v10 =	vld.idx.msk [tilespmem:v3+s1+$0x20 ss:$0x1], $0xffff  }
0x4c2: {  	[tilespmem:s23+$0x14410] =	vst v6;
	v6 =	vld [tilespmem:s31+$0x20];
	_ =	sdelay $0x1  }
0x4c3: {  	v11 =	vld.idx.msk [tilespmem:v3+s3+$0x20 ss:$0x1], $0xffff;
	v4 =	vadd.f32 v4, v5  }
0x4c4: {  	v5 =	vld [tilespmem:s8+$0x20];
	v7 =	vadd.f32 v8, v7  }
0x4c5: {  	v62 =	vld [tilespmem:s25+$0x470];
	[tilespmem:s10+$0x14A60] =	vst v4  }
0x4c6: {  	s9 =	sor.u32 $0xC70, s2;
	v4 =	vld.idx.msk [tilespmem:v3+s21+$0xC70 ss:$0x1], $0xffff;
	v6 =	vadd.f32 v10, v6;
	[tilespmem:s22+$0x14800] =	vst v7  }
0x4c7: {  	s21 =	smov.u32 s14;
	v7 =	vld [tilespmem:s9+$0xC400]  }
0x4c8: {  	v8 =	vld.idx.msk [tilespmem:v3+s21+$0x810 ss:$0x1], $0xffff;
	[tilespmem:s17+$0x14420] =	vst v6  }
0x4c9: {  	s14 =	smov.u32 s1;
	v5 =	vadd.f32 v11, v5;
	v6 =	vld [tilespmem:s24+$0x810]  }
0x4ca: {  	v10 =	vld.idx.msk [tilespmem:v3+s14+$0x30 ss:$0x1], $0xffff  }
0x4cb: {  	v9 =	vadd.f32 v9, v62;
	[tilespmem:s23+$0x14420] =	vst v5;
	v5 =	vld [tilespmem:s31+$0x30];
	_ =	sdelay $0x1  }
0x4cc: {  	v11 =	vld.idx.msk [tilespmem:v3+s3+$0x30 ss:$0x1], $0xffff;
	[tilespmem:s6+$0x14670] =	vst v9  }
0x4cd: {  	v4 =	vadd.f32 v4, v7;
	v7 =	vld [tilespmem:s8+$0x30]  }
0x4ce: {  	v9 =	vld.idx.msk [tilespmem:v3+s12+$0x800 ss:$0x1], $0xffff;
	v6 =	vadd.f32 v8, v6  }
0x4cf: {  	[tilespmem:s10+$0x14A70] =	vst v4;
	s10 =	smov.u32 s22;
	v4 =	vld [tilespmem:s25+$0x800];
	v5 =	vadd.f32 v10, v5  }
0x4d0: {  	s22 =	smov.u32 s17;
	[tilespmem:s10+$0x14810] =	vst v6;
	v6 =	vld.idx.msk [tilespmem:v3+s7+$0xC30 ss:$0x1], $0xffff  }
0x4d1: {  	v8 =	vld.idx.msk [tilespmem:v3+s21+$0x820 ss:$0x1], $0xffff;
	[tilespmem:s22+$0x14430] =	vst v5  }
0x4d2: {  	v7 =	vadd.f32 v11, v7;
	v5 =	vld [tilespmem:s24+$0x820]  }
0x4d3: {  	v10 =	vld.idx.msk [tilespmem:v3+s14+$0x40 ss:$0x1], $0xffff  }
0x4d4: {  	[tilespmem:s23+$0x14430] =	vst v7;
	v7 =	vld [tilespmem:s31+$0x40]  }
0x4d5: {  	v4 =	vadd.f32 v9, v4  }
0x4d6: {  	v9 =	vld.idx.msk [tilespmem:v3+s3+$0x40 ss:$0x1], $0xffff  }
0x4d7: {  	v11 =	vld [tilespmem:s8+$0x40];
	[tilespmem:s6+$0x14800] =	vst v4  }
0x4d8: {  	v4 =	vld.idx.msk [tilespmem:v3+s12+$0x810 ss:$0x1], $0xffff;
	v5 =	vadd.f32 v8, v5  }
0x4d9: {  	s2 =	rddreg [dreg:$0x8];
	v8 =	vld [tilespmem:s25+$0x810];
	v7 =	vadd.f32 v10, v7  }
0x4da: {  	[tilespmem:s10+$0x14820] =	vst v5;
	v5 =	vld [tilespmem:s2+$0xC400]  }
0x4db: {  	v10 =	vld.idx.msk [tilespmem:v3+s21+$0x830 ss:$0x1], $0xffff;
	[tilespmem:s22+$0x14440] =	vst v7  }
0x4dc: {  	v9 =	vadd.f32 v9, v11;
	v7 =	vld [tilespmem:s24+$0x830]  }
0x4dd: {  	v11 =	vld.idx.msk [tilespmem:v3+s14+$0x50 ss:$0x1], $0xffff  }
0x4de: {  	[tilespmem:s23+$0x14440] =	vst v9;
	v9 =	vld [tilespmem:s31+$0x50]  }
0x4df: {  	v4 =	vadd.f32 v4, v8  }
0x4e0: {  	v8 =	vld.idx.msk [tilespmem:v3+s3+$0x50 ss:$0x1], $0xffff;
	v5 =	vadd.f32 v6, v5  }
0x4e1: {  	v6 =	vld [tilespmem:s8+$0x50];
	[tilespmem:s6+$0x14810] =	vst v4  }
0x4e2: {  	v4 =	vld.idx.msk [tilespmem:v3+s12+$0x820 ss:$0x1], $0xffff;
	[tilespmem:s18+$0x14A30] =	vst v5;
	v7 =	vadd.f32 v10, v7  }
0x4e3: {  	v5 =	vld [tilespmem:s25+$0x820];
	v9 =	vadd.f32 v11, v9  }
0x4e4: {  	[tilespmem:s10+$0x14830] =	vst v7;
	v7 =	vld.idx.msk [tilespmem:v3+s7+$0xC40 ss:$0x1], $0xffff  }
0x4e5: {  	v10 =	vld.idx.msk [tilespmem:v3+s21+$0x840 ss:$0x1], $0xffff;
	[tilespmem:s22+$0x14450] =	vst v9  }
0x4e6: {  	v6 =	vadd.f32 v8, v6;
	v8 =	vld [tilespmem:s24+$0x840]  }
0x4e7: {  	v9 =	vld.idx.msk [tilespmem:v3+s14+$0x60 ss:$0x1], $0xffff  }
0x4e8: {  	[tilespmem:s23+$0x14450] =	vst v6;
	v6 =	vld [tilespmem:s31+$0x60]  }
0x4e9: {  	v4 =	vadd.f32 v4, v5  }
0x4ea: {  	v5 =	vld.idx.msk [tilespmem:v3+s3+$0x60 ss:$0x1], $0xffff  }
0x4eb: {  	s20 =	smov.u32 s18;
	s18 =	sld [smem:$0x7EB];
	v11 =	vld [tilespmem:s8+$0x60];
	[tilespmem:s6+$0x14820] =	vst v4  }
0x4ec: {  	v4 =	vld.idx.msk [tilespmem:v3+s12+$0x830 ss:$0x1], $0xffff;
	v8 =	vadd.f32 v10, v8  }
0x4ed: {  	v10 =	vld [tilespmem:s25+$0x830];
	v6 =	vadd.f32 v9, v6  }
0x4ee: {  	[tilespmem:s10+$0x14840] =	vst v8;
	v8 =	vld [tilespmem:s18+$0xC400]  }
0x4ef: {  	v9 =	vld.idx.msk [tilespmem:v3+s21+$0x850 ss:$0x1], $0xffff;
	[tilespmem:s22+$0x14460] =	vst v6  }
0x4f0: {  	v5 =	vadd.f32 v5, v11;
	v6 =	vld [tilespmem:s24+$0x850]  }
0x4f1: {  	v11 =	vld.idx.msk [tilespmem:v3+s14+$0x70 ss:$0x1], $0xffff  }
0x4f2: {  	[tilespmem:s23+$0x14460] =	vst v5;
	v5 =	vld [tilespmem:s31+$0x70]  }
0x4f3: {  	v4 =	vadd.f32 v4, v10  }
0x4f4: {  	v10 =	vld.idx.msk [tilespmem:v3+s3+$0x70 ss:$0x1], $0xffff;
	v7 =	vadd.f32 v7, v8  }
0x4f5: {  	v8 =	vld [tilespmem:s8+$0x70];
	[tilespmem:s6+$0x14830] =	vst v4  }
0x4f6: {  	v4 =	vld.idx.msk [tilespmem:v3+s12+$0x840 ss:$0x1], $0xffff;
	v6 =	vadd.f32 v9, v6;
	[tilespmem:s20+$0x14A40] =	vst v7  }
0x4f7: {  	v5 =	vadd.f32 v11, v5;
	v7 =	vld [tilespmem:s25+$0x840]  }
0x4f8: {  	[tilespmem:s10+$0x14850] =	vst v6;
	v6 =	vld.idx.msk [tilespmem:v3+s7+$0xC50 ss:$0x1], $0xffff  }
0x4f9: {  	v9 =	vld.idx.msk [tilespmem:v3+s21+$0x860 ss:$0x1], $0xffff;
	[tilespmem:s22+$0x14470] =	vst v5  }
0x4fa: {  	v8 =	vadd.f32 v10, v8;
	v5 =	vld [tilespmem:s24+$0x860]  }
0x4fb: {  	v10 =	vld.idx.msk [tilespmem:v3+s14+$0x400 ss:$0x1], $0xffff  }
0x4fc: {  	[tilespmem:s23+$0x14470] =	vst v8;
	v8 =	vld [tilespmem:s31+$0x400]  }
0x4fd: {  	v4 =	vadd.f32 v4, v7  }
0x4fe: {  	v7 =	vld.idx.msk [tilespmem:v3+s3+$0x400 ss:$0x1], $0xffff  }
0x4ff: {  	v11 =	vld [tilespmem:s8+$0x400];
	[tilespmem:s6+$0x14840] =	vst v4  }
0x500: {  	v4 =	vld.idx.msk [tilespmem:v3+s12+$0x850 ss:$0x1], $0xffff;
	v5 =	vadd.f32 v9, v5  }
0x501: {  	v9 =	vld [tilespmem:s25+$0x850];
	v8 =	vadd.f32 v10, v8  }
0x502: {  	[tilespmem:s10+$0x14860] =	vst v5;
	v5 =	vld [tilespmem:s16+$0xC400]  }
0x503: {  	v10 =	vld.idx.msk [tilespmem:v3+s21+$0x870 ss:$0x1], $0xffff;
	[tilespmem:s22+$0x14600] =	vst v8  }
0x504: {  	v7 =	vadd.f32 v7, v11;
	v8 =	vld [tilespmem:s24+$0x870]  }
0x505: {  	s24 =	smov.u32 s31;
	v11 =	vld.idx.msk [tilespmem:v3+s14+$0x410 ss:$0x1], $0xffff  }
0x506: {  	[tilespmem:s23+$0x14600] =	vst v7;
	v7 =	vld [tilespmem:s24+$0x410]  }
0x507: {  	v4 =	vadd.f32 v4, v9  }
0x508: {  	v9 =	vld.idx.msk [tilespmem:v3+s3+$0x410 ss:$0x1], $0xffff;
	v5 =	vadd.f32 v6, v5  }
0x509: {  	s13 =	sadd.s32 $0x2, s13;
	s19 =	sadd.s32 $0x400, s19;
	s2 =	sld [smem:$0x7EC];
	v6 =	vld [tilespmem:s8+$0x410];
	[tilespmem:s6+$0x14850] =	vst v4  }
0x50a: {  	s4 =	rddreg [dreg:$0xa];
	s18 =	smov.u32 s5;
	s5 =	sand.u32 $0x7, s13;
	v4 =	vld.idx.msk [tilespmem:v3+s12+$0x860 ss:$0x1], $0xffff;
	v8 =	vadd.f32 v10, v8;
	[tilespmem:s20+$0x14A50] =	vst v5  }
0x50b: {  	s17 =	smov.u32 s15;
	s15 =	smov.u32 s0;
	s0 =	sshll.u32 s5, $0x7;
	v5 =	vld [tilespmem:s25+$0x860];
	v7 =	vadd.f32 v11, v7  }
0x50c: {  	[dreg:$0xa] =	wrdreg s17;
	s17 =	smov.u32 s2;
	s2 =	sadd.s32 s0, s19;
	[tilespmem:s10+$0x14870] =	vst v8;
	v8 =	vld.idx.msk [tilespmem:v3+s7+$0xC60 ss:$0x1], $0xffff  }
0x50d: {  	s0 =	sor.u32 $0xC00, s2;
	v10 =	vld.idx.msk [tilespmem:v3+s21+$0xC00 ss:$0x1], $0xffff;
	[tilespmem:s22+$0x14610] =	vst v7  }
0x50e: {  	v6 =	vadd.f32 v9, v6;
	v7 =	vld [tilespmem:s0+$0xC400]  }
0x50f: {  	v9 =	vld.idx.msk [tilespmem:v3+s14+$0x420 ss:$0x1], $0xffff  }
0x510: {  	[tilespmem:s23+$0x14610] =	vst v6;
	v6 =	vld [tilespmem:s24+$0x420]  }
0x511: {  	v4 =	vadd.f32 v4, v5  }
0x512: {  	v5 =	vld.idx.msk [tilespmem:v3+s3+$0x420 ss:$0x1], $0xffff  }
0x513: {  	v11 =	vld [tilespmem:s8+$0x420];
	[tilespmem:s6+$0x14860] =	vst v4  }
0x514: {  	v4 =	vld.idx.msk [tilespmem:v3+s12+$0x870 ss:$0x1], $0xffff;
	v7 =	vadd.f32 v10, v7  }
0x515: {  	v10 =	vld [tilespmem:s25+$0x870];
	s25 =	smov.u32 s8;
	s8 =	rddreg [dreg:$0x1a];
	v6 =	vadd.f32 v9, v6  }
0x516: {  	s1 =	rddreg [dreg:$0x1d];
	[tilespmem:s10+$0x14A00] =	vst v7;
	v7 =	vld [tilespmem:s8+$0xC400]  }
0x517: {  	s5 =	smov.u32 s1;
	s1 =	sor.u32 $0xC10, s2;
	v9 =	vld.idx.msk [tilespmem:v3+s21+$0xC10 ss:$0x1], $0xffff;
	[tilespmem:s22+$0x14620] =	vst v6  }
0x518: {  	s9 =	smov.u32 s4;
	s4 =	sld [smem:$0x7EE];
	v5 =	vadd.f32 v5, v11;
	v6 =	vld [tilespmem:s1+$0xC400]  }
0x519: {  	v11 =	vld.idx.msk [tilespmem:v3+s14+$0x430 ss:$0x1], $0xffff  }
0x51a: {  	[dreg:$0x8] =	wrdreg s9;
	[tilespmem:s23+$0x14620] =	vst v5;
	v5 =	vld [tilespmem:s24+$0x430]  }
0x51b: {  	s9 =	smov.u32 s4;
	s4 =	sld [smem:$0x7EF];
	v4 =	vadd.f32 v4, v10  }
0x51c: {  	v10 =	vld.idx.msk [tilespmem:v3+s3+$0x430 ss:$0x1], $0xffff;
	v7 =	vadd.f32 v8, v7  }
0x51d: {  	v8 =	vld [tilespmem:s25+$0x430];
	[tilespmem:s6+$0x14870] =	vst v4  }
0x51e: {  	s8 =	smov.u32 s4;
	s4 =	rddreg [dreg:$0xb];
	v4 =	vld.idx.msk [tilespmem:v3+s12+$0xC00 ss:$0x1], $0xffff;
	v6 =	vadd.f32 v9, v6;
	[tilespmem:s20+$0x14A60] =	vst v7  }
0x51f: {  	v5 =	vadd.f32 v11, v5;
	v7 =	vld [tilespmem:s4+$0xC400]  }
0x520: {  	v11 =	vld.idx.msk [tilespmem:v3+s7+$0xC70 ss:$0x1], $0xffff;
	[tilespmem:s10+$0x14A10] =	vst v6  }
0x521: {  	s7 =	smov.u32 s12;
	s12 =	smov.u32 s3;
	s3 =	sor.u32 $0xC20, s2;
	v6 =	vld.idx.msk [tilespmem:v3+s21+$0xC20 ss:$0x1], $0xffff;
	[tilespmem:s22+$0x14630] =	vst v5  }
0x522: {  	v8 =	vadd.f32 v10, v8;
	v5 =	vld [tilespmem:s3+$0xC400]  }
0x523: {  	v9 =	vld.idx.msk [tilespmem:v3+s14+$0x440 ss:$0x1], $0xffff  }
0x524: {  	s0 =	rddreg [dreg:$0x1c];
	[tilespmem:s23+$0x14630] =	vst v8;
	v8 =	vld [tilespmem:s24+$0x440]  }
0x525: {  	s1 =	rddreg [dreg:$0x14];
	s4 =	smov.u32 s0;
	v4 =	vadd.f32 v4, v7  }
0x526: {  	[dreg:$0xb] =	wrdreg s4;
	v10 =	vld.idx.msk [tilespmem:v3+s12+$0x440 ss:$0x1], $0xffff  }
0x527: {  	s4 =	rddreg [dreg:$0x12];
	v63 =	vld [tilespmem:s25+$0x440];
	[tilespmem:s6+$0x14A00] =	vst v4  }
0x528: {  	s3 =	rddreg [dreg:$0xe];
	v4 =	vld.idx.msk [tilespmem:v3+s7+$0xC10 ss:$0x1], $0xffff;
	v5 =	vadd.f32 v6, v5  }
0x529: {  	p2 =	slt.u32 s26, $0x1E;
	v13 =	vld [tilespmem:s4+$0xC400];
	s4 =	rddreg [dreg:$0x11];
	v6 =	vadd.f32 v9, v8  }
0x52a: {  	s31 =	smov.u32 s1;
	s1 =	rddreg [dreg:$0x16];
	v14 =	vld [tilespmem:s3+$0xC400];
	s3 =	smov.u32 s4;
	[tilespmem:s10+$0x14A20] =	vst v5  }
.Ltmp4:
0x52b: {  	s4 =	smov.u32 s1;
	s1 =	sor.u32 $0xC30, s2;
	v7 =	vld.idx.msk [tilespmem:v3+s21+$0xC30 ss:$0x1], $0xffff;
	[tilespmem:s22+$0x14640] =	vst v6;
	(pc) =	sbr.rel @p2 .LBB2_11-.Ltmp4, $4  }
0x52c: {  	v5 =	vadd.f32 v10, v63;
	v6 =	vld [tilespmem:s1+$0xC400]  }
0x52d: {  	v8 =	vld.idx.msk [tilespmem:v3+s14+$0x450 ss:$0x1], $0xffff  }
0x52e: {  	[tilespmem:s23+$0x14640] =	vst v5;
	v9 =	vld [tilespmem:s24+$0x450]  }
0x52f: {  	s16 =	sld [smem:$0x7ED];
	v5 =	vadd.f32 v4, v13;
	v10 =	vld.idx.msk [tilespmem:v3+s12+$0x450 ss:$0x1], $0xffff;
	v4 =	vadd.f32 v11, v14  }
0x530: {  	v11 =	vld [tilespmem:s25+$0x450];
	_ =	sdelay $0x2  }
0x531: {  	v8 =	vadd.f32 v8, v9;
	_ =	sdelay $0x1  }
0x532: {  	v31 =	vadd.f32 v10, v11;
	[tilespmem:s22+$0x14650] =	vst v8  }
0x533: {  	v8 =	vld.idx.msk [tilespmem:v3+s14+$0x460 ss:$0x1], $0xffff  }
0x534: {  	v32 =	vld [tilespmem:s24+$0x460];
	[tilespmem:s23+$0x14650] =	vst v31  }
0x535: {  	v33 =	vld.idx.msk [tilespmem:v3+s12+$0x460 ss:$0x1], $0xffff  }
0x536: {  	v34 =	vld [tilespmem:s25+$0x460];
	_ =	sdelay $0x2  }
0x537: {  	v8 =	vadd.f32 v8, v32;
	_ =	sdelay $0x1  }
0x538: {  	[tilespmem:s22+$0x14660] =	vst v8;
	v35 =	vadd.f32 v33, v34  }
0x539: {  	v36 =	vld.idx.msk [tilespmem:v3+s14+$0x470 ss:$0x1], $0xffff  }
0x53a: {  	v37 =	vld [tilespmem:s24+$0x470];
	[tilespmem:s23+$0x14660] =	vst v35  }
0x53b: {  	v8 =	vld.idx.msk [tilespmem:v3+s12+$0x470 ss:$0x1], $0xffff  }
0x53c: {  	v38 =	vld [tilespmem:s25+$0x470];
	_ =	sdelay $0x2  }
0x53d: {  	v9 =	vadd.f32 v36, v37;
	_ =	sdelay $0x1  }
0x53e: {  	[tilespmem:s22+$0x14670] =	vst v9;
	v8 =	vadd.f32 v8, v38  }
0x53f: {  	v9 =	vld.idx.msk [tilespmem:v3+s14+$0x800 ss:$0x1], $0xffff  }
0x540: {  	v39 =	vld [tilespmem:s24+$0x800];
	[tilespmem:s23+$0x14670] =	vst v8  }
0x541: {  	v8 =	vld.idx.msk [tilespmem:v3+s12+$0x800 ss:$0x1], $0xffff  }
0x542: {  	v40 =	vld [tilespmem:s25+$0x800];
	_ =	sdelay $0x2  }
0x543: {  	v9 =	vadd.f32 v9, v39;
	_ =	sdelay $0x1  }
0x544: {  	[tilespmem:s22+$0x14800] =	vst v9;
	v8 =	vadd.f32 v8, v40  }
0x545: {  	v9 =	vld.idx.msk [tilespmem:v3+s14+$0x810 ss:$0x1], $0xffff  }
0x546: {  	v41 =	vld [tilespmem:s24+$0x810];
	[tilespmem:s23+$0x14800] =	vst v8  }
0x547: {  	v8 =	vld.idx.msk [tilespmem:v3+s12+$0x810 ss:$0x1], $0xffff  }
0x548: {  	v42 =	vld [tilespmem:s25+$0x810];
	_ =	sdelay $0x2  }
0x549: {  	v9 =	vadd.f32 v9, v41;
	_ =	sdelay $0x1  }
0x54a: {  	[tilespmem:s22+$0x14810] =	vst v9;
	v8 =	vadd.f32 v8, v42  }
0x54b: {  	v9 =	vld.idx.msk [tilespmem:v3+s14+$0x820 ss:$0x1], $0xffff  }
0x54c: {  	v43 =	vld [tilespmem:s24+$0x820];
	[tilespmem:s23+$0x14810] =	vst v8  }
0x54d: {  	v8 =	vld.idx.msk [tilespmem:v3+s12+$0x820 ss:$0x1], $0xffff  }
0x54e: {  	v44 =	vld [tilespmem:s25+$0x820];
	_ =	sdelay $0x2  }
0x54f: {  	v9 =	vadd.f32 v9, v43;
	_ =	sdelay $0x1  }
0x550: {  	[tilespmem:s22+$0x14820] =	vst v9;
	v8 =	vadd.f32 v8, v44  }
0x551: {  	v9 =	vld.idx.msk [tilespmem:v3+s14+$0x830 ss:$0x1], $0xffff  }
0x552: {  	v45 =	vld [tilespmem:s24+$0x830];
	[tilespmem:s23+$0x14820] =	vst v8  }
0x553: {  	v8 =	vld.idx.msk [tilespmem:v3+s12+$0x830 ss:$0x1], $0xffff  }
0x554: {  	v46 =	vld [tilespmem:s25+$0x830];
	_ =	sdelay $0x2  }
0x555: {  	v9 =	vadd.f32 v9, v45;
	_ =	sdelay $0x1  }
0x556: {  	[tilespmem:s22+$0x14830] =	vst v9;
	v8 =	vadd.f32 v8, v46  }
0x557: {  	v9 =	vld.idx.msk [tilespmem:v3+s14+$0x840 ss:$0x1], $0xffff  }
0x558: {  	v47 =	vld [tilespmem:s24+$0x840];
	[tilespmem:s23+$0x14830] =	vst v8  }
0x559: {  	v8 =	vld.idx.msk [tilespmem:v3+s12+$0x840 ss:$0x1], $0xffff  }
0x55a: {  	v48 =	vld [tilespmem:s25+$0x840];
	_ =	sdelay $0x2  }
0x55b: {  	v9 =	vadd.f32 v9, v47;
	_ =	sdelay $0x1  }
0x55c: {  	[tilespmem:s22+$0x14840] =	vst v9;
	v8 =	vadd.f32 v8, v48  }
0x55d: {  	v9 =	vld.idx.msk [tilespmem:v3+s14+$0x850 ss:$0x1], $0xffff  }
0x55e: {  	v49 =	vld [tilespmem:s24+$0x850];
	[tilespmem:s23+$0x14840] =	vst v8  }
0x55f: {  	v8 =	vld.idx.msk [tilespmem:v3+s12+$0x850 ss:$0x1], $0xffff  }
0x560: {  	v50 =	vld [tilespmem:s25+$0x850];
	_ =	sdelay $0x2  }
0x561: {  	v9 =	vadd.f32 v9, v49;
	_ =	sdelay $0x1  }
0x562: {  	[tilespmem:s22+$0x14850] =	vst v9;
	v8 =	vadd.f32 v8, v50  }
0x563: {  	v9 =	vld.idx.msk [tilespmem:v3+s14+$0x860 ss:$0x1], $0xffff  }
0x564: {  	v51 =	vld [tilespmem:s24+$0x860];
	[tilespmem:s23+$0x14850] =	vst v8  }
0x565: {  	v8 =	vld.idx.msk [tilespmem:v3+s12+$0x860 ss:$0x1], $0xffff  }
0x566: {  	v52 =	vld [tilespmem:s25+$0x860];
	_ =	sdelay $0x2  }
0x567: {  	v9 =	vadd.f32 v9, v51;
	_ =	sdelay $0x1  }
0x568: {  	[tilespmem:s22+$0x14860] =	vst v9;
	v8 =	vadd.f32 v8, v52  }
0x569: {  	v9 =	vld [tilespmem:s24+$0x870]  }
0x56a: {  	v53 =	vld.idx.msk [tilespmem:v3+s14+$0x870 ss:$0x1], $0xffff;
	[tilespmem:s23+$0x14860] =	vst v8  }
0x56b: {  	v8 =	vld [tilespmem:s25+$0x870]  }
0x56c: {  	v54 =	vld.idx.msk [tilespmem:v3+s12+$0x870 ss:$0x1], $0xffff  }
0x56d: {  	s0 =	sadd.s32 $0x2, s13  }
0x56e: {  	s0 =	sand.u32 $0x7, s0  }
0x56f: {  	s1 =	sadd.s32 $0x400, s19;
	s0 =	sshll.u32 s0, $0x7;
	v9 =	vadd.f32 v53, v9  }
0x570: {  	s0 =	sadd.s32 s0, s1  }
0x571: {  	s1 =	sor.u32 $0xC00, s0;
	[tilespmem:s22+$0x14870] =	vst v9;
	v8 =	vadd.f32 v54, v8  }
0x572: {  	v9 =	vld [tilespmem:s1+$0xC400]  }
0x573: {  	v55 =	vld.idx.msk [tilespmem:v3+s14+$0xC00 ss:$0x1], $0xffff;
	[tilespmem:s23+$0x14870] =	vst v8  }
0x574: {  	s25 =	rddreg [dreg:$0xb];
	v56 =	vld.idx.msk [tilespmem:v3+s12+$0xC00 ss:$0x1], $0xffff  }
0x575: {  	v8 =	vld [tilespmem:s25+$0xC400];
	_ =	sdelay $0x2  }
0x576: {  	v9 =	vadd.f32 v55, v9;
	_ =	sdelay $0x1  }
0x577: {  	s26 =	sor.u32 $0xC10, s0;
	[tilespmem:s22+$0x14A00] =	vst v9;
	v8 =	vadd.f32 v56, v8  }
0x578: {  	v9 =	vld [tilespmem:s26+$0xC400]  }
0x579: {  	v57 =	vld.idx.msk [tilespmem:v3+s14+$0xC10 ss:$0x1], $0xffff;
	[tilespmem:s23+$0x14A00] =	vst v8  }
0x57a: {  	v8 =	vld [tilespmem:s31+$0xC400]  }
0x57b: {  	v58 =	vld.idx.msk [tilespmem:v3+s12+$0xC10 ss:$0x1], $0xffff;
	_ =	sdelay $0x2  }
0x57c: {  	[tilespmem:s6+$0x14A10] =	vst v5;
	v59 =	vadd.f32 v57, v9  }
0x57d: {  	v60 =	vld.idx.msk [tilespmem:v3+s7+$0xC20 ss:$0x1], $0xffff  }
0x57e: {  	s28 =	sor.u32 $0xC20, s0;
	v61 =	vld [tilespmem:s16+$0xC400];
	[tilespmem:s22+$0x14A10] =	vst v59;
	v62 =	vadd.f32 v58, v8  }
0x57f: {  	v63 =	vld [tilespmem:s28+$0xC400]  }
0x580: {  	v16 =	vld.idx.msk [tilespmem:v3+s14+$0xC20 ss:$0x1], $0xffff;
	[tilespmem:s23+$0x14A10] =	vst v62  }
0x581: {  	s29 =	rddreg [dreg:$0xd];
	v12 =	vld.idx.msk [tilespmem:v3+s12+$0xC20 ss:$0x1], $0xffff  }
0x582: {  	v5 =	vld [tilespmem:s29+$0xC400]  }
0x583: {  	v9 =	vadd.f32 v60, v61;
	_ =	sdelay $0x1  }
0x584: {  	[tilespmem:s6+$0x14A20] =	vst v9;
	v8 =	vadd.f32 v16, v63  }
0x585: {  	v9 =	vld.idx.msk [tilespmem:v3+s7+$0xC30 ss:$0x1], $0xffff;
	s30 =	rddreg [dreg:$0x8]  }
0x586: {  	s31 =	sor.u32 $0xC30, s0;
	v17 =	vld [tilespmem:s30+$0xC400];
	[tilespmem:s22+$0x14A20] =	vst v8;
	v5 =	vadd.f32 v12, v5  }
0x587: {  	v8 =	vld [tilespmem:s31+$0xC400]  }
0x588: {  	v18 =	vld.idx.msk [tilespmem:v3+s14+$0xC30 ss:$0x1], $0xffff;
	[tilespmem:s23+$0x14A20] =	vst v5  }
0x589: {  	v19 =	vadd.f32 v7, v6;
	v20 =	vld.idx.msk [tilespmem:v3+s12+$0xC30 ss:$0x1], $0xffff;
	s11 =	rddreg [dreg:$0xa]  }
0x58a: {  	v21 =	vld [tilespmem:s11+$0xC400]  }
0x58b: {  	s13 =	sor.u32 $0xC40, s2;
	v22 =	vadd.f32 v9, v17;
	[tilespmem:s10+$0x14A30] =	vst v19  }
0x58c: {  	v23 =	vld [tilespmem:s13+$0xC400]  }
0x58d: {  	[tilespmem:s6+$0x14A30] =	vst v22;
	v24 =	vld.idx.msk [tilespmem:v3+s21+$0xC40 ss:$0x1], $0xffff;
	v25 =	vadd.f32 v18, v8  }
0x58e: {  	v26 =	vld.idx.msk [tilespmem:v3+s7+$0xC40 ss:$0x1], $0xffff  }
0x58f: {  	s16 =	sor.u32 $0xC40, s0;
	v27 =	vld [tilespmem:s17+$0xC400];
	[tilespmem:s22+$0x14A30] =	vst v25;
	v28 =	vadd.f32 v20, v21  }
0x590: {  	v29 =	vld [tilespmem:s16+$0xC400]  }
0x591: {  	v30 =	vld.idx.msk [tilespmem:v3+s14+$0xC40 ss:$0x1], $0xffff;
	[tilespmem:s23+$0x14A30] =	vst v28  }
0x592: {  	v31 =	vadd.f32 v24, v23;
	v32 =	vld.idx.msk [tilespmem:v3+s12+$0xC40 ss:$0x1], $0xffff  }
0x593: {  	v33 =	vld [tilespmem:s18+$0xC400]  }
0x594: {  	s17 =	sor.u32 $0xC50, s2;
	v34 =	vadd.f32 v26, v27;
	[tilespmem:s10+$0x14A40] =	vst v31  }
0x595: {  	v35 =	vld [tilespmem:s17+$0xC400]  }
0x596: {  	[tilespmem:s6+$0x14A40] =	vst v34;
	v36 =	vld.idx.msk [tilespmem:v3+s21+$0xC50 ss:$0x1], $0xffff;
	v37 =	vadd.f32 v30, v29  }
0x597: {  	v38 =	vld.idx.msk [tilespmem:v3+s7+$0xC50 ss:$0x1], $0xffff  }
0x598: {  	v39 =	vld [tilespmem:s9+$0xC400];
	s18 =	sor.u32 $0xC50, s0;
	[tilespmem:s22+$0x14A40] =	vst v37;
	v40 =	vadd.f32 v32, v33  }
0x599: {  	v41 =	vld [tilespmem:s18+$0xC400]  }
0x59a: {  	v42 =	vld.idx.msk [tilespmem:v3+s14+$0xC50 ss:$0x1], $0xffff;
	[tilespmem:s23+$0x14A40] =	vst v40  }
0x59b: {  	v43 =	vadd.f32 v36, v35;
	v44 =	vld.idx.msk [tilespmem:v3+s12+$0xC50 ss:$0x1], $0xffff  }
0x59c: {  	v45 =	vld [tilespmem:s15+$0xC400]  }
0x59d: {  	s19 =	sor.u32 $0xC60, s2;
	v46 =	vadd.f32 v38, v39;
	[tilespmem:s10+$0x14A50] =	vst v43  }
0x59e: {  	v47 =	vld [tilespmem:s19+$0xC400]  }
0x59f: {  	[tilespmem:s6+$0x14A50] =	vst v46;
	v48 =	vld.idx.msk [tilespmem:v3+s21+$0xC60 ss:$0x1], $0xffff;
	v49 =	vadd.f32 v42, v41  }
0x5a0: {  	v50 =	vld.idx.msk [tilespmem:v3+s7+$0xC60 ss:$0x1], $0xffff  }
0x5a1: {  	s24 =	sor.u32 $0xC60, s0;
	v51 =	vld [tilespmem:s5+$0xC400];
	[tilespmem:s22+$0x14A50] =	vst v49;
	v52 =	vadd.f32 v44, v45  }
0x5a2: {  	v53 =	vld [tilespmem:s24+$0xC400]  }
0x5a3: {  	v54 =	vld.idx.msk [tilespmem:v3+s14+$0xC60 ss:$0x1], $0xffff;
	[tilespmem:s23+$0x14A50] =	vst v52  }
0x5a4: {  	v6 =	vadd.f32 v48, v47;
	v5 =	vld [tilespmem:s8+$0xC400]  }
0x5a5: {  	v55 =	vld.idx.msk [tilespmem:v3+s12+$0xC60 ss:$0x1], $0xffff  }
0x5a6: {  	v56 =	vadd.f32 v50, v51;
	[tilespmem:s10+$0x14A60] =	vst v6  }
0x5a7: {  	s25 =	sor.u32 $0xC70, s2;
	v57 =	vld.idx.msk [tilespmem:v3+s21+$0xC70 ss:$0x1], $0xffff  }
0x5a8: {  	[tilespmem:s6+$0x14A60] =	vst v56;
	v58 =	vld [tilespmem:s25+$0xC400];
	v59 =	vadd.f32 v54, v53  }
0x5a9: {  	v60 =	vld.idx.msk [tilespmem:v3+s7+$0xC70 ss:$0x1], $0xffff  }
0x5aa: {  	v61 =	vld [tilespmem:s3+$0xC400];
	[tilespmem:s22+$0x14A60] =	vst v59;
	v5 =	vadd.f32 v55, v5  }
0x5ab: {  	s0 =	sor.u32 $0xC70, s0;
	v6 =	vld.idx.msk [tilespmem:v3+s14+$0xC70 ss:$0x1], $0xffff  }
0x5ac: {  	v62 =	vld [tilespmem:s0+$0xC400];
	[tilespmem:s23+$0x14A60] =	vst v5  }
0x5ad: {  	v3 =	vld.idx.msk [tilespmem:v3+s12+$0xC70 ss:$0x1], $0xffff  }
0x5ae: {  	v5 =	vld [tilespmem:s4+$0xC400]  }
0x5af: {  	v9 =	vadd.f32 v57, v58  }
0x5b0: {  	[tilespmem:s20+$0x14A70] =	vst v4  }
0x5b1: {  	v63 =	vadd.f32 v60, v61;
	[tilespmem:s10+$0x14A70] =	vst v9  }
0x5b2: {  	s0 =	sld [smem:$0x7F0];
	v6 =	vadd.f32 v6, v62  }
0x5b3: {  	[tilespmem:s6+$0x14A70] =	vst v63;
	v3 =	vadd.f32 v3, v5  }
0x5b4: {  	[tilespmem:s22+$0x14A70] =	vst v6  }
0x5b5: {  	p2 =	sne.s32 @!p1 s0, $0x7;
	s0 =	sld [smem:$0x7F1];
	[tilespmem:s23+$0x14A70] =	vst v3  }
0x5b6: {  	s1 =	sld [smem:$0x7FB]  }
0x5b7: {  	s31 =	sld [smem:$0x7F6]  }
0x5b8: {  	p1 =	por p2, p1;
	s26 =	sld [smem:$0x7F8]  }
0x5b9: {  	s2 =	simm.s32 @!p1 $0x400;
	s0 =	sshll.u32 @!p1 s0, $0x9;
	s28 =	sld [smem:$0x7F4]  }
0x5ba: {  	s0 =	sadd.s32 @!p1 s0, s1;
	s1 =	simm.s32 @!p1 $0x0;
	s4 =	sadd.s32 $0x1, s31  }
0x5bb: {  	[tilespmem:s2], [sflag:$0x5] =	stream.linear.gather @!p1 [hbm4b:s0+s1], $0x8000, $0x38;
	[tilespmem:$0x18400] =	vst v63  }
0x5bc: {  	p1 =	sne.s32 s4, $0x10  }
.Ltmp5:
0x5bd: {  	s0 =	sadd.s32 s26, s28;
	(pc) =	sbr.rel @p1 .LBB2_6-.Ltmp5, $4  }
0x5be: {  	s0 =	sshll.u32 s0, $0xB  }
0x5bf: {  	s29 =	rddreg [dreg:$0x3];
	s0 =	sand.u32 $0x1FFFF800, s0  }
0x5c0: {  	s30 =	simm.s32 $0x14400;
	s8 =	simm.s32 $0x0;
	s0 =	sadd.s32 s29, s0  }
0x5c1: {  	[hbm4b:s0+s8] =	stream.linear.scatter [tilespmem:s30], [sflag:$0x4], $0x4000, $0x38;
	[tilespmem:$0x18400] =	vst v63  }
0x5c2: {  	s0 =	simm.s32 $0x3  }
0x5c3: {  	_ =	swait.ge [sflag:s0], $0x4000  }
0x5c4: {  	[sflag:s0] =	ssyncset.done $0x0  }
0x5c5: {  	s1 =	simm.s32 $0x4;
	[sflag:s0] =	ssyncadd.s32 $0xFFFFC000  }
0x5c6: {  	_ =	swait.ge [sflag:s1], $0x4000  }
0x5c7: {  	s2 =	sld [smem:$0x7F7]  }
0x5c8: {  	s31 =	sld [smem:$0x7FD];
	_ =	sdelay $0x1  }
0x5c9: {  	s2 =	sadd.s32 $0x1, s2  }
0x5ca: {  	p1 =	sne.s32 s2, s31  }
.Ltmp6:
0x5cb: {  	_ = 	snop;
	(pc) =	sbr.rel @p1 .LBB2_1-.Ltmp6, $3  }
0x5cc: {  	_ =	sdelay $0x1  }
0x5cd: {  	[sflag:s1] =	ssyncset.done $0x0  }
0x5ce: {  	[sflag:s1] =	ssyncadd.s32 $0xFFFFC000  }
0x5cf: {  	_ =	sfence.sel $0x180000  }
0x5d0: {  	[bflag:$0x0] =	sbarrier.arrive $0xFFFF  }
0x5d1: {  	_ =	strace $0x90000047  }
0x5d2: {  	s0 =	stileid.u32;
	[bflag:$0x2] =	sbarrier.arrive $0xFFFF  }
0x5d3: {  	p0 =	sne.s32 s0, $0x0;
	s0 =	rddreg [dreg:$0x4]  }
0x5d4: {  	s0 =	sadd.s32 @!p0 $0x100000, s0  }
0x5d5: {  	[sflag:s0] =	ssyncadd.tile.s32 @!p0 $0x1;
	_ =	shalt  }
.Lfunc_end2:
_tile_overlayer_lowered:
.L_overlay_start_2:
0x5d6: {  	(tag) =	ssettag $0x2  }
0x5d7: {  	s0 =	rddreg [dreg:$0x0];
	s2 =	stileid.u32  }
0x5d8: {  	s1 =	rddreg [dreg:$0x1];
	p0 =	sne.s32 s2, $0x0  }
0x5d9: {  	s3 =	rddreg [dreg:$0x2];
	[bflag:$0x3] =	sbarrier.arrive $0xFFFF;
	s2 =	simm.s32 @!p0 $0x1C06  }
0x5da: {  	[timem:s3], [sflag:s2] =	dma.local @!p0 [hbm:s0], s1  }
0x5db: {  	s0 =	simm.s32 @!p0 $0x6  }
0x5dc: {  	_ =	swait.ge @!p0 [sflag:s0], s1  }
0x5dd: {  	s1 =	ssub.s32 @!p0 $0x0, s1;
	[sflag:s0] =	ssyncset.done @!p0 $0x0  }
0x5de: {  	[sflag:s0] =	ssyncadd.s32 @!p0 s1  }
0x5df: {  	[bflag:$0x3] =	sbarrier.arrive $0xFFFF  }
0x5e0: {  	_ =	shalt  }

</sc_bundles>
